<compile_context>
chip_gen: v7x
topology: tpu7x:2x2x1
jax: 0.10.2.dev20260603
libtpu: 0.0.44.dev20260713+nightly
codegen_flags: <defaults>
</compile_context>

<pallas_src>
import functools

import jax
import jax.numpy as jnp
from jax import lax
from jax.experimental import pallas as pl
from jax.experimental.pallas import tpu as pltpu
from jax.experimental.pallas import tpu_sc as plsc

N = 10000
NF = 128
E = 320000
NC = 2
NS = 16
NW = NC * NS
EW = E // NW
CH = 80
NCHUNK = EW // CH
GP = 25
NG = NCHUNK // GP
RB = 632
RB_LAST = N - (NS - 1) * RB
NBLK = 2
BLK = N // NBLK


def _per_tile_rows(s, fn):
    @pl.when(s < NS - 1)
    def _():
        fn(pl.multiple_of(s * RB, 8), RB)

    @pl.when(s == NS - 1)
    def _():
        fn((NS - 1) * RB, RB_LAST)


def _sc_segsum_body(with_cnt, *refs):
    if with_cnt:
        (x_hbm, src_hbm, dst_hbm, z_hbm, ones_hbm, pagg, pcnt,
         sidx, didx, rows_a, rows_b, rows_c, acc, ga, gb, gc, sa, sb, sc) = refs
    else:
        (x_hbm, src_hbm, dst_hbm, z_hbm, pagg,
         sidx, didx, rows_a, rows_b, rows_c, acc, ga, gb, gc, sa, sb, sc) = refs
    c = lax.axis_index("c")
    s = lax.axis_index("s")
    wid = s * NC + c

    _per_tile_rows(s, lambda rb, nr: pltpu.sync_copy(
        z_hbm.at[pl.ds(0, nr)], acc.at[pl.ds(rb, nr)]))
    plsc.subcore_barrier()

    if with_cnt:
        pltpu.sync_copy(ones_hbm, rows_c)

        def cgroup(g, _):
            pltpu.sync_copy(dst_hbm.at[wid, g], didx)

            def fire(j, _):
                pltpu.async_copy(rows_c, acc.at[didx.at[j]], sa, add=True)
                return 0

            def steady(j, _):
                pltpu.make_async_copy(rows_c, acc.at[didx.at[0]], sa).wait()
                pltpu.async_copy(rows_c, acc.at[didx.at[j]], sa, add=True)
                return 0

            def cdrain(j, _):
                pltpu.make_async_copy(rows_c, acc.at[didx.at[0]], sa).wait()
                return 0

            lax.fori_loop(0, 8, fire, 0)
            lax.fori_loop(8, GP, steady, 0)
            lax.fori_loop(0, 8, cdrain, 0)
            return 0

        lax.fori_loop(0, NG, cgroup, 0)
        plsc.subcore_barrier()
        _per_tile_rows(s, lambda rb, nr: pltpu.sync_copy(
            acc.at[pl.ds(rb, nr)], pcnt.at[c, pl.ds(rb, nr)]))
        plsc.subcore_barrier()

    def gwait(rows, sem):
        pltpu.make_async_copy(x_hbm.at[pl.ds(0, CH)], rows, sem).wait()

    def swait(rows, sem):
        pltpu.make_async_copy(rows, acc.at[didx.at[0]], sem).wait()

    def gather(j, rows, sem):
        pltpu.async_copy(x_hbm.at[sidx.at[j]], rows, sem)

    def scat(j, rows, sem):
        pltpu.async_copy(rows, acc.at[didx.at[j]], sem, add=True)

    def group(g, _):
        pltpu.sync_copy(src_hbm.at[wid, g], sidx)
        pltpu.sync_copy(dst_hbm.at[wid, g], didx)
        gather(0, rows_a, ga)
        gather(1, rows_b, gb)
        gwait(rows_a, ga)
        scat(0, rows_a, sa)
        gather(2, rows_c, gc)

        def tri(k, _):
            j = 3 * k + 1
            gwait(rows_b, gb)
            scat(j, rows_b, sb)
            swait(rows_a, sa)
            gather(j + 2, rows_a, ga)
            gwait(rows_c, gc)
            scat(j + 1, rows_c, sc)
            swait(rows_b, sb)
            gather(j + 3, rows_b, gb)
            gwait(rows_a, ga)
            scat(j + 2, rows_a, sa)
            swait(rows_c, sc)
            gather(j + 4, rows_c, gc)
            return 0

        lax.fori_loop(0, (GP - 4) // 3, tri, 0)
        gwait(rows_b, gb)
        scat(GP - 3, rows_b, sb)
        swait(rows_a, sa)
        gather(GP - 1, rows_a, ga)
        gwait(rows_c, gc)
        scat(GP - 2, rows_c, sc)
        swait(rows_b, sb)
        gwait(rows_a, ga)
        scat(GP - 1, rows_a, sa)
        swait(rows_c, sc)
        swait(rows_a, sa)
        return 0

    lax.fori_loop(0, NG, group, 0)
    plsc.subcore_barrier()

    _per_tile_rows(s, lambda rb, nr: pltpu.sync_copy(
        acc.at[pl.ds(rb, nr)], pagg.at[c, pl.ds(rb, nr)]))


def _sc_segsum(x, src4, dst4, z128, ones128=None):
    with_cnt = ones128 is not None
    if with_cnt:
        out_type = [jax.ShapeDtypeStruct((NC, N, NF), jnp.float32),
                    jax.ShapeDtypeStruct((NC, N, NF), jnp.float32)]
    else:
        out_type = jax.ShapeDtypeStruct((NC, N, NF), jnp.float32)
    fn = pl.kernel(
        functools.partial(_sc_segsum_body, with_cnt),
        out_type=out_type,
        mesh=plsc.VectorSubcoreMesh(core_axis_name="c", subcore_axis_name="s"),
        scratch_types=[
            pltpu.VMEM((GP, CH), jnp.int32),
            pltpu.VMEM((GP, CH), jnp.int32),
            pltpu.VMEM((CH, NF), jnp.float32),
            pltpu.VMEM((CH, NF), jnp.float32),
            pltpu.VMEM((CH, NF), jnp.float32),
            pltpu.VMEM_SHARED((N, NF), jnp.float32),
            pltpu.SemaphoreType.DMA,
            pltpu.SemaphoreType.DMA,
            pltpu.SemaphoreType.DMA,
            pltpu.SemaphoreType.DMA,
            pltpu.SemaphoreType.DMA,
            pltpu.SemaphoreType.DMA,
        ],
    )
    if with_cnt:
        return fn(x, src4, dst4, z128, ones128)
    return fn(x, src4, dst4, z128)


def _mm_t(a, w):
    return jax.lax.dot_general(a, w, (((1,), (1,)), ((), ())),
                               preferred_element_type=jnp.float32)


def _tc1_body(x_ref, p_ref, c_ref, wl_ref, bl_ref, wr_ref,
              h_ref, st_ref, sacc):
    i = pl.program_id(0)
    cnt = jnp.sum(c_ref[...], axis=0)[:, 0:1]
    agg = (jnp.sum(p_ref[...], axis=0) - cnt) / jnp.maximum(cnt, 1.0)
    out = _mm_t(agg, wl_ref[...]) + bl_ref[...] + _mm_t(x_ref[...], wr_ref[...])
    nrm = jnp.sqrt(jnp.sum(out * out, axis=1, keepdims=True))
    h = jnp.maximum(out / jnp.maximum(nrm, 1e-12), 0.0)
    h_ref[...] = h
    s0 = jnp.sum(h, axis=0, keepdims=True)
    s1 = jnp.sum(h * h, axis=0, keepdims=True)
    upd = jnp.concatenate([s0, s1, jnp.zeros((6, NF), jnp.float32)], axis=0)

    @pl.when(i == 0)
    def _():
        sacc[...] = upd

    @pl.when(i > 0)
    def _():
        sacc[...] = sacc[...] + upd

    @pl.when(i == NBLK - 1)
    def _():
        st_ref[...] = sacc[...]


def _tc_layer1(x, p, c, wl, bl, wr):
    return pl.pallas_call(
        _tc1_body,
        grid=(NBLK,),
        in_specs=[
            pl.BlockSpec((BLK, NF), lambda i: (i, 0)),
            pl.BlockSpec((NC, BLK, NF), lambda i: (0, i, 0)),
            pl.BlockSpec((NC, BLK, NF), lambda i: (0, i, 0)),
            pl.BlockSpec((NF, NF), lambda i: (0, 0)),
            pl.BlockSpec((1, NF), lambda i: (0, 0)),
            pl.BlockSpec((NF, NF), lambda i: (0, 0)),
        ],
        out_specs=[
            pl.BlockSpec((BLK, NF), lambda i: (i, 0)),
            pl.BlockSpec((8, NF), lambda i: (0, 0)),
        ],
        out_shape=[
            jax.ShapeDtypeStruct((N, NF), jnp.float32),
            jax.ShapeDtypeStruct((8, NF), jnp.float32),
        ],
        scratch_shapes=[pltpu.VMEM((8, NF), jnp.float32)],
    )(x, p, c, wl, bl, wr)


def _tc2_body(h_ref, p_ref, c_ref, st_ref, wl_ref, bl_ref, wr_ref, o_ref):
    stats = st_ref[...]
    mean = stats[0:1, :] * (1.0 / N)
    var = stats[1:2, :] * (1.0 / N) - mean * mean
    inv = 1.0 / jnp.sqrt(var + 1e-5)
    hbn = (h_ref[...] - mean) * inv
    cnt = jnp.sum(c_ref[...], axis=0)[:, 0:1]
    aggr = jnp.sum(p_ref[...], axis=0) / jnp.maximum(cnt, 1.0)
    aggbn = jnp.where(cnt > 0.0, (aggr - mean) * inv, 0.0)
    out = _mm_t(aggbn, wl_ref[...]) + bl_ref[...] + _mm_t(hbn, wr_ref[...])
    nrm = jnp.sqrt(jnp.sum(out * out, axis=1, keepdims=True))
    o_ref[...] = out / jnp.maximum(nrm, 1e-12)


def _tc_layer2(h, p, c, stats, wl, bl, wr):
    return pl.pallas_call(
        _tc2_body,
        grid=(NBLK,),
        in_specs=[
            pl.BlockSpec((BLK, NF), lambda i: (i, 0)),
            pl.BlockSpec((NC, BLK, NF), lambda i: (0, i, 0)),
            pl.BlockSpec((NC, BLK, NF), lambda i: (0, i, 0)),
            pl.BlockSpec((8, NF), lambda i: (0, 0)),
            pl.BlockSpec((NF, NF), lambda i: (0, 0)),
            pl.BlockSpec((1, NF), lambda i: (0, 0)),
            pl.BlockSpec((NF, NF), lambda i: (0, 0)),
        ],
        out_specs=pl.BlockSpec((BLK, NF), lambda i: (i, 0)),
        out_shape=jax.ShapeDtypeStruct((N, NF), jnp.float32),
    )(h, p, c, stats, wl, bl, wr)


def kernel(x, edge_index, W1l, b1l, W1r, W2l, b2l, W2r):
    src3 = edge_index[0].astype(jnp.int32).reshape(NW, NG, GP, CH)
    dst3 = edge_index[1].astype(jnp.int32).reshape(NW, NG, GP, CH)
    b1 = jnp.reshape(b1l, (1, -1))
    b2 = jnp.reshape(b2l, (1, -1))
    z128 = jnp.zeros((RB, NF), jnp.float32)
    ones128 = jnp.ones((CH, NF), jnp.float32)
    p1, c1 = _sc_segsum(x, src3, dst3, z128, ones128)
    h, stats = _tc_layer1(x, p1, c1, W1l, b1, W1r)
    p2 = _sc_segsum(h, src3, dst3, z128)
    return _tc_layer2(h, p2, c1, stats, W2l, b2, W2r)

# --- scband reference (transcript-rebuilt; emitter-appended) ---
"""Pipeline reference for scband-sage-5385888989904 (READ-ONLY COPY).

The authoritative reference and input builder live on the scoring server;
editing this copy changes nothing except your own understanding.
"""

import jax, jax.numpy as jnp
import numpy as np

NFEAT = 128
NHID = 128
N_NODES = 10000
N_EDGES = 320000

def setup_inputs(seed: int = 0) -> dict:
    key = jax.random.key(seed)
    ks = jax.random.split(key, 8)
    x = jax.random.normal(ks[0], (N_NODES, NFEAT), dtype=jnp.float32)
    edge_index = jax.random.randint(ks[1], (2, N_EDGES), 0, N_NODES, dtype=jnp.int64) if jax.config.jax_enable_x64 else jax.random.randint(ks[1], (2, N_EDGES), 0, N_NODES).astype(jnp.int32)
    # xavier-uniform-like init for linear weights (bias = 0 per weights_init)
    def xavier(k, fan_out, fan_in):
        a = float(np.sqrt(6.0 / (fan_in + fan_out)))
        return jax.random.uniform(k, (fan_out, fan_in), dtype=jnp.float32, minval=-a, maxval=a)
    W1l = xavier(ks[2], NHID, NFEAT)
    b1l = jnp.zeros((NHID,), dtype=jnp.float32)
    W1r = xavier(ks[3], NHID, NFEAT)
    W2l = xavier(ks[4], NHID, NHID)
    b2l = jnp.zeros((NHID,), dtype=jnp.float32)
    W2r = xavier(ks[5], NHID, NHID)
    return {"x": x, "edge_index": edge_index, "W1l": W1l, "b1l": b1l, "W1r": W1r, "W2l": W2l, "b2l": b2l, "W2r": W2r}

def _sage_conv(x, src, dst, Wl, bl, Wr, num_nodes):
    # PyG SAGEConv with aggr='mean', normalize=True
    msg = jnp.take(x, src, axis=0)                      # gather x_j (source nodes)
    agg = jax.ops.segment_sum(msg, dst, num_segments=num_nodes)  # scatter-add to dst
    cnt = jax.ops.segment_sum(jnp.ones((src.shape[0],), dtype=x.dtype), dst, num_segments=num_nodes)
    agg = agg / jnp.maximum(cnt, 1.0)[:, None]          # mean aggregation
    out = agg @ Wl.T + bl + x @ Wr.T                    # lin_l(agg) + lin_r(x), lin_r has no bias
    norm = jnp.linalg.norm(out, ord=2, axis=-1, keepdims=True)
    return out / jnp.maximum(norm, 1e-12)               # F.normalize(out, p=2, dim=-1)

def reference(x, edge_index, W1l, b1l, W1r, W2l, b2l, W2r):
    src = edge_index[0]
    dst = edge_index[1]
    n = x.shape[0]
    h = _sage_conv(x, src, dst, W1l, b1l, W1r, n)
    # transition: ReLU -> BatchNorm1d (training-mode batch stats, gamma=1, beta=0) -> Dropout (eval: identity)
    h = jnp.maximum(h, 0.0)
    mean = jnp.mean(h, axis=0)
    var = jnp.var(h, axis=0)
    h = (h - mean) / jnp.sqrt(var + 1e-5)
    out = _sage_conv(h, src, dst, W2l, b2l, W2r, n)
    return out

if __name__ == "__main__":
    import jax
    _d = setup_inputs()
    print(jax.jit(kernel)(*tuple(_d.values())))

</pallas_src>

<mosaic_0001>
#map = affine_map<(d0, d1) -> (0, 0)>
#map1 = affine_map<(d0, d1) -> (0, 0, 0, 0)>
#map2 = affine_map<(d0, d1) -> (0, 0, 0)>
module attributes {stable_mosaic.version = 14 : i64} {
  func.func @_sc_segsum_body(%arg0: i32, %arg1: i32, %arg2: memref<10000x128xf32, #tpu.memory_space<hbm>>, %arg3: memref<32x5x25x80xi32, #tpu.memory_space<hbm>>, %arg4: memref<32x5x25x80xi32, #tpu.memory_space<hbm>>, %arg5: memref<632x128xf32, #tpu.memory_space<hbm>>, %arg6: memref<2x10000x128xf32, #tpu.memory_space<hbm>>, %arg7: memref<25x80xi32, #tpu.memory_space<vmem>>, %arg8: memref<25x80xi32, #tpu.memory_space<vmem>>, %arg9: memref<80x128xf32, #tpu.memory_space<vmem>>, %arg10: memref<80x128xf32, #tpu.memory_space<vmem>>, %arg11: memref<80x128xf32, #tpu.memory_space<vmem>>, %arg12: memref<10000x128xf32, #tpu.memory_space<vmem_shared>>, %arg13: memref<!tpu.dma_semaphore, #tpu.memory_space<semaphore_mem>>, %arg14: memref<!tpu.dma_semaphore, #tpu.memory_space<semaphore_mem>>, %arg15: memref<!tpu.dma_semaphore, #tpu.memory_space<semaphore_mem>>, %arg16: memref<!tpu.dma_semaphore, #tpu.memory_space<semaphore_mem>>, %arg17: memref<!tpu.dma_semaphore, #tpu.memory_space<semaphore_mem>>, %arg18: memref<!tpu.dma_semaphore, #tpu.memory_space<semaphore_mem>>) attributes {dimension_semantics = [#tpu.dimension_semantics<core_parallel>, #tpu.dimension_semantics<subcore_parallel>], iteration_bounds = array<i64: 2, 16>, scalar_prefetch = 0 : i64, scratch_operands = 12 : i64, tpu.core_type = #tpu.core_type<sc_vector_subcore>, window_params = [{transform_indices = #map}, {transform_indices = #map1}, {transform_indices = #map1}, {transform_indices = #map}, {transform_indices = #map2}]} {
    %mul3A = arith.constant 2 : i32
    %mul3A_0 = arith.muli %arg1, %mul3A : i32
    %add3A = arith.addi %mul3A_0, %arg0 : i32
    %lt3A = arith.constant 15 : i32
    %lt3A_1 = arith.cmpi slt, %arg1, %lt3A : i32
    %convert_element_type3A = arith.extui %lt3A_1 : i1 to i32
    %cond3A = arith.constant 0 : i32
    %cond3A_2 = arith.cmpi ne, %convert_element_type3A, %cond3A : i32
    scf.if %cond3A_2 {
      %mul3A_24 = arith.constant 632 : i32
      %mul3A_25 = arith.muli %arg1, %mul3A_24 : i32
      %multiple_of3A = tpu.assume_multiple %mul3A_25, 8 : i32
      "tpu.region"() ({
        %run_scoped3A = tpu.sem_alloc : memref<!tpu.dma_semaphore, #tpu.memory_space<semaphore_mem>>
        %dma_start3A = arith.constant 0 : i32
        %dma_start3A_26 = tpu.memref_slice %arg12[%multiple_of3A, %dma_start3A] : memref<10000x128xf32, #tpu.memory_space<vmem_shared>> -> memref<632x128xf32, #tpu.memory_space<vmem_shared>>
        %dma_start3A_27 = arith.constant 0 : i32
        %dma_start3A_28 = arith.constant 0 : i32
        %dma_start3A_29 = tpu.memref_slice %arg5[%dma_start3A_27, %dma_start3A_28] : memref<632x128xf32, #tpu.memory_space<hbm>> -> memref<632x128xf32, #tpu.memory_space<hbm>>
        tpu.enqueue_dma source(%dma_start3A_29 : memref<632x128xf32, #tpu.memory_space<hbm>>) target(%dma_start3A_26 : memref<632x128xf32, #tpu.memory_space<vmem_shared>>) target_semaphore(%run_scoped3A : memref<!tpu.dma_semaphore, #tpu.memory_space<semaphore_mem>>)
        %dma_wait3A = arith.constant 0 : i32
        %dma_wait3A_30 = tpu.memref_slice %arg12[%multiple_of3A, %dma_wait3A] : memref<10000x128xf32, #tpu.memory_space<vmem_shared>> -> memref<632x128xf32, #tpu.memory_space<vmem_shared>>
        %dma_wait3A_31 = arith.constant 0 : i32
        %dma_wait3A_32 = arith.constant 0 : i32
        %dma_wait3A_33 = tpu.memref_slice %arg5[%dma_wait3A_31, %dma_wait3A_32] : memref<632x128xf32, #tpu.memory_space<hbm>> -> memref<632x128xf32, #tpu.memory_space<hbm>>
        tpu.wait_dma2 semaphore(%run_scoped3A : memref<!tpu.dma_semaphore, #tpu.memory_space<semaphore_mem>>) src(%dma_wait3A_33 : memref<632x128xf32, #tpu.memory_space<hbm>>) dst(%dma_wait3A_30 : memref<632x128xf32, #tpu.memory_space<vmem_shared>>)
        tpu.yield
      }) : () -> ()
    } else {
    }
    %eq3A = arith.constant 15 : i32
    %eq3A_3 = arith.cmpi eq, %arg1, %eq3A : i32
    %convert_element_type3A_4 = arith.extui %eq3A_3 : i1 to i32
    %cond3A_5 = arith.constant 0 : i32
    %cond3A_6 = arith.cmpi ne, %convert_element_type3A_4, %cond3A_5 : i32
    scf.if %cond3A_6 {
      "tpu.region"() ({
        %run_scoped3A = tpu.sem_alloc : memref<!tpu.dma_semaphore, #tpu.memory_space<semaphore_mem>>
        %dma_start3A = arith.constant 9480 : i32
        %dma_start3A_24 = arith.constant 0 : i32
        %dma_start3A_25 = tpu.memref_slice %arg12[%dma_start3A, %dma_start3A_24] : memref<10000x128xf32, #tpu.memory_space<vmem_shared>> -> memref<520x128xf32, #tpu.memory_space<vmem_shared>>
        %dma_start3A_26 = arith.constant 0 : i32
        %dma_start3A_27 = arith.constant 0 : i32
        %dma_start3A_28 = tpu.memref_slice %arg5[%dma_start3A_26, %dma_start3A_27] : memref<632x128xf32, #tpu.memory_space<hbm>> -> memref<520x128xf32, #tpu.memory_space<hbm>>
        tpu.enqueue_dma source(%dma_start3A_28 : memref<520x128xf32, #tpu.memory_space<hbm>>) target(%dma_start3A_25 : memref<520x128xf32, #tpu.memory_space<vmem_shared>>) target_semaphore(%run_scoped3A : memref<!tpu.dma_semaphore, #tpu.memory_space<semaphore_mem>>)
        %dma_wait3A = arith.constant 9480 : i32
        %dma_wait3A_29 = arith.constant 0 : i32
        %dma_wait3A_30 = tpu.memref_slice %arg12[%dma_wait3A, %dma_wait3A_29] : memref<10000x128xf32, #tpu.memory_space<vmem_shared>> -> memref<520x128xf32, #tpu.memory_space<vmem_shared>>
        %dma_wait3A_31 = arith.constant 0 : i32
        %dma_wait3A_32 = arith.constant 0 : i32
        %dma_wait3A_33 = tpu.memref_slice %arg5[%dma_wait3A_31, %dma_wait3A_32] : memref<632x128xf32, #tpu.memory_space<hbm>> -> memref<520x128xf32, #tpu.memory_space<hbm>>
        tpu.wait_dma2 semaphore(%run_scoped3A : memref<!tpu.dma_semaphore, #tpu.memory_space<semaphore_mem>>) src(%dma_wait3A_33 : memref<520x128xf32, #tpu.memory_space<hbm>>) dst(%dma_wait3A_30 : memref<520x128xf32, #tpu.memory_space<vmem_shared>>)
        tpu.yield
      }) : () -> ()
    } else {
    }
    %barrier3A = arith.constant 0 : index
    tpu.barrier barrier_id(%barrier3A)
    %scan3A = arith.constant 0 : i32
    %scan3A_7 = arith.constant 0 : i32
    %scan3A_8 = arith.constant 5 : i32
    %scan3A_9 = arith.addi %scan3A_7, %scan3A_8 : i32
    %scan3A_10 = arith.constant 1 : i32
    %scan3A_11 = scf.for %scan3A_24 = %scan3A_7 to %scan3A_9 step %scan3A_10 iter_args(%scan3A_25 = %scan3A) -> (i32)  : i32 {
      "tpu.region"() ({
        %run_scoped3A = tpu.sem_alloc : memref<!tpu.dma_semaphore, #tpu.memory_space<semaphore_mem>>
        %dma_start3A_140 = arith.constant 0 : i32
        %dma_start3A_141 = arith.constant 0 : i32
        %dma_start3A_142 = tpu.memref_slice %arg3[%add3A, %scan3A_24, %dma_start3A_140, %dma_start3A_141] : memref<32x5x25x80xi32, #tpu.memory_space<hbm>> -> memref<1x1x25x80xi32, #tpu.memory_space<hbm>>
        %dma_start3A_143 = tpu.memref_squeeze %dma_start3A_142 : memref<1x1x25x80xi32, #tpu.memory_space<hbm>> -> memref<25x80xi32, #tpu.memory_space<hbm>>
        %dma_start3A_144 = arith.constant 0 : i32
        %dma_start3A_145 = arith.constant 0 : i32
        %dma_start3A_146 = tpu.memref_slice %arg3[%add3A, %scan3A_24, %dma_start3A_144, %dma_start3A_145] : memref<32x5x25x80xi32, #tpu.memory_space<hbm>> -> memref<1x1x25x80xi32, #tpu.memory_space<hbm>>
        %dma_start3A_147 = tpu.memref_squeeze %dma_start3A_146 : memref<1x1x25x80xi32, #tpu.memory_space<hbm>> -> memref<25x80xi32, #tpu.memory_space<hbm>>
        tpu.enqueue_dma source(%dma_start3A_147 : memref<25x80xi32, #tpu.memory_space<hbm>>) target(%arg7 : memref<25x80xi32, #tpu.memory_space<vmem>>) target_semaphore(%run_scoped3A : memref<!tpu.dma_semaphore, #tpu.memory_space<semaphore_mem>>)
        %dma_wait3A_148 = arith.constant 0 : i32
        %dma_wait3A_149 = arith.constant 0 : i32
        %dma_wait3A_150 = tpu.memref_slice %arg3[%add3A, %scan3A_24, %dma_wait3A_148, %dma_wait3A_149] : memref<32x5x25x80xi32, #tpu.memory_space<hbm>> -> memref<1x1x25x80xi32, #tpu.memory_space<hbm>>
        %dma_wait3A_151 = tpu.memref_squeeze %dma_wait3A_150 : memref<1x1x25x80xi32, #tpu.memory_space<hbm>> -> memref<25x80xi32, #tpu.memory_space<hbm>>
        %dma_wait3A_152 = arith.constant 0 : i32
        %dma_wait3A_153 = arith.constant 0 : i32
        %dma_wait3A_154 = tpu.memref_slice %arg3[%add3A, %scan3A_24, %dma_wait3A_152, %dma_wait3A_153] : memref<32x5x25x80xi32, #tpu.memory_space<hbm>> -> memref<1x1x25x80xi32, #tpu.memory_space<hbm>>
        %dma_wait3A_155 = tpu.memref_squeeze %dma_wait3A_154 : memref<1x1x25x80xi32, #tpu.memory_space<hbm>> -> memref<25x80xi32, #tpu.memory_space<hbm>>
        tpu.wait_dma2 semaphore(%run_scoped3A : memref<!tpu.dma_semaphore, #tpu.memory_space<semaphore_mem>>) src(%dma_wait3A_155 : memref<25x80xi32, #tpu.memory_space<hbm>>) dst(%arg7 : memref<25x80xi32, #tpu.memory_space<vmem>>)
        tpu.yield
      }) : () -> ()
      "tpu.region"() ({
        %run_scoped3A = tpu.sem_alloc : memref<!tpu.dma_semaphore, #tpu.memory_space<semaphore_mem>>
        %dma_start3A_140 = arith.constant 0 : i32
        %dma_start3A_141 = arith.constant 0 : i32
        %dma_start3A_142 = tpu.memref_slice %arg4[%add3A, %scan3A_24, %dma_start3A_140, %dma_start3A_141] : memref<32x5x25x80xi32, #tpu.memory_space<hbm>> -> memref<1x1x25x80xi32, #tpu.memory_space<hbm>>
        %dma_start3A_143 = tpu.memref_squeeze %dma_start3A_142 : memref<1x1x25x80xi32, #tpu.memory_space<hbm>> -> memref<25x80xi32, #tpu.memory_space<hbm>>
        %dma_start3A_144 = arith.constant 0 : i32
        %dma_start3A_145 = arith.constant 0 : i32
        %dma_start3A_146 = tpu.memref_slice %arg4[%add3A, %scan3A_24, %dma_start3A_144, %dma_start3A_145] : memref<32x5x25x80xi32, #tpu.memory_space<hbm>> -> memref<1x1x25x80xi32, #tpu.memory_space<hbm>>
        %dma_start3A_147 = tpu.memref_squeeze %dma_start3A_146 : memref<1x1x25x80xi32, #tpu.memory_space<hbm>> -> memref<25x80xi32, #tpu.memory_space<hbm>>
        tpu.enqueue_dma source(%dma_start3A_147 : memref<25x80xi32, #tpu.memory_space<hbm>>) target(%arg8 : memref<25x80xi32, #tpu.memory_space<vmem>>) target_semaphore(%run_scoped3A : memref<!tpu.dma_semaphore, #tpu.memory_space<semaphore_mem>>)
        %dma_wait3A_148 = arith.constant 0 : i32
        %dma_wait3A_149 = arith.constant 0 : i32
        %dma_wait3A_150 = tpu.memref_slice %arg4[%add3A, %scan3A_24, %dma_wait3A_148, %dma_wait3A_149] : memref<32x5x25x80xi32, #tpu.memory_space<hbm>> -> memref<1x1x25x80xi32, #tpu.memory_space<hbm>>
        %dma_wait3A_151 = tpu.memref_squeeze %dma_wait3A_150 : memref<1x1x25x80xi32, #tpu.memory_space<hbm>> -> memref<25x80xi32, #tpu.memory_space<hbm>>
        %dma_wait3A_152 = arith.constant 0 : i32
        %dma_wait3A_153 = arith.constant 0 : i32
        %dma_wait3A_154 = tpu.memref_slice %arg4[%add3A, %scan3A_24, %dma_wait3A_152, %dma_wait3A_153] : memref<32x5x25x80xi32, #tpu.memory_space<hbm>> -> memref<1x1x25x80xi32, #tpu.memory_space<hbm>>
        %dma_wait3A_155 = tpu.memref_squeeze %dma_wait3A_154 : memref<1x1x25x80xi32, #tpu.memory_space<hbm>> -> memref<25x80xi32, #tpu.memory_space<hbm>>
        tpu.wait_dma2 semaphore(%run_scoped3A : memref<!tpu.dma_semaphore, #tpu.memory_space<semaphore_mem>>) src(%dma_wait3A_155 : memref<25x80xi32, #tpu.memory_space<hbm>>) dst(%arg8 : memref<25x80xi32, #tpu.memory_space<vmem>>)
        tpu.yield
      }) : () -> ()
      %dma_start3A = arith.constant 0 : i32
      %dma_start3A_26 = arith.constant 0 : i32
      %dma_start3A_27 = tpu.memref_slice %arg7[%dma_start3A, %dma_start3A_26] : memref<25x80xi32, #tpu.memory_space<vmem>> -> memref<1x80xi32, #tpu.memory_space<vmem>>
      %dma_start3A_28 = tpu.memref_squeeze %dma_start3A_27 : memref<1x80xi32, #tpu.memory_space<vmem>> -> memref<80xi32, #tpu.memory_space<vmem>>
      %dma_start3A_29 = arith.constant 0 : i32
      %dma_start3A_30 = arith.constant 0 : i32
      %dma_start3A_31 = tpu.memref_slice %arg2[%dma_start3A_29, %dma_start3A_30] : memref<10000x128xf32, #tpu.memory_space<hbm>> -> memref<10000x128xf32, #tpu.memory_space<hbm>>
      tpu.enqueue_indirect_dma source(%dma_start3A_31 : memref<10000x128xf32, #tpu.memory_space<hbm>>) target(%arg9 : memref<80x128xf32, #tpu.memory_space<vmem>>) offsets(%dma_start3A_28 : memref<80xi32, #tpu.memory_space<vmem>>) semaphore(%arg13 : memref<!tpu.dma_semaphore, #tpu.memory_space<semaphore_mem>>)
      %dma_start3A_32 = arith.constant 1 : i32
      %dma_start3A_33 = arith.constant 0 : i32
      %dma_start3A_34 = tpu.memref_slice %arg7[%dma_start3A_32, %dma_start3A_33] : memref<25x80xi32, #tpu.memory_space<vmem>> -> memref<1x80xi32, #tpu.memory_space<vmem>>
      %dma_start3A_35 = tpu.memref_squeeze %dma_start3A_34 : memref<1x80xi32, #tpu.memory_space<vmem>> -> memref<80xi32, #tpu.memory_space<vmem>>
      %dma_start3A_36 = arith.constant 0 : i32
      %dma_start3A_37 = arith.constant 0 : i32
      %dma_start3A_38 = tpu.memref_slice %arg2[%dma_start3A_36, %dma_start3A_37] : memref<10000x128xf32, #tpu.memory_space<hbm>> -> memref<10000x128xf32, #tpu.memory_space<hbm>>
      tpu.enqueue_indirect_dma source(%dma_start3A_38 : memref<10000x128xf32, #tpu.memory_space<hbm>>) target(%arg10 : memref<80x128xf32, #tpu.memory_space<vmem>>) offsets(%dma_start3A_35 : memref<80xi32, #tpu.memory_space<vmem>>) semaphore(%arg14 : memref<!tpu.dma_semaphore, #tpu.memory_space<semaphore_mem>>)
      %dma_wait3A = arith.constant 0 : i32
      %dma_wait3A_39 = arith.constant 0 : i32
      %dma_wait3A_40 = tpu.memref_slice %arg2[%dma_wait3A, %dma_wait3A_39] : memref<10000x128xf32, #tpu.memory_space<hbm>> -> memref<80x128xf32, #tpu.memory_space<hbm>>
      %dma_wait3A_41 = arith.constant 0 : i32
      %dma_wait3A_42 = arith.constant 0 : i32
      %dma_wait3A_43 = tpu.memref_slice %arg2[%dma_wait3A_41, %dma_wait3A_42] : memref<10000x128xf32, #tpu.memory_space<hbm>> -> memref<80x128xf32, #tpu.memory_space<hbm>>
      tpu.wait_dma2 semaphore(%arg13 : memref<!tpu.dma_semaphore, #tpu.memory_space<semaphore_mem>>) src(%dma_wait3A_43 : memref<80x128xf32, #tpu.memory_space<hbm>>) dst(%arg9 : memref<80x128xf32, #tpu.memory_space<vmem>>)
      %dma_start3A_44 = arith.constant 0 : i32
      %dma_start3A_45 = arith.constant 0 : i32
      %dma_start3A_46 = tpu.memref_slice %arg8[%dma_start3A_44, %dma_start3A_45] : memref<25x80xi32, #tpu.memory_space<vmem>> -> memref<1x80xi32, #tpu.memory_space<vmem>>
      %dma_start3A_47 = tpu.memref_squeeze %dma_start3A_46 : memref<1x80xi32, #tpu.memory_space<vmem>> -> memref<80xi32, #tpu.memory_space<vmem>>
      %dma_start3A_48 = arith.constant 0 : i32
      %dma_start3A_49 = arith.constant 0 : i32
      %dma_start3A_50 = tpu.memref_slice %arg12[%dma_start3A_48, %dma_start3A_49] : memref<10000x128xf32, #tpu.memory_space<vmem_shared>> -> memref<10000x128xf32, #tpu.memory_space<vmem_shared>>
      tpu.enqueue_indirect_dma source(%arg9 : memref<80x128xf32, #tpu.memory_space<vmem>>) target(%dma_start3A_50 : memref<10000x128xf32, #tpu.memory_space<vmem_shared>>) offsets(%dma_start3A_47 : memref<80xi32, #tpu.memory_space<vmem>>) semaphore(%arg16 : memref<!tpu.dma_semaphore, #tpu.memory_space<semaphore_mem>>) {add = true}
      %dma_start3A_51 = arith.constant 2 : i32
      %dma_start3A_52 = arith.constant 0 : i32
      %dma_start3A_53 = tpu.memref_slice %arg7[%dma_start3A_51, %dma_start3A_52] : memref<25x80xi32, #tpu.memory_space<vmem>> -> memref<1x80xi32, #tpu.memory_space<vmem>>
      %dma_start3A_54 = tpu.memref_squeeze %dma_start3A_53 : memref<1x80xi32, #tpu.memory_space<vmem>> -> memref<80xi32, #tpu.memory_space<vmem>>
      %dma_start3A_55 = arith.constant 0 : i32
      %dma_start3A_56 = arith.constant 0 : i32
      %dma_start3A_57 = tpu.memref_slice %arg2[%dma_start3A_55, %dma_start3A_56] : memref<10000x128xf32, #tpu.memory_space<hbm>> -> memref<10000x128xf32, #tpu.memory_space<hbm>>
      tpu.enqueue_indirect_dma source(%dma_start3A_57 : memref<10000x128xf32, #tpu.memory_space<hbm>>) target(%arg11 : memref<80x128xf32, #tpu.memory_space<vmem>>) offsets(%dma_start3A_54 : memref<80xi32, #tpu.memory_space<vmem>>) semaphore(%arg15 : memref<!tpu.dma_semaphore, #tpu.memory_space<semaphore_mem>>)
      %scan3A_58 = arith.constant 0 : i32
      %scan3A_59 = arith.constant 0 : i32
      %scan3A_60 = arith.constant 7 : i32
      %scan3A_61 = arith.addi %scan3A_59, %scan3A_60 : i32
      %scan3A_62 = arith.constant 1 : i32
      %scan3A_63 = scf.for %scan3A_140 = %scan3A_59 to %scan3A_61 step %scan3A_62 iter_args(%scan3A_141 = %scan3A_58) -> (i32)  : i32 {
        %mul3A_142 = arith.constant 3 : i32
        %mul3A_143 = arith.muli %mul3A_142, %scan3A_140 : i32
        %add3A_144 = arith.constant 1 : i32
        %add3A_145 = arith.addi %mul3A_143, %add3A_144 : i32
        %dma_wait3A_146 = arith.constant 0 : i32
        %dma_wait3A_147 = arith.constant 0 : i32
        %dma_wait3A_148 = tpu.memref_slice %arg2[%dma_wait3A_146, %dma_wait3A_147] : memref<10000x128xf32, #tpu.memory_space<hbm>> -> memref<80x128xf32, #tpu.memory_space<hbm>>
        %dma_wait3A_149 = arith.constant 0 : i32
        %dma_wait3A_150 = arith.constant 0 : i32
        %dma_wait3A_151 = tpu.memref_slice %arg2[%dma_wait3A_149, %dma_wait3A_150] : memref<10000x128xf32, #tpu.memory_space<hbm>> -> memref<80x128xf32, #tpu.memory_space<hbm>>
        tpu.wait_dma2 semaphore(%arg14 : memref<!tpu.dma_semaphore, #tpu.memory_space<semaphore_mem>>) src(%dma_wait3A_151 : memref<80x128xf32, #tpu.memory_space<hbm>>) dst(%arg10 : memref<80x128xf32, #tpu.memory_space<vmem>>)
        %dma_start3A_152 = arith.constant 0 : i32
        %dma_start3A_153 = tpu.memref_slice %arg8[%add3A_145, %dma_start3A_152] : memref<25x80xi32, #tpu.memory_space<vmem>> -> memref<1x80xi32, #tpu.memory_space<vmem>>
        %dma_start3A_154 = tpu.memref_squeeze %dma_start3A_153 : memref<1x80xi32, #tpu.memory_space<vmem>> -> memref<80xi32, #tpu.memory_space<vmem>>
        %dma_start3A_155 = arith.constant 0 : i32
        %dma_start3A_156 = arith.constant 0 : i32
        %dma_start3A_157 = tpu.memref_slice %arg12[%dma_start3A_155, %dma_start3A_156] : memref<10000x128xf32, #tpu.memory_space<vmem_shared>> -> memref<10000x128xf32, #tpu.memory_space<vmem_shared>>
        tpu.enqueue_indirect_dma source(%arg10 : memref<80x128xf32, #tpu.memory_space<vmem>>) target(%dma_start3A_157 : memref<10000x128xf32, #tpu.memory_space<vmem_shared>>) offsets(%dma_start3A_154 : memref<80xi32, #tpu.memory_space<vmem>>) semaphore(%arg17 : memref<!tpu.dma_semaphore, #tpu.memory_space<semaphore_mem>>) {add = true}
        %dma_wait3A_158 = arith.constant 0 : i32
        %dma_wait3A_159 = arith.constant 0 : i32
        %dma_wait3A_160 = tpu.memref_slice %arg8[%dma_wait3A_158, %dma_wait3A_159] : memref<25x80xi32, #tpu.memory_space<vmem>> -> memref<1x80xi32, #tpu.memory_space<vmem>>
        %dma_wait3A_161 = tpu.memref_squeeze %dma_wait3A_160 : memref<1x80xi32, #tpu.memory_space<vmem>> -> memref<80xi32, #tpu.memory_space<vmem>>
        %dma_wait3A_162 = arith.constant 0 : i32
        %dma_wait3A_163 = arith.constant 0 : i32
        %dma_wait3A_164 = tpu.memref_slice %arg12[%dma_wait3A_162, %dma_wait3A_163] : memref<10000x128xf32, #tpu.memory_space<vmem_shared>> -> memref<10000x128xf32, #tpu.memory_space<vmem_shared>>
        tpu.wait_indirect_dma semaphore(%arg16 : memref<!tpu.dma_semaphore, #tpu.memory_space<semaphore_mem>>) src(%arg9 : memref<80x128xf32, #tpu.memory_space<vmem>>) dst(%dma_wait3A_164 : memref<10000x128xf32, #tpu.memory_space<vmem_shared>>)
        %add3A_165 = arith.constant 2 : i32
        %add3A_166 = arith.addi %add3A_145, %add3A_165 : i32
        %dma_start3A_167 = arith.constant 0 : i32
        %dma_start3A_168 = tpu.memref_slice %arg7[%add3A_166, %dma_start3A_167] : memref<25x80xi32, #tpu.memory_space<vmem>> -> memref<1x80xi32, #tpu.memory_space<vmem>>
        %dma_start3A_169 = tpu.memref_squeeze %dma_start3A_168 : memref<1x80xi32, #tpu.memory_space<vmem>> -> memref<80xi32, #tpu.memory_space<vmem>>
        %dma_start3A_170 = arith.constant 0 : i32
        %dma_start3A_171 = arith.constant 0 : i32
        %dma_start3A_172 = tpu.memref_slice %arg2[%dma_start3A_170, %dma_start3A_171] : memref<10000x128xf32, #tpu.memory_space<hbm>> -> memref<10000x128xf32, #tpu.memory_space<hbm>>
        tpu.enqueue_indirect_dma source(%dma_start3A_172 : memref<10000x128xf32, #tpu.memory_space<hbm>>) target(%arg9 : memref<80x128xf32, #tpu.memory_space<vmem>>) offsets(%dma_start3A_169 : memref<80xi32, #tpu.memory_space<vmem>>) semaphore(%arg13 : memref<!tpu.dma_semaphore, #tpu.memory_space<semaphore_mem>>)
        %dma_wait3A_173 = arith.constant 0 : i32
        %dma_wait3A_174 = arith.constant 0 : i32
        %dma_wait3A_175 = tpu.memref_slice %arg2[%dma_wait3A_173, %dma_wait3A_174] : memref<10000x128xf32, #tpu.memory_space<hbm>> -> memref<80x128xf32, #tpu.memory_space<hbm>>
        %dma_wait3A_176 = arith.constant 0 : i32
        %dma_wait3A_177 = arith.constant 0 : i32
        %dma_wait3A_178 = tpu.memref_slice %arg2[%dma_wait3A_176, %dma_wait3A_177] : memref<10000x128xf32, #tpu.memory_space<hbm>> -> memref<80x128xf32, #tpu.memory_space<hbm>>
        tpu.wait_dma2 semaphore(%arg15 : memref<!tpu.dma_semaphore, #tpu.memory_space<semaphore_mem>>) src(%dma_wait3A_178 : memref<80x128xf32, #tpu.memory_space<hbm>>) dst(%arg11 : memref<80x128xf32, #tpu.memory_space<vmem>>)
        %add3A_179 = arith.constant 1 : i32
        %add3A_180 = arith.addi %add3A_145, %add3A_179 : i32
        %dma_start3A_181 = arith.constant 0 : i32
        %dma_start3A_182 = tpu.memref_slice %arg8[%add3A_180, %dma_start3A_181] : memref<25x80xi32, #tpu.memory_space<vmem>> -> memref<1x80xi32, #tpu.memory_space<vmem>>
        %dma_start3A_183 = tpu.memref_squeeze %dma_start3A_182 : memref<1x80xi32, #tpu.memory_space<vmem>> -> memref<80xi32, #tpu.memory_space<vmem>>
        %dma_start3A_184 = arith.constant 0 : i32
        %dma_start3A_185 = arith.constant 0 : i32
        %dma_start3A_186 = tpu.memref_slice %arg12[%dma_start3A_184, %dma_start3A_185] : memref<10000x128xf32, #tpu.memory_space<vmem_shared>> -> memref<10000x128xf32, #tpu.memory_space<vmem_shared>>
        tpu.enqueue_indirect_dma source(%arg11 : memref<80x128xf32, #tpu.memory_space<vmem>>) target(%dma_start3A_186 : memref<10000x128xf32, #tpu.memory_space<vmem_shared>>) offsets(%dma_start3A_183 : memref<80xi32, #tpu.memory_space<vmem>>) semaphore(%arg18 : memref<!tpu.dma_semaphore, #tpu.memory_space<semaphore_mem>>) {add = true}
        %dma_wait3A_187 = arith.constant 0 : i32
        %dma_wait3A_188 = arith.constant 0 : i32
        %dma_wait3A_189 = tpu.memref_slice %arg8[%dma_wait3A_187, %dma_wait3A_188] : memref<25x80xi32, #tpu.memory_space<vmem>> -> memref<1x80xi32, #tpu.memory_space<vmem>>
        %dma_wait3A_190 = tpu.memref_squeeze %dma_wait3A_189 : memref<1x80xi32, #tpu.memory_space<vmem>> -> memref<80xi32, #tpu.memory_space<vmem>>
        %dma_wait3A_191 = arith.constant 0 : i32
        %dma_wait3A_192 = arith.constant 0 : i32
        %dma_wait3A_193 = tpu.memref_slice %arg12[%dma_wait3A_191, %dma_wait3A_192] : memref<10000x128xf32, #tpu.memory_space<vmem_shared>> -> memref<10000x128xf32, #tpu.memory_space<vmem_shared>>
        tpu.wait_indirect_dma semaphore(%arg17 : memref<!tpu.dma_semaphore, #tpu.memory_space<semaphore_mem>>) src(%arg10 : memref<80x128xf32, #tpu.memory_space<vmem>>) dst(%dma_wait3A_193 : memref<10000x128xf32, #tpu.memory_space<vmem_shared>>)
        %add3A_194 = arith.constant 3 : i32
        %add3A_195 = arith.addi %add3A_145, %add3A_194 : i32
        %dma_start3A_196 = arith.constant 0 : i32
        %dma_start3A_197 = tpu.memref_slice %arg7[%add3A_195, %dma_start3A_196] : memref<25x80xi32, #tpu.memory_space<vmem>> -> memref<1x80xi32, #tpu.memory_space<vmem>>
        %dma_start3A_198 = tpu.memref_squeeze %dma_start3A_197 : memref<1x80xi32, #tpu.memory_space<vmem>> -> memref<80xi32, #tpu.memory_space<vmem>>
        %dma_start3A_199 = arith.constant 0 : i32
        %dma_start3A_200 = arith.constant 0 : i32
        %dma_start3A_201 = tpu.memref_slice %arg2[%dma_start3A_199, %dma_start3A_200] : memref<10000x128xf32, #tpu.memory_space<hbm>> -> memref<10000x128xf32, #tpu.memory_space<hbm>>
        tpu.enqueue_indirect_dma source(%dma_start3A_201 : memref<10000x128xf32, #tpu.memory_space<hbm>>) target(%arg10 : memref<80x128xf32, #tpu.memory_space<vmem>>) offsets(%dma_start3A_198 : memref<80xi32, #tpu.memory_space<vmem>>) semaphore(%arg14 : memref<!tpu.dma_semaphore, #tpu.memory_space<semaphore_mem>>)
        %dma_wait3A_202 = arith.constant 0 : i32
        %dma_wait3A_203 = arith.constant 0 : i32
        %dma_wait3A_204 = tpu.memref_slice %arg2[%dma_wait3A_202, %dma_wait3A_203] : memref<10000x128xf32, #tpu.memory_space<hbm>> -> memref<80x128xf32, #tpu.memory_space<hbm>>
        %dma_wait3A_205 = arith.constant 0 : i32
        %dma_wait3A_206 = arith.constant 0 : i32
        %dma_wait3A_207 = tpu.memref_slice %arg2[%dma_wait3A_205, %dma_wait3A_206] : memref<10000x128xf32, #tpu.memory_space<hbm>> -> memref<80x128xf32, #tpu.memory_space<hbm>>
        tpu.wait_dma2 semaphore(%arg13 : memref<!tpu.dma_semaphore, #tpu.memory_space<semaphore_mem>>) src(%dma_wait3A_207 : memref<80x128xf32, #tpu.memory_space<hbm>>) dst(%arg9 : memref<80x128xf32, #tpu.memory_space<vmem>>)
        %add3A_208 = arith.constant 2 : i32
        %add3A_209 = arith.addi %add3A_145, %add3A_208 : i32
        %dma_start3A_210 = arith.constant 0 : i32
        %dma_start3A_211 = tpu.memref_slice %arg8[%add3A_209, %dma_start3A_210] : memref<25x80xi32, #tpu.memory_space<vmem>> -> memref<1x80xi32, #tpu.memory_space<vmem>>
        %dma_start3A_212 = tpu.memref_squeeze %dma_start3A_211 : memref<1x80xi32, #tpu.memory_space<vmem>> -> memref<80xi32, #tpu.memory_space<vmem>>
        %dma_start3A_213 = arith.constant 0 : i32
        %dma_start3A_214 = arith.constant 0 : i32
        %dma_start3A_215 = tpu.memref_slice %arg12[%dma_start3A_213, %dma_start3A_214] : memref<10000x128xf32, #tpu.memory_space<vmem_shared>> -> memref<10000x128xf32, #tpu.memory_space<vmem_shared>>
        tpu.enqueue_indirect_dma source(%arg9 : memref<80x128xf32, #tpu.memory_space<vmem>>) target(%dma_start3A_215 : memref<10000x128xf32, #tpu.memory_space<vmem_shared>>) offsets(%dma_start3A_212 : memref<80xi32, #tpu.memory_space<vmem>>) semaphore(%arg16 : memref<!tpu.dma_semaphore, #tpu.memory_space<semaphore_mem>>) {add = true}
        %dma_wait3A_216 = arith.constant 0 : i32
        %dma_wait3A_217 = arith.constant 0 : i32
        %dma_wait3A_218 = tpu.memref_slice %arg8[%dma_wait3A_216, %dma_wait3A_217] : memref<25x80xi32, #tpu.memory_space<vmem>> -> memref<1x80xi32, #tpu.memory_space<vmem>>
        %dma_wait3A_219 = tpu.memref_squeeze %dma_wait3A_218 : memref<1x80xi32, #tpu.memory_space<vmem>> -> memref<80xi32, #tpu.memory_space<vmem>>
        %dma_wait3A_220 = arith.constant 0 : i32
        %dma_wait3A_221 = arith.constant 0 : i32
        %dma_wait3A_222 = tpu.memref_slice %arg12[%dma_wait3A_220, %dma_wait3A_221] : memref<10000x128xf32, #tpu.memory_space<vmem_shared>> -> memref<10000x128xf32, #tpu.memory_space<vmem_shared>>
        tpu.wait_indirect_dma semaphore(%arg18 : memref<!tpu.dma_semaphore, #tpu.memory_space<semaphore_mem>>) src(%arg11 : memref<80x128xf32, #tpu.memory_space<vmem>>) dst(%dma_wait3A_222 : memref<10000x128xf32, #tpu.memory_space<vmem_shared>>)
        %add3A_223 = arith.constant 4 : i32
        %add3A_224 = arith.addi %add3A_145, %add3A_223 : i32
        %dma_start3A_225 = arith.constant 0 : i32
        %dma_start3A_226 = tpu.memref_slice %arg7[%add3A_224, %dma_start3A_225] : memref<25x80xi32, #tpu.memory_space<vmem>> -> memref<1x80xi32, #tpu.memory_space<vmem>>
        %dma_start3A_227 = tpu.memref_squeeze %dma_start3A_226 : memref<1x80xi32, #tpu.memory_space<vmem>> -> memref<80xi32, #tpu.memory_space<vmem>>
        %dma_start3A_228 = arith.constant 0 : i32
        %dma_start3A_229 = arith.constant 0 : i32
        %dma_start3A_230 = tpu.memref_slice %arg2[%dma_start3A_228, %dma_start3A_229] : memref<10000x128xf32, #tpu.memory_space<hbm>> -> memref<10000x128xf32, #tpu.memory_space<hbm>>
        tpu.enqueue_indirect_dma source(%dma_start3A_230 : memref<10000x128xf32, #tpu.memory_space<hbm>>) target(%arg11 : memref<80x128xf32, #tpu.memory_space<vmem>>) offsets(%dma_start3A_227 : memref<80xi32, #tpu.memory_space<vmem>>) semaphore(%arg15 : memref<!tpu.dma_semaphore, #tpu.memory_space<semaphore_mem>>)
        %scan3A_231 = arith.constant 0 : i32
        scf.yield %scan3A_231 : i32
      }
      %scan3A_64 = arith.constant 7 : i32
      %dma_wait3A_65 = arith.constant 0 : i32
      %dma_wait3A_66 = arith.constant 0 : i32
      %dma_wait3A_67 = tpu.memref_slice %arg2[%dma_wait3A_65, %dma_wait3A_66] : memref<10000x128xf32, #tpu.memory_space<hbm>> -> memref<80x128xf32, #tpu.memory_space<hbm>>
      %dma_wait3A_68 = arith.constant 0 : i32
      %dma_wait3A_69 = arith.constant 0 : i32
      %dma_wait3A_70 = tpu.memref_slice %arg2[%dma_wait3A_68, %dma_wait3A_69] : memref<10000x128xf32, #tpu.memory_space<hbm>> -> memref<80x128xf32, #tpu.memory_space<hbm>>
      tpu.wait_dma2 semaphore(%arg14 : memref<!tpu.dma_semaphore, #tpu.memory_space<semaphore_mem>>) src(%dma_wait3A_70 : memref<80x128xf32, #tpu.memory_space<hbm>>) dst(%arg10 : memref<80x128xf32, #tpu.memory_space<vmem>>)
      %dma_start3A_71 = arith.constant 22 : i32
      %dma_start3A_72 = arith.constant 0 : i32
      %dma_start3A_73 = tpu.memref_slice %arg8[%dma_start3A_71, %dma_start3A_72] : memref<25x80xi32, #tpu.memory_space<vmem>> -> memref<1x80xi32, #tpu.memory_space<vmem>>
      %dma_start3A_74 = tpu.memref_squeeze %dma_start3A_73 : memref<1x80xi32, #tpu.memory_space<vmem>> -> memref<80xi32, #tpu.memory_space<vmem>>
      %dma_start3A_75 = arith.constant 0 : i32
      %dma_start3A_76 = arith.constant 0 : i32
      %dma_start3A_77 = tpu.memref_slice %arg12[%dma_start3A_75, %dma_start3A_76] : memref<10000x128xf32, #tpu.memory_space<vmem_shared>> -> memref<10000x128xf32, #tpu.memory_space<vmem_shared>>
      tpu.enqueue_indirect_dma source(%arg10 : memref<80x128xf32, #tpu.memory_space<vmem>>) target(%dma_start3A_77 : memref<10000x128xf32, #tpu.memory_space<vmem_shared>>) offsets(%dma_start3A_74 : memref<80xi32, #tpu.memory_space<vmem>>) semaphore(%arg17 : memref<!tpu.dma_semaphore, #tpu.memory_space<semaphore_mem>>) {add = true}
      %dma_wait3A_78 = arith.constant 0 : i32
      %dma_wait3A_79 = arith.constant 0 : i32
      %dma_wait3A_80 = tpu.memref_slice %arg8[%dma_wait3A_78, %dma_wait3A_79] : memref<25x80xi32, #tpu.memory_space<vmem>> -> memref<1x80xi32, #tpu.memory_space<vmem>>
      %dma_wait3A_81 = tpu.memref_squeeze %dma_wait3A_80 : memref<1x80xi32, #tpu.memory_space<vmem>> -> memref<80xi32, #tpu.memory_space<vmem>>
      %dma_wait3A_82 = arith.constant 0 : i32
      %dma_wait3A_83 = arith.constant 0 : i32
      %dma_wait3A_84 = tpu.memref_slice %arg12[%dma_wait3A_82, %dma_wait3A_83] : memref<10000x128xf32, #tpu.memory_space<vmem_shared>> -> memref<10000x128xf32, #tpu.memory_space<vmem_shared>>
      tpu.wait_indirect_dma semaphore(%arg16 : memref<!tpu.dma_semaphore, #tpu.memory_space<semaphore_mem>>) src(%arg9 : memref<80x128xf32, #tpu.memory_space<vmem>>) dst(%dma_wait3A_84 : memref<10000x128xf32, #tpu.memory_space<vmem_shared>>)
      %dma_start3A_85 = arith.constant 24 : i32
      %dma_start3A_86 = arith.constant 0 : i32
      %dma_start3A_87 = tpu.memref_slice %arg7[%dma_start3A_85, %dma_start3A_86] : memref<25x80xi32, #tpu.memory_space<vmem>> -> memref<1x80xi32, #tpu.memory_space<vmem>>
      %dma_start3A_88 = tpu.memref_squeeze %dma_start3A_87 : memref<1x80xi32, #tpu.memory_space<vmem>> -> memref<80xi32, #tpu.memory_space<vmem>>
      %dma_start3A_89 = arith.constant 0 : i32
      %dma_start3A_90 = arith.constant 0 : i32
      %dma_start3A_91 = tpu.memref_slice %arg2[%dma_start3A_89, %dma_start3A_90] : memref<10000x128xf32, #tpu.memory_space<hbm>> -> memref<10000x128xf32, #tpu.memory_space<hbm>>
      tpu.enqueue_indirect_dma source(%dma_start3A_91 : memref<10000x128xf32, #tpu.memory_space<hbm>>) target(%arg9 : memref<80x128xf32, #tpu.memory_space<vmem>>) offsets(%dma_start3A_88 : memref<80xi32, #tpu.memory_space<vmem>>) semaphore(%arg13 : memref<!tpu.dma_semaphore, #tpu.memory_space<semaphore_mem>>)
      %dma_wait3A_92 = arith.constant 0 : i32
      %dma_wait3A_93 = arith.constant 0 : i32
      %dma_wait3A_94 = tpu.memref_slice %arg2[%dma_wait3A_92, %dma_wait3A_93] : memref<10000x128xf32, #tpu.memory_space<hbm>> -> memref<80x128xf32, #tpu.memory_space<hbm>>
      %dma_wait3A_95 = arith.constant 0 : i32
      %dma_wait3A_96 = arith.constant 0 : i32
      %dma_wait3A_97 = tpu.memref_slice %arg2[%dma_wait3A_95, %dma_wait3A_96] : memref<10000x128xf32, #tpu.memory_space<hbm>> -> memref<80x128xf32, #tpu.memory_space<hbm>>
      tpu.wait_dma2 semaphore(%arg15 : memref<!tpu.dma_semaphore, #tpu.memory_space<semaphore_mem>>) src(%dma_wait3A_97 : memref<80x128xf32, #tpu.memory_space<hbm>>) dst(%arg11 : memref<80x128xf32, #tpu.memory_space<vmem>>)
      %dma_start3A_98 = arith.constant 23 : i32
      %dma_start3A_99 = arith.constant 0 : i32
      %dma_start3A_100 = tpu.memref_slice %arg8[%dma_start3A_98, %dma_start3A_99] : memref<25x80xi32, #tpu.memory_space<vmem>> -> memref<1x80xi32, #tpu.memory_space<vmem>>
      %dma_start3A_101 = tpu.memref_squeeze %dma_start3A_100 : memref<1x80xi32, #tpu.memory_space<vmem>> -> memref<80xi32, #tpu.memory_space<vmem>>
      %dma_start3A_102 = arith.constant 0 : i32
      %dma_start3A_103 = arith.constant 0 : i32
      %dma_start3A_104 = tpu.memref_slice %arg12[%dma_start3A_102, %dma_start3A_103] : memref<10000x128xf32, #tpu.memory_space<vmem_shared>> -> memref<10000x128xf32, #tpu.memory_space<vmem_shared>>
      tpu.enqueue_indirect_dma source(%arg11 : memref<80x128xf32, #tpu.memory_space<vmem>>) target(%dma_start3A_104 : memref<10000x128xf32, #tpu.memory_space<vmem_shared>>) offsets(%dma_start3A_101 : memref<80xi32, #tpu.memory_space<vmem>>) semaphore(%arg18 : memref<!tpu.dma_semaphore, #tpu.memory_space<semaphore_mem>>) {add = true}
      %dma_wait3A_105 = arith.constant 0 : i32
      %dma_wait3A_106 = arith.constant 0 : i32
      %dma_wait3A_107 = tpu.memref_slice %arg8[%dma_wait3A_105, %dma_wait3A_106] : memref<25x80xi32, #tpu.memory_space<vmem>> -> memref<1x80xi32, #tpu.memory_space<vmem>>
      %dma_wait3A_108 = tpu.memref_squeeze %dma_wait3A_107 : memref<1x80xi32, #tpu.memory_space<vmem>> -> memref<80xi32, #tpu.memory_space<vmem>>
      %dma_wait3A_109 = arith.constant 0 : i32
      %dma_wait3A_110 = arith.constant 0 : i32
      %dma_wait3A_111 = tpu.memref_slice %arg12[%dma_wait3A_109, %dma_wait3A_110] : memref<10000x128xf32, #tpu.memory_space<vmem_shared>> -> memref<10000x128xf32, #tpu.memory_space<vmem_shared>>
      tpu.wait_indirect_dma semaphore(%arg17 : memref<!tpu.dma_semaphore, #tpu.memory_space<semaphore_mem>>) src(%arg10 : memref<80x128xf32, #tpu.memory_space<vmem>>) dst(%dma_wait3A_111 : memref<10000x128xf32, #tpu.memory_space<vmem_shared>>)
      %dma_wait3A_112 = arith.constant 0 : i32
      %dma_wait3A_113 = arith.constant 0 : i32
      %dma_wait3A_114 = tpu.memref_slice %arg2[%dma_wait3A_112, %dma_wait3A_113] : memref<10000x128xf32, #tpu.memory_space<hbm>> -> memref<80x128xf32, #tpu.memory_space<hbm>>
      %dma_wait3A_115 = arith.constant 0 : i32
      %dma_wait3A_116 = arith.constant 0 : i32
      %dma_wait3A_117 = tpu.memref_slice %arg2[%dma_wait3A_115, %dma_wait3A_116] : memref<10000x128xf32, #tpu.memory_space<hbm>> -> memref<80x128xf32, #tpu.memory_space<hbm>>
      tpu.wait_dma2 semaphore(%arg13 : memref<!tpu.dma_semaphore, #tpu.memory_space<semaphore_mem>>) src(%dma_wait3A_117 : memref<80x128xf32, #tpu.memory_space<hbm>>) dst(%arg9 : memref<80x128xf32, #tpu.memory_space<vmem>>)
      %dma_start3A_118 = arith.constant 24 : i32
      %dma_start3A_119 = arith.constant 0 : i32
      %dma_start3A_120 = tpu.memref_slice %arg8[%dma_start3A_118, %dma_start3A_119] : memref<25x80xi32, #tpu.memory_space<vmem>> -> memref<1x80xi32, #tpu.memory_space<vmem>>
      %dma_start3A_121 = tpu.memref_squeeze %dma_start3A_120 : memref<1x80xi32, #tpu.memory_space<vmem>> -> memref<80xi32, #tpu.memory_space<vmem>>
      %dma_start3A_122 = arith.constant 0 : i32
      %dma_start3A_123 = arith.constant 0 : i32
      %dma_start3A_124 = tpu.memref_slice %arg12[%dma_start3A_122, %dma_start3A_123] : memref<10000x128xf32, #tpu.memory_space<vmem_shared>> -> memref<10000x128xf32, #tpu.memory_space<vmem_shared>>
      tpu.enqueue_indirect_dma source(%arg9 : memref<80x128xf32, #tpu.memory_space<vmem>>) target(%dma_start3A_124 : memref<10000x128xf32, #tpu.memory_space<vmem_shared>>) offsets(%dma_start3A_121 : memref<80xi32, #tpu.memory_space<vmem>>) semaphore(%arg16 : memref<!tpu.dma_semaphore, #tpu.memory_space<semaphore_mem>>) {add = true}
      %dma_wait3A_125 = arith.constant 0 : i32
      %dma_wait3A_126 = arith.constant 0 : i32
      %dma_wait3A_127 = tpu.memref_slice %arg8[%dma_wait3A_125, %dma_wait3A_126] : memref<25x80xi32, #tpu.memory_space<vmem>> -> memref<1x80xi32, #tpu.memory_space<vmem>>
      %dma_wait3A_128 = tpu.memref_squeeze %dma_wait3A_127 : memref<1x80xi32, #tpu.memory_space<vmem>> -> memref<80xi32, #tpu.memory_space<vmem>>
      %dma_wait3A_129 = arith.constant 0 : i32
      %dma_wait3A_130 = arith.constant 0 : i32
      %dma_wait3A_131 = tpu.memref_slice %arg12[%dma_wait3A_129, %dma_wait3A_130] : memref<10000x128xf32, #tpu.memory_space<vmem_shared>> -> memref<10000x128xf32, #tpu.memory_space<vmem_shared>>
      tpu.wait_indirect_dma semaphore(%arg18 : memref<!tpu.dma_semaphore, #tpu.memory_space<semaphore_mem>>) src(%arg11 : memref<80x128xf32, #tpu.memory_space<vmem>>) dst(%dma_wait3A_131 : memref<10000x128xf32, #tpu.memory_space<vmem_shared>>)
      %dma_wait3A_132 = arith.constant 0 : i32
      %dma_wait3A_133 = arith.constant 0 : i32
      %dma_wait3A_134 = tpu.memref_slice %arg8[%dma_wait3A_132, %dma_wait3A_133] : memref<25x80xi32, #tpu.memory_space<vmem>> -> memref<1x80xi32, #tpu.memory_space<vmem>>
      %dma_wait3A_135 = tpu.memref_squeeze %dma_wait3A_134 : memref<1x80xi32, #tpu.memory_space<vmem>> -> memref<80xi32, #tpu.memory_space<vmem>>
      %dma_wait3A_136 = arith.constant 0 : i32
      %dma_wait3A_137 = arith.constant 0 : i32
      %dma_wait3A_138 = tpu.memref_slice %arg12[%dma_wait3A_136, %dma_wait3A_137] : memref<10000x128xf32, #tpu.memory_space<vmem_shared>> -> memref<10000x128xf32, #tpu.memory_space<vmem_shared>>
      tpu.wait_indirect_dma semaphore(%arg16 : memref<!tpu.dma_semaphore, #tpu.memory_space<semaphore_mem>>) src(%arg9 : memref<80x128xf32, #tpu.memory_space<vmem>>) dst(%dma_wait3A_138 : memref<10000x128xf32, #tpu.memory_space<vmem_shared>>)
      %scan3A_139 = arith.constant 0 : i32
      scf.yield %scan3A_139 : i32
    }
    %scan3A_12 = arith.constant 5 : i32
    %barrier3A_13 = arith.constant 0 : index
    tpu.barrier barrier_id(%barrier3A_13)
    %lt3A_14 = arith.constant 15 : i32
    %lt3A_15 = arith.cmpi slt, %arg1, %lt3A_14 : i32
    %convert_element_type3A_16 = arith.extui %lt3A_15 : i1 to i32
    %cond3A_17 = arith.constant 0 : i32
    %cond3A_18 = arith.cmpi ne, %convert_element_type3A_16, %cond3A_17 : i32
    scf.if %cond3A_18 {
      %mul3A_24 = arith.constant 632 : i32
      %mul3A_25 = arith.muli %arg1, %mul3A_24 : i32
      %multiple_of3A = tpu.assume_multiple %mul3A_25, 8 : i32
      "tpu.region"() ({
        %run_scoped3A = tpu.sem_alloc : memref<!tpu.dma_semaphore, #tpu.memory_space<semaphore_mem>>
        %dma_start3A = arith.constant 0 : i32
        %dma_start3A_26 = tpu.memref_slice %arg6[%arg0, %multiple_of3A, %dma_start3A] : memref<2x10000x128xf32, #tpu.memory_space<hbm>> -> memref<1x632x128xf32, #tpu.memory_space<hbm>>
        %dma_start3A_27 = tpu.memref_squeeze %dma_start3A_26 : memref<1x632x128xf32, #tpu.memory_space<hbm>> -> memref<632x128xf32, #tpu.memory_space<hbm>>
        %dma_start3A_28 = arith.constant 0 : i32
        %dma_start3A_29 = tpu.memref_slice %arg12[%multiple_of3A, %dma_start3A_28] : memref<10000x128xf32, #tpu.memory_space<vmem_shared>> -> memref<632x128xf32, #tpu.memory_space<vmem_shared>>
        tpu.enqueue_dma source(%dma_start3A_29 : memref<632x128xf32, #tpu.memory_space<vmem_shared>>) target(%dma_start3A_27 : memref<632x128xf32, #tpu.memory_space<hbm>>) target_semaphore(%run_scoped3A : memref<!tpu.dma_semaphore, #tpu.memory_space<semaphore_mem>>)
        %dma_wait3A = arith.constant 0 : i32
        %dma_wait3A_30 = tpu.memref_slice %arg6[%arg0, %multiple_of3A, %dma_wait3A] : memref<2x10000x128xf32, #tpu.memory_space<hbm>> -> memref<1x632x128xf32, #tpu.memory_space<hbm>>
        %dma_wait3A_31 = tpu.memref_squeeze %dma_wait3A_30 : memref<1x632x128xf32, #tpu.memory_space<hbm>> -> memref<632x128xf32, #tpu.memory_space<hbm>>
        %dma_wait3A_32 = arith.constant 0 : i32
        %dma_wait3A_33 = tpu.memref_slice %arg12[%multiple_of3A, %dma_wait3A_32] : memref<10000x128xf32, #tpu.memory_space<vmem_shared>> -> memref<632x128xf32, #tpu.memory_space<vmem_shared>>
        tpu.wait_dma2 semaphore(%run_scoped3A : memref<!tpu.dma_semaphore, #tpu.memory_space<semaphore_mem>>) src(%dma_wait3A_33 : memref<632x128xf32, #tpu.memory_space<vmem_shared>>) dst(%dma_wait3A_31 : memref<632x128xf32, #tpu.memory_space<hbm>>)
        tpu.yield
      }) : () -> ()
    } else {
    }
    %eq3A_19 = arith.constant 15 : i32
    %eq3A_20 = arith.cmpi eq, %arg1, %eq3A_19 : i32
    %convert_element_type3A_21 = arith.extui %eq3A_20 : i1 to i32
    %cond3A_22 = arith.constant 0 : i32
    %cond3A_23 = arith.cmpi ne, %convert_element_type3A_21, %cond3A_22 : i32
    scf.if %cond3A_23 {
      "tpu.region"() ({
        %run_scoped3A = tpu.sem_alloc : memref<!tpu.dma_semaphore, #tpu.memory_space<semaphore_mem>>
        %dma_start3A = arith.constant 9480 : i32
        %dma_start3A_24 = arith.constant 0 : i32
        %dma_start3A_25 = tpu.memref_slice %arg6[%arg0, %dma_start3A, %dma_start3A_24] : memref<2x10000x128xf32, #tpu.memory_space<hbm>> -> memref<1x520x128xf32, #tpu.memory_space<hbm>>
        %dma_start3A_26 = tpu.memref_squeeze %dma_start3A_25 : memref<1x520x128xf32, #tpu.memory_space<hbm>> -> memref<520x128xf32, #tpu.memory_space<hbm>>
        %dma_start3A_27 = arith.constant 9480 : i32
        %dma_start3A_28 = arith.constant 0 : i32
        %dma_start3A_29 = tpu.memref_slice %arg12[%dma_start3A_27, %dma_start3A_28] : memref<10000x128xf32, #tpu.memory_space<vmem_shared>> -> memref<520x128xf32, #tpu.memory_space<vmem_shared>>
        tpu.enqueue_dma source(%dma_start3A_29 : memref<520x128xf32, #tpu.memory_space<vmem_shared>>) target(%dma_start3A_26 : memref<520x128xf32, #tpu.memory_space<hbm>>) target_semaphore(%run_scoped3A : memref<!tpu.dma_semaphore, #tpu.memory_space<semaphore_mem>>)
        %dma_wait3A = arith.constant 9480 : i32
        %dma_wait3A_30 = arith.constant 0 : i32
        %dma_wait3A_31 = tpu.memref_slice %arg6[%arg0, %dma_wait3A, %dma_wait3A_30] : memref<2x10000x128xf32, #tpu.memory_space<hbm>> -> memref<1x520x128xf32, #tpu.memory_space<hbm>>
        %dma_wait3A_32 = tpu.memref_squeeze %dma_wait3A_31 : memref<1x520x128xf32, #tpu.memory_space<hbm>> -> memref<520x128xf32, #tpu.memory_space<hbm>>
        %dma_wait3A_33 = arith.constant 9480 : i32
        %dma_wait3A_34 = arith.constant 0 : i32
        %dma_wait3A_35 = tpu.memref_slice %arg12[%dma_wait3A_33, %dma_wait3A_34] : memref<10000x128xf32, #tpu.memory_space<vmem_shared>> -> memref<520x128xf32, #tpu.memory_space<vmem_shared>>
        tpu.wait_dma2 semaphore(%run_scoped3A : memref<!tpu.dma_semaphore, #tpu.memory_space<semaphore_mem>>) src(%dma_wait3A_35 : memref<520x128xf32, #tpu.memory_space<vmem_shared>>) dst(%dma_wait3A_32 : memref<520x128xf32, #tpu.memory_space<hbm>>)
        tpu.yield
      }) : () -> ()
    } else {
    }
    return
  }
}

#map = affine_map<(d0, d1) -> (0, 0)>
#map1 = affine_map<(d0, d1) -> (0, 0, 0, 0)>
#map2 = affine_map<(d0, d1) -> (0, 0, 0)>
module attributes {stable_mosaic.version = 14 : i64} {
  func.func @_sc_segsum_body(%arg0: i32, %arg1: i32, %arg2: memref<10000x128xf32, #tpu.memory_space<hbm>>, %arg3: memref<32x5x25x80xi32, #tpu.memory_space<hbm>>, %arg4: memref<32x5x25x80xi32, #tpu.memory_space<hbm>>, %arg5: memref<632x128xf32, #tpu.memory_space<hbm>>, %arg6: memref<80x128xf32, #tpu.memory_space<hbm>>, %arg7: memref<2x10000x128xf32, #tpu.memory_space<hbm>>, %arg8: memref<2x10000x128xf32, #tpu.memory_space<hbm>>, %arg9: memref<25x80xi32, #tpu.memory_space<vmem>>, %arg10: memref<25x80xi32, #tpu.memory_space<vmem>>, %arg11: memref<80x128xf32, #tpu.memory_space<vmem>>, %arg12: memref<80x128xf32, #tpu.memory_space<vmem>>, %arg13: memref<80x128xf32, #tpu.memory_space<vmem>>, %arg14: memref<10000x128xf32, #tpu.memory_space<vmem_shared>>, %arg15: memref<!tpu.dma_semaphore, #tpu.memory_space<semaphore_mem>>, %arg16: memref<!tpu.dma_semaphore, #tpu.memory_space<semaphore_mem>>, %arg17: memref<!tpu.dma_semaphore, #tpu.memory_space<semaphore_mem>>, %arg18: memref<!tpu.dma_semaphore, #tpu.memory_space<semaphore_mem>>, %arg19: memref<!tpu.dma_semaphore, #tpu.memory_space<semaphore_mem>>, %arg20: memref<!tpu.dma_semaphore, #tpu.memory_space<semaphore_mem>>) attributes {dimension_semantics = [#tpu.dimension_semantics<core_parallel>, #tpu.dimension_semantics<subcore_parallel>], iteration_bounds = array<i64: 2, 16>, scalar_prefetch = 0 : i64, scratch_operands = 12 : i64, tpu.core_type = #tpu.core_type<sc_vector_subcore>, window_params = [{transform_indices = #map}, {transform_indices = #map1}, {transform_indices = #map1}, {transform_indices = #map}, {transform_indices = #map}, {transform_indices = #map2}, {transform_indices = #map2}]} {
    %mul3A = arith.constant 2 : i32
    %mul3A_0 = arith.muli %arg1, %mul3A : i32
    %add3A = arith.addi %mul3A_0, %arg0 : i32
    %lt3A = arith.constant 15 : i32
    %lt3A_1 = arith.cmpi slt, %arg1, %lt3A : i32
    %convert_element_type3A = arith.extui %lt3A_1 : i1 to i32
    %cond3A = arith.constant 0 : i32
    %cond3A_2 = arith.cmpi ne, %convert_element_type3A, %cond3A : i32
    scf.if %cond3A_2 {
      %mul3A_43 = arith.constant 632 : i32
      %mul3A_44 = arith.muli %arg1, %mul3A_43 : i32
      %multiple_of3A = tpu.assume_multiple %mul3A_44, 8 : i32
      "tpu.region"() ({
        %run_scoped3A = tpu.sem_alloc : memref<!tpu.dma_semaphore, #tpu.memory_space<semaphore_mem>>
        %dma_start3A = arith.constant 0 : i32
        %dma_start3A_45 = tpu.memref_slice %arg14[%multiple_of3A, %dma_start3A] : memref<10000x128xf32, #tpu.memory_space<vmem_shared>> -> memref<632x128xf32, #tpu.memory_space<vmem_shared>>
        %dma_start3A_46 = arith.constant 0 : i32
        %dma_start3A_47 = arith.constant 0 : i32
        %dma_start3A_48 = tpu.memref_slice %arg5[%dma_start3A_46, %dma_start3A_47] : memref<632x128xf32, #tpu.memory_space<hbm>> -> memref<632x128xf32, #tpu.memory_space<hbm>>
        tpu.enqueue_dma source(%dma_start3A_48 : memref<632x128xf32, #tpu.memory_space<hbm>>) target(%dma_start3A_45 : memref<632x128xf32, #tpu.memory_space<vmem_shared>>) target_semaphore(%run_scoped3A : memref<!tpu.dma_semaphore, #tpu.memory_space<semaphore_mem>>)
        %dma_wait3A = arith.constant 0 : i32
        %dma_wait3A_49 = tpu.memref_slice %arg14[%multiple_of3A, %dma_wait3A] : memref<10000x128xf32, #tpu.memory_space<vmem_shared>> -> memref<632x128xf32, #tpu.memory_space<vmem_shared>>
        %dma_wait3A_50 = arith.constant 0 : i32
        %dma_wait3A_51 = arith.constant 0 : i32
        %dma_wait3A_52 = tpu.memref_slice %arg5[%dma_wait3A_50, %dma_wait3A_51] : memref<632x128xf32, #tpu.memory_space<hbm>> -> memref<632x128xf32, #tpu.memory_space<hbm>>
        tpu.wait_dma2 semaphore(%run_scoped3A : memref<!tpu.dma_semaphore, #tpu.memory_space<semaphore_mem>>) src(%dma_wait3A_52 : memref<632x128xf32, #tpu.memory_space<hbm>>) dst(%dma_wait3A_49 : memref<632x128xf32, #tpu.memory_space<vmem_shared>>)
        tpu.yield
      }) : () -> ()
    } else {
    }
    %eq3A = arith.constant 15 : i32
    %eq3A_3 = arith.cmpi eq, %arg1, %eq3A : i32
    %convert_element_type3A_4 = arith.extui %eq3A_3 : i1 to i32
    %cond3A_5 = arith.constant 0 : i32
    %cond3A_6 = arith.cmpi ne, %convert_element_type3A_4, %cond3A_5 : i32
    scf.if %cond3A_6 {
      "tpu.region"() ({
        %run_scoped3A = tpu.sem_alloc : memref<!tpu.dma_semaphore, #tpu.memory_space<semaphore_mem>>
        %dma_start3A = arith.constant 9480 : i32
        %dma_start3A_43 = arith.constant 0 : i32
        %dma_start3A_44 = tpu.memref_slice %arg14[%dma_start3A, %dma_start3A_43] : memref<10000x128xf32, #tpu.memory_space<vmem_shared>> -> memref<520x128xf32, #tpu.memory_space<vmem_shared>>
        %dma_start3A_45 = arith.constant 0 : i32
        %dma_start3A_46 = arith.constant 0 : i32
        %dma_start3A_47 = tpu.memref_slice %arg5[%dma_start3A_45, %dma_start3A_46] : memref<632x128xf32, #tpu.memory_space<hbm>> -> memref<520x128xf32, #tpu.memory_space<hbm>>
        tpu.enqueue_dma source(%dma_start3A_47 : memref<520x128xf32, #tpu.memory_space<hbm>>) target(%dma_start3A_44 : memref<520x128xf32, #tpu.memory_space<vmem_shared>>) target_semaphore(%run_scoped3A : memref<!tpu.dma_semaphore, #tpu.memory_space<semaphore_mem>>)
        %dma_wait3A = arith.constant 9480 : i32
        %dma_wait3A_48 = arith.constant 0 : i32
        %dma_wait3A_49 = tpu.memref_slice %arg14[%dma_wait3A, %dma_wait3A_48] : memref<10000x128xf32, #tpu.memory_space<vmem_shared>> -> memref<520x128xf32, #tpu.memory_space<vmem_shared>>
        %dma_wait3A_50 = arith.constant 0 : i32
        %dma_wait3A_51 = arith.constant 0 : i32
        %dma_wait3A_52 = tpu.memref_slice %arg5[%dma_wait3A_50, %dma_wait3A_51] : memref<632x128xf32, #tpu.memory_space<hbm>> -> memref<520x128xf32, #tpu.memory_space<hbm>>
        tpu.wait_dma2 semaphore(%run_scoped3A : memref<!tpu.dma_semaphore, #tpu.memory_space<semaphore_mem>>) src(%dma_wait3A_52 : memref<520x128xf32, #tpu.memory_space<hbm>>) dst(%dma_wait3A_49 : memref<520x128xf32, #tpu.memory_space<vmem_shared>>)
        tpu.yield
      }) : () -> ()
    } else {
    }
    %barrier3A = arith.constant 0 : index
    tpu.barrier barrier_id(%barrier3A)
    "tpu.region"() ({
      %run_scoped3A = tpu.sem_alloc : memref<!tpu.dma_semaphore, #tpu.memory_space<semaphore_mem>>
      tpu.enqueue_dma source(%arg6 : memref<80x128xf32, #tpu.memory_space<hbm>>) target(%arg13 : memref<80x128xf32, #tpu.memory_space<vmem>>) target_semaphore(%run_scoped3A : memref<!tpu.dma_semaphore, #tpu.memory_space<semaphore_mem>>)
      tpu.wait_dma2 semaphore(%run_scoped3A : memref<!tpu.dma_semaphore, #tpu.memory_space<semaphore_mem>>) src(%arg6 : memref<80x128xf32, #tpu.memory_space<hbm>>) dst(%arg13 : memref<80x128xf32, #tpu.memory_space<vmem>>)
      tpu.yield
    }) : () -> ()
    %scan3A = arith.constant 0 : i32
    %scan3A_7 = arith.constant 0 : i32
    %scan3A_8 = arith.constant 5 : i32
    %scan3A_9 = arith.addi %scan3A_7, %scan3A_8 : i32
    %scan3A_10 = arith.constant 1 : i32
    %scan3A_11 = scf.for %scan3A_43 = %scan3A_7 to %scan3A_9 step %scan3A_10 iter_args(%scan3A_44 = %scan3A) -> (i32)  : i32 {
      "tpu.region"() ({
        %run_scoped3A = tpu.sem_alloc : memref<!tpu.dma_semaphore, #tpu.memory_space<semaphore_mem>>
        %dma_start3A = arith.constant 0 : i32
        %dma_start3A_67 = arith.constant 0 : i32
        %dma_start3A_68 = tpu.memref_slice %arg4[%add3A, %scan3A_43, %dma_start3A, %dma_start3A_67] : memref<32x5x25x80xi32, #tpu.memory_space<hbm>> -> memref<1x1x25x80xi32, #tpu.memory_space<hbm>>
        %dma_start3A_69 = tpu.memref_squeeze %dma_start3A_68 : memref<1x1x25x80xi32, #tpu.memory_space<hbm>> -> memref<25x80xi32, #tpu.memory_space<hbm>>
        %dma_start3A_70 = arith.constant 0 : i32
        %dma_start3A_71 = arith.constant 0 : i32
        %dma_start3A_72 = tpu.memref_slice %arg4[%add3A, %scan3A_43, %dma_start3A_70, %dma_start3A_71] : memref<32x5x25x80xi32, #tpu.memory_space<hbm>> -> memref<1x1x25x80xi32, #tpu.memory_space<hbm>>
        %dma_start3A_73 = tpu.memref_squeeze %dma_start3A_72 : memref<1x1x25x80xi32, #tpu.memory_space<hbm>> -> memref<25x80xi32, #tpu.memory_space<hbm>>
        tpu.enqueue_dma source(%dma_start3A_73 : memref<25x80xi32, #tpu.memory_space<hbm>>) target(%arg10 : memref<25x80xi32, #tpu.memory_space<vmem>>) target_semaphore(%run_scoped3A : memref<!tpu.dma_semaphore, #tpu.memory_space<semaphore_mem>>)
        %dma_wait3A = arith.constant 0 : i32
        %dma_wait3A_74 = arith.constant 0 : i32
        %dma_wait3A_75 = tpu.memref_slice %arg4[%add3A, %scan3A_43, %dma_wait3A, %dma_wait3A_74] : memref<32x5x25x80xi32, #tpu.memory_space<hbm>> -> memref<1x1x25x80xi32, #tpu.memory_space<hbm>>
        %dma_wait3A_76 = tpu.memref_squeeze %dma_wait3A_75 : memref<1x1x25x80xi32, #tpu.memory_space<hbm>> -> memref<25x80xi32, #tpu.memory_space<hbm>>
        %dma_wait3A_77 = arith.constant 0 : i32
        %dma_wait3A_78 = arith.constant 0 : i32
        %dma_wait3A_79 = tpu.memref_slice %arg4[%add3A, %scan3A_43, %dma_wait3A_77, %dma_wait3A_78] : memref<32x5x25x80xi32, #tpu.memory_space<hbm>> -> memref<1x1x25x80xi32, #tpu.memory_space<hbm>>
        %dma_wait3A_80 = tpu.memref_squeeze %dma_wait3A_79 : memref<1x1x25x80xi32, #tpu.memory_space<hbm>> -> memref<25x80xi32, #tpu.memory_space<hbm>>
        tpu.wait_dma2 semaphore(%run_scoped3A : memref<!tpu.dma_semaphore, #tpu.memory_space<semaphore_mem>>) src(%dma_wait3A_80 : memref<25x80xi32, #tpu.memory_space<hbm>>) dst(%arg10 : memref<25x80xi32, #tpu.memory_space<vmem>>)
        tpu.yield
      }) : () -> ()
      %scan3A_45 = arith.constant 0 : i32
      %scan3A_46 = arith.constant 0 : i32
      %scan3A_47 = arith.constant 8 : i32
      %scan3A_48 = arith.addi %scan3A_46, %scan3A_47 : i32
      %scan3A_49 = arith.constant 1 : i32
      %scan3A_50 = scf.for %scan3A_67 = %scan3A_46 to %scan3A_48 step %scan3A_49 iter_args(%scan3A_68 = %scan3A_45) -> (i32)  : i32 {
        %dma_start3A = arith.constant 0 : i32
        %dma_start3A_69 = tpu.memref_slice %arg10[%scan3A_67, %dma_start3A] : memref<25x80xi32, #tpu.memory_space<vmem>> -> memref<1x80xi32, #tpu.memory_space<vmem>>
        %dma_start3A_70 = tpu.memref_squeeze %dma_start3A_69 : memref<1x80xi32, #tpu.memory_space<vmem>> -> memref<80xi32, #tpu.memory_space<vmem>>
        %dma_start3A_71 = arith.constant 0 : i32
        %dma_start3A_72 = arith.constant 0 : i32
        %dma_start3A_73 = tpu.memref_slice %arg14[%dma_start3A_71, %dma_start3A_72] : memref<10000x128xf32, #tpu.memory_space<vmem_shared>> -> memref<10000x128xf32, #tpu.memory_space<vmem_shared>>
        tpu.enqueue_indirect_dma source(%arg13 : memref<80x128xf32, #tpu.memory_space<vmem>>) target(%dma_start3A_73 : memref<10000x128xf32, #tpu.memory_space<vmem_shared>>) offsets(%dma_start3A_70 : memref<80xi32, #tpu.memory_space<vmem>>) semaphore(%arg18 : memref<!tpu.dma_semaphore, #tpu.memory_space<semaphore_mem>>) {add = true}
        %scan3A_74 = arith.constant 0 : i32
        scf.yield %scan3A_74 : i32
      }
      %scan3A_51 = arith.constant 8 : i32
      %scan3A_52 = arith.constant 0 : i32
      %scan3A_53 = arith.constant 8 : i32
      %scan3A_54 = arith.constant 17 : i32
      %scan3A_55 = arith.addi %scan3A_53, %scan3A_54 : i32
      %scan3A_56 = arith.constant 1 : i32
      %scan3A_57 = scf.for %scan3A_67 = %scan3A_53 to %scan3A_55 step %scan3A_56 iter_args(%scan3A_68 = %scan3A_52) -> (i32)  : i32 {
        %dma_wait3A = arith.constant 0 : i32
        %dma_wait3A_69 = arith.constant 0 : i32
        %dma_wait3A_70 = tpu.memref_slice %arg10[%dma_wait3A, %dma_wait3A_69] : memref<25x80xi32, #tpu.memory_space<vmem>> -> memref<1x80xi32, #tpu.memory_space<vmem>>
        %dma_wait3A_71 = tpu.memref_squeeze %dma_wait3A_70 : memref<1x80xi32, #tpu.memory_space<vmem>> -> memref<80xi32, #tpu.memory_space<vmem>>
        %dma_wait3A_72 = arith.constant 0 : i32
        %dma_wait3A_73 = arith.constant 0 : i32
        %dma_wait3A_74 = tpu.memref_slice %arg14[%dma_wait3A_72, %dma_wait3A_73] : memref<10000x128xf32, #tpu.memory_space<vmem_shared>> -> memref<10000x128xf32, #tpu.memory_space<vmem_shared>>
        tpu.wait_indirect_dma semaphore(%arg18 : memref<!tpu.dma_semaphore, #tpu.memory_space<semaphore_mem>>) src(%arg13 : memref<80x128xf32, #tpu.memory_space<vmem>>) dst(%dma_wait3A_74 : memref<10000x128xf32, #tpu.memory_space<vmem_shared>>)
        %dma_start3A = arith.constant 0 : i32
        %dma_start3A_75 = tpu.memref_slice %arg10[%scan3A_67, %dma_start3A] : memref<25x80xi32, #tpu.memory_space<vmem>> -> memref<1x80xi32, #tpu.memory_space<vmem>>
        %dma_start3A_76 = tpu.memref_squeeze %dma_start3A_75 : memref<1x80xi32, #tpu.memory_space<vmem>> -> memref<80xi32, #tpu.memory_space<vmem>>
        %dma_start3A_77 = arith.constant 0 : i32
        %dma_start3A_78 = arith.constant 0 : i32
        %dma_start3A_79 = tpu.memref_slice %arg14[%dma_start3A_77, %dma_start3A_78] : memref<10000x128xf32, #tpu.memory_space<vmem_shared>> -> memref<10000x128xf32, #tpu.memory_space<vmem_shared>>
        tpu.enqueue_indirect_dma source(%arg13 : memref<80x128xf32, #tpu.memory_space<vmem>>) target(%dma_start3A_79 : memref<10000x128xf32, #tpu.memory_space<vmem_shared>>) offsets(%dma_start3A_76 : memref<80xi32, #tpu.memory_space<vmem>>) semaphore(%arg18 : memref<!tpu.dma_semaphore, #tpu.memory_space<semaphore_mem>>) {add = true}
        %scan3A_80 = arith.constant 0 : i32
        scf.yield %scan3A_80 : i32
      }
      %scan3A_58 = arith.constant 17 : i32
      %scan3A_59 = arith.constant 0 : i32
      %scan3A_60 = arith.constant 0 : i32
      %scan3A_61 = arith.constant 8 : i32
      %scan3A_62 = arith.addi %scan3A_60, %scan3A_61 : i32
      %scan3A_63 = arith.constant 1 : i32
      %scan3A_64 = scf.for %scan3A_67 = %scan3A_60 to %scan3A_62 step %scan3A_63 iter_args(%scan3A_68 = %scan3A_59) -> (i32)  : i32 {
        %dma_wait3A = arith.constant 0 : i32
        %dma_wait3A_69 = arith.constant 0 : i32
        %dma_wait3A_70 = tpu.memref_slice %arg10[%dma_wait3A, %dma_wait3A_69] : memref<25x80xi32, #tpu.memory_space<vmem>> -> memref<1x80xi32, #tpu.memory_space<vmem>>
        %dma_wait3A_71 = tpu.memref_squeeze %dma_wait3A_70 : memref<1x80xi32, #tpu.memory_space<vmem>> -> memref<80xi32, #tpu.memory_space<vmem>>
        %dma_wait3A_72 = arith.constant 0 : i32
        %dma_wait3A_73 = arith.constant 0 : i32
        %dma_wait3A_74 = tpu.memref_slice %arg14[%dma_wait3A_72, %dma_wait3A_73] : memref<10000x128xf32, #tpu.memory_space<vmem_shared>> -> memref<10000x128xf32, #tpu.memory_space<vmem_shared>>
        tpu.wait_indirect_dma semaphore(%arg18 : memref<!tpu.dma_semaphore, #tpu.memory_space<semaphore_mem>>) src(%arg13 : memref<80x128xf32, #tpu.memory_space<vmem>>) dst(%dma_wait3A_74 : memref<10000x128xf32, #tpu.memory_space<vmem_shared>>)
        %scan3A_75 = arith.constant 0 : i32
        scf.yield %scan3A_75 : i32
      }
      %scan3A_65 = arith.constant 8 : i32
      %scan3A_66 = arith.constant 0 : i32
      scf.yield %scan3A_66 : i32
    }
    %scan3A_12 = arith.constant 5 : i32
    %barrier3A_13 = arith.constant 0 : index
    tpu.barrier barrier_id(%barrier3A_13)
    %lt3A_14 = arith.constant 15 : i32
    %lt3A_15 = arith.cmpi slt, %arg1, %lt3A_14 : i32
    %convert_element_type3A_16 = arith.extui %lt3A_15 : i1 to i32
    %cond3A_17 = arith.constant 0 : i32
    %cond3A_18 = arith.cmpi ne, %convert_element_type3A_16, %cond3A_17 : i32
    scf.if %cond3A_18 {
      %mul3A_43 = arith.constant 632 : i32
      %mul3A_44 = arith.muli %arg1, %mul3A_43 : i32
      %multiple_of3A = tpu.assume_multiple %mul3A_44, 8 : i32
      "tpu.region"() ({
        %run_scoped3A = tpu.sem_alloc : memref<!tpu.dma_semaphore, #tpu.memory_space<semaphore_mem>>
        %dma_start3A = arith.constant 0 : i32
        %dma_start3A_45 = tpu.memref_slice %arg8[%arg0, %multiple_of3A, %dma_start3A] : memref<2x10000x128xf32, #tpu.memory_space<hbm>> -> memref<1x632x128xf32, #tpu.memory_space<hbm>>
        %dma_start3A_46 = tpu.memref_squeeze %dma_start3A_45 : memref<1x632x128xf32, #tpu.memory_space<hbm>> -> memref<632x128xf32, #tpu.memory_space<hbm>>
        %dma_start3A_47 = arith.constant 0 : i32
        %dma_start3A_48 = tpu.memref_slice %arg14[%multiple_of3A, %dma_start3A_47] : memref<10000x128xf32, #tpu.memory_space<vmem_shared>> -> memref<632x128xf32, #tpu.memory_space<vmem_shared>>
        tpu.enqueue_dma source(%dma_start3A_48 : memref<632x128xf32, #tpu.memory_space<vmem_shared>>) target(%dma_start3A_46 : memref<632x128xf32, #tpu.memory_space<hbm>>) target_semaphore(%run_scoped3A : memref<!tpu.dma_semaphore, #tpu.memory_space<semaphore_mem>>)
        %dma_wait3A = arith.constant 0 : i32
        %dma_wait3A_49 = tpu.memref_slice %arg8[%arg0, %multiple_of3A, %dma_wait3A] : memref<2x10000x128xf32, #tpu.memory_space<hbm>> -> memref<1x632x128xf32, #tpu.memory_space<hbm>>
        %dma_wait3A_50 = tpu.memref_squeeze %dma_wait3A_49 : memref<1x632x128xf32, #tpu.memory_space<hbm>> -> memref<632x128xf32, #tpu.memory_space<hbm>>
        %dma_wait3A_51 = arith.constant 0 : i32
        %dma_wait3A_52 = tpu.memref_slice %arg14[%multiple_of3A, %dma_wait3A_51] : memref<10000x128xf32, #tpu.memory_space<vmem_shared>> -> memref<632x128xf32, #tpu.memory_space<vmem_shared>>
        tpu.wait_dma2 semaphore(%run_scoped3A : memref<!tpu.dma_semaphore, #tpu.memory_space<semaphore_mem>>) src(%dma_wait3A_52 : memref<632x128xf32, #tpu.memory_space<vmem_shared>>) dst(%dma_wait3A_50 : memref<632x128xf32, #tpu.memory_space<hbm>>)
        tpu.yield
      }) : () -> ()
    } else {
    }
    %eq3A_19 = arith.constant 15 : i32
    %eq3A_20 = arith.cmpi eq, %arg1, %eq3A_19 : i32
    %convert_element_type3A_21 = arith.extui %eq3A_20 : i1 to i32
    %cond3A_22 = arith.constant 0 : i32
    %cond3A_23 = arith.cmpi ne, %convert_element_type3A_21, %cond3A_22 : i32
    scf.if %cond3A_23 {
      "tpu.region"() ({
        %run_scoped3A = tpu.sem_alloc : memref<!tpu.dma_semaphore, #tpu.memory_space<semaphore_mem>>
        %dma_start3A = arith.constant 9480 : i32
        %dma_start3A_43 = arith.constant 0 : i32
        %dma_start3A_44 = tpu.memref_slice %arg8[%arg0, %dma_start3A, %dma_start3A_43] : memref<2x10000x128xf32, #tpu.memory_space<hbm>> -> memref<1x520x128xf32, #tpu.memory_space<hbm>>
        %dma_start3A_45 = tpu.memref_squeeze %dma_start3A_44 : memref<1x520x128xf32, #tpu.memory_space<hbm>> -> memref<520x128xf32, #tpu.memory_space<hbm>>
        %dma_start3A_46 = arith.constant 9480 : i32
        %dma_start3A_47 = arith.constant 0 : i32
        %dma_start3A_48 = tpu.memref_slice %arg14[%dma_start3A_46, %dma_start3A_47] : memref<10000x128xf32, #tpu.memory_space<vmem_shared>> -> memref<520x128xf32, #tpu.memory_space<vmem_shared>>
        tpu.enqueue_dma source(%dma_start3A_48 : memref<520x128xf32, #tpu.memory_space<vmem_shared>>) target(%dma_start3A_45 : memref<520x128xf32, #tpu.memory_space<hbm>>) target_semaphore(%run_scoped3A : memref<!tpu.dma_semaphore, #tpu.memory_space<semaphore_mem>>)
        %dma_wait3A = arith.constant 9480 : i32
        %dma_wait3A_49 = arith.constant 0 : i32
        %dma_wait3A_50 = tpu.memref_slice %arg8[%arg0, %dma_wait3A, %dma_wait3A_49] : memref<2x10000x128xf32, #tpu.memory_space<hbm>> -> memref<1x520x128xf32, #tpu.memory_space<hbm>>
        %dma_wait3A_51 = tpu.memref_squeeze %dma_wait3A_50 : memref<1x520x128xf32, #tpu.memory_space<hbm>> -> memref<520x128xf32, #tpu.memory_space<hbm>>
        %dma_wait3A_52 = arith.constant 9480 : i32
        %dma_wait3A_53 = arith.constant 0 : i32
        %dma_wait3A_54 = tpu.memref_slice %arg14[%dma_wait3A_52, %dma_wait3A_53] : memref<10000x128xf32, #tpu.memory_space<vmem_shared>> -> memref<520x128xf32, #tpu.memory_space<vmem_shared>>
        tpu.wait_dma2 semaphore(%run_scoped3A : memref<!tpu.dma_semaphore, #tpu.memory_space<semaphore_mem>>) src(%dma_wait3A_54 : memref<520x128xf32, #tpu.memory_space<vmem_shared>>) dst(%dma_wait3A_51 : memref<520x128xf32, #tpu.memory_space<hbm>>)
        tpu.yield
      }) : () -> ()
    } else {
    }
    %barrier3A_24 = arith.constant 0 : index
    tpu.barrier barrier_id(%barrier3A_24)
    %scan3A_25 = arith.constant 0 : i32
    %scan3A_26 = arith.constant 0 : i32
    %scan3A_27 = arith.constant 5 : i32
    %scan3A_28 = arith.addi %scan3A_26, %scan3A_27 : i32
    %scan3A_29 = arith.constant 1 : i32
    %scan3A_30 = scf.for %scan3A_43 = %scan3A_26 to %scan3A_28 step %scan3A_29 iter_args(%scan3A_44 = %scan3A_25) -> (i32)  : i32 {
      "tpu.region"() ({
        %run_scoped3A = tpu.sem_alloc : memref<!tpu.dma_semaphore, #tpu.memory_space<semaphore_mem>>
        %dma_start3A_159 = arith.constant 0 : i32
        %dma_start3A_160 = arith.constant 0 : i32
        %dma_start3A_161 = tpu.memref_slice %arg3[%add3A, %scan3A_43, %dma_start3A_159, %dma_start3A_160] : memref<32x5x25x80xi32, #tpu.memory_space<hbm>> -> memref<1x1x25x80xi32, #tpu.memory_space<hbm>>
        %dma_start3A_162 = tpu.memref_squeeze %dma_start3A_161 : memref<1x1x25x80xi32, #tpu.memory_space<hbm>> -> memref<25x80xi32, #tpu.memory_space<hbm>>
        %dma_start3A_163 = arith.constant 0 : i32
        %dma_start3A_164 = arith.constant 0 : i32
        %dma_start3A_165 = tpu.memref_slice %arg3[%add3A, %scan3A_43, %dma_start3A_163, %dma_start3A_164] : memref<32x5x25x80xi32, #tpu.memory_space<hbm>> -> memref<1x1x25x80xi32, #tpu.memory_space<hbm>>
        %dma_start3A_166 = tpu.memref_squeeze %dma_start3A_165 : memref<1x1x25x80xi32, #tpu.memory_space<hbm>> -> memref<25x80xi32, #tpu.memory_space<hbm>>
        tpu.enqueue_dma source(%dma_start3A_166 : memref<25x80xi32, #tpu.memory_space<hbm>>) target(%arg9 : memref<25x80xi32, #tpu.memory_space<vmem>>) target_semaphore(%run_scoped3A : memref<!tpu.dma_semaphore, #tpu.memory_space<semaphore_mem>>)
        %dma_wait3A_167 = arith.constant 0 : i32
        %dma_wait3A_168 = arith.constant 0 : i32
        %dma_wait3A_169 = tpu.memref_slice %arg3[%add3A, %scan3A_43, %dma_wait3A_167, %dma_wait3A_168] : memref<32x5x25x80xi32, #tpu.memory_space<hbm>> -> memref<1x1x25x80xi32, #tpu.memory_space<hbm>>
        %dma_wait3A_170 = tpu.memref_squeeze %dma_wait3A_169 : memref<1x1x25x80xi32, #tpu.memory_space<hbm>> -> memref<25x80xi32, #tpu.memory_space<hbm>>
        %dma_wait3A_171 = arith.constant 0 : i32
        %dma_wait3A_172 = arith.constant 0 : i32
        %dma_wait3A_173 = tpu.memref_slice %arg3[%add3A, %scan3A_43, %dma_wait3A_171, %dma_wait3A_172] : memref<32x5x25x80xi32, #tpu.memory_space<hbm>> -> memref<1x1x25x80xi32, #tpu.memory_space<hbm>>
        %dma_wait3A_174 = tpu.memref_squeeze %dma_wait3A_173 : memref<1x1x25x80xi32, #tpu.memory_space<hbm>> -> memref<25x80xi32, #tpu.memory_space<hbm>>
        tpu.wait_dma2 semaphore(%run_scoped3A : memref<!tpu.dma_semaphore, #tpu.memory_space<semaphore_mem>>) src(%dma_wait3A_174 : memref<25x80xi32, #tpu.memory_space<hbm>>) dst(%arg9 : memref<25x80xi32, #tpu.memory_space<vmem>>)
        tpu.yield
      }) : () -> ()
      "tpu.region"() ({
        %run_scoped3A = tpu.sem_alloc : memref<!tpu.dma_semaphore, #tpu.memory_space<semaphore_mem>>
        %dma_start3A_159 = arith.constant 0 : i32
        %dma_start3A_160 = arith.constant 0 : i32
        %dma_start3A_161 = tpu.memref_slice %arg4[%add3A, %scan3A_43, %dma_start3A_159, %dma_start3A_160] : memref<32x5x25x80xi32, #tpu.memory_space<hbm>> -> memref<1x1x25x80xi32, #tpu.memory_space<hbm>>
        %dma_start3A_162 = tpu.memref_squeeze %dma_start3A_161 : memref<1x1x25x80xi32, #tpu.memory_space<hbm>> -> memref<25x80xi32, #tpu.memory_space<hbm>>
        %dma_start3A_163 = arith.constant 0 : i32
        %dma_start3A_164 = arith.constant 0 : i32
        %dma_start3A_165 = tpu.memref_slice %arg4[%add3A, %scan3A_43, %dma_start3A_163, %dma_start3A_164] : memref<32x5x25x80xi32, #tpu.memory_space<hbm>> -> memref<1x1x25x80xi32, #tpu.memory_space<hbm>>
        %dma_start3A_166 = tpu.memref_squeeze %dma_start3A_165 : memref<1x1x25x80xi32, #tpu.memory_space<hbm>> -> memref<25x80xi32, #tpu.memory_space<hbm>>
        tpu.enqueue_dma source(%dma_start3A_166 : memref<25x80xi32, #tpu.memory_space<hbm>>) target(%arg10 : memref<25x80xi32, #tpu.memory_space<vmem>>) target_semaphore(%run_scoped3A : memref<!tpu.dma_semaphore, #tpu.memory_space<semaphore_mem>>)
        %dma_wait3A_167 = arith.constant 0 : i32
        %dma_wait3A_168 = arith.constant 0 : i32
        %dma_wait3A_169 = tpu.memref_slice %arg4[%add3A, %scan3A_43, %dma_wait3A_167, %dma_wait3A_168] : memref<32x5x25x80xi32, #tpu.memory_space<hbm>> -> memref<1x1x25x80xi32, #tpu.memory_space<hbm>>
        %dma_wait3A_170 = tpu.memref_squeeze %dma_wait3A_169 : memref<1x1x25x80xi32, #tpu.memory_space<hbm>> -> memref<25x80xi32, #tpu.memory_space<hbm>>
        %dma_wait3A_171 = arith.constant 0 : i32
        %dma_wait3A_172 = arith.constant 0 : i32
        %dma_wait3A_173 = tpu.memref_slice %arg4[%add3A, %scan3A_43, %dma_wait3A_171, %dma_wait3A_172] : memref<32x5x25x80xi32, #tpu.memory_space<hbm>> -> memref<1x1x25x80xi32, #tpu.memory_space<hbm>>
        %dma_wait3A_174 = tpu.memref_squeeze %dma_wait3A_173 : memref<1x1x25x80xi32, #tpu.memory_space<hbm>> -> memref<25x80xi32, #tpu.memory_space<hbm>>
        tpu.wait_dma2 semaphore(%run_scoped3A : memref<!tpu.dma_semaphore, #tpu.memory_space<semaphore_mem>>) src(%dma_wait3A_174 : memref<25x80xi32, #tpu.memory_space<hbm>>) dst(%arg10 : memref<25x80xi32, #tpu.memory_space<vmem>>)
        tpu.yield
      }) : () -> ()
      %dma_start3A = arith.constant 0 : i32
      %dma_start3A_45 = arith.constant 0 : i32
      %dma_start3A_46 = tpu.memref_slice %arg9[%dma_start3A, %dma_start3A_45] : memref<25x80xi32, #tpu.memory_space<vmem>> -> memref<1x80xi32, #tpu.memory_space<vmem>>
      %dma_start3A_47 = tpu.memref_squeeze %dma_start3A_46 : memref<1x80xi32, #tpu.memory_space<vmem>> -> memref<80xi32, #tpu.memory_space<vmem>>
      %dma_start3A_48 = arith.constant 0 : i32
      %dma_start3A_49 = arith.constant 0 : i32
      %dma_start3A_50 = tpu.memref_slice %arg2[%dma_start3A_48, %dma_start3A_49] : memref<10000x128xf32, #tpu.memory_space<hbm>> -> memref<10000x128xf32, #tpu.memory_space<hbm>>
      tpu.enqueue_indirect_dma source(%dma_start3A_50 : memref<10000x128xf32, #tpu.memory_space<hbm>>) target(%arg11 : memref<80x128xf32, #tpu.memory_space<vmem>>) offsets(%dma_start3A_47 : memref<80xi32, #tpu.memory_space<vmem>>) semaphore(%arg15 : memref<!tpu.dma_semaphore, #tpu.memory_space<semaphore_mem>>)
      %dma_start3A_51 = arith.constant 1 : i32
      %dma_start3A_52 = arith.constant 0 : i32
      %dma_start3A_53 = tpu.memref_slice %arg9[%dma_start3A_51, %dma_start3A_52] : memref<25x80xi32, #tpu.memory_space<vmem>> -> memref<1x80xi32, #tpu.memory_space<vmem>>
      %dma_start3A_54 = tpu.memref_squeeze %dma_start3A_53 : memref<1x80xi32, #tpu.memory_space<vmem>> -> memref<80xi32, #tpu.memory_space<vmem>>
      %dma_start3A_55 = arith.constant 0 : i32
      %dma_start3A_56 = arith.constant 0 : i32
      %dma_start3A_57 = tpu.memref_slice %arg2[%dma_start3A_55, %dma_start3A_56] : memref<10000x128xf32, #tpu.memory_space<hbm>> -> memref<10000x128xf32, #tpu.memory_space<hbm>>
      tpu.enqueue_indirect_dma source(%dma_start3A_57 : memref<10000x128xf32, #tpu.memory_space<hbm>>) target(%arg12 : memref<80x128xf32, #tpu.memory_space<vmem>>) offsets(%dma_start3A_54 : memref<80xi32, #tpu.memory_space<vmem>>) semaphore(%arg16 : memref<!tpu.dma_semaphore, #tpu.memory_space<semaphore_mem>>)
      %dma_wait3A = arith.constant 0 : i32
      %dma_wait3A_58 = arith.constant 0 : i32
      %dma_wait3A_59 = tpu.memref_slice %arg2[%dma_wait3A, %dma_wait3A_58] : memref<10000x128xf32, #tpu.memory_space<hbm>> -> memref<80x128xf32, #tpu.memory_space<hbm>>
      %dma_wait3A_60 = arith.constant 0 : i32
      %dma_wait3A_61 = arith.constant 0 : i32
      %dma_wait3A_62 = tpu.memref_slice %arg2[%dma_wait3A_60, %dma_wait3A_61] : memref<10000x128xf32, #tpu.memory_space<hbm>> -> memref<80x128xf32, #tpu.memory_space<hbm>>
      tpu.wait_dma2 semaphore(%arg15 : memref<!tpu.dma_semaphore, #tpu.memory_space<semaphore_mem>>) src(%dma_wait3A_62 : memref<80x128xf32, #tpu.memory_space<hbm>>) dst(%arg11 : memref<80x128xf32, #tpu.memory_space<vmem>>)
      %dma_start3A_63 = arith.constant 0 : i32
      %dma_start3A_64 = arith.constant 0 : i32
      %dma_start3A_65 = tpu.memref_slice %arg10[%dma_start3A_63, %dma_start3A_64] : memref<25x80xi32, #tpu.memory_space<vmem>> -> memref<1x80xi32, #tpu.memory_space<vmem>>
      %dma_start3A_66 = tpu.memref_squeeze %dma_start3A_65 : memref<1x80xi32, #tpu.memory_space<vmem>> -> memref<80xi32, #tpu.memory_space<vmem>>
      %dma_start3A_67 = arith.constant 0 : i32
      %dma_start3A_68 = arith.constant 0 : i32
      %dma_start3A_69 = tpu.memref_slice %arg14[%dma_start3A_67, %dma_start3A_68] : memref<10000x128xf32, #tpu.memory_space<vmem_shared>> -> memref<10000x128xf32, #tpu.memory_space<vmem_shared>>
      tpu.enqueue_indirect_dma source(%arg11 : memref<80x128xf32, #tpu.memory_space<vmem>>) target(%dma_start3A_69 : memref<10000x128xf32, #tpu.memory_space<vmem_shared>>) offsets(%dma_start3A_66 : memref<80xi32, #tpu.memory_space<vmem>>) semaphore(%arg18 : memref<!tpu.dma_semaphore, #tpu.memory_space<semaphore_mem>>) {add = true}
      %dma_start3A_70 = arith.constant 2 : i32
      %dma_start3A_71 = arith.constant 0 : i32
      %dma_start3A_72 = tpu.memref_slice %arg9[%dma_start3A_70, %dma_start3A_71] : memref<25x80xi32, #tpu.memory_space<vmem>> -> memref<1x80xi32, #tpu.memory_space<vmem>>
      %dma_start3A_73 = tpu.memref_squeeze %dma_start3A_72 : memref<1x80xi32, #tpu.memory_space<vmem>> -> memref<80xi32, #tpu.memory_space<vmem>>
      %dma_start3A_74 = arith.constant 0 : i32
      %dma_start3A_75 = arith.constant 0 : i32
      %dma_start3A_76 = tpu.memref_slice %arg2[%dma_start3A_74, %dma_start3A_75] : memref<10000x128xf32, #tpu.memory_space<hbm>> -> memref<10000x128xf32, #tpu.memory_space<hbm>>
      tpu.enqueue_indirect_dma source(%dma_start3A_76 : memref<10000x128xf32, #tpu.memory_space<hbm>>) target(%arg13 : memref<80x128xf32, #tpu.memory_space<vmem>>) offsets(%dma_start3A_73 : memref<80xi32, #tpu.memory_space<vmem>>) semaphore(%arg17 : memref<!tpu.dma_semaphore, #tpu.memory_space<semaphore_mem>>)
      %scan3A_77 = arith.constant 0 : i32
      %scan3A_78 = arith.constant 0 : i32
      %scan3A_79 = arith.constant 7 : i32
      %scan3A_80 = arith.addi %scan3A_78, %scan3A_79 : i32
      %scan3A_81 = arith.constant 1 : i32
      %scan3A_82 = scf.for %scan3A_159 = %scan3A_78 to %scan3A_80 step %scan3A_81 iter_args(%scan3A_160 = %scan3A_77) -> (i32)  : i32 {
        %mul3A_161 = arith.constant 3 : i32
        %mul3A_162 = arith.muli %mul3A_161, %scan3A_159 : i32
        %add3A_163 = arith.constant 1 : i32
        %add3A_164 = arith.addi %mul3A_162, %add3A_163 : i32
        %dma_wait3A_165 = arith.constant 0 : i32
        %dma_wait3A_166 = arith.constant 0 : i32
        %dma_wait3A_167 = tpu.memref_slice %arg2[%dma_wait3A_165, %dma_wait3A_166] : memref<10000x128xf32, #tpu.memory_space<hbm>> -> memref<80x128xf32, #tpu.memory_space<hbm>>
        %dma_wait3A_168 = arith.constant 0 : i32
        %dma_wait3A_169 = arith.constant 0 : i32
        %dma_wait3A_170 = tpu.memref_slice %arg2[%dma_wait3A_168, %dma_wait3A_169] : memref<10000x128xf32, #tpu.memory_space<hbm>> -> memref<80x128xf32, #tpu.memory_space<hbm>>
        tpu.wait_dma2 semaphore(%arg16 : memref<!tpu.dma_semaphore, #tpu.memory_space<semaphore_mem>>) src(%dma_wait3A_170 : memref<80x128xf32, #tpu.memory_space<hbm>>) dst(%arg12 : memref<80x128xf32, #tpu.memory_space<vmem>>)
        %dma_start3A_171 = arith.constant 0 : i32
        %dma_start3A_172 = tpu.memref_slice %arg10[%add3A_164, %dma_start3A_171] : memref<25x80xi32, #tpu.memory_space<vmem>> -> memref<1x80xi32, #tpu.memory_space<vmem>>
        %dma_start3A_173 = tpu.memref_squeeze %dma_start3A_172 : memref<1x80xi32, #tpu.memory_space<vmem>> -> memref<80xi32, #tpu.memory_space<vmem>>
        %dma_start3A_174 = arith.constant 0 : i32
        %dma_start3A_175 = arith.constant 0 : i32
        %dma_start3A_176 = tpu.memref_slice %arg14[%dma_start3A_174, %dma_start3A_175] : memref<10000x128xf32, #tpu.memory_space<vmem_shared>> -> memref<10000x128xf32, #tpu.memory_space<vmem_shared>>
        tpu.enqueue_indirect_dma source(%arg12 : memref<80x128xf32, #tpu.memory_space<vmem>>) target(%dma_start3A_176 : memref<10000x128xf32, #tpu.memory_space<vmem_shared>>) offsets(%dma_start3A_173 : memref<80xi32, #tpu.memory_space<vmem>>) semaphore(%arg19 : memref<!tpu.dma_semaphore, #tpu.memory_space<semaphore_mem>>) {add = true}
        %dma_wait3A_177 = arith.constant 0 : i32
        %dma_wait3A_178 = arith.constant 0 : i32
        %dma_wait3A_179 = tpu.memref_slice %arg10[%dma_wait3A_177, %dma_wait3A_178] : memref<25x80xi32, #tpu.memory_space<vmem>> -> memref<1x80xi32, #tpu.memory_space<vmem>>
        %dma_wait3A_180 = tpu.memref_squeeze %dma_wait3A_179 : memref<1x80xi32, #tpu.memory_space<vmem>> -> memref<80xi32, #tpu.memory_space<vmem>>
        %dma_wait3A_181 = arith.constant 0 : i32
        %dma_wait3A_182 = arith.constant 0 : i32
        %dma_wait3A_183 = tpu.memref_slice %arg14[%dma_wait3A_181, %dma_wait3A_182] : memref<10000x128xf32, #tpu.memory_space<vmem_shared>> -> memref<10000x128xf32, #tpu.memory_space<vmem_shared>>
        tpu.wait_indirect_dma semaphore(%arg18 : memref<!tpu.dma_semaphore, #tpu.memory_space<semaphore_mem>>) src(%arg11 : memref<80x128xf32, #tpu.memory_space<vmem>>) dst(%dma_wait3A_183 : memref<10000x128xf32, #tpu.memory_space<vmem_shared>>)
        %add3A_184 = arith.constant 2 : i32
        %add3A_185 = arith.addi %add3A_164, %add3A_184 : i32
        %dma_start3A_186 = arith.constant 0 : i32
        %dma_start3A_187 = tpu.memref_slice %arg9[%add3A_185, %dma_start3A_186] : memref<25x80xi32, #tpu.memory_space<vmem>> -> memref<1x80xi32, #tpu.memory_space<vmem>>
        %dma_start3A_188 = tpu.memref_squeeze %dma_start3A_187 : memref<1x80xi32, #tpu.memory_space<vmem>> -> memref<80xi32, #tpu.memory_space<vmem>>
        %dma_start3A_189 = arith.constant 0 : i32
        %dma_start3A_190 = arith.constant 0 : i32
        %dma_start3A_191 = tpu.memref_slice %arg2[%dma_start3A_189, %dma_start3A_190] : memref<10000x128xf32, #tpu.memory_space<hbm>> -> memref<10000x128xf32, #tpu.memory_space<hbm>>
        tpu.enqueue_indirect_dma source(%dma_start3A_191 : memref<10000x128xf32, #tpu.memory_space<hbm>>) target(%arg11 : memref<80x128xf32, #tpu.memory_space<vmem>>) offsets(%dma_start3A_188 : memref<80xi32, #tpu.memory_space<vmem>>) semaphore(%arg15 : memref<!tpu.dma_semaphore, #tpu.memory_space<semaphore_mem>>)
        %dma_wait3A_192 = arith.constant 0 : i32
        %dma_wait3A_193 = arith.constant 0 : i32
        %dma_wait3A_194 = tpu.memref_slice %arg2[%dma_wait3A_192, %dma_wait3A_193] : memref<10000x128xf32, #tpu.memory_space<hbm>> -> memref<80x128xf32, #tpu.memory_space<hbm>>
        %dma_wait3A_195 = arith.constant 0 : i32
        %dma_wait3A_196 = arith.constant 0 : i32
        %dma_wait3A_197 = tpu.memref_slice %arg2[%dma_wait3A_195, %dma_wait3A_196] : memref<10000x128xf32, #tpu.memory_space<hbm>> -> memref<80x128xf32, #tpu.memory_space<hbm>>
        tpu.wait_dma2 semaphore(%arg17 : memref<!tpu.dma_semaphore, #tpu.memory_space<semaphore_mem>>) src(%dma_wait3A_197 : memref<80x128xf32, #tpu.memory_space<hbm>>) dst(%arg13 : memref<80x128xf32, #tpu.memory_space<vmem>>)
        %add3A_198 = arith.constant 1 : i32
        %add3A_199 = arith.addi %add3A_164, %add3A_198 : i32
        %dma_start3A_200 = arith.constant 0 : i32
        %dma_start3A_201 = tpu.memref_slice %arg10[%add3A_199, %dma_start3A_200] : memref<25x80xi32, #tpu.memory_space<vmem>> -> memref<1x80xi32, #tpu.memory_space<vmem>>
        %dma_start3A_202 = tpu.memref_squeeze %dma_start3A_201 : memref<1x80xi32, #tpu.memory_space<vmem>> -> memref<80xi32, #tpu.memory_space<vmem>>
        %dma_start3A_203 = arith.constant 0 : i32
        %dma_start3A_204 = arith.constant 0 : i32
        %dma_start3A_205 = tpu.memref_slice %arg14[%dma_start3A_203, %dma_start3A_204] : memref<10000x128xf32, #tpu.memory_space<vmem_shared>> -> memref<10000x128xf32, #tpu.memory_space<vmem_shared>>
        tpu.enqueue_indirect_dma source(%arg13 : memref<80x128xf32, #tpu.memory_space<vmem>>) target(%dma_start3A_205 : memref<10000x128xf32, #tpu.memory_space<vmem_shared>>) offsets(%dma_start3A_202 : memref<80xi32, #tpu.memory_space<vmem>>) semaphore(%arg20 : memref<!tpu.dma_semaphore, #tpu.memory_space<semaphore_mem>>) {add = true}
        %dma_wait3A_206 = arith.constant 0 : i32
        %dma_wait3A_207 = arith.constant 0 : i32
        %dma_wait3A_208 = tpu.memref_slice %arg10[%dma_wait3A_206, %dma_wait3A_207] : memref<25x80xi32, #tpu.memory_space<vmem>> -> memref<1x80xi32, #tpu.memory_space<vmem>>
        %dma_wait3A_209 = tpu.memref_squeeze %dma_wait3A_208 : memref<1x80xi32, #tpu.memory_space<vmem>> -> memref<80xi32, #tpu.memory_space<vmem>>
        %dma_wait3A_210 = arith.constant 0 : i32
        %dma_wait3A_211 = arith.constant 0 : i32
        %dma_wait3A_212 = tpu.memref_slice %arg14[%dma_wait3A_210, %dma_wait3A_211] : memref<10000x128xf32, #tpu.memory_space<vmem_shared>> -> memref<10000x128xf32, #tpu.memory_space<vmem_shared>>
        tpu.wait_indirect_dma semaphore(%arg19 : memref<!tpu.dma_semaphore, #tpu.memory_space<semaphore_mem>>) src(%arg12 : memref<80x128xf32, #tpu.memory_space<vmem>>) dst(%dma_wait3A_212 : memref<10000x128xf32, #tpu.memory_space<vmem_shared>>)
        %add3A_213 = arith.constant 3 : i32
        %add3A_214 = arith.addi %add3A_164, %add3A_213 : i32
        %dma_start3A_215 = arith.constant 0 : i32
        %dma_start3A_216 = tpu.memref_slice %arg9[%add3A_214, %dma_start3A_215] : memref<25x80xi32, #tpu.memory_space<vmem>> -> memref<1x80xi32, #tpu.memory_space<vmem>>
        %dma_start3A_217 = tpu.memref_squeeze %dma_start3A_216 : memref<1x80xi32, #tpu.memory_space<vmem>> -> memref<80xi32, #tpu.memory_space<vmem>>
        %dma_start3A_218 = arith.constant 0 : i32
        %dma_start3A_219 = arith.constant 0 : i32
        %dma_start3A_220 = tpu.memref_slice %arg2[%dma_start3A_218, %dma_start3A_219] : memref<10000x128xf32, #tpu.memory_space<hbm>> -> memref<10000x128xf32, #tpu.memory_space<hbm>>
        tpu.enqueue_indirect_dma source(%dma_start3A_220 : memref<10000x128xf32, #tpu.memory_space<hbm>>) target(%arg12 : memref<80x128xf32, #tpu.memory_space<vmem>>) offsets(%dma_start3A_217 : memref<80xi32, #tpu.memory_space<vmem>>) semaphore(%arg16 : memref<!tpu.dma_semaphore, #tpu.memory_space<semaphore_mem>>)
        %dma_wait3A_221 = arith.constant 0 : i32
        %dma_wait3A_222 = arith.constant 0 : i32
        %dma_wait3A_223 = tpu.memref_slice %arg2[%dma_wait3A_221, %dma_wait3A_222] : memref<10000x128xf32, #tpu.memory_space<hbm>> -> memref<80x128xf32, #tpu.memory_space<hbm>>
        %dma_wait3A_224 = arith.constant 0 : i32
        %dma_wait3A_225 = arith.constant 0 : i32
        %dma_wait3A_226 = tpu.memref_slice %arg2[%dma_wait3A_224, %dma_wait3A_225] : memref<10000x128xf32, #tpu.memory_space<hbm>> -> memref<80x128xf32, #tpu.memory_space<hbm>>
        tpu.wait_dma2 semaphore(%arg15 : memref<!tpu.dma_semaphore, #tpu.memory_space<semaphore_mem>>) src(%dma_wait3A_226 : memref<80x128xf32, #tpu.memory_space<hbm>>) dst(%arg11 : memref<80x128xf32, #tpu.memory_space<vmem>>)
        %add3A_227 = arith.constant 2 : i32
        %add3A_228 = arith.addi %add3A_164, %add3A_227 : i32
        %dma_start3A_229 = arith.constant 0 : i32
        %dma_start3A_230 = tpu.memref_slice %arg10[%add3A_228, %dma_start3A_229] : memref<25x80xi32, #tpu.memory_space<vmem>> -> memref<1x80xi32, #tpu.memory_space<vmem>>
        %dma_start3A_231 = tpu.memref_squeeze %dma_start3A_230 : memref<1x80xi32, #tpu.memory_space<vmem>> -> memref<80xi32, #tpu.memory_space<vmem>>
        %dma_start3A_232 = arith.constant 0 : i32
        %dma_start3A_233 = arith.constant 0 : i32
        %dma_start3A_234 = tpu.memref_slice %arg14[%dma_start3A_232, %dma_start3A_233] : memref<10000x128xf32, #tpu.memory_space<vmem_shared>> -> memref<10000x128xf32, #tpu.memory_space<vmem_shared>>
        tpu.enqueue_indirect_dma source(%arg11 : memref<80x128xf32, #tpu.memory_space<vmem>>) target(%dma_start3A_234 : memref<10000x128xf32, #tpu.memory_space<vmem_shared>>) offsets(%dma_start3A_231 : memref<80xi32, #tpu.memory_space<vmem>>) semaphore(%arg18 : memref<!tpu.dma_semaphore, #tpu.memory_space<semaphore_mem>>) {add = true}
        %dma_wait3A_235 = arith.constant 0 : i32
        %dma_wait3A_236 = arith.constant 0 : i32
        %dma_wait3A_237 = tpu.memref_slice %arg10[%dma_wait3A_235, %dma_wait3A_236] : memref<25x80xi32, #tpu.memory_space<vmem>> -> memref<1x80xi32, #tpu.memory_space<vmem>>
        %dma_wait3A_238 = tpu.memref_squeeze %dma_wait3A_237 : memref<1x80xi32, #tpu.memory_space<vmem>> -> memref<80xi32, #tpu.memory_space<vmem>>
        %dma_wait3A_239 = arith.constant 0 : i32
        %dma_wait3A_240 = arith.constant 0 : i32
        %dma_wait3A_241 = tpu.memref_slice %arg14[%dma_wait3A_239, %dma_wait3A_240] : memref<10000x128xf32, #tpu.memory_space<vmem_shared>> -> memref<10000x128xf32, #tpu.memory_space<vmem_shared>>
        tpu.wait_indirect_dma semaphore(%arg20 : memref<!tpu.dma_semaphore, #tpu.memory_space<semaphore_mem>>) src(%arg13 : memref<80x128xf32, #tpu.memory_space<vmem>>) dst(%dma_wait3A_241 : memref<10000x128xf32, #tpu.memory_space<vmem_shared>>)
        %add3A_242 = arith.constant 4 : i32
        %add3A_243 = arith.addi %add3A_164, %add3A_242 : i32
        %dma_start3A_244 = arith.constant 0 : i32
        %dma_start3A_245 = tpu.memref_slice %arg9[%add3A_243, %dma_start3A_244] : memref<25x80xi32, #tpu.memory_space<vmem>> -> memref<1x80xi32, #tpu.memory_space<vmem>>
        %dma_start3A_246 = tpu.memref_squeeze %dma_start3A_245 : memref<1x80xi32, #tpu.memory_space<vmem>> -> memref<80xi32, #tpu.memory_space<vmem>>
        %dma_start3A_247 = arith.constant 0 : i32
        %dma_start3A_248 = arith.constant 0 : i32
        %dma_start3A_249 = tpu.memref_slice %arg2[%dma_start3A_247, %dma_start3A_248] : memref<10000x128xf32, #tpu.memory_space<hbm>> -> memref<10000x128xf32, #tpu.memory_space<hbm>>
        tpu.enqueue_indirect_dma source(%dma_start3A_249 : memref<10000x128xf32, #tpu.memory_space<hbm>>) target(%arg13 : memref<80x128xf32, #tpu.memory_space<vmem>>) offsets(%dma_start3A_246 : memref<80xi32, #tpu.memory_space<vmem>>) semaphore(%arg17 : memref<!tpu.dma_semaphore, #tpu.memory_space<semaphore_mem>>)
        %scan3A_250 = arith.constant 0 : i32
        scf.yield %scan3A_250 : i32
      }
      %scan3A_83 = arith.constant 7 : i32
      %dma_wait3A_84 = arith.constant 0 : i32
      %dma_wait3A_85 = arith.constant 0 : i32
      %dma_wait3A_86 = tpu.memref_slice %arg2[%dma_wait3A_84, %dma_wait3A_85] : memref<10000x128xf32, #tpu.memory_space<hbm>> -> memref<80x128xf32, #tpu.memory_space<hbm>>
      %dma_wait3A_87 = arith.constant 0 : i32
      %dma_wait3A_88 = arith.constant 0 : i32
      %dma_wait3A_89 = tpu.memref_slice %arg2[%dma_wait3A_87, %dma_wait3A_88] : memref<10000x128xf32, #tpu.memory_space<hbm>> -> memref<80x128xf32, #tpu.memory_space<hbm>>
      tpu.wait_dma2 semaphore(%arg16 : memref<!tpu.dma_semaphore, #tpu.memory_space<semaphore_mem>>) src(%dma_wait3A_89 : memref<80x128xf32, #tpu.memory_space<hbm>>) dst(%arg12 : memref<80x128xf32, #tpu.memory_space<vmem>>)
      %dma_start3A_90 = arith.constant 22 : i32
      %dma_start3A_91 = arith.constant 0 : i32
      %dma_start3A_92 = tpu.memref_slice %arg10[%dma_start3A_90, %dma_start3A_91] : memref<25x80xi32, #tpu.memory_space<vmem>> -> memref<1x80xi32, #tpu.memory_space<vmem>>
      %dma_start3A_93 = tpu.memref_squeeze %dma_start3A_92 : memref<1x80xi32, #tpu.memory_space<vmem>> -> memref<80xi32, #tpu.memory_space<vmem>>
      %dma_start3A_94 = arith.constant 0 : i32
      %dma_start3A_95 = arith.constant 0 : i32
      %dma_start3A_96 = tpu.memref_slice %arg14[%dma_start3A_94, %dma_start3A_95] : memref<10000x128xf32, #tpu.memory_space<vmem_shared>> -> memref<10000x128xf32, #tpu.memory_space<vmem_shared>>
      tpu.enqueue_indirect_dma source(%arg12 : memref<80x128xf32, #tpu.memory_space<vmem>>) target(%dma_start3A_96 : memref<10000x128xf32, #tpu.memory_space<vmem_shared>>) offsets(%dma_start3A_93 : memref<80xi32, #tpu.memory_space<vmem>>) semaphore(%arg19 : memref<!tpu.dma_semaphore, #tpu.memory_space<semaphore_mem>>) {add = true}
      %dma_wait3A_97 = arith.constant 0 : i32
      %dma_wait3A_98 = arith.constant 0 : i32
      %dma_wait3A_99 = tpu.memref_slice %arg10[%dma_wait3A_97, %dma_wait3A_98] : memref<25x80xi32, #tpu.memory_space<vmem>> -> memref<1x80xi32, #tpu.memory_space<vmem>>
      %dma_wait3A_100 = tpu.memref_squeeze %dma_wait3A_99 : memref<1x80xi32, #tpu.memory_space<vmem>> -> memref<80xi32, #tpu.memory_space<vmem>>
      %dma_wait3A_101 = arith.constant 0 : i32
      %dma_wait3A_102 = arith.constant 0 : i32
      %dma_wait3A_103 = tpu.memref_slice %arg14[%dma_wait3A_101, %dma_wait3A_102] : memref<10000x128xf32, #tpu.memory_space<vmem_shared>> -> memref<10000x128xf32, #tpu.memory_space<vmem_shared>>
      tpu.wait_indirect_dma semaphore(%arg18 : memref<!tpu.dma_semaphore, #tpu.memory_space<semaphore_mem>>) src(%arg11 : memref<80x128xf32, #tpu.memory_space<vmem>>) dst(%dma_wait3A_103 : memref<10000x128xf32, #tpu.memory_space<vmem_shared>>)
      %dma_start3A_104 = arith.constant 24 : i32
      %dma_start3A_105 = arith.constant 0 : i32
      %dma_start3A_106 = tpu.memref_slice %arg9[%dma_start3A_104, %dma_start3A_105] : memref<25x80xi32, #tpu.memory_space<vmem>> -> memref<1x80xi32, #tpu.memory_space<vmem>>
      %dma_start3A_107 = tpu.memref_squeeze %dma_start3A_106 : memref<1x80xi32, #tpu.memory_space<vmem>> -> memref<80xi32, #tpu.memory_space<vmem>>
      %dma_start3A_108 = arith.constant 0 : i32
      %dma_start3A_109 = arith.constant 0 : i32
      %dma_start3A_110 = tpu.memref_slice %arg2[%dma_start3A_108, %dma_start3A_109] : memref<10000x128xf32, #tpu.memory_space<hbm>> -> memref<10000x128xf32, #tpu.memory_space<hbm>>
      tpu.enqueue_indirect_dma source(%dma_start3A_110 : memref<10000x128xf32, #tpu.memory_space<hbm>>) target(%arg11 : memref<80x128xf32, #tpu.memory_space<vmem>>) offsets(%dma_start3A_107 : memref<80xi32, #tpu.memory_space<vmem>>) semaphore(%arg15 : memref<!tpu.dma_semaphore, #tpu.memory_space<semaphore_mem>>)
      %dma_wait3A_111 = arith.constant 0 : i32
      %dma_wait3A_112 = arith.constant 0 : i32
      %dma_wait3A_113 = tpu.memref_slice %arg2[%dma_wait3A_111, %dma_wait3A_112] : memref<10000x128xf32, #tpu.memory_space<hbm>> -> memref<80x128xf32, #tpu.memory_space<hbm>>
      %dma_wait3A_114 = arith.constant 0 : i32
      %dma_wait3A_115 = arith.constant 0 : i32
      %dma_wait3A_116 = tpu.memref_slice %arg2[%dma_wait3A_114, %dma_wait3A_115] : memref<10000x128xf32, #tpu.memory_space<hbm>> -> memref<80x128xf32, #tpu.memory_space<hbm>>
      tpu.wait_dma2 semaphore(%arg17 : memref<!tpu.dma_semaphore, #tpu.memory_space<semaphore_mem>>) src(%dma_wait3A_116 : memref<80x128xf32, #tpu.memory_space<hbm>>) dst(%arg13 : memref<80x128xf32, #tpu.memory_space<vmem>>)
      %dma_start3A_117 = arith.constant 23 : i32
      %dma_start3A_118 = arith.constant 0 : i32
      %dma_start3A_119 = tpu.memref_slice %arg10[%dma_start3A_117, %dma_start3A_118] : memref<25x80xi32, #tpu.memory_space<vmem>> -> memref<1x80xi32, #tpu.memory_space<vmem>>
      %dma_start3A_120 = tpu.memref_squeeze %dma_start3A_119 : memref<1x80xi32, #tpu.memory_space<vmem>> -> memref<80xi32, #tpu.memory_space<vmem>>
      %dma_start3A_121 = arith.constant 0 : i32
      %dma_start3A_122 = arith.constant 0 : i32
      %dma_start3A_123 = tpu.memref_slice %arg14[%dma_start3A_121, %dma_start3A_122] : memref<10000x128xf32, #tpu.memory_space<vmem_shared>> -> memref<10000x128xf32, #tpu.memory_space<vmem_shared>>
      tpu.enqueue_indirect_dma source(%arg13 : memref<80x128xf32, #tpu.memory_space<vmem>>) target(%dma_start3A_123 : memref<10000x128xf32, #tpu.memory_space<vmem_shared>>) offsets(%dma_start3A_120 : memref<80xi32, #tpu.memory_space<vmem>>) semaphore(%arg20 : memref<!tpu.dma_semaphore, #tpu.memory_space<semaphore_mem>>) {add = true}
      %dma_wait3A_124 = arith.constant 0 : i32
      %dma_wait3A_125 = arith.constant 0 : i32
      %dma_wait3A_126 = tpu.memref_slice %arg10[%dma_wait3A_124, %dma_wait3A_125] : memref<25x80xi32, #tpu.memory_space<vmem>> -> memref<1x80xi32, #tpu.memory_space<vmem>>
      %dma_wait3A_127 = tpu.memref_squeeze %dma_wait3A_126 : memref<1x80xi32, #tpu.memory_space<vmem>> -> memref<80xi32, #tpu.memory_space<vmem>>
      %dma_wait3A_128 = arith.constant 0 : i32
      %dma_wait3A_129 = arith.constant 0 : i32
      %dma_wait3A_130 = tpu.memref_slice %arg14[%dma_wait3A_128, %dma_wait3A_129] : memref<10000x128xf32, #tpu.memory_space<vmem_shared>> -> memref<10000x128xf32, #tpu.memory_space<vmem_shared>>
      tpu.wait_indirect_dma semaphore(%arg19 : memref<!tpu.dma_semaphore, #tpu.memory_space<semaphore_mem>>) src(%arg12 : memref<80x128xf32, #tpu.memory_space<vmem>>) dst(%dma_wait3A_130 : memref<10000x128xf32, #tpu.memory_space<vmem_shared>>)
      %dma_wait3A_131 = arith.constant 0 : i32
      %dma_wait3A_132 = arith.constant 0 : i32
      %dma_wait3A_133 = tpu.memref_slice %arg2[%dma_wait3A_131, %dma_wait3A_132] : memref<10000x128xf32, #tpu.memory_space<hbm>> -> memref<80x128xf32, #tpu.memory_space<hbm>>
      %dma_wait3A_134 = arith.constant 0 : i32
      %dma_wait3A_135 = arith.constant 0 : i32
      %dma_wait3A_136 = tpu.memref_slice %arg2[%dma_wait3A_134, %dma_wait3A_135] : memref<10000x128xf32, #tpu.memory_space<hbm>> -> memref<80x128xf32, #tpu.memory_space<hbm>>
      tpu.wait_dma2 semaphore(%arg15 : memref<!tpu.dma_semaphore, #tpu.memory_space<semaphore_mem>>) src(%dma_wait3A_136 : memref<80x128xf32, #tpu.memory_space<hbm>>) dst(%arg11 : memref<80x128xf32, #tpu.memory_space<vmem>>)
      %dma_start3A_137 = arith.constant 24 : i32
      %dma_start3A_138 = arith.constant 0 : i32
      %dma_start3A_139 = tpu.memref_slice %arg10[%dma_start3A_137, %dma_start3A_138] : memref<25x80xi32, #tpu.memory_space<vmem>> -> memref<1x80xi32, #tpu.memory_space<vmem>>
      %dma_start3A_140 = tpu.memref_squeeze %dma_start3A_139 : memref<1x80xi32, #tpu.memory_space<vmem>> -> memref<80xi32, #tpu.memory_space<vmem>>
      %dma_start3A_141 = arith.constant 0 : i32
      %dma_start3A_142 = arith.constant 0 : i32
      %dma_start3A_143 = tpu.memref_slice %arg14[%dma_start3A_141, %dma_start3A_142] : memref<10000x128xf32, #tpu.memory_space<vmem_shared>> -> memref<10000x128xf32, #tpu.memory_space<vmem_shared>>
      tpu.enqueue_indirect_dma source(%arg11 : memref<80x128xf32, #tpu.memory_space<vmem>>) target(%dma_start3A_143 : memref<10000x128xf32, #tpu.memory_space<vmem_shared>>) offsets(%dma_start3A_140 : memref<80xi32, #tpu.memory_space<vmem>>) semaphore(%arg18 : memref<!tpu.dma_semaphore, #tpu.memory_space<semaphore_mem>>) {add = true}
      %dma_wait3A_144 = arith.constant 0 : i32
      %dma_wait3A_145 = arith.constant 0 : i32
      %dma_wait3A_146 = tpu.memref_slice %arg10[%dma_wait3A_144, %dma_wait3A_145] : memref<25x80xi32, #tpu.memory_space<vmem>> -> memref<1x80xi32, #tpu.memory_space<vmem>>
      %dma_wait3A_147 = tpu.memref_squeeze %dma_wait3A_146 : memref<1x80xi32, #tpu.memory_space<vmem>> -> memref<80xi32, #tpu.memory_space<vmem>>
      %dma_wait3A_148 = arith.constant 0 : i32
      %dma_wait3A_149 = arith.constant 0 : i32
      %dma_wait3A_150 = tpu.memref_slice %arg14[%dma_wait3A_148, %dma_wait3A_149] : memref<10000x128xf32, #tpu.memory_space<vmem_shared>> -> memref<10000x128xf32, #tpu.memory_space<vmem_shared>>
      tpu.wait_indirect_dma semaphore(%arg20 : memref<!tpu.dma_semaphore, #tpu.memory_space<semaphore_mem>>) src(%arg13 : memref<80x128xf32, #tpu.memory_space<vmem>>) dst(%dma_wait3A_150 : memref<10000x128xf32, #tpu.memory_space<vmem_shared>>)
      %dma_wait3A_151 = arith.constant 0 : i32
      %dma_wait3A_152 = arith.constant 0 : i32
      %dma_wait3A_153 = tpu.memref_slice %arg10[%dma_wait3A_151, %dma_wait3A_152] : memref<25x80xi32, #tpu.memory_space<vmem>> -> memref<1x80xi32, #tpu.memory_space<vmem>>
      %dma_wait3A_154 = tpu.memref_squeeze %dma_wait3A_153 : memref<1x80xi32, #tpu.memory_space<vmem>> -> memref<80xi32, #tpu.memory_space<vmem>>
      %dma_wait3A_155 = arith.constant 0 : i32
      %dma_wait3A_156 = arith.constant 0 : i32
      %dma_wait3A_157 = tpu.memref_slice %arg14[%dma_wait3A_155, %dma_wait3A_156] : memref<10000x128xf32, #tpu.memory_space<vmem_shared>> -> memref<10000x128xf32, #tpu.memory_space<vmem_shared>>
      tpu.wait_indirect_dma semaphore(%arg18 : memref<!tpu.dma_semaphore, #tpu.memory_space<semaphore_mem>>) src(%arg11 : memref<80x128xf32, #tpu.memory_space<vmem>>) dst(%dma_wait3A_157 : memref<10000x128xf32, #tpu.memory_space<vmem_shared>>)
      %scan3A_158 = arith.constant 0 : i32
      scf.yield %scan3A_158 : i32
    }
    %scan3A_31 = arith.constant 5 : i32
    %barrier3A_32 = arith.constant 0 : index
    tpu.barrier barrier_id(%barrier3A_32)
    %lt3A_33 = arith.constant 15 : i32
    %lt3A_34 = arith.cmpi slt, %arg1, %lt3A_33 : i32
    %convert_element_type3A_35 = arith.extui %lt3A_34 : i1 to i32
    %cond3A_36 = arith.constant 0 : i32
    %cond3A_37 = arith.cmpi ne, %convert_element_type3A_35, %cond3A_36 : i32
    scf.if %cond3A_37 {
      %mul3A_43 = arith.constant 632 : i32
      %mul3A_44 = arith.muli %arg1, %mul3A_43 : i32
      %multiple_of3A = tpu.assume_multiple %mul3A_44, 8 : i32
      "tpu.region"() ({
        %run_scoped3A = tpu.sem_alloc : memref<!tpu.dma_semaphore, #tpu.memory_space<semaphore_mem>>
        %dma_start3A = arith.constant 0 : i32
        %dma_start3A_45 = tpu.memref_slice %arg7[%arg0, %multiple_of3A, %dma_start3A] : memref<2x10000x128xf32, #tpu.memory_space<hbm>> -> memref<1x632x128xf32, #tpu.memory_space<hbm>>
        %dma_start3A_46 = tpu.memref_squeeze %dma_start3A_45 : memref<1x632x128xf32, #tpu.memory_space<hbm>> -> memref<632x128xf32, #tpu.memory_space<hbm>>
        %dma_start3A_47 = arith.constant 0 : i32
        %dma_start3A_48 = tpu.memref_slice %arg14[%multiple_of3A, %dma_start3A_47] : memref<10000x128xf32, #tpu.memory_space<vmem_shared>> -> memref<632x128xf32, #tpu.memory_space<vmem_shared>>
        tpu.enqueue_dma source(%dma_start3A_48 : memref<632x128xf32, #tpu.memory_space<vmem_shared>>) target(%dma_start3A_46 : memref<632x128xf32, #tpu.memory_space<hbm>>) target_semaphore(%run_scoped3A : memref<!tpu.dma_semaphore, #tpu.memory_space<semaphore_mem>>)
        %dma_wait3A = arith.constant 0 : i32
        %dma_wait3A_49 = tpu.memref_slice %arg7[%arg0, %multiple_of3A, %dma_wait3A] : memref<2x10000x128xf32, #tpu.memory_space<hbm>> -> memref<1x632x128xf32, #tpu.memory_space<hbm>>
        %dma_wait3A_50 = tpu.memref_squeeze %dma_wait3A_49 : memref<1x632x128xf32, #tpu.memory_space<hbm>> -> memref<632x128xf32, #tpu.memory_space<hbm>>
        %dma_wait3A_51 = arith.constant 0 : i32
        %dma_wait3A_52 = tpu.memref_slice %arg14[%multiple_of3A, %dma_wait3A_51] : memref<10000x128xf32, #tpu.memory_space<vmem_shared>> -> memref<632x128xf32, #tpu.memory_space<vmem_shared>>
        tpu.wait_dma2 semaphore(%run_scoped3A : memref<!tpu.dma_semaphore, #tpu.memory_space<semaphore_mem>>) src(%dma_wait3A_52 : memref<632x128xf32, #tpu.memory_space<vmem_shared>>) dst(%dma_wait3A_50 : memref<632x128xf32, #tpu.memory_space<hbm>>)
        tpu.yield
      }) : () -> ()
    } else {
    }
    %eq3A_38 = arith.constant 15 : i32
    %eq3A_39 = arith.cmpi eq, %arg1, %eq3A_38 : i32
    %convert_element_type3A_40 = arith.extui %eq3A_39 : i1 to i32
    %cond3A_41 = arith.constant 0 : i32
    %cond3A_42 = arith.cmpi ne, %convert_element_type3A_40, %cond3A_41 : i32
    scf.if %cond3A_42 {
      "tpu.region"() ({
        %run_scoped3A = tpu.sem_alloc : memref<!tpu.dma_semaphore, #tpu.memory_space<semaphore_mem>>
        %dma_start3A = arith.constant 9480 : i32
        %dma_start3A_43 = arith.constant 0 : i32
        %dma_start3A_44 = tpu.memref_slice %arg7[%arg0, %dma_start3A, %dma_start3A_43] : memref<2x10000x128xf32, #tpu.memory_space<hbm>> -> memref<1x520x128xf32, #tpu.memory_space<hbm>>
        %dma_start3A_45 = tpu.memref_squeeze %dma_start3A_44 : memref<1x520x128xf32, #tpu.memory_space<hbm>> -> memref<520x128xf32, #tpu.memory_space<hbm>>
        %dma_start3A_46 = arith.constant 9480 : i32
        %dma_start3A_47 = arith.constant 0 : i32
        %dma_start3A_48 = tpu.memref_slice %arg14[%dma_start3A_46, %dma_start3A_47] : memref<10000x128xf32, #tpu.memory_space<vmem_shared>> -> memref<520x128xf32, #tpu.memory_space<vmem_shared>>
        tpu.enqueue_dma source(%dma_start3A_48 : memref<520x128xf32, #tpu.memory_space<vmem_shared>>) target(%dma_start3A_45 : memref<520x128xf32, #tpu.memory_space<hbm>>) target_semaphore(%run_scoped3A : memref<!tpu.dma_semaphore, #tpu.memory_space<semaphore_mem>>)
        %dma_wait3A = arith.constant 9480 : i32
        %dma_wait3A_49 = arith.constant 0 : i32
        %dma_wait3A_50 = tpu.memref_slice %arg7[%arg0, %dma_wait3A, %dma_wait3A_49] : memref<2x10000x128xf32, #tpu.memory_space<hbm>> -> memref<1x520x128xf32, #tpu.memory_space<hbm>>
        %dma_wait3A_51 = tpu.memref_squeeze %dma_wait3A_50 : memref<1x520x128xf32, #tpu.memory_space<hbm>> -> memref<520x128xf32, #tpu.memory_space<hbm>>
        %dma_wait3A_52 = arith.constant 9480 : i32
        %dma_wait3A_53 = arith.constant 0 : i32
        %dma_wait3A_54 = tpu.memref_slice %arg14[%dma_wait3A_52, %dma_wait3A_53] : memref<10000x128xf32, #tpu.memory_space<vmem_shared>> -> memref<520x128xf32, #tpu.memory_space<vmem_shared>>
        tpu.wait_dma2 semaphore(%run_scoped3A : memref<!tpu.dma_semaphore, #tpu.memory_space<semaphore_mem>>) src(%dma_wait3A_54 : memref<520x128xf32, #tpu.memory_space<vmem_shared>>) dst(%dma_wait3A_51 : memref<520x128xf32, #tpu.memory_space<hbm>>)
        tpu.yield
      }) : () -> ()
    } else {
    }
    return
  }
}

module attributes {stable_mosaic.version = 14 : i64} {
  func.func @_tc1_body(%arg0: i32, %arg1: memref<5000x128xf32, #tpu.memory_space<vmem>>, %arg2: memref<2x5000x128xf32, #tpu.memory_space<vmem>>, %arg3: memref<2x5000x128xf32, #tpu.memory_space<vmem>>, %arg4: memref<128x128xf32, #tpu.memory_space<vmem>>, %arg5: memref<1x128xf32, #tpu.memory_space<vmem>>, %arg6: memref<128x128xf32, #tpu.memory_space<vmem>>, %arg7: memref<5000x128xf32, #tpu.memory_space<vmem>>, %arg8: memref<8x128xf32, #tpu.memory_space<vmem>>, %arg9: memref<8x128xf32, #tpu.memory_space<vmem>>) attributes {dimension_semantics = [#tpu.dimension_semantics<arbitrary>], iteration_bounds = array<i64: 2>, scalar_prefetch = 0 : i64, scratch_operands = 1 : i64, tpu.core_type = #tpu.core_type<tc>, window_params = [{transform_indices = @transform_0, window_bounds = array<i64: 5000, 128>}, {transform_indices = @transform_1, window_bounds = array<i64: 2, 5000, 128>}, {transform_indices = @transform_2, window_bounds = array<i64: 2, 5000, 128>}, {pipeline_mode = #tpu.pipeline_mode<synchronous>, transform_indices = @transform_3, window_bounds = array<i64: 128, 128>}, {pipeline_mode = #tpu.pipeline_mode<synchronous>, transform_indices = @transform_4, window_bounds = array<i64: 1, 128>}, {pipeline_mode = #tpu.pipeline_mode<synchronous>, transform_indices = @transform_5, window_bounds = array<i64: 128, 128>}, {transform_indices = @transform_6, window_bounds = array<i64: 5000, 128>}, {pipeline_mode = #tpu.pipeline_mode<synchronous>, transform_indices = @transform_7, window_bounds = array<i64: 8, 128>}]} {
    %get3A = arith.constant 0 : index
    %get3A_0 = arith.constant 0 : index
    %get3A_1 = arith.constant 0 : index
    %get3A_2 = vector.load %arg3[%get3A, %get3A_0, %get3A_1] : memref<2x5000x128xf32, #tpu.memory_space<vmem>>, vector<2x5000x128xf32>
    %reduce_sum3A = arith.constant dense<0.000000e+00> : vector<5000x128xf32>
    %reduce_sum3A_3 = vector.multi_reduction <add>, %get3A_2, %reduce_sum3A [0] : vector<2x5000x128xf32> to vector<5000x128xf32>
    %slice3A = vector.extract_strided_slice %reduce_sum3A_3 {offsets = [0, 0], sizes = [5000, 1], strides = [1, 1]} : vector<5000x128xf32> to vector<5000x1xf32>
    %get3A_4 = arith.constant 0 : index
    %get3A_5 = arith.constant 0 : index
    %get3A_6 = arith.constant 0 : index
    %get3A_7 = vector.load %arg2[%get3A_4, %get3A_5, %get3A_6] : memref<2x5000x128xf32, #tpu.memory_space<vmem>>, vector<2x5000x128xf32>
    %reduce_sum3A_8 = arith.constant dense<0.000000e+00> : vector<5000x128xf32>
    %reduce_sum3A_9 = vector.multi_reduction <add>, %get3A_7, %reduce_sum3A_8 [0] : vector<2x5000x128xf32> to vector<5000x128xf32>
    %sub3A = vector.broadcast %slice3A : vector<5000x1xf32> to vector<5000x128xf32>
    %sub3A_10 = arith.subf %reduce_sum3A_9, %sub3A : vector<5000x128xf32>
    %max3A = arith.constant 1.000000e+00 : f32
    %max3A_11 = vector.broadcast %max3A : f32 to vector<5000x1xf32>
    %max3A_12 = arith.maximumf %slice3A, %max3A_11 : vector<5000x1xf32>
    %div3A = vector.broadcast %max3A_12 : vector<5000x1xf32> to vector<5000x128xf32>
    %div3A_13 = arith.divf %sub3A_10, %div3A : vector<5000x128xf32>
    %get3A_14 = arith.constant 0 : index
    %get3A_15 = arith.constant 0 : index
    %get3A_16 = vector.load %arg4[%get3A_14, %get3A_15] : memref<128x128xf32, #tpu.memory_space<vmem>>, vector<128x128xf32>
    %dot_general3A = arith.constant dense<0.000000e+00> : vector<5000x128xf32>
    %dot_general3A_17 = tpu.matmul %div3A_13, %get3A_16, %dot_general3A {dimension_numbers = #tpu.dot_dimension_numbers<[1], [1], [0], [0], [0, 0, 1, 0], [], []>, transpose_lhs_hint = false} : vector<5000x128xf32>, vector<128x128xf32>, vector<5000x128xf32> -> vector<5000x128xf32>
    %get3A_18 = arith.constant 0 : index
    %get3A_19 = arith.constant 0 : index
    %get3A_20 = vector.load %arg5[%get3A_18, %get3A_19] : memref<1x128xf32, #tpu.memory_space<vmem>>, vector<1x128xf32>
    %add3A = vector.broadcast %get3A_20 : vector<1x128xf32> to vector<5000x128xf32>
    %add3A_21 = arith.addf %dot_general3A_17, %add3A : vector<5000x128xf32>
    %get3A_22 = arith.constant 0 : index
    %get3A_23 = arith.constant 0 : index
    %get3A_24 = vector.load %arg1[%get3A_22, %get3A_23] : memref<5000x128xf32, #tpu.memory_space<vmem>>, vector<5000x128xf32>
    %get3A_25 = arith.constant 0 : index
    %get3A_26 = arith.constant 0 : index
    %get3A_27 = vector.load %arg6[%get3A_25, %get3A_26] : memref<128x128xf32, #tpu.memory_space<vmem>>, vector<128x128xf32>
    %dot_general3A_28 = arith.constant dense<0.000000e+00> : vector<5000x128xf32>
    %dot_general3A_29 = tpu.matmul %get3A_24, %get3A_27, %dot_general3A_28 {dimension_numbers = #tpu.dot_dimension_numbers<[1], [1], [0], [0], [0, 0, 1, 0], [], []>, transpose_lhs_hint = false} : vector<5000x128xf32>, vector<128x128xf32>, vector<5000x128xf32> -> vector<5000x128xf32>
    %add3A_30 = arith.addf %add3A_21, %dot_general3A_29 : vector<5000x128xf32>
    %mul3A = arith.mulf %add3A_30, %add3A_30 : vector<5000x128xf32>
    %reduce_sum3A_31 = arith.constant dense<0.000000e+00> : vector<5000xf32>
    %reduce_sum3A_32 = vector.multi_reduction <add>, %mul3A, %reduce_sum3A_31 [1] : vector<5000x128xf32> to vector<5000xf32>
    %broadcast_in_dim3A = vector.shape_cast %reduce_sum3A_32 : vector<5000xf32> to vector<5000x1xf32>
    %sqrt3A = math.sqrt %broadcast_in_dim3A : vector<5000x1xf32>
    %max3A_33 = arith.constant 9.99999996E-13 : f32
    %max3A_34 = vector.broadcast %max3A_33 : f32 to vector<5000x1xf32>
    %max3A_35 = arith.maximumf %sqrt3A, %max3A_34 : vector<5000x1xf32>
    %div3A_36 = vector.broadcast %max3A_35 : vector<5000x1xf32> to vector<5000x128xf32>
    %div3A_37 = arith.divf %add3A_30, %div3A_36 : vector<5000x128xf32>
    %max3A_38 = arith.constant 0.000000e+00 : f32
    %max3A_39 = vector.broadcast %max3A_38 : f32 to vector<5000x128xf32>
    %max3A_40 = arith.maximumf %div3A_37, %max3A_39 : vector<5000x128xf32>
    %swap3A = arith.constant 0 : index
    %swap3A_41 = arith.constant 0 : index
    %swap3A_42 = vector.load %arg7[%swap3A, %swap3A_41] : memref<5000x128xf32, #tpu.memory_space<vmem>>, vector<5000x128xf32>
    tpu.vector_store %arg7[%swap3A, %swap3A_41], %max3A_40 {strides = array<i32>} : memref<5000x128xf32, #tpu.memory_space<vmem>>, vector<5000x128xf32>,
    %reduce_sum3A_43 = arith.constant dense<0.000000e+00> : vector<128xf32>
    %reduce_sum3A_44 = vector.multi_reduction <add>, %max3A_40, %reduce_sum3A_43 [0] : vector<5000x128xf32> to vector<128xf32>
    %broadcast_in_dim3A_45 = vector.shape_cast %reduce_sum3A_44 : vector<128xf32> to vector<1x128xf32>
    %mul3A_46 = arith.mulf %max3A_40, %max3A_40 : vector<5000x128xf32>
    %reduce_sum3A_47 = arith.constant dense<0.000000e+00> : vector<128xf32>
    %reduce_sum3A_48 = vector.multi_reduction <add>, %mul3A_46, %reduce_sum3A_47 [0] : vector<5000x128xf32> to vector<128xf32>
    %broadcast_in_dim3A_49 = vector.shape_cast %reduce_sum3A_48 : vector<128xf32> to vector<1x128xf32>
    %broadcast_in_dim3A_50 = arith.constant 0.000000e+00 : f32
    %broadcast_in_dim3A_51 = vector.broadcast %broadcast_in_dim3A_50 : f32 to vector<6x128xf32>
    %concatenate3A = tpu.concatenate %broadcast_in_dim3A_45, %broadcast_in_dim3A_49, %broadcast_in_dim3A_51 in 0 : vector<1x128xf32>, vector<1x128xf32>, vector<6x128xf32> -> vector<8x128xf32>
    %eq3A = arith.constant 0 : i32
    %eq3A_52 = arith.cmpi eq, %arg0, %eq3A : i32
    %convert_element_type3A = arith.extui %eq3A_52 : i1 to i32
    %cond3A = arith.constant 0 : i32
    %cond3A_53 = arith.cmpi ne, %convert_element_type3A, %cond3A : i32
    scf.if %cond3A_53 {
      %swap3A_63 = arith.constant 0 : index
      %swap3A_64 = arith.constant 0 : index
      %swap3A_65 = vector.load %arg9[%swap3A_63, %swap3A_64] : memref<8x128xf32, #tpu.memory_space<vmem>>, vector<8x128xf32>
      tpu.vector_store %arg9[%swap3A_63, %swap3A_64], %concatenate3A {strides = array<i32>} : memref<8x128xf32, #tpu.memory_space<vmem>>, vector<8x128xf32>,
    } else {
    }
    %gt3A = arith.constant 0 : i32
    %gt3A_54 = arith.cmpi sgt, %arg0, %gt3A : i32
    %convert_element_type3A_55 = arith.extui %gt3A_54 : i1 to i32
    %cond3A_56 = arith.constant 0 : i32
    %cond3A_57 = arith.cmpi ne, %convert_element_type3A_55, %cond3A_56 : i32
    scf.if %cond3A_57 {
      %get3A_63 = arith.constant 0 : index
      %get3A_64 = arith.constant 0 : index
      %get3A_65 = vector.load %arg9[%get3A_63, %get3A_64] : memref<8x128xf32, #tpu.memory_space<vmem>>, vector<8x128xf32>
      %add3A_66 = arith.addf %get3A_65, %concatenate3A : vector<8x128xf32>
      %swap3A_67 = arith.constant 0 : index
      %swap3A_68 = arith.constant 0 : index
      %swap3A_69 = vector.load %arg9[%swap3A_67, %swap3A_68] : memref<8x128xf32, #tpu.memory_space<vmem>>, vector<8x128xf32>
      tpu.vector_store %arg9[%swap3A_67, %swap3A_68], %add3A_66 {strides = array<i32>} : memref<8x128xf32, #tpu.memory_space<vmem>>, vector<8x128xf32>,
    } else {
    }
    %eq3A_58 = arith.constant 1 : i32
    %eq3A_59 = arith.cmpi eq, %arg0, %eq3A_58 : i32
    %convert_element_type3A_60 = arith.extui %eq3A_59 : i1 to i32
    %cond3A_61 = arith.constant 0 : i32
    %cond3A_62 = arith.cmpi ne, %convert_element_type3A_60, %cond3A_61 : i32
    scf.if %cond3A_62 {
      %get3A_63 = arith.constant 0 : index
      %get3A_64 = arith.constant 0 : index
      %get3A_65 = vector.load %arg9[%get3A_63, %get3A_64] : memref<8x128xf32, #tpu.memory_space<vmem>>, vector<8x128xf32>
      %swap3A_66 = arith.constant 0 : index
      %swap3A_67 = arith.constant 0 : index
      %swap3A_68 = vector.load %arg8[%swap3A_66, %swap3A_67] : memref<8x128xf32, #tpu.memory_space<vmem>>, vector<8x128xf32>
      tpu.vector_store %arg8[%swap3A_66, %swap3A_67], %get3A_65 {strides = array<i32>} : memref<8x128xf32, #tpu.memory_space<vmem>>, vector<8x128xf32>,
    } else {
    }
    return
  }
  func.func @transform_0(%arg0: i32) -> (i32, i32) {
    %c0_i32 = arith.constant 0 : i32
    %c0_i32_0 = arith.constant 0 : i32
    return %arg0, %c0_i32 : i32, i32
  }
  func.func @transform_1(%arg0: i32) -> (i32, i32, i32) {
    %c0_i32 = arith.constant 0 : i32
    %c0_i32_0 = arith.constant 0 : i32
    %c0_i32_1 = arith.constant 0 : i32
    return %c0_i32, %arg0, %c0_i32_0 : i32, i32, i32
  }
  func.func @transform_2(%arg0: i32) -> (i32, i32, i32) {
    %c0_i32 = arith.constant 0 : i32
    %c0_i32_0 = arith.constant 0 : i32
    %c0_i32_1 = arith.constant 0 : i32
    return %c0_i32, %arg0, %c0_i32_0 : i32, i32, i32
  }
  func.func @transform_3(%arg0: i32) -> (i32, i32) {
    %c0_i32 = arith.constant 0 : i32
    %c0_i32_0 = arith.constant 0 : i32
    %c0_i32_1 = arith.constant 0 : i32
    return %c0_i32, %c0_i32_0 : i32, i32
  }
  func.func @transform_4(%arg0: i32) -> (i32, i32) {
    %c0_i32 = arith.constant 0 : i32
    %c0_i32_0 = arith.constant 0 : i32
    %c0_i32_1 = arith.constant 0 : i32
    return %c0_i32, %c0_i32_0 : i32, i32
  }
  func.func @transform_5(%arg0: i32) -> (i32, i32) {
    %c0_i32 = arith.constant 0 : i32
    %c0_i32_0 = arith.constant 0 : i32
    %c0_i32_1 = arith.constant 0 : i32
    return %c0_i32, %c0_i32_0 : i32, i32
  }
  func.func @transform_6(%arg0: i32) -> (i32, i32) {
    %c0_i32 = arith.constant 0 : i32
    %c0_i32_0 = arith.constant 0 : i32
    return %arg0, %c0_i32 : i32, i32
  }
  func.func @transform_7(%arg0: i32) -> (i32, i32) {
    %c0_i32 = arith.constant 0 : i32
    %c0_i32_0 = arith.constant 0 : i32
    %c0_i32_1 = arith.constant 0 : i32
    return %c0_i32, %c0_i32_0 : i32, i32
  }
}

module attributes {stable_mosaic.version = 14 : i64} {
  func.func @_tc2_body(%arg0: i32, %arg1: memref<5000x128xf32, #tpu.memory_space<vmem>>, %arg2: memref<2x5000x128xf32, #tpu.memory_space<vmem>>, %arg3: memref<2x5000x128xf32, #tpu.memory_space<vmem>>, %arg4: memref<8x128xf32, #tpu.memory_space<vmem>>, %arg5: memref<128x128xf32, #tpu.memory_space<vmem>>, %arg6: memref<1x128xf32, #tpu.memory_space<vmem>>, %arg7: memref<128x128xf32, #tpu.memory_space<vmem>>, %arg8: memref<5000x128xf32, #tpu.memory_space<vmem>>) attributes {dimension_semantics = [#tpu.dimension_semantics<arbitrary>], iteration_bounds = array<i64: 2>, scalar_prefetch = 0 : i64, scratch_operands = 0 : i64, tpu.core_type = #tpu.core_type<tc>, window_params = [{transform_indices = @transform_0, window_bounds = array<i64: 5000, 128>}, {transform_indices = @transform_1, window_bounds = array<i64: 2, 5000, 128>}, {transform_indices = @transform_2, window_bounds = array<i64: 2, 5000, 128>}, {pipeline_mode = #tpu.pipeline_mode<synchronous>, transform_indices = @transform_3, window_bounds = array<i64: 8, 128>}, {pipeline_mode = #tpu.pipeline_mode<synchronous>, transform_indices = @transform_4, window_bounds = array<i64: 128, 128>}, {pipeline_mode = #tpu.pipeline_mode<synchronous>, transform_indices = @transform_5, window_bounds = array<i64: 1, 128>}, {pipeline_mode = #tpu.pipeline_mode<synchronous>, transform_indices = @transform_6, window_bounds = array<i64: 128, 128>}, {transform_indices = @transform_7, window_bounds = array<i64: 5000, 128>}]} {
    %get3A = arith.constant 0 : index
    %get3A_0 = arith.constant 0 : index
    %get3A_1 = vector.load %arg4[%get3A, %get3A_0] : memref<8x128xf32, #tpu.memory_space<vmem>>, vector<8x128xf32>
    %slice3A = vector.extract_strided_slice %get3A_1 {offsets = [0, 0], sizes = [1, 128], strides = [1, 1]} : vector<8x128xf32> to vector<1x128xf32>
    %mul3A = arith.constant 9.99999974E-5 : f32
    %mul3A_2 = vector.broadcast %mul3A : f32 to vector<1x128xf32>
    %mul3A_3 = arith.mulf %slice3A, %mul3A_2 : vector<1x128xf32>
    %slice3A_4 = vector.extract_strided_slice %get3A_1 {offsets = [1, 0], sizes = [1, 128], strides = [1, 1]} : vector<8x128xf32> to vector<1x128xf32>
    %mul3A_5 = arith.constant 9.99999974E-5 : f32
    %mul3A_6 = vector.broadcast %mul3A_5 : f32 to vector<1x128xf32>
    %mul3A_7 = arith.mulf %slice3A_4, %mul3A_6 : vector<1x128xf32>
    %mul3A_8 = arith.mulf %mul3A_3, %mul3A_3 : vector<1x128xf32>
    %sub3A = arith.subf %mul3A_7, %mul3A_8 : vector<1x128xf32>
    %add3A = arith.constant 9.99999974E-6 : f32
    %add3A_9 = vector.broadcast %add3A : f32 to vector<1x128xf32>
    %add3A_10 = arith.addf %sub3A, %add3A_9 : vector<1x128xf32>
    %sqrt3A = math.sqrt %add3A_10 : vector<1x128xf32>
    %div3A = arith.constant 1.000000e+00 : f32
    %div3A_11 = vector.broadcast %div3A : f32 to vector<1x128xf32>
    %div3A_12 = arith.divf %div3A_11, %sqrt3A : vector<1x128xf32>
    %get3A_13 = arith.constant 0 : index
    %get3A_14 = arith.constant 0 : index
    %get3A_15 = vector.load %arg1[%get3A_13, %get3A_14] : memref<5000x128xf32, #tpu.memory_space<vmem>>, vector<5000x128xf32>
    %sub3A_16 = vector.broadcast %mul3A_3 : vector<1x128xf32> to vector<5000x128xf32>
    %sub3A_17 = arith.subf %get3A_15, %sub3A_16 : vector<5000x128xf32>
    %mul3A_18 = vector.broadcast %div3A_12 : vector<1x128xf32> to vector<5000x128xf32>
    %mul3A_19 = arith.mulf %sub3A_17, %mul3A_18 : vector<5000x128xf32>
    %get3A_20 = arith.constant 0 : index
    %get3A_21 = arith.constant 0 : index
    %get3A_22 = arith.constant 0 : index
    %get3A_23 = vector.load %arg3[%get3A_20, %get3A_21, %get3A_22] : memref<2x5000x128xf32, #tpu.memory_space<vmem>>, vector<2x5000x128xf32>
    %reduce_sum3A = arith.constant dense<0.000000e+00> : vector<5000x128xf32>
    %reduce_sum3A_24 = vector.multi_reduction <add>, %get3A_23, %reduce_sum3A [0] : vector<2x5000x128xf32> to vector<5000x128xf32>
    %slice3A_25 = vector.extract_strided_slice %reduce_sum3A_24 {offsets = [0, 0], sizes = [5000, 1], strides = [1, 1]} : vector<5000x128xf32> to vector<5000x1xf32>
    %get3A_26 = arith.constant 0 : index
    %get3A_27 = arith.constant 0 : index
    %get3A_28 = arith.constant 0 : index
    %get3A_29 = vector.load %arg2[%get3A_26, %get3A_27, %get3A_28] : memref<2x5000x128xf32, #tpu.memory_space<vmem>>, vector<2x5000x128xf32>
    %reduce_sum3A_30 = arith.constant dense<0.000000e+00> : vector<5000x128xf32>
    %reduce_sum3A_31 = vector.multi_reduction <add>, %get3A_29, %reduce_sum3A_30 [0] : vector<2x5000x128xf32> to vector<5000x128xf32>
    %max3A = arith.constant 1.000000e+00 : f32
    %max3A_32 = vector.broadcast %max3A : f32 to vector<5000x1xf32>
    %max3A_33 = arith.maximumf %slice3A_25, %max3A_32 : vector<5000x1xf32>
    %div3A_34 = vector.broadcast %max3A_33 : vector<5000x1xf32> to vector<5000x128xf32>
    %div3A_35 = arith.divf %reduce_sum3A_31, %div3A_34 : vector<5000x128xf32>
    %gt3A = arith.constant 0.000000e+00 : f32
    %gt3A_36 = vector.broadcast %gt3A : f32 to vector<5000x1xf32>
    %gt3A_37 = arith.cmpf ogt, %slice3A_25, %gt3A_36 : vector<5000x1xf32>
    %sub3A_38 = vector.broadcast %mul3A_3 : vector<1x128xf32> to vector<5000x128xf32>
    %sub3A_39 = arith.subf %div3A_35, %sub3A_38 : vector<5000x128xf32>
    %mul3A_40 = vector.broadcast %div3A_12 : vector<1x128xf32> to vector<5000x128xf32>
    %mul3A_41 = arith.mulf %sub3A_39, %mul3A_40 : vector<5000x128xf32>
    %jit3A = arith.constant 0.000000e+00 : f32
    %broadcast_in_dim3A = vector.shape_cast %gt3A_37 : vector<5000x1xi1> to vector<5000x1xi1>
    %broadcast_in_dim3A_42 = vector.broadcast %broadcast_in_dim3A : vector<5000x1xi1> to vector<5000x128xi1>
    %broadcast_in_dim3A_43 = vector.broadcast %jit3A : f32 to vector<5000x128xf32>
    %select_n3A = arith.select %broadcast_in_dim3A_42, %mul3A_41, %broadcast_in_dim3A_43 : vector<5000x128xi1>, vector<5000x128xf32>
    %get3A_44 = arith.constant 0 : index
    %get3A_45 = arith.constant 0 : index
    %get3A_46 = vector.load %arg5[%get3A_44, %get3A_45] : memref<128x128xf32, #tpu.memory_space<vmem>>, vector<128x128xf32>
    %dot_general3A = arith.constant dense<0.000000e+00> : vector<5000x128xf32>
    %dot_general3A_47 = tpu.matmul %select_n3A, %get3A_46, %dot_general3A {dimension_numbers = #tpu.dot_dimension_numbers<[1], [1], [0], [0], [0, 0, 1, 0], [], []>, transpose_lhs_hint = false} : vector<5000x128xf32>, vector<128x128xf32>, vector<5000x128xf32> -> vector<5000x128xf32>
    %get3A_48 = arith.constant 0 : index
    %get3A_49 = arith.constant 0 : index
    %get3A_50 = vector.load %arg6[%get3A_48, %get3A_49] : memref<1x128xf32, #tpu.memory_space<vmem>>, vector<1x128xf32>
    %add3A_51 = vector.broadcast %get3A_50 : vector<1x128xf32> to vector<5000x128xf32>
    %add3A_52 = arith.addf %dot_general3A_47, %add3A_51 : vector<5000x128xf32>
    %get3A_53 = arith.constant 0 : index
    %get3A_54 = arith.constant 0 : index
    %get3A_55 = vector.load %arg7[%get3A_53, %get3A_54] : memref<128x128xf32, #tpu.memory_space<vmem>>, vector<128x128xf32>
    %dot_general3A_56 = arith.constant dense<0.000000e+00> : vector<5000x128xf32>
    %dot_general3A_57 = tpu.matmul %mul3A_19, %get3A_55, %dot_general3A_56 {dimension_numbers = #tpu.dot_dimension_numbers<[1], [1], [0], [0], [0, 0, 1, 0], [], []>, transpose_lhs_hint = false} : vector<5000x128xf32>, vector<128x128xf32>, vector<5000x128xf32> -> vector<5000x128xf32>
    %add3A_58 = arith.addf %add3A_52, %dot_general3A_57 : vector<5000x128xf32>
    %mul3A_59 = arith.mulf %add3A_58, %add3A_58 : vector<5000x128xf32>
    %reduce_sum3A_60 = arith.constant dense<0.000000e+00> : vector<5000xf32>
    %reduce_sum3A_61 = vector.multi_reduction <add>, %mul3A_59, %reduce_sum3A_60 [1] : vector<5000x128xf32> to vector<5000xf32>
    %broadcast_in_dim3A_62 = vector.shape_cast %reduce_sum3A_61 : vector<5000xf32> to vector<5000x1xf32>
    %sqrt3A_63 = math.sqrt %broadcast_in_dim3A_62 : vector<5000x1xf32>
    %max3A_64 = arith.constant 9.99999996E-13 : f32
    %max3A_65 = vector.broadcast %max3A_64 : f32 to vector<5000x1xf32>
    %max3A_66 = arith.maximumf %sqrt3A_63, %max3A_65 : vector<5000x1xf32>
    %div3A_67 = vector.broadcast %max3A_66 : vector<5000x1xf32> to vector<5000x128xf32>
    %div3A_68 = arith.divf %add3A_58, %div3A_67 : vector<5000x128xf32>
    %swap3A = arith.constant 0 : index
    %swap3A_69 = arith.constant 0 : index
    %swap3A_70 = vector.load %arg8[%swap3A, %swap3A_69] : memref<5000x128xf32, #tpu.memory_space<vmem>>, vector<5000x128xf32>
    tpu.vector_store %arg8[%swap3A, %swap3A_69], %div3A_68 {strides = array<i32>} : memref<5000x128xf32, #tpu.memory_space<vmem>>, vector<5000x128xf32>,
    return
  }
  func.func @transform_0(%arg0: i32) -> (i32, i32) {
    %c0_i32 = arith.constant 0 : i32
    %c0_i32_0 = arith.constant 0 : i32
    return %arg0, %c0_i32 : i32, i32
  }
  func.func @transform_1(%arg0: i32) -> (i32, i32, i32) {
    %c0_i32 = arith.constant 0 : i32
    %c0_i32_0 = arith.constant 0 : i32
    %c0_i32_1 = arith.constant 0 : i32
    return %c0_i32, %arg0, %c0_i32_0 : i32, i32, i32
  }
  func.func @transform_2(%arg0: i32) -> (i32, i32, i32) {
    %c0_i32 = arith.constant 0 : i32
    %c0_i32_0 = arith.constant 0 : i32
    %c0_i32_1 = arith.constant 0 : i32
    return %c0_i32, %arg0, %c0_i32_0 : i32, i32, i32
  }
  func.func @transform_3(%arg0: i32) -> (i32, i32) {
    %c0_i32 = arith.constant 0 : i32
    %c0_i32_0 = arith.constant 0 : i32
    %c0_i32_1 = arith.constant 0 : i32
    return %c0_i32, %c0_i32_0 : i32, i32
  }
  func.func @transform_4(%arg0: i32) -> (i32, i32) {
    %c0_i32 = arith.constant 0 : i32
    %c0_i32_0 = arith.constant 0 : i32
    %c0_i32_1 = arith.constant 0 : i32
    return %c0_i32, %c0_i32_0 : i32, i32
  }
  func.func @transform_5(%arg0: i32) -> (i32, i32) {
    %c0_i32 = arith.constant 0 : i32
    %c0_i32_0 = arith.constant 0 : i32
    %c0_i32_1 = arith.constant 0 : i32
    return %c0_i32, %c0_i32_0 : i32, i32
  }
  func.func @transform_6(%arg0: i32) -> (i32, i32) {
    %c0_i32 = arith.constant 0 : i32
    %c0_i32_0 = arith.constant 0 : i32
    %c0_i32_1 = arith.constant 0 : i32
    return %c0_i32, %c0_i32_0 : i32, i32
  }
  func.func @transform_7(%arg0: i32) -> (i32, i32) {
    %c0_i32 = arith.constant 0 : i32
    %c0_i32_0 = arith.constant 0 : i32
    return %arg0, %c0_i32 : i32, i32
  }
}

</mosaic_0001>

<sc_bundles>
// kernel: kernel.6.cloned.1.call-start
scs
__scs_entry_jumppad:
0x0: {  	(pc) =	sbr.rel $0x88, $3  }
0x1: {  	(tag) =	ssettag $0x0;
	lr =	simm.s32 $0x1  }
0x2: {  	[smem:$0x3F99] =	sst lr;
	_ =	strace $0xD0000000  }
0x3: {  	_ = 	snop  }
0x4: {  	_ = 	snop  }
0x5: {  	_ = 	snop  }
0x6: {  	_ = 	snop  }
0x7: {  	_ = 	snop  }
__scs_overlays_trampoline_lowered:
0x8: {  	[smem:$0x3FA8] =	sst s0  }
0x9: {  	[smem:$0x3FA9] =	sst s1  }
0xa: {  	[smem:$0x3FAA] =	sst s2  }
0xb: {  	[smem:$0x3FAB] =	sst s3  }
0xc: {  	[smem:$0x3FAC] =	sst s4  }
0xd: {  	[smem:$0x3FAD] =	sst s5  }
0xe: {  	[smem:$0x3FAE] =	sst s6  }
0xf: {  	[smem:$0x3FAF] =	sst s7  }
0x10: {  	[smem:$0x3FB0] =	sst s8  }
0x11: {  	[smem:$0x3FB1] =	sst s9;
	s0 =	simm.s32 @!p0 $0x0  }
0x12: {  	s1 =	sld [smem:$0x3F97];
	s0 =	simm.s32 @p0 $0x1  }
0x13: {  	[smem:$0x3FB2] =	sst s0;
	s0 =	simm.s32 @!p1 $0x0  }
0x14: {  	s2 =	sld [smem:$0x3F96];
	s0 =	simm.s32 @p1 $0x1  }
0x15: {  	[smem:$0x3FB3] =	sst s0;
	s0 =	simm.s32 @!p2 $0x0  }
0x16: {  	s3 =	sld [smem:$0x3FDB];
	s0 =	simm.s32 @p2 $0x1  }
0x17: {  	s4 =	simm.s32 $0x1BF5;
	[smem:$0x3FB5] =	sst s0  }
0x18: {  	s0 =	sld [smem:$0x3F98];
	_ =	swait.ge [sflag:s4], $0x0  }
0x19: {  	s7 =	sld [smem:$0x3F99]  }
0x1a: {  	s8 =	sadd.s32 $0xFFFFE003, lr  }
0x1b: {  	s9 =	sadd.s32 $0xFFFFFEF7, lr;
	s5 =	simm.s32 $0xFFFFFFFF;
	p2 =	slt.u32 s8, $0xFFFFF086  }
0x1c: {  	p1 =	slt.u32 s9, $0xF7A;
	s5 =	simm.s32 @!p2 $0x0  }
0x1d: {  	s5 =	simm.s32 @p1 $0x1;
	p0 =	seq.s32 s7, s2  }
0x1e: {  	s7 =	smul.u32 @!p0 $0xF7A, s2;
	p2 =	seq.s32 @!p0 s5, $0x0  }
0x1f: {  	s9 =	smul.u32 $0xF7A, s1;
	s8 =	simm.s32 @!p0 $0x1BF5;
	p2 =	por !p2, p0  }
0x20: {  	[sflag:s8] =	ssyncset.s32 @!p0 $0xFFFFF086;
	s6 =	sadd.s32 @!p0 s3, s7;
	s7 =	simm.s32 @!p0 $0x108  }
0x21: {  	s3 =	sadd.s32 s3, s9;
	s6 =	sadd.s32 @!p0 $0x88, s6;
	s7 =	simm.s32 @p2 $0x1082  }
0x22: {  	[simem:s7], [sflag:s8] =	dma.local @!p0 [hbm:s6], $0xF7A  }
0x23: {  	s9 =	sor.u32 $0xD0000000, s2;
	s6 =	simm.s32 $0x108;
	_ =	swait.ge @!p0 [sflag:s8], $0x0  }
0x24: {  	s3 =	sadd.s32 $0x88, s3;
	s6 =	simm.s32 @!p1 $0x1082;
	[sflag:s4] =	ssyncset.s32 $0xFFFFF086  }
0x25: {  	[simem:s6], [sflag:s4] =	dma.local [hbm:s3], $0xF7A  }
0x26: {  	[smem:$0x3F99] =	sst s1;
	(tag) =	ssettag s2;
	_ =	strace s9  }
0x27: {  	s1 =	sld [smem:$0x3FA9]  }
0x28: {  	s2 =	sld [smem:$0x3FAA]  }
0x29: {  	s4 =	sld [smem:$0x3FAC]  }
0x2a: {  	p0 =	seq.s32 s5, $0x0;
	s5 =	sld [smem:$0x3FAD]  }
0x2b: {  	s6 =	sld [smem:$0x3FAE]  }
0x2c: {  	s7 =	sld [smem:$0x3FAF]  }
0x2d: {  	s3 =	simm.s32 $0x108;
	s8 =	sld [smem:$0x3FB0]  }
0x2e: {  	s3 =	simm.s32 @!p0 $0x1082;
	s9 =	sld [smem:$0x3FB1]  }
0x2f: {  	lr =	sadd.s32 s0, s3;
	s0 =	sld [smem:$0x3FA8]  }
0x30: {  	s3 =	sld [smem:$0x3FAB]  }
0x31: {  	[smem:$0x3FB4] =	sst s10  }
0x32: {  	s10 =	sld [smem:$0x3FB2];
	_ =	sdelay $0x3  }
0x33: {  	p0 =	seq.s32 s10, $0x1;
	s10 =	sld [smem:$0x3FB4];
	_ =	sdelay $0x3  }
0x34: {  	[smem:$0x3FB4] =	sst s10  }
0x35: {  	s10 =	sld [smem:$0x3FB3];
	_ =	sdelay $0x3  }
0x36: {  	p1 =	seq.s32 s10, $0x1;
	s10 =	sld [smem:$0x3FB4];
	_ =	sdelay $0x3  }
0x37: {  	[smem:$0x3FB4] =	sst s10  }
0x38: {  	s10 =	sld [smem:$0x3FB5]  }
0x39: {  	_ = 	snop;
	(pc) =	sbr.ind lr, $3  }
0x3a: {  	_ = 	snop  }
0x3b: {  	_ = 	snop  }
0x3c: {  	p2 =	seq.s32 s10, $0x1;
	s10 =	sld [smem:$0x3FB4]  }
0x3d: {  	_ =	shalt  }
0x3e: {  	_ =	shalt  }
0x3f: {  	_ =	shalt  }
0x40: {  	_ =	shalt  }
0x41: {  	_ =	shalt  }
0x42: {  	_ =	shalt  }
0x43: {  	_ =	shalt  }
0x44: {  	_ =	shalt  }
0x45: {  	_ =	shalt  }
0x46: {  	_ =	shalt  }
0x47: {  	_ =	shalt  }
0x48: {  	_ =	shalt  }
0x49: {  	_ =	shalt  }
0x4a: {  	_ =	shalt  }
0x4b: {  	_ =	shalt  }
0x4c: {  	_ =	shalt  }
0x4d: {  	_ =	shalt  }
0x4e: {  	_ =	shalt  }
0x4f: {  	_ =	shalt  }
0x50: {  	_ =	shalt  }
0x51: {  	_ =	shalt  }
0x52: {  	_ =	shalt  }
0x53: {  	_ =	shalt  }
0x54: {  	_ =	shalt  }
0x55: {  	_ =	shalt  }
0x56: {  	_ =	shalt  }
0x57: {  	_ =	shalt  }
0x58: {  	_ =	shalt  }
0x59: {  	_ =	shalt  }
0x5a: {  	_ =	shalt  }
0x5b: {  	_ =	shalt  }
0x5c: {  	_ =	shalt  }
0x5d: {  	_ =	shalt  }
0x5e: {  	_ =	shalt  }
0x5f: {  	_ =	shalt  }
0x60: {  	_ =	shalt  }
0x61: {  	_ =	shalt  }
0x62: {  	_ =	shalt  }
0x63: {  	_ =	shalt  }
0x64: {  	_ =	shalt  }
0x65: {  	_ =	shalt  }
0x66: {  	_ =	shalt  }
0x67: {  	_ =	shalt  }
0x68: {  	_ =	shalt  }
0x69: {  	_ =	shalt  }
0x6a: {  	_ =	shalt  }
0x6b: {  	_ =	shalt  }
0x6c: {  	_ =	shalt  }
0x6d: {  	_ =	shalt  }
0x6e: {  	_ =	shalt  }
0x6f: {  	_ =	shalt  }
0x70: {  	_ =	shalt  }
0x71: {  	_ =	shalt  }
0x72: {  	_ =	shalt  }
0x73: {  	_ =	shalt  }
0x74: {  	_ =	shalt  }
0x75: {  	_ =	shalt  }
0x76: {  	_ =	shalt  }
0x77: {  	_ =	shalt  }
0x78: {  	_ =	shalt  }
0x79: {  	_ =	shalt  }
0x7a: {  	_ =	shalt  }
0x7b: {  	_ =	shalt  }
0x7c: {  	_ =	shalt  }
0x7d: {  	_ =	shalt  }
0x7e: {  	_ =	shalt  }
0x7f: {  	_ =	shalt  }
0x80: {  	_ =	shalt  }
0x81: {  	_ =	shalt  }
0x82: {  	_ =	shalt  }
0x83: {  	_ =	shalt  }
0x84: {  	_ =	shalt  }
0x85: {  	_ =	shalt  }
0x86: {  	_ =	shalt  }
0x87: {  	_ =	shalt  }
.Lfunc_end0:
.L_simem_size_0:
called_computation_lowered:
.L_overlay_start_0:
0x88: {  	s2 =	sld [smem:$0x3FD9]  }
0x89: {  	s3 =	sld [smem:$0x3FFE];
	_ =	sdelay $0x1  }
0x8a: {  	s1 =	srdreg.scid  }
0x8b: {  	s0 =	sand.u32 $0x1, s1  }
0x8c: {  	s17 =	sshll.u32 s0, $0xA;
	s2 =	sadd.s32 s3, s2  }
0x8d: {  	s2 =	sadd.s32 s2, s17  }
0x8e: {  	[smem:$0x3FC0] =	sst s2  }
0x8f: {  	_ = 	snop  }
0x90: {  	s2 =	sld [smem:$0x3FC9]  }
0x91: {  	s18 =	sld [smem:$0x3FD0];
	(tm) =	ssettm $0x1  }
0x92: {  	s4 =	sld [smem:$0x3FFB];
	_ =	sdelay $0x3  }
0x93: {  	_ =	strace s4  }
0x94: {  	s4 =	sld [smem:$0x3FFC];
	_ =	sdelay $0x3  }
0x95: {  	_ =	strace s4  }
0x96: {  	s4 =	sld [smem:$0x3FFD];
	_ =	sdelay $0x3  }
0x97: {  	_ =	strace s4  }
0x98: {  	_ =	strace $0x8FFFFFFF  }
0x99: {  	s19 =	sld [smem:$0x3FDB];
	_ =	sdelay $0x1  }
0x9a: {  	s5 =	simm.s32 $_scs_section_size  }
0x9b: {  	s6 =	simm.s32 $_size__tile_overlayer_lowered;
	s7 =	simm.s32 $_tile_overlayer_lowered  }
0x9c: {  	s22 =	simm.s32 $0x1BFF;
	s21 =	sshll.u32 s7, $0x1;
	s4 =	sadd.s32 s5, s19  }
0x9d: {  	s8 =	simm.s32 $0x0;
	s20 =	sshll.u32 s6, $0x1;
	s6 =	sadd.s32 s21, s4  }
0x9e: {  	[timem:s8], [sflag:s22] =	dma.local [hbm:s6], s20  }
0x9f: {  	_ =	swait.ge [sflag:s22], s20  }
0xa0: {  	s5 =	ssub.s32 $0x0, s20;
	[sflag:s22] =	ssyncset.done $0x0  }
0xa1: {  	[sflag:s22] =	ssyncadd.s32 s5;
	_ =	sdelay $0x1  }
0xa2: {  	s23 =	simm.s32 $0x1B8B  }
0xa3: {  	_ =	swait.ge [sflag:s23], $0x1  }
0xa4: {  	[sflag:s23] =	ssyncset.done $0x0  }
0xa5: {  	s25 =	simm.s32 $0x1B8E;
	s24 =	sld [smem:$0x3FFE];
	[sflag:s23] =	ssyncadd.s32 $0xFFFFFFFF  }
0xa6: {  	s26 =	simm.s32 $execute0_lowered;
	[smem:$0x3FD2] =	sst s25  }
0xa7: {  	s6 =	sshll.u32 s26, $0x1;
	_ =	strace $0x80000046;
	[dreg:$0x1] =	wrdreg $0xFFFFFFFF  }
0xa8: {  	s28 =	simm.s32 $_size_execute0_lowered;
	s4 =	sadd.s32 s4, s6;
	[dreg:$0x0] =	wrdreg $0x0  }
0xa9: {  	s6 =	sshll.u32 s28, $0x1;
	[dreg:$0x2] =	wrdreg s4  }
0xaa: {  	[dreg:$0x3] =	wrdreg s6  }
0xab: {  	[dreg:$0x4] =	wrdreg $0xC0  }
0xac: {  	_ =	task [dreg:s8], $0x5FFFF  }
0xad: {  	[dreg:$0x1] =	wrdreg $0xFFFFFFFF  }
0xae: {  	[dreg:$0x0] =	wrdreg $0x60  }
0xaf: {  	[dreg:$0x2] =	wrdreg s2  }
0xb0: {  	[dreg:$0x3] =	wrdreg s24  }
0xb1: {  	[dreg:$0x4] =	wrdreg s18  }
0xb2: {  	[dreg:$0x5] =	wrdreg $0x98000  }
0xb3: {  	[dreg:$0x6] =	wrdreg $0x9  }
0xb4: {  	_ =	task.clear_ibuf [dreg:s8], $0x7FFFF;
	_ =	strace $0x90000046  }
0xb5: {  	s29 =	simm.s32 $0x9;
	_ =	strace $0x80000048  }
0xb6: {  	_ =	swait.ge [sflag:s29], $0x1  }
0xb7: {  	[sflag:s29] =	ssyncadd.s32 $0xFFFFFFFF  }
0xb8: {  	_ =	strace $0x90000048  }
0xb9: {  	_ =	sfence  }
0xba: {  	s30 =	sld [smem:$0x0];
	_ =	sdelay $0x2  }
0xbb: {  	s31 =	sshll.u32 s1, $0xD;
	s1 =	sshrl.u32 s1, $0x2  }
0xbc: {  	s3 =	sand.u32 $0x4000, s31;
	s1 =	sadd.s32 s1, s30  }
0xbd: {  	s0 =	sor.u32 s3, s0;
	s1 =	sshll.u32 s1, $0x11  }
0xbe: {  	s0 =	sor.u32 s1, s0  }
0xbf: {  	s0 =	sadd.s32 $0x8F2B, s0  }
0xc0: {  	[sflag:s0] =	ssyncadd.remote.s32 $0x1  }
0xc1: {  	_ =	sfence.sel $0xFFFF  }
0xc2: {  	[dreg:$0x0] =	wrdreg $0xFFFFFFFF;
	(pc) =	sbr.abs _section_cstart, $3  }
0xc3: {  	[dreg:$0x1] =	wrdreg $0xFFFFFFFF  }
0xc4: {  	_ =	task.clear_ibuf [dreg:s8], $0x2FFFF;
	_ =	strace $0x9FFFFFFF  }
0xc5: {  	(tm) =	ssettm $0x7FFFFFFF  }
tec
execute0_lowered:
.L_overlay_start_1:
0x0: {  	(tag) =	ssettag $0x1  }
0x1: {  	s1 =	rddreg [dreg:$0x0]  }
0x2: {  	s0 =	srdreg.scid;
	s2 =	rddreg [dreg:$0x1]  }
0x3: {  	s13 =	stileid.u32;
	s4 =	rddreg [dreg:$0x3];
	s5 =	simm.s32 $0x0  }
0x4: {  	s19 =	simm.s32 $0x80;
	[smem:$0x7FF] =	sst s5;
	s16 =	sadd.s32 $0x2A800, s2  }
0x5: {  	s20 =	simm.s32 $0x100;
	_ =	strace $0x80000047;
	[dreg:$0x1f] =	wrdreg s16  }
0x6: {  	s21 =	simm.s32 $0x180;
	s22 =	simm.s32 $0x200;
	[dreg:$0x6] =	wrdreg s19  }
0x7: {  	s23 =	simm.s32 $0x280;
	s24 =	simm.s32 $0x300;
	[dreg:$0x7] =	wrdreg s20  }
0x8: {  	s25 =	simm.s32 $0x380;
	s26 =	simm.s32 $0x400;
	[dreg:$0x8] =	wrdreg s21  }
0x9: {  	s14 =	simm.s32 $0x600;
	s15 =	simm.s32 $0x680;
	[dreg:$0x9] =	wrdreg s22  }
0xa: {  	s28 =	simm.s32 $0x4;
	s29 =	simm.s32 $0x5;
	[dreg:$0xa] =	wrdreg s23  }
0xb: {  	s30 =	simm.s32 $0x6;
	s3 =	smul.u32 $0xA000, s13;
	[dreg:$0xb] =	wrdreg s24  }
0xc: {  	s0 =	sand.u32 $0x1, s0;
	s7 =	smul.u32 $0x4F000, s13;
	[dreg:$0xc] =	wrdreg s25  }
0xd: {  	s8 =	sadd.s32 $0x2D000, s2;
	s5 =	simm.s32 $0x480;
	[dreg:$0xd] =	wrdreg s26  }
0xe: {  	s18 =	smul.u32 $0x13C00, s13;
	s11 =	sadd.s32 $0x128400, s4;
	[dreg:$0xe] =	wrdreg s5  }
0xf: {  	p0 =	seq.s32 s13, $0xF;
	s6 =	smul.u32 $0x5000, s0;
	[dreg:$0x11] =	wrdreg s14  }
0x10: {  	s17 =	ssub.s32 $0x2, s0;
	[dreg:$0x12] =	wrdreg s15;
	s16 =	simm.s32 $0x700  }
0x11: {  	s0 =	smul.u32 $0x138800, s0;
	s19 =	simm.s32 $0x880;
	[dreg:$0x13] =	wrdreg s16  }
0x12: {  	s20 =	simm.s32 $0x900;
	s21 =	simm.s32 $0x980;
	[dreg:$0x16] =	wrdreg s19  }
0x13: {  	s22 =	simm.s32 $0xA00;
	s23 =	simm.s32 $0xA80;
	[dreg:$0x17] =	wrdreg s20  }
0x14: {  	s24 =	simm.s32 $0xB00;
	s25 =	simm.s32 $0xB80;
	[dreg:$0x18] =	wrdreg s21  }
0x15: {  	s26 =	simm.s32 $0xC00;
	s5 =	simm.s32 $0x1600;
	[dreg:$0x19] =	wrdreg s22  }
0x16: {  	s14 =	simm.s32 $0x1A00;
	s15 =	simm.s32 $0x1A80;
	[dreg:$0x1a] =	wrdreg s23  }
0x17: {  	s9 =	sshrl.u32 s17, $0x1;
	s7 =	sshrl.u32 s7, $0x2;
	[dreg:$0x1b] =	wrdreg s24  }
0x18: {  	s16 =	simm.s32 $0x7000;
	s19 =	simm.s32 $0x50;
	[dreg:$0x1c] =	wrdreg s25  }
0x19: {  	[dreg:$0x1d] =	wrdreg s26;
	s20 =	simm.s32 $0x1B80;
	s21 =	simm.s32 $0x1C00  }
0x1a: {  	s22 =	simm.s32 $0x2000;
	s23 =	simm.s32 $0x4800;
	s24 =	simm.s32 $0x1  }
0x1b: {  	s25 =	simm.s32 $0x2;
	s26 =	simm.s32 $0x3;
	s3 =	sadd.s32 s6, s3  }
0x1c: {  	s6 =	ssub.s32 s17, s9;
	s9 =	sadd.s32 s18, s0;
	s0 =	sshrl.u32 s0, $0x3  }
0x1d: {  	s17 =	simm.s32 $0x780;
	s18 =	simm.s32 $0x800;
	s3 =	sshrl.u32 s3, $0x3  }
0x1e: {  	s9 =	sshrl.u32 s9, $0x3;
	[dreg:$0x14] =	wrdreg s17;
	s3 =	sadd.s32 s3, s2  }
0x1f: {  	[dreg:$0x15] =	wrdreg s18;
	s2 =	sadd.s32 $0x7B200, s2;
	s10 =	sadd.s32 $0x16800, s3  }
0x20: {  	s0 =	sadd.s32 $0x25080, s0;
	s12 =	sadd.s32 s2, s9;
	[dreg:$0x5] =	wrdreg s10  }
0x21: {  	s7 =	sadd.s32 s7, s4;
	s2 =	sadd.s32 s2, s0;
	[smem:$0x7F6] =	sst s12  }
0x22: {  	s17 =	simm.s32 $0x7;
	s9 =	sadd.s32 s8, s9;
	[smem:$0x7F7] =	sst s2  }
0x23: {  	s18 =	simm.s32 $0x1680;
	s0 =	sadd.s32 s8, s0;
	[smem:$0x7F8] =	sst s9  }
0x24: {  	s8 =	smax.u32 s6, $0x1;
	s6 =	simm.s32 $0x1900;
	[smem:$0x7F9] =	sst s0  }
0x25: {  	[smem:$0x7FA] =	sst s8;
	s9 =	simm.s32 $0x500;
	s10 =	sadd.s32 $0x2800, s3  }
0x26: {  	s12 =	simm.s32 $0x580;
	s2 =	sshrl.u32 @p0 s11, $0x3;
	[dreg:$0x1e] =	wrdreg s10  }
0x27: {  	s3 =	sshrl.u32 @!p0 s7, $0x3;
	s7 =	simm.s32 $0x1700;
	[dreg:$0xf] =	wrdreg s9  }
0x28: {  	s11 =	simm.s32 $0x1880;
	s8 =	simm.s32 $0x1B00;
	[dreg:$0x10] =	wrdreg s12  }
0x29: {  	[smem:$0x7FB] =	sst s2;
	s2 =	sshll.u32 @!p0 s13, $0x6;
	s9 =	simm.s32 $0x1780  }
0x2a: {  	s10 =	simm.s32 $0x1800;
	[smem:$0x7FD] =	sst s3;
	s31 =	sor.u32 @!p0 $0x1C07, s2  }
0x2b: {  	s13 =	simm.s32 $0x1980;
	s12 =	simm.s32 $0x0;
	[smem:$0x7FC] =	sst s31  }
.LBB2_1:
0x2c: {  	[smem:$0x7F5] =	sst s12  }
0x2d: {  	s12 =	sld [smem:$0x7FB];
	_ =	sdelay $0x1  }
0x2e: {  	s0 =	simm.s32 @p0 $0x1FC7;
	s2 =	rddreg [dreg:$0x1f]  }
0x2f: {  	[spmem:s12], [sflag:s0] =	dma.local @p0 [hbm:s2], $0x2080  }
0x30: {  	s0 =	simm.s32 @p0 $0x7  }
0x31: {  	_ =	swait.ge @p0 [sflag:s0], $0x2080  }
0x32: {  	[sflag:s0] =	ssyncset.done @p0 $0x0  }
0x33: {  	[sflag:s0] =	ssyncadd.s32 @p0 $0xFFFFDF80;
	s0 =	simm.s32 @!p0 $0x7  }
0x34: {  	[spmem:s3], [sflag:s31] =	dma.local @!p0 [hbm:s2], $0x2780  }
0x35: {  	_ =	swait.ge @!p0 [sflag:s0], $0x2780  }
0x36: {  	[sflag:s0] =	ssyncset.done @!p0 $0x0  }
0x37: {  	[sflag:s0] =	ssyncadd.s32 @!p0 $0xFFFFD880  }
0x38: {  	[bflag:$0x0] =	sbarrier.arrive $0xFFFF  }
0x39: {  	s3 =	simm.s32 $0x0;
	s2 =	rddreg [dreg:$0x2]  }
0x3a: {  	[tilespmem:s16], [sflag:$0x7] =	stream.linear.gather [hbm4b:s2+s3], $0x2800, $0x38;
	[tilespmem:$0x1D080] =	vst v63  }
0x3b: {  	_ =	swait.ge [sflag:s17], $0x2800  }
0x3c: {  	[sflag:s17] =	ssyncset.done $0x0;
	s12 =	rddreg [dreg:$0x1e]  }
0x3d: {  	s31 =	simm.s32 $0x1000;
	[sflag:s17] =	ssyncadd.s32 $0xFFFFD800;
	s0 =	sadd.s32 $0x0, s12  }
0x3e: {  	[tilespmem:s31], [sflag:$0x7] =	stream.linear.gather [hbm4b:s0+s3], $0xC80, $0x38;
	[tilespmem:$0x1D080] =	vst v63  }
0x3f: {  	_ =	swait.ge [sflag:s17], $0xC80  }
0x40: {  	[sflag:s17] =	ssyncset.done $0x0  }
0x41: {  	[sflag:s17] =	ssyncadd.s32 $0xFFFFF380  }
0x42: {  	[spmem:s4] =	stream.indirect.scatter.add.f32 [tilespmem:s16], [sflag:$0x4], $0x80, s31, s19, $0xb8;
	[tilespmem:$0x1D080] =	vst v63  }
0x43: {  	s3 =	simm.s32 $0x1080  }
0x44: {  	[spmem:s4] =	stream.indirect.scatter.add.f32 [tilespmem:s16], [sflag:$0x4], $0x80, s3, s19, $0xb8;
	[tilespmem:$0x1D080] =	vst v63  }
0x45: {  	s12 =	simm.s32 $0x1100  }
0x46: {  	[spmem:s4] =	stream.indirect.scatter.add.f32 [tilespmem:s16], [sflag:$0x4], $0x80, s12, s19, $0xb8;
	[tilespmem:$0x1D080] =	vst v63  }
0x47: {  	s31 =	simm.s32 $0x1180  }
0x48: {  	[spmem:s4] =	stream.indirect.scatter.add.f32 [tilespmem:s16], [sflag:$0x4], $0x80, s31, s19, $0xb8;
	[tilespmem:$0x1D080] =	vst v63  }
0x49: {  	s2 =	simm.s32 $0x1200  }
0x4a: {  	[spmem:s4] =	stream.indirect.scatter.add.f32 [tilespmem:s16], [sflag:$0x4], $0x80, s2, s19, $0xb8;
	[tilespmem:$0x1D080] =	vst v63  }
0x4b: {  	s3 =	simm.s32 $0x1280  }
0x4c: {  	[spmem:s4] =	stream.indirect.scatter.add.f32 [tilespmem:s16], [sflag:$0x4], $0x80, s3, s19, $0xb8;
	[tilespmem:$0x1D080] =	vst v63  }
0x4d: {  	s12 =	simm.s32 $0x1300  }
0x4e: {  	[spmem:s4] =	stream.indirect.scatter.add.f32 [tilespmem:s16], [sflag:$0x4], $0x80, s12, s19, $0xb8;
	[tilespmem:$0x1D080] =	vst v63  }
0x4f: {  	s31 =	simm.s32 $0x1380  }
0x50: {  	[spmem:s4] =	stream.indirect.scatter.add.f32 [tilespmem:s16], [sflag:$0x4], $0x80, s31, s19, $0xb8;
	[tilespmem:$0x1D080] =	vst v63  }
0x51: {  	_ =	swait.ge [sflag:s28], $0x2800  }
0x52: {  	[sflag:s28] =	ssyncset.done $0x0  }
0x53: {  	s2 =	simm.s32 $0x1400;
	[sflag:s28] =	ssyncadd.s32 $0xFFFFD800  }
0x54: {  	[spmem:s4] =	stream.indirect.scatter.add.f32 [tilespmem:s16], [sflag:$0x4], $0x80, s2, s19, $0xb8;
	[tilespmem:$0x1D080] =	vst v63  }
0x55: {  	_ =	swait.ge [sflag:s28], $0x2800  }
0x56: {  	[sflag:s28] =	ssyncset.done $0x0  }
0x57: {  	s3 =	simm.s32 $0x1480;
	[sflag:s28] =	ssyncadd.s32 $0xFFFFD800  }
0x58: {  	[spmem:s4] =	stream.indirect.scatter.add.f32 [tilespmem:s16], [sflag:$0x4], $0x80, s3, s19, $0xb8;
	[tilespmem:$0x1D080] =	vst v63  }
0x59: {  	_ =	swait.ge [sflag:s28], $0x2800  }
0x5a: {  	[sflag:s28] =	ssyncset.done $0x0  }
0x5b: {  	s12 =	simm.s32 $0x1500;
	[sflag:s28] =	ssyncadd.s32 $0xFFFFD800  }
0x5c: {  	[spmem:s4] =	stream.indirect.scatter.add.f32 [tilespmem:s16], [sflag:$0x4], $0x80, s12, s19, $0xb8;
	[tilespmem:$0x1D080] =	vst v63  }
0x5d: {  	_ =	swait.ge [sflag:s28], $0x2800  }
0x5e: {  	[sflag:s28] =	ssyncset.done $0x0  }
0x5f: {  	s31 =	simm.s32 $0x1580;
	[sflag:s28] =	ssyncadd.s32 $0xFFFFD800  }
0x60: {  	[spmem:s4] =	stream.indirect.scatter.add.f32 [tilespmem:s16], [sflag:$0x4], $0x80, s31, s19, $0xb8;
	[tilespmem:$0x1D080] =	vst v63  }
0x61: {  	_ =	swait.ge [sflag:s28], $0x2800  }
0x62: {  	[sflag:s28] =	ssyncset.done $0x0  }
0x63: {  	[sflag:s28] =	ssyncadd.s32 $0xFFFFD800  }
0x64: {  	[spmem:s4] =	stream.indirect.scatter.add.f32 [tilespmem:s16], [sflag:$0x4], $0x80, s5, s19, $0xb8;
	[tilespmem:$0x1D080] =	vst v63  }
0x65: {  	_ =	swait.ge [sflag:s28], $0x2800  }
0x66: {  	[sflag:s28] =	ssyncset.done $0x0  }
0x67: {  	[sflag:s28] =	ssyncadd.s32 $0xFFFFD800  }
0x68: {  	[spmem:s4] =	stream.indirect.scatter.add.f32 [tilespmem:s16], [sflag:$0x4], $0x80, s18, s19, $0xb8;
	[tilespmem:$0x1D080] =	vst v63  }
0x69: {  	_ =	swait.ge [sflag:s28], $0x2800  }
0x6a: {  	[sflag:s28] =	ssyncset.done $0x0  }
0x6b: {  	[sflag:s28] =	ssyncadd.s32 $0xFFFFD800  }
0x6c: {  	[spmem:s4] =	stream.indirect.scatter.add.f32 [tilespmem:s16], [sflag:$0x4], $0x80, s7, s19, $0xb8;
	[tilespmem:$0x1D080] =	vst v63  }
0x6d: {  	_ =	swait.ge [sflag:s28], $0x2800  }
0x6e: {  	[sflag:s28] =	ssyncset.done $0x0  }
0x6f: {  	[sflag:s28] =	ssyncadd.s32 $0xFFFFD800  }
0x70: {  	[spmem:s4] =	stream.indirect.scatter.add.f32 [tilespmem:s16], [sflag:$0x4], $0x80, s9, s19, $0xb8;
	[tilespmem:$0x1D080] =	vst v63  }
0x71: {  	_ =	swait.ge [sflag:s28], $0x2800  }
0x72: {  	[sflag:s28] =	ssyncset.done $0x0  }
0x73: {  	[sflag:s28] =	ssyncadd.s32 $0xFFFFD800  }
0x74: {  	[spmem:s4] =	stream.indirect.scatter.add.f32 [tilespmem:s16], [sflag:$0x4], $0x80, s10, s19, $0xb8;
	[tilespmem:$0x1D080] =	vst v63  }
0x75: {  	_ =	swait.ge [sflag:s28], $0x2800  }
0x76: {  	[sflag:s28] =	ssyncset.done $0x0  }
0x77: {  	[sflag:s28] =	ssyncadd.s32 $0xFFFFD800  }
0x78: {  	[spmem:s4] =	stream.indirect.scatter.add.f32 [tilespmem:s16], [sflag:$0x4], $0x80, s11, s19, $0xb8;
	[tilespmem:$0x1D080] =	vst v63  }
0x79: {  	_ =	swait.ge [sflag:s28], $0x2800  }
0x7a: {  	[sflag:s28] =	ssyncset.done $0x0  }
0x7b: {  	[sflag:s28] =	ssyncadd.s32 $0xFFFFD800  }
0x7c: {  	[spmem:s4] =	stream.indirect.scatter.add.f32 [tilespmem:s16], [sflag:$0x4], $0x80, s6, s19, $0xb8;
	[tilespmem:$0x1D080] =	vst v63  }
0x7d: {  	_ =	swait.ge [sflag:s28], $0x2800  }
0x7e: {  	[sflag:s28] =	ssyncset.done $0x0  }
0x7f: {  	[sflag:s28] =	ssyncadd.s32 $0xFFFFD800  }
0x80: {  	[spmem:s4] =	stream.indirect.scatter.add.f32 [tilespmem:s16], [sflag:$0x4], $0x80, s13, s19, $0xb8;
	[tilespmem:$0x1D080] =	vst v63  }
0x81: {  	_ =	swait.ge [sflag:s28], $0x2800  }
0x82: {  	[sflag:s28] =	ssyncset.done $0x0  }
0x83: {  	[sflag:s28] =	ssyncadd.s32 $0xFFFFD800  }
0x84: {  	[spmem:s4] =	stream.indirect.scatter.add.f32 [tilespmem:s16], [sflag:$0x4], $0x80, s14, s19, $0xb8;
	[tilespmem:$0x1D080] =	vst v63  }
0x85: {  	_ =	swait.ge [sflag:s28], $0x2800  }
0x86: {  	[sflag:s28] =	ssyncset.done $0x0  }
0x87: {  	[sflag:s28] =	ssyncadd.s32 $0xFFFFD800  }
0x88: {  	[spmem:s4] =	stream.indirect.scatter.add.f32 [tilespmem:s16], [sflag:$0x4], $0x80, s15, s19, $0xb8;
	[tilespmem:$0x1D080] =	vst v63  }
0x89: {  	_ =	swait.ge [sflag:s28], $0x2800  }
0x8a: {  	[sflag:s28] =	ssyncset.done $0x0  }
0x8b: {  	[sflag:s28] =	ssyncadd.s32 $0xFFFFD800  }
0x8c: {  	[spmem:s4] =	stream.indirect.scatter.add.f32 [tilespmem:s16], [sflag:$0x4], $0x80, s8, s19, $0xb8;
	[tilespmem:$0x1D080] =	vst v63  }
0x8d: {  	_ =	swait.ge [sflag:s28], $0x2800  }
0x8e: {  	[sflag:s28] =	ssyncset.done $0x0  }
0x8f: {  	[sflag:s28] =	ssyncadd.s32 $0xFFFFD800  }
0x90: {  	[spmem:s4] =	stream.indirect.scatter.add.f32 [tilespmem:s16], [sflag:$0x4], $0x80, s20, s19, $0xb8;
	[tilespmem:$0x1D080] =	vst v63  }
0x91: {  	_ =	swait.ge [sflag:s28], $0x2800  }
0x92: {  	[sflag:s28] =	ssyncset.done $0x0  }
0x93: {  	[sflag:s28] =	ssyncadd.s32 $0xFFFFD800  }
0x94: {  	[spmem:s4] =	stream.indirect.scatter.add.f32 [tilespmem:s16], [sflag:$0x4], $0x80, s21, s19, $0xb8;
	[tilespmem:$0x1D080] =	vst v63  }
0x95: {  	_ =	swait.ge [sflag:s28], $0x2800  }
0x96: {  	[sflag:s28] =	ssyncset.done $0x0  }
0x97: {  	[sflag:s28] =	ssyncadd.s32 $0xFFFFD800  }
0x98: {  	_ =	swait.ge [sflag:s28], $0x2800  }
0x99: {  	[sflag:s28] =	ssyncset.done $0x0  }
0x9a: {  	[sflag:s28] =	ssyncadd.s32 $0xFFFFD800  }
0x9b: {  	_ =	swait.ge [sflag:s28], $0x2800  }
0x9c: {  	[sflag:s28] =	ssyncset.done $0x0  }
0x9d: {  	[sflag:s28] =	ssyncadd.s32 $0xFFFFD800  }
0x9e: {  	_ =	swait.ge [sflag:s28], $0x2800  }
0x9f: {  	[sflag:s28] =	ssyncset.done $0x0  }
0xa0: {  	[sflag:s28] =	ssyncadd.s32 $0xFFFFD800  }
0xa1: {  	_ =	swait.ge [sflag:s28], $0x2800  }
0xa2: {  	[sflag:s28] =	ssyncset.done $0x0  }
0xa3: {  	[sflag:s28] =	ssyncadd.s32 $0xFFFFD800  }
0xa4: {  	_ =	swait.ge [sflag:s28], $0x2800  }
0xa5: {  	[sflag:s28] =	ssyncset.done $0x0  }
0xa6: {  	[sflag:s28] =	ssyncadd.s32 $0xFFFFD800  }
0xa7: {  	_ =	swait.ge [sflag:s28], $0x2800  }
0xa8: {  	[sflag:s28] =	ssyncset.done $0x0  }
0xa9: {  	[sflag:s28] =	ssyncadd.s32 $0xFFFFD800  }
0xaa: {  	_ =	swait.ge [sflag:s28], $0x2800  }
0xab: {  	s0 =	simm.s32 $0x400;
	s2 =	simm.s32 $0x200;
	[sflag:s28] =	ssyncset.done $0x0  }
.LBB2_2:
0xac: {  	s3 =	rddreg [dreg:$0x1e];
	[sflag:s28] =	ssyncadd.s32 $0xFFFFD800  }
0xad: {  	s12 =	simm.s32 $0x1000;
	s7 =	simm.s32 $0x0;
	s3 =	sadd.s32 s2, s3  }
0xae: {  	[tilespmem:s12], [sflag:$0x7] =	stream.linear.gather [hbm4b:s3+s7], $0xC80, $0x38;
	[tilespmem:$0x1D080] =	vst v63  }
0xaf: {  	_ =	swait.ge [sflag:s17], $0xC80  }
0xb0: {  	[sflag:s17] =	ssyncset.done $0x0  }
0xb1: {  	[sflag:s17] =	ssyncadd.s32 $0xFFFFF380  }
0xb2: {  	[spmem:s4] =	stream.indirect.scatter.add.f32 [tilespmem:s16], [sflag:$0x4], $0x80, s12, s19, $0xb8;
	[tilespmem:$0x1D080] =	vst v63  }
0xb3: {  	s3 =	simm.s32 $0x1080  }
0xb4: {  	[spmem:s4] =	stream.indirect.scatter.add.f32 [tilespmem:s16], [sflag:$0x4], $0x80, s3, s19, $0xb8;
	[tilespmem:$0x1D080] =	vst v63  }
0xb5: {  	s7 =	simm.s32 $0x1100  }
0xb6: {  	[spmem:s4] =	stream.indirect.scatter.add.f32 [tilespmem:s16], [sflag:$0x4], $0x80, s7, s19, $0xb8;
	[tilespmem:$0x1D080] =	vst v63  }
0xb7: {  	s12 =	simm.s32 $0x1180  }
0xb8: {  	[spmem:s4] =	stream.indirect.scatter.add.f32 [tilespmem:s16], [sflag:$0x4], $0x80, s12, s19, $0xb8;
	[tilespmem:$0x1D080] =	vst v63  }
0xb9: {  	s3 =	simm.s32 $0x1200  }
0xba: {  	[spmem:s4] =	stream.indirect.scatter.add.f32 [tilespmem:s16], [sflag:$0x4], $0x80, s3, s19, $0xb8;
	[tilespmem:$0x1D080] =	vst v63  }
0xbb: {  	s7 =	simm.s32 $0x1280  }
0xbc: {  	[spmem:s4] =	stream.indirect.scatter.add.f32 [tilespmem:s16], [sflag:$0x4], $0x80, s7, s19, $0xb8;
	[tilespmem:$0x1D080] =	vst v63  }
0xbd: {  	s12 =	simm.s32 $0x1300  }
0xbe: {  	[spmem:s4] =	stream.indirect.scatter.add.f32 [tilespmem:s16], [sflag:$0x4], $0x80, s12, s19, $0xb8;
	[tilespmem:$0x1D080] =	vst v63  }
0xbf: {  	s3 =	simm.s32 $0x1380  }
0xc0: {  	[spmem:s4] =	stream.indirect.scatter.add.f32 [tilespmem:s16], [sflag:$0x4], $0x80, s3, s19, $0xb8;
	[tilespmem:$0x1D080] =	vst v63  }
0xc1: {  	_ =	swait.ge [sflag:s28], $0x2800  }
0xc2: {  	[sflag:s28] =	ssyncset.done $0x0  }
0xc3: {  	s7 =	simm.s32 $0x1400;
	[sflag:s28] =	ssyncadd.s32 $0xFFFFD800  }
0xc4: {  	[spmem:s4] =	stream.indirect.scatter.add.f32 [tilespmem:s16], [sflag:$0x4], $0x80, s7, s19, $0xb8;
	[tilespmem:$0x1D080] =	vst v63  }
0xc5: {  	_ =	swait.ge [sflag:s28], $0x2800  }
0xc6: {  	[sflag:s28] =	ssyncset.done $0x0  }
0xc7: {  	s12 =	simm.s32 $0x1480;
	[sflag:s28] =	ssyncadd.s32 $0xFFFFD800  }
0xc8: {  	[spmem:s4] =	stream.indirect.scatter.add.f32 [tilespmem:s16], [sflag:$0x4], $0x80, s12, s19, $0xb8;
	[tilespmem:$0x1D080] =	vst v63  }
0xc9: {  	_ =	swait.ge [sflag:s28], $0x2800  }
0xca: {  	[sflag:s28] =	ssyncset.done $0x0  }
0xcb: {  	s3 =	simm.s32 $0x1500;
	[sflag:s28] =	ssyncadd.s32 $0xFFFFD800  }
0xcc: {  	[spmem:s4] =	stream.indirect.scatter.add.f32 [tilespmem:s16], [sflag:$0x4], $0x80, s3, s19, $0xb8;
	[tilespmem:$0x1D080] =	vst v63  }
0xcd: {  	_ =	swait.ge [sflag:s28], $0x2800  }
0xce: {  	[sflag:s28] =	ssyncset.done $0x0  }
0xcf: {  	s7 =	simm.s32 $0x1580;
	[sflag:s28] =	ssyncadd.s32 $0xFFFFD800  }
0xd0: {  	[spmem:s4] =	stream.indirect.scatter.add.f32 [tilespmem:s16], [sflag:$0x4], $0x80, s7, s19, $0xb8;
	[tilespmem:$0x1D080] =	vst v63  }
0xd1: {  	_ =	swait.ge [sflag:s28], $0x2800  }
0xd2: {  	[sflag:s28] =	ssyncset.done $0x0  }
0xd3: {  	[sflag:s28] =	ssyncadd.s32 $0xFFFFD800  }
0xd4: {  	[spmem:s4] =	stream.indirect.scatter.add.f32 [tilespmem:s16], [sflag:$0x4], $0x80, s5, s19, $0xb8;
	[tilespmem:$0x1D080] =	vst v63  }
0xd5: {  	_ =	swait.ge [sflag:s28], $0x2800  }
0xd6: {  	[sflag:s28] =	ssyncset.done $0x0  }
0xd7: {  	[sflag:s28] =	ssyncadd.s32 $0xFFFFD800  }
0xd8: {  	[spmem:s4] =	stream.indirect.scatter.add.f32 [tilespmem:s16], [sflag:$0x4], $0x80, s18, s19, $0xb8;
	[tilespmem:$0x1D080] =	vst v63  }
0xd9: {  	_ =	swait.ge [sflag:s28], $0x2800  }
0xda: {  	[sflag:s28] =	ssyncset.done $0x0  }
0xdb: {  	s12 =	simm.s32 $0x1700;
	[sflag:s28] =	ssyncadd.s32 $0xFFFFD800  }
0xdc: {  	[spmem:s4] =	stream.indirect.scatter.add.f32 [tilespmem:s16], [sflag:$0x4], $0x80, s12, s19, $0xb8;
	[tilespmem:$0x1D080] =	vst v63  }
0xdd: {  	_ =	swait.ge [sflag:s28], $0x2800  }
0xde: {  	[sflag:s28] =	ssyncset.done $0x0  }
0xdf: {  	[sflag:s28] =	ssyncadd.s32 $0xFFFFD800  }
0xe0: {  	[spmem:s4] =	stream.indirect.scatter.add.f32 [tilespmem:s16], [sflag:$0x4], $0x80, s9, s19, $0xb8;
	[tilespmem:$0x1D080] =	vst v63  }
0xe1: {  	_ =	swait.ge [sflag:s28], $0x2800  }
0xe2: {  	[sflag:s28] =	ssyncset.done $0x0  }
0xe3: {  	[sflag:s28] =	ssyncadd.s32 $0xFFFFD800  }
0xe4: {  	[spmem:s4] =	stream.indirect.scatter.add.f32 [tilespmem:s16], [sflag:$0x4], $0x80, s10, s19, $0xb8;
	[tilespmem:$0x1D080] =	vst v63  }
0xe5: {  	_ =	swait.ge [sflag:s28], $0x2800  }
0xe6: {  	[sflag:s28] =	ssyncset.done $0x0  }
0xe7: {  	[sflag:s28] =	ssyncadd.s32 $0xFFFFD800  }
0xe8: {  	[spmem:s4] =	stream.indirect.scatter.add.f32 [tilespmem:s16], [sflag:$0x4], $0x80, s11, s19, $0xb8;
	[tilespmem:$0x1D080] =	vst v63  }
0xe9: {  	_ =	swait.ge [sflag:s28], $0x2800  }
0xea: {  	[sflag:s28] =	ssyncset.done $0x0  }
0xeb: {  	[sflag:s28] =	ssyncadd.s32 $0xFFFFD800  }
0xec: {  	[spmem:s4] =	stream.indirect.scatter.add.f32 [tilespmem:s16], [sflag:$0x4], $0x80, s6, s19, $0xb8;
	[tilespmem:$0x1D080] =	vst v63  }
0xed: {  	_ =	swait.ge [sflag:s28], $0x2800  }
0xee: {  	[sflag:s28] =	ssyncset.done $0x0  }
0xef: {  	[sflag:s28] =	ssyncadd.s32 $0xFFFFD800  }
0xf0: {  	[spmem:s4] =	stream.indirect.scatter.add.f32 [tilespmem:s16], [sflag:$0x4], $0x80, s13, s19, $0xb8;
	[tilespmem:$0x1D080] =	vst v63  }
0xf1: {  	_ =	swait.ge [sflag:s28], $0x2800  }
0xf2: {  	[sflag:s28] =	ssyncset.done $0x0  }
0xf3: {  	[sflag:s28] =	ssyncadd.s32 $0xFFFFD800  }
0xf4: {  	[spmem:s4] =	stream.indirect.scatter.add.f32 [tilespmem:s16], [sflag:$0x4], $0x80, s14, s19, $0xb8;
	[tilespmem:$0x1D080] =	vst v63  }
0xf5: {  	_ =	swait.ge [sflag:s28], $0x2800  }
0xf6: {  	[sflag:s28] =	ssyncset.done $0x0  }
0xf7: {  	[sflag:s28] =	ssyncadd.s32 $0xFFFFD800  }
0xf8: {  	[spmem:s4] =	stream.indirect.scatter.add.f32 [tilespmem:s16], [sflag:$0x4], $0x80, s15, s19, $0xb8;
	[tilespmem:$0x1D080] =	vst v63  }
0xf9: {  	_ =	swait.ge [sflag:s28], $0x2800  }
0xfa: {  	[sflag:s28] =	ssyncset.done $0x0  }
0xfb: {  	[sflag:s28] =	ssyncadd.s32 $0xFFFFD800  }
0xfc: {  	[spmem:s4] =	stream.indirect.scatter.add.f32 [tilespmem:s16], [sflag:$0x4], $0x80, s8, s19, $0xb8;
	[tilespmem:$0x1D080] =	vst v63  }
0xfd: {  	_ =	swait.ge [sflag:s28], $0x2800  }
0xfe: {  	[sflag:s28] =	ssyncset.done $0x0  }
0xff: {  	[sflag:s28] =	ssyncadd.s32 $0xFFFFD800  }
0x100: {  	[spmem:s4] =	stream.indirect.scatter.add.f32 [tilespmem:s16], [sflag:$0x4], $0x80, s20, s19, $0xb8;
	[tilespmem:$0x1D080] =	vst v63  }
0x101: {  	_ =	swait.ge [sflag:s28], $0x2800  }
0x102: {  	[sflag:s28] =	ssyncset.done $0x0  }
0x103: {  	[sflag:s28] =	ssyncadd.s32 $0xFFFFD800  }
0x104: {  	[spmem:s4] =	stream.indirect.scatter.add.f32 [tilespmem:s16], [sflag:$0x4], $0x80, s21, s19, $0xb8;
	[tilespmem:$0x1D080] =	vst v63  }
0x105: {  	_ =	swait.ge [sflag:s28], $0x2800  }
0x106: {  	[sflag:s28] =	ssyncset.done $0x0  }
0x107: {  	[sflag:s28] =	ssyncadd.s32 $0xFFFFD800  }
0x108: {  	_ =	swait.ge [sflag:s28], $0x2800  }
0x109: {  	[sflag:s28] =	ssyncset.done $0x0  }
0x10a: {  	[sflag:s28] =	ssyncadd.s32 $0xFFFFD800  }
0x10b: {  	_ =	swait.ge [sflag:s28], $0x2800  }
0x10c: {  	[sflag:s28] =	ssyncset.done $0x0  }
0x10d: {  	[sflag:s28] =	ssyncadd.s32 $0xFFFFD800  }
0x10e: {  	_ =	swait.ge [sflag:s28], $0x2800  }
0x10f: {  	[sflag:s28] =	ssyncset.done $0x0  }
0x110: {  	[sflag:s28] =	ssyncadd.s32 $0xFFFFD800  }
0x111: {  	_ =	swait.ge [sflag:s28], $0x2800  }
0x112: {  	[sflag:s28] =	ssyncset.done $0x0  }
0x113: {  	[sflag:s28] =	ssyncadd.s32 $0xFFFFD800  }
0x114: {  	_ =	swait.ge [sflag:s28], $0x2800  }
0x115: {  	[sflag:s28] =	ssyncset.done $0x0  }
0x116: {  	p1 =	sne.s32 s0, $0x800;
	[sflag:s28] =	ssyncadd.s32 $0xFFFFD800  }
.Ltmp0:
0x117: {  	_ =	swait.ge [sflag:s28], $0x2800;
	(pc) =	sbr.rel @p1 .LBB2_2-.Ltmp0, $4  }
0x118: {  	[sflag:s28] =	ssyncset.done $0x0  }
0x119: {  	[sflag:s28] =	ssyncadd.s32 $0xFFFFD800  }
0x11a: {  	s31 =	sadd.s32 $0x200, s0;
	_ =	swait.ge [sflag:s28], $0x2800  }
0x11b: {  	s2 =	smov.u32 s0;
	s0 =	smov.u32 s31;
	[sflag:s28] =	ssyncset.done $0x0  }
0x11c: {  	s6 =	rddreg [dreg:$0x1e];
	[sflag:s28] =	ssyncadd.s32 $0xFFFFD800  }
0x11d: {  	s5 =	simm.s32 $0x0;
	s7 =	simm.s32 $0x1000;
	s0 =	sadd.s32 s2, s6  }
0x11e: {  	[tilespmem:s7], [sflag:$0x7] =	stream.linear.gather [hbm4b:s0+s5], $0xC80, $0x38;
	[tilespmem:$0x1D080] =	vst v63  }
0x11f: {  	_ =	swait.ge [sflag:s17], $0xC80  }
0x120: {  	[sflag:s17] =	ssyncset.done $0x0  }
0x121: {  	[sflag:s17] =	ssyncadd.s32 $0xFFFFF380  }
0x122: {  	[spmem:s4] =	stream.indirect.scatter.add.f32 [tilespmem:s16], [sflag:$0x4], $0x80, s7, s19, $0xb8;
	[tilespmem:$0x1D080] =	vst v63  }
0x123: {  	s31 =	simm.s32 $0x1080  }
0x124: {  	[spmem:s4] =	stream.indirect.scatter.add.f32 [tilespmem:s16], [sflag:$0x4], $0x80, s31, s19, $0xb8;
	[tilespmem:$0x1D080] =	vst v63  }
0x125: {  	s9 =	simm.s32 $0x1100  }
0x126: {  	[spmem:s4] =	stream.indirect.scatter.add.f32 [tilespmem:s16], [sflag:$0x4], $0x80, s9, s19, $0xb8;
	[tilespmem:$0x1D080] =	vst v63  }
0x127: {  	s10 =	simm.s32 $0x1180  }
0x128: {  	[spmem:s4] =	stream.indirect.scatter.add.f32 [tilespmem:s16], [sflag:$0x4], $0x80, s10, s19, $0xb8;
	[tilespmem:$0x1D080] =	vst v63  }
0x129: {  	s12 =	simm.s32 $0x1200  }
0x12a: {  	[spmem:s4] =	stream.indirect.scatter.add.f32 [tilespmem:s16], [sflag:$0x4], $0x80, s12, s19, $0xb8;
	[tilespmem:$0x1D080] =	vst v63  }
0x12b: {  	s13 =	simm.s32 $0x1280  }
0x12c: {  	[spmem:s4] =	stream.indirect.scatter.add.f32 [tilespmem:s16], [sflag:$0x4], $0x80, s13, s19, $0xb8;
	[tilespmem:$0x1D080] =	vst v63  }
0x12d: {  	s15 =	simm.s32 $0x1300  }
0x12e: {  	[spmem:s4] =	stream.indirect.scatter.add.f32 [tilespmem:s16], [sflag:$0x4], $0x80, s15, s19, $0xb8;
	[tilespmem:$0x1D080] =	vst v63  }
0x12f: {  	s18 =	simm.s32 $0x1380  }
0x130: {  	[spmem:s4] =	stream.indirect.scatter.add.f32 [tilespmem:s16], [sflag:$0x4], $0x80, s18, s19, $0xb8;
	[tilespmem:$0x1D080] =	vst v63  }
0x131: {  	_ =	swait.ge [sflag:s28], $0x2800  }
0x132: {  	[sflag:s28] =	ssyncset.done $0x0  }
0x133: {  	s2 =	simm.s32 $0x1400;
	[sflag:s28] =	ssyncadd.s32 $0xFFFFD800  }
0x134: {  	[spmem:s4] =	stream.indirect.scatter.add.f32 [tilespmem:s16], [sflag:$0x4], $0x80, s2, s19, $0xb8;
	[tilespmem:$0x1D080] =	vst v63  }
0x135: {  	_ =	swait.ge [sflag:s28], $0x2800  }
0x136: {  	[sflag:s28] =	ssyncset.done $0x0  }
0x137: {  	s3 =	simm.s32 $0x1480;
	[sflag:s28] =	ssyncadd.s32 $0xFFFFD800  }
0x138: {  	[spmem:s4] =	stream.indirect.scatter.add.f32 [tilespmem:s16], [sflag:$0x4], $0x80, s3, s19, $0xb8;
	[tilespmem:$0x1D080] =	vst v63  }
0x139: {  	_ =	swait.ge [sflag:s28], $0x2800  }
0x13a: {  	[sflag:s28] =	ssyncset.done $0x0  }
0x13b: {  	s18 =	simm.s32 $0x1500;
	[sflag:s28] =	ssyncadd.s32 $0xFFFFD800  }
0x13c: {  	[spmem:s4] =	stream.indirect.scatter.add.f32 [tilespmem:s16], [sflag:$0x4], $0x80, s18, s19, $0xb8;
	[tilespmem:$0x1D080] =	vst v63  }
0x13d: {  	_ =	swait.ge [sflag:s28], $0x2800  }
0x13e: {  	[sflag:s28] =	ssyncset.done $0x0  }
0x13f: {  	s10 =	simm.s32 $0x1580;
	[sflag:s28] =	ssyncadd.s32 $0xFFFFD800  }
0x140: {  	[spmem:s4] =	stream.indirect.scatter.add.f32 [tilespmem:s16], [sflag:$0x4], $0x80, s10, s19, $0xb8;
	[tilespmem:$0x1D080] =	vst v63  }
0x141: {  	_ =	swait.ge [sflag:s28], $0x2800  }
0x142: {  	[sflag:s28] =	ssyncset.done $0x0  }
0x143: {  	s9 =	simm.s32 $0x1600;
	[sflag:s28] =	ssyncadd.s32 $0xFFFFD800  }
0x144: {  	[spmem:s4] =	stream.indirect.scatter.add.f32 [tilespmem:s16], [sflag:$0x4], $0x80, s9, s19, $0xb8;
	[tilespmem:$0x1D080] =	vst v63  }
0x145: {  	_ =	swait.ge [sflag:s28], $0x2800  }
0x146: {  	[sflag:s28] =	ssyncset.done $0x0  }
0x147: {  	s12 =	simm.s32 $0x1680;
	[sflag:s28] =	ssyncadd.s32 $0xFFFFD800  }
0x148: {  	[spmem:s4] =	stream.indirect.scatter.add.f32 [tilespmem:s16], [sflag:$0x4], $0x80, s12, s19, $0xb8;
	[tilespmem:$0x1D080] =	vst v63  }
0x149: {  	_ =	swait.ge [sflag:s28], $0x2800  }
0x14a: {  	[sflag:s28] =	ssyncset.done $0x0  }
0x14b: {  	s8 =	simm.s32 $0x1700;
	[sflag:s28] =	ssyncadd.s32 $0xFFFFD800  }
0x14c: {  	[spmem:s4] =	stream.indirect.scatter.add.f32 [tilespmem:s16], [sflag:$0x4], $0x80, s8, s19, $0xb8;
	[tilespmem:$0x1D080] =	vst v63  }
0x14d: {  	_ =	swait.ge [sflag:s28], $0x2800  }
0x14e: {  	[sflag:s28] =	ssyncset.done $0x0  }
0x14f: {  	s8 =	simm.s32 $0x1780;
	[sflag:s28] =	ssyncadd.s32 $0xFFFFD800  }
0x150: {  	[spmem:s4] =	stream.indirect.scatter.add.f32 [tilespmem:s16], [sflag:$0x4], $0x80, s8, s19, $0xb8;
	[tilespmem:$0x1D080] =	vst v63  }
0x151: {  	_ =	swait.ge [sflag:s28], $0x2800  }
0x152: {  	[sflag:s28] =	ssyncset.done $0x0  }
0x153: {  	s13 =	simm.s32 $0x1800;
	[sflag:s28] =	ssyncadd.s32 $0xFFFFD800  }
0x154: {  	[spmem:s4] =	stream.indirect.scatter.add.f32 [tilespmem:s16], [sflag:$0x4], $0x80, s13, s19, $0xb8;
	[tilespmem:$0x1D080] =	vst v63  }
0x155: {  	_ =	swait.ge [sflag:s28], $0x2800  }
0x156: {  	[sflag:s28] =	ssyncset.done $0x0  }
0x157: {  	s15 =	simm.s32 $0x1880;
	[sflag:s28] =	ssyncadd.s32 $0xFFFFD800  }
0x158: {  	[spmem:s4] =	stream.indirect.scatter.add.f32 [tilespmem:s16], [sflag:$0x4], $0x80, s15, s19, $0xb8;
	[tilespmem:$0x1D080] =	vst v63  }
0x159: {  	_ =	swait.ge [sflag:s28], $0x2800  }
0x15a: {  	[sflag:s28] =	ssyncset.done $0x0  }
0x15b: {  	s13 =	simm.s32 $0x1900;
	[sflag:s28] =	ssyncadd.s32 $0xFFFFD800  }
0x15c: {  	[spmem:s4] =	stream.indirect.scatter.add.f32 [tilespmem:s16], [sflag:$0x4], $0x80, s13, s19, $0xb8;
	[tilespmem:$0x1D080] =	vst v63  }
0x15d: {  	_ =	swait.ge [sflag:s28], $0x2800  }
0x15e: {  	[sflag:s28] =	ssyncset.done $0x0  }
0x15f: {  	s2 =	simm.s32 $0x1980;
	[sflag:s28] =	ssyncadd.s32 $0xFFFFD800  }
0x160: {  	[spmem:s4] =	stream.indirect.scatter.add.f32 [tilespmem:s16], [sflag:$0x4], $0x80, s2, s19, $0xb8;
	[tilespmem:$0x1D080] =	vst v63  }
0x161: {  	_ =	swait.ge [sflag:s28], $0x2800  }
0x162: {  	[sflag:s28] =	ssyncset.done $0x0  }
0x163: {  	s15 =	simm.s32 $0x1A00;
	[sflag:s28] =	ssyncadd.s32 $0xFFFFD800  }
0x164: {  	[spmem:s4] =	stream.indirect.scatter.add.f32 [tilespmem:s16], [sflag:$0x4], $0x80, s15, s19, $0xb8;
	[tilespmem:$0x1D080] =	vst v63  }
0x165: {  	_ =	swait.ge [sflag:s28], $0x2800  }
0x166: {  	[sflag:s28] =	ssyncset.done $0x0  }
0x167: {  	s3 =	simm.s32 $0x1A80;
	[sflag:s28] =	ssyncadd.s32 $0xFFFFD800  }
0x168: {  	[spmem:s4] =	stream.indirect.scatter.add.f32 [tilespmem:s16], [sflag:$0x4], $0x80, s3, s19, $0xb8;
	[tilespmem:$0x1D080] =	vst v63  }
0x169: {  	_ =	swait.ge [sflag:s28], $0x2800  }
0x16a: {  	[sflag:s28] =	ssyncset.done $0x0  }
0x16b: {  	s2 =	simm.s32 $0x1B00;
	[sflag:s28] =	ssyncadd.s32 $0xFFFFD800  }
0x16c: {  	[spmem:s4] =	stream.indirect.scatter.add.f32 [tilespmem:s16], [sflag:$0x4], $0x80, s2, s19, $0xb8;
	[tilespmem:$0x1D080] =	vst v63  }
0x16d: {  	_ =	swait.ge [sflag:s28], $0x2800  }
0x16e: {  	[sflag:s28] =	ssyncset.done $0x0  }
0x16f: {  	s3 =	simm.s32 $0x1B80;
	[sflag:s28] =	ssyncadd.s32 $0xFFFFD800  }
0x170: {  	[spmem:s4] =	stream.indirect.scatter.add.f32 [tilespmem:s16], [sflag:$0x4], $0x80, s3, s19, $0xb8;
	[tilespmem:$0x1D080] =	vst v63  }
0x171: {  	_ =	swait.ge [sflag:s28], $0x2800  }
0x172: {  	[sflag:s28] =	ssyncset.done $0x0  }
0x173: {  	s2 =	simm.s32 $0x1C00;
	[sflag:s28] =	ssyncadd.s32 $0xFFFFD800  }
0x174: {  	[spmem:s4] =	stream.indirect.scatter.add.f32 [tilespmem:s16], [sflag:$0x4], $0x80, s2, s19, $0xb8;
	[tilespmem:$0x1D080] =	vst v63  }
0x175: {  	_ =	swait.ge [sflag:s28], $0x2800  }
0x176: {  	[sflag:s28] =	ssyncset.done $0x0  }
0x177: {  	[sflag:s28] =	ssyncadd.s32 $0xFFFFD800  }
0x178: {  	_ =	swait.ge [sflag:s28], $0x2800  }
0x179: {  	[sflag:s28] =	ssyncset.done $0x0  }
0x17a: {  	[sflag:s28] =	ssyncadd.s32 $0xFFFFD800  }
0x17b: {  	_ =	swait.ge [sflag:s28], $0x2800  }
0x17c: {  	[sflag:s28] =	ssyncset.done $0x0  }
0x17d: {  	[sflag:s28] =	ssyncadd.s32 $0xFFFFD800  }
0x17e: {  	_ =	swait.ge [sflag:s28], $0x2800  }
0x17f: {  	[sflag:s28] =	ssyncset.done $0x0  }
0x180: {  	[sflag:s28] =	ssyncadd.s32 $0xFFFFD800  }
0x181: {  	_ =	swait.ge [sflag:s28], $0x2800  }
0x182: {  	[sflag:s28] =	ssyncset.done $0x0  }
0x183: {  	[sflag:s28] =	ssyncadd.s32 $0xFFFFD800  }
0x184: {  	_ =	swait.ge [sflag:s28], $0x2800  }
0x185: {  	[sflag:s28] =	ssyncset.done $0x0  }
0x186: {  	[sflag:s28] =	ssyncadd.s32 $0xFFFFD800  }
0x187: {  	_ =	swait.ge [sflag:s28], $0x2800  }
0x188: {  	[sflag:s28] =	ssyncset.done $0x0  }
0x189: {  	[sflag:s28] =	ssyncadd.s32 $0xFFFFD800  }
0x18a: {  	_ =	swait.ge [sflag:s28], $0x2800  }
0x18b: {  	[sflag:s28] =	ssyncset.done $0x0  }
0x18c: {  	[sflag:s28] =	ssyncadd.s32 $0xFFFFD800  }
0x18d: {  	[bflag:$0x0] =	sbarrier.arrive $0xFFFF  }
0x18e: {  	s2 =	sld [smem:$0x7F7]  }
0x18f: {  	s3 =	sld [smem:$0x7FB];
	_ =	sdelay $0x1  }
0x190: {  	s0 =	simm.s32 @p0 $0x1FC7  }
0x191: {  	[hbm:s2], [sflag:s0] =	dma.local @p0 [spmem:s3], $0x2080  }
0x192: {  	s0 =	simm.s32 @p0 $0x7  }
0x193: {  	_ =	swait.ge @p0 [sflag:s0], $0x2080  }
0x194: {  	s2 =	sld [smem:$0x7FC]  }
0x195: {  	[sflag:s0] =	ssyncset.done @p0 $0x0;
	s3 =	sld [smem:$0x7FD]  }
0x196: {  	[sflag:s0] =	ssyncadd.s32 @p0 $0xFFFFDF80;
	s0 =	sld [smem:$0x7F6];
	_ =	sdelay $0x2  }
0x197: {  	[hbm:s0], [sflag:s2] =	dma.local @!p0 [spmem:s3], $0x2780  }
0x198: {  	s0 =	simm.s32 @!p0 $0x7  }
0x199: {  	_ =	swait.ge @!p0 [sflag:s0], $0x2780  }
0x19a: {  	[sflag:s0] =	ssyncset.done @!p0 $0x0  }
0x19b: {  	[sflag:s0] =	ssyncadd.s32 @!p0 $0xFFFFD880  }
0x19c: {  	[bflag:$0x0] =	sbarrier.arrive $0xFFFF  }
0x19d: {  	s3 =	rddreg [dreg:$0x5]  }
0x19e: {  	s0 =	sadd.s32 $0x0, s3  }
0x19f: {  	[tilespmem:s5], [sflag:$0x7] =	stream.linear.gather [hbm4b:s0+s5], $0xC80, $0x38;
	[tilespmem:$0x1D080] =	vst v63  }
0x1a0: {  	_ =	swait.ge [sflag:s17], $0xC80  }
0x1a1: {  	[sflag:s17] =	ssyncset.done $0x0  }
0x1a2: {  	s6 =	sadd.s32 $0x0, s6;
	[sflag:s17] =	ssyncadd.s32 $0xFFFFF380  }
0x1a3: {  	[tilespmem:s7], [sflag:$0x7] =	stream.linear.gather [hbm4b:s6+s5], $0xC80, $0x38;
	[tilespmem:$0x1D080] =	vst v63  }
0x1a4: {  	_ =	swait.ge [sflag:s17], $0xC80  }
0x1a5: {  	[sflag:s17] =	ssyncset.done $0x0  }
0x1a6: {  	[sflag:s17] =	ssyncadd.s32 $0xFFFFF380  }
0x1a7: {  	[tilespmem:s22], [sflag:$0x1] =	stream.indirect.gather [hbm4b:s1+s19], $0x80, s5, s19, $0xb8;
	[tilespmem:$0x1D080] =	vst v63  }
0x1a8: {  	s2 =	rddreg [dreg:$0x6]  }
0x1a9: {  	[tilespmem:s23], [sflag:$0x2] =	stream.indirect.gather [hbm4b:s1+s19], $0x80, s2, s19, $0xb8;
	[tilespmem:$0x1D080] =	vst v63  }
0x1aa: {  	_ =	swait.ge [sflag:s24], $0x2800  }
0x1ab: {  	[sflag:s24] =	ssyncset.done $0x0  }
0x1ac: {  	[sflag:s24] =	ssyncadd.s32 $0xFFFFD800  }
0x1ad: {  	[spmem:s4] =	stream.indirect.scatter.add.f32 [tilespmem:s22], [sflag:$0x4], $0x80, s7, s19, $0xb8;
	[tilespmem:$0x1D080] =	vst v63  }
0x1ae: {  	s3 =	rddreg [dreg:$0x7]  }
0x1af: {  	[tilespmem:s16], [sflag:$0x3] =	stream.indirect.gather [hbm4b:s1+s19], $0x80, s3, s19, $0xb8;
	[tilespmem:$0x1D080] =	vst v63  }
0x1b0: {  	_ =	swait.ge [sflag:s25], $0x2800  }
0x1b1: {  	[sflag:s25] =	ssyncset.done $0x0  }
0x1b2: {  	[sflag:s25] =	ssyncadd.s32 $0xFFFFD800  }
0x1b3: {  	[spmem:s4] =	stream.indirect.scatter.add.f32 [tilespmem:s23], [sflag:$0x5], $0x80, s31, s19, $0xb8;
	[tilespmem:$0x1D080] =	vst v63  }
0x1b4: {  	_ =	swait.ge [sflag:s28], $0x2800  }
0x1b5: {  	[sflag:s28] =	ssyncset.done $0x0  }
0x1b6: {  	s5 =	rddreg [dreg:$0x8];
	[sflag:s28] =	ssyncadd.s32 $0xFFFFD800  }
0x1b7: {  	[tilespmem:s22], [sflag:$0x1] =	stream.indirect.gather [hbm4b:s1+s19], $0x80, s5, s19, $0xb8;
	[tilespmem:$0x1D080] =	vst v63  }
0x1b8: {  	_ =	swait.ge [sflag:s26], $0x2800  }
0x1b9: {  	[sflag:s26] =	ssyncset.done $0x0  }
0x1ba: {  	s11 =	simm.s32 $0x1100;
	[sflag:s26] =	ssyncadd.s32 $0xFFFFD800  }
0x1bb: {  	[spmem:s4] =	stream.indirect.scatter.add.f32 [tilespmem:s16], [sflag:$0x6], $0x80, s11, s19, $0xb8;
	[tilespmem:$0x1D080] =	vst v63  }
0x1bc: {  	_ =	swait.ge [sflag:s29], $0x2800  }
0x1bd: {  	[sflag:s29] =	ssyncset.done $0x0  }
0x1be: {  	s6 =	rddreg [dreg:$0x9];
	[sflag:s29] =	ssyncadd.s32 $0xFFFFD800  }
0x1bf: {  	[tilespmem:s23], [sflag:$0x2] =	stream.indirect.gather [hbm4b:s1+s19], $0x80, s6, s19, $0xb8;
	[tilespmem:$0x1D080] =	vst v63  }
0x1c0: {  	_ =	swait.ge [sflag:s24], $0x2800  }
0x1c1: {  	[sflag:s24] =	ssyncset.done $0x0  }
0x1c2: {  	s14 =	simm.s32 $0x1180;
	[sflag:s24] =	ssyncadd.s32 $0xFFFFD800  }
0x1c3: {  	[spmem:s4] =	stream.indirect.scatter.add.f32 [tilespmem:s22], [sflag:$0x4], $0x80, s14, s19, $0xb8;
	[tilespmem:$0x1D080] =	vst v63  }
0x1c4: {  	_ =	swait.ge [sflag:s30], $0x2800  }
0x1c5: {  	[sflag:s30] =	ssyncset.done $0x0  }
0x1c6: {  	s11 =	rddreg [dreg:$0xa];
	[sflag:s30] =	ssyncadd.s32 $0xFFFFD800  }
0x1c7: {  	[tilespmem:s16], [sflag:$0x3] =	stream.indirect.gather [hbm4b:s1+s19], $0x80, s11, s19, $0xb8;
	[tilespmem:$0x1D080] =	vst v63  }
0x1c8: {  	_ =	swait.ge [sflag:s25], $0x2800  }
0x1c9: {  	[sflag:s25] =	ssyncset.done $0x0  }
0x1ca: {  	s20 =	simm.s32 $0x1200;
	[sflag:s25] =	ssyncadd.s32 $0xFFFFD800  }
0x1cb: {  	[spmem:s4] =	stream.indirect.scatter.add.f32 [tilespmem:s23], [sflag:$0x5], $0x80, s20, s19, $0xb8;
	[tilespmem:$0x1D080] =	vst v63  }
0x1cc: {  	_ =	swait.ge [sflag:s28], $0x2800  }
0x1cd: {  	[sflag:s28] =	ssyncset.done $0x0  }
0x1ce: {  	s14 =	rddreg [dreg:$0xb];
	[sflag:s28] =	ssyncadd.s32 $0xFFFFD800  }
0x1cf: {  	[tilespmem:s22], [sflag:$0x1] =	stream.indirect.gather [hbm4b:s1+s19], $0x80, s14, s19, $0xb8;
	[tilespmem:$0x1D080] =	vst v63  }
0x1d0: {  	_ =	swait.ge [sflag:s26], $0x2800  }
0x1d1: {  	[sflag:s26] =	ssyncset.done $0x0  }
0x1d2: {  	s21 =	simm.s32 $0x1280;
	[sflag:s26] =	ssyncadd.s32 $0xFFFFD800  }
0x1d3: {  	[spmem:s4] =	stream.indirect.scatter.add.f32 [tilespmem:s16], [sflag:$0x6], $0x80, s21, s19, $0xb8;
	[tilespmem:$0x1D080] =	vst v63  }
0x1d4: {  	_ =	swait.ge [sflag:s29], $0x2800  }
0x1d5: {  	[sflag:s29] =	ssyncset.done $0x0  }
0x1d6: {  	s20 =	rddreg [dreg:$0xc];
	[sflag:s29] =	ssyncadd.s32 $0xFFFFD800  }
0x1d7: {  	[tilespmem:s23], [sflag:$0x2] =	stream.indirect.gather [hbm4b:s1+s19], $0x80, s20, s19, $0xb8;
	[tilespmem:$0x1D080] =	vst v63  }
0x1d8: {  	_ =	swait.ge [sflag:s24], $0x2800  }
0x1d9: {  	[sflag:s24] =	ssyncset.done $0x0  }
0x1da: {  	s21 =	simm.s32 $0x1300;
	[sflag:s24] =	ssyncadd.s32 $0xFFFFD800  }
0x1db: {  	[spmem:s4] =	stream.indirect.scatter.add.f32 [tilespmem:s22], [sflag:$0x4], $0x80, s21, s19, $0xb8;
	[tilespmem:$0x1D080] =	vst v63  }
0x1dc: {  	_ =	swait.ge [sflag:s30], $0x2800  }
0x1dd: {  	[sflag:s30] =	ssyncset.done $0x0  }
0x1de: {  	s2 =	rddreg [dreg:$0xd];
	[sflag:s30] =	ssyncadd.s32 $0xFFFFD800  }
0x1df: {  	[tilespmem:s16], [sflag:$0x3] =	stream.indirect.gather [hbm4b:s1+s19], $0x80, s2, s19, $0xb8;
	[tilespmem:$0x1D080] =	vst v63  }
0x1e0: {  	_ =	swait.ge [sflag:s25], $0x2800  }
0x1e1: {  	[sflag:s25] =	ssyncset.done $0x0  }
0x1e2: {  	s3 =	simm.s32 $0x1380;
	[sflag:s25] =	ssyncadd.s32 $0xFFFFD800  }
0x1e3: {  	[spmem:s4] =	stream.indirect.scatter.add.f32 [tilespmem:s23], [sflag:$0x5], $0x80, s3, s19, $0xb8;
	[tilespmem:$0x1D080] =	vst v63  }
0x1e4: {  	_ =	swait.ge [sflag:s28], $0x2800  }
0x1e5: {  	[sflag:s28] =	ssyncset.done $0x0  }
0x1e6: {  	s5 =	rddreg [dreg:$0xe];
	[sflag:s28] =	ssyncadd.s32 $0xFFFFD800  }
0x1e7: {  	[tilespmem:s22], [sflag:$0x1] =	stream.indirect.gather [hbm4b:s1+s19], $0x80, s5, s19, $0xb8;
	[tilespmem:$0x1D080] =	vst v63  }
0x1e8: {  	_ =	swait.ge [sflag:s26], $0x2800  }
0x1e9: {  	[sflag:s26] =	ssyncset.done $0x0  }
0x1ea: {  	s6 =	simm.s32 $0x1400;
	[sflag:s26] =	ssyncadd.s32 $0xFFFFD800  }
0x1eb: {  	[spmem:s4] =	stream.indirect.scatter.add.f32 [tilespmem:s16], [sflag:$0x6], $0x80, s6, s19, $0xb8;
	[tilespmem:$0x1D080] =	vst v63  }
0x1ec: {  	_ =	swait.ge [sflag:s29], $0x2800  }
0x1ed: {  	[sflag:s29] =	ssyncset.done $0x0  }
0x1ee: {  	s11 =	rddreg [dreg:$0xf];
	[sflag:s29] =	ssyncadd.s32 $0xFFFFD800  }
0x1ef: {  	[tilespmem:s23], [sflag:$0x2] =	stream.indirect.gather [hbm4b:s1+s19], $0x80, s11, s19, $0xb8;
	[tilespmem:$0x1D080] =	vst v63  }
0x1f0: {  	_ =	swait.ge [sflag:s24], $0x2800  }
0x1f1: {  	[sflag:s24] =	ssyncset.done $0x0  }
0x1f2: {  	s14 =	simm.s32 $0x1480;
	[sflag:s24] =	ssyncadd.s32 $0xFFFFD800  }
0x1f3: {  	[spmem:s4] =	stream.indirect.scatter.add.f32 [tilespmem:s22], [sflag:$0x4], $0x80, s14, s19, $0xb8;
	[tilespmem:$0x1D080] =	vst v63  }
0x1f4: {  	_ =	swait.ge [sflag:s30], $0x2800  }
0x1f5: {  	[sflag:s30] =	ssyncset.done $0x0  }
0x1f6: {  	s20 =	rddreg [dreg:$0x10];
	[sflag:s30] =	ssyncadd.s32 $0xFFFFD800  }
0x1f7: {  	[tilespmem:s16], [sflag:$0x3] =	stream.indirect.gather [hbm4b:s1+s19], $0x80, s20, s19, $0xb8;
	[tilespmem:$0x1D080] =	vst v63  }
0x1f8: {  	_ =	swait.ge [sflag:s25], $0x2800  }
0x1f9: {  	[sflag:s25] =	ssyncset.done $0x0  }
0x1fa: {  	[sflag:s25] =	ssyncadd.s32 $0xFFFFD800  }
0x1fb: {  	[spmem:s4] =	stream.indirect.scatter.add.f32 [tilespmem:s23], [sflag:$0x5], $0x80, s18, s19, $0xb8;
	[tilespmem:$0x1D080] =	vst v63  }
0x1fc: {  	_ =	swait.ge [sflag:s28], $0x2800  }
0x1fd: {  	[sflag:s28] =	ssyncset.done $0x0  }
0x1fe: {  	s21 =	rddreg [dreg:$0x11];
	[sflag:s28] =	ssyncadd.s32 $0xFFFFD800  }
0x1ff: {  	[tilespmem:s22], [sflag:$0x1] =	stream.indirect.gather [hbm4b:s1+s19], $0x80, s21, s19, $0xb8;
	[tilespmem:$0x1D080] =	vst v63  }
0x200: {  	_ =	swait.ge [sflag:s26], $0x2800  }
0x201: {  	[sflag:s26] =	ssyncset.done $0x0  }
0x202: {  	[sflag:s26] =	ssyncadd.s32 $0xFFFFD800  }
0x203: {  	[spmem:s4] =	stream.indirect.scatter.add.f32 [tilespmem:s16], [sflag:$0x6], $0x80, s10, s19, $0xb8;
	[tilespmem:$0x1D080] =	vst v63  }
0x204: {  	_ =	swait.ge [sflag:s29], $0x2800  }
0x205: {  	[sflag:s29] =	ssyncset.done $0x0  }
0x206: {  	s2 =	rddreg [dreg:$0x12];
	[sflag:s29] =	ssyncadd.s32 $0xFFFFD800  }
0x207: {  	[tilespmem:s23], [sflag:$0x2] =	stream.indirect.gather [hbm4b:s1+s19], $0x80, s2, s19, $0xb8;
	[tilespmem:$0x1D080] =	vst v63  }
0x208: {  	_ =	swait.ge [sflag:s24], $0x2800  }
0x209: {  	[sflag:s24] =	ssyncset.done $0x0  }
0x20a: {  	[sflag:s24] =	ssyncadd.s32 $0xFFFFD800  }
0x20b: {  	[spmem:s4] =	stream.indirect.scatter.add.f32 [tilespmem:s22], [sflag:$0x4], $0x80, s9, s19, $0xb8;
	[tilespmem:$0x1D080] =	vst v63  }
0x20c: {  	_ =	swait.ge [sflag:s30], $0x2800  }
0x20d: {  	[sflag:s30] =	ssyncset.done $0x0  }
0x20e: {  	s3 =	rddreg [dreg:$0x13];
	[sflag:s30] =	ssyncadd.s32 $0xFFFFD800  }
0x20f: {  	[tilespmem:s16], [sflag:$0x3] =	stream.indirect.gather [hbm4b:s1+s19], $0x80, s3, s19, $0xb8;
	[tilespmem:$0x1D080] =	vst v63  }
0x210: {  	_ =	swait.ge [sflag:s25], $0x2800  }
0x211: {  	[sflag:s25] =	ssyncset.done $0x0  }
0x212: {  	[sflag:s25] =	ssyncadd.s32 $0xFFFFD800  }
0x213: {  	[spmem:s4] =	stream.indirect.scatter.add.f32 [tilespmem:s23], [sflag:$0x5], $0x80, s12, s19, $0xb8;
	[tilespmem:$0x1D080] =	vst v63  }
0x214: {  	_ =	swait.ge [sflag:s28], $0x2800  }
0x215: {  	[sflag:s28] =	ssyncset.done $0x0  }
0x216: {  	s6 =	rddreg [dreg:$0x14];
	[sflag:s28] =	ssyncadd.s32 $0xFFFFD800  }
0x217: {  	[tilespmem:s22], [sflag:$0x1] =	stream.indirect.gather [hbm4b:s1+s19], $0x80, s6, s19, $0xb8;
	[tilespmem:$0x1D080] =	vst v63  }
0x218: {  	_ =	swait.ge [sflag:s26], $0x2800  }
0x219: {  	[sflag:s26] =	ssyncset.done $0x0  }
0x21a: {  	s7 =	simm.s32 $0x1700;
	[sflag:s26] =	ssyncadd.s32 $0xFFFFD800  }
0x21b: {  	[spmem:s4] =	stream.indirect.scatter.add.f32 [tilespmem:s16], [sflag:$0x6], $0x80, s7, s19, $0xb8;
	[tilespmem:$0x1D080] =	vst v63  }
0x21c: {  	_ =	swait.ge [sflag:s29], $0x2800  }
0x21d: {  	[sflag:s29] =	ssyncset.done $0x0  }
0x21e: {  	s9 =	rddreg [dreg:$0x15];
	[sflag:s29] =	ssyncadd.s32 $0xFFFFD800  }
0x21f: {  	[tilespmem:s23], [sflag:$0x2] =	stream.indirect.gather [hbm4b:s1+s19], $0x80, s9, s19, $0xb8;
	[tilespmem:$0x1D080] =	vst v63  }
0x220: {  	_ =	swait.ge [sflag:s24], $0x2800  }
0x221: {  	[sflag:s24] =	ssyncset.done $0x0  }
0x222: {  	[sflag:s24] =	ssyncadd.s32 $0xFFFFD800  }
0x223: {  	[spmem:s4] =	stream.indirect.scatter.add.f32 [tilespmem:s22], [sflag:$0x4], $0x80, s8, s19, $0xb8;
	[tilespmem:$0x1D080] =	vst v63  }
0x224: {  	_ =	swait.ge [sflag:s30], $0x2800  }
0x225: {  	[sflag:s30] =	ssyncset.done $0x0  }
0x226: {  	s10 =	rddreg [dreg:$0x16];
	[sflag:s30] =	ssyncadd.s32 $0xFFFFD800  }
0x227: {  	[tilespmem:s16], [sflag:$0x3] =	stream.indirect.gather [hbm4b:s1+s19], $0x80, s10, s19, $0xb8;
	[tilespmem:$0x1D080] =	vst v63  }
0x228: {  	_ =	swait.ge [sflag:s25], $0x2800  }
0x229: {  	[sflag:s25] =	ssyncset.done $0x0  }
0x22a: {  	s11 =	simm.s32 $0x1800;
	[sflag:s25] =	ssyncadd.s32 $0xFFFFD800  }
0x22b: {  	[spmem:s4] =	stream.indirect.scatter.add.f32 [tilespmem:s23], [sflag:$0x5], $0x80, s11, s19, $0xb8;
	[tilespmem:$0x1D080] =	vst v63  }
0x22c: {  	_ =	swait.ge [sflag:s28], $0x2800  }
0x22d: {  	[sflag:s28] =	ssyncset.done $0x0  }
0x22e: {  	s12 =	rddreg [dreg:$0x17];
	[sflag:s28] =	ssyncadd.s32 $0xFFFFD800  }
0x22f: {  	[tilespmem:s22], [sflag:$0x1] =	stream.indirect.gather [hbm4b:s1+s19], $0x80, s12, s19, $0xb8;
	[tilespmem:$0x1D080] =	vst v63  }
0x230: {  	_ =	swait.ge [sflag:s26], $0x2800  }
0x231: {  	[sflag:s26] =	ssyncset.done $0x0  }
0x232: {  	s14 =	simm.s32 $0x1880;
	[sflag:s26] =	ssyncadd.s32 $0xFFFFD800  }
0x233: {  	[spmem:s4] =	stream.indirect.scatter.add.f32 [tilespmem:s16], [sflag:$0x6], $0x80, s14, s19, $0xb8;
	[tilespmem:$0x1D080] =	vst v63  }
0x234: {  	_ =	swait.ge [sflag:s29], $0x2800  }
0x235: {  	[sflag:s29] =	ssyncset.done $0x0  }
0x236: {  	s20 =	rddreg [dreg:$0x18];
	[sflag:s29] =	ssyncadd.s32 $0xFFFFD800  }
0x237: {  	[tilespmem:s23], [sflag:$0x2] =	stream.indirect.gather [hbm4b:s1+s19], $0x80, s20, s19, $0xb8;
	[tilespmem:$0x1D080] =	vst v63  }
0x238: {  	_ =	swait.ge [sflag:s24], $0x2800  }
0x239: {  	[sflag:s24] =	ssyncset.done $0x0  }
0x23a: {  	[sflag:s24] =	ssyncadd.s32 $0xFFFFD800  }
0x23b: {  	[spmem:s4] =	stream.indirect.scatter.add.f32 [tilespmem:s22], [sflag:$0x4], $0x80, s13, s19, $0xb8;
	[tilespmem:$0x1D080] =	vst v63  }
0x23c: {  	_ =	swait.ge [sflag:s30], $0x2800  }
0x23d: {  	[sflag:s30] =	ssyncset.done $0x0  }
0x23e: {  	s21 =	rddreg [dreg:$0x19];
	[sflag:s30] =	ssyncadd.s32 $0xFFFFD800  }
0x23f: {  	[tilespmem:s16], [sflag:$0x3] =	stream.indirect.gather [hbm4b:s1+s19], $0x80, s21, s19, $0xb8;
	[tilespmem:$0x1D080] =	vst v63  }
0x240: {  	_ =	swait.ge [sflag:s25], $0x2800  }
0x241: {  	[sflag:s25] =	ssyncset.done $0x0  }
0x242: {  	s2 =	simm.s32 $0x1980;
	[sflag:s25] =	ssyncadd.s32 $0xFFFFD800  }
0x243: {  	[spmem:s4] =	stream.indirect.scatter.add.f32 [tilespmem:s23], [sflag:$0x5], $0x80, s2, s19, $0xb8;
	[tilespmem:$0x1D080] =	vst v63  }
0x244: {  	_ =	swait.ge [sflag:s28], $0x2800  }
0x245: {  	[sflag:s28] =	ssyncset.done $0x0  }
0x246: {  	s3 =	rddreg [dreg:$0x1a];
	[sflag:s28] =	ssyncadd.s32 $0xFFFFD800  }
0x247: {  	[tilespmem:s22], [sflag:$0x1] =	stream.indirect.gather [hbm4b:s1+s19], $0x80, s3, s19, $0xb8;
	[tilespmem:$0x1D080] =	vst v63  }
0x248: {  	_ =	swait.ge [sflag:s26], $0x2800  }
0x249: {  	[sflag:s26] =	ssyncset.done $0x0  }
0x24a: {  	[sflag:s26] =	ssyncadd.s32 $0xFFFFD800  }
0x24b: {  	[spmem:s4] =	stream.indirect.scatter.add.f32 [tilespmem:s16], [sflag:$0x6], $0x80, s15, s19, $0xb8;
	[tilespmem:$0x1D080] =	vst v63  }
0x24c: {  	_ =	swait.ge [sflag:s29], $0x2800  }
0x24d: {  	[sflag:s29] =	ssyncset.done $0x0  }
0x24e: {  	s8 =	rddreg [dreg:$0x1b];
	[sflag:s29] =	ssyncadd.s32 $0xFFFFD800  }
0x24f: {  	[tilespmem:s23], [sflag:$0x2] =	stream.indirect.gather [hbm4b:s1+s19], $0x80, s8, s19, $0xb8;
	[tilespmem:$0x1D080] =	vst v63  }
0x250: {  	_ =	swait.ge [sflag:s24], $0x2800  }
0x251: {  	[sflag:s24] =	ssyncset.done $0x0  }
0x252: {  	s12 =	simm.s32 $0x1A80;
	[sflag:s24] =	ssyncadd.s32 $0xFFFFD800  }
0x253: {  	[spmem:s4] =	stream.indirect.scatter.add.f32 [tilespmem:s22], [sflag:$0x4], $0x80, s12, s19, $0xb8;
	[tilespmem:$0x1D080] =	vst v63  }
0x254: {  	_ =	swait.ge [sflag:s30], $0x2800  }
0x255: {  	[sflag:s30] =	ssyncset.done $0x0  }
0x256: {  	s20 =	rddreg [dreg:$0x1c];
	[sflag:s30] =	ssyncadd.s32 $0xFFFFD800  }
0x257: {  	[tilespmem:s16], [sflag:$0x3] =	stream.indirect.gather [hbm4b:s1+s19], $0x80, s20, s19, $0xb8;
	[tilespmem:$0x1D080] =	vst v63  }
0x258: {  	_ =	swait.ge [sflag:s25], $0x2800  }
0x259: {  	[sflag:s25] =	ssyncset.done $0x0  }
0x25a: {  	s21 =	simm.s32 $0x1B00;
	[sflag:s25] =	ssyncadd.s32 $0xFFFFD800  }
0x25b: {  	[spmem:s4] =	stream.indirect.scatter.add.f32 [tilespmem:s23], [sflag:$0x5], $0x80, s21, s19, $0xb8;
	[tilespmem:$0x1D080] =	vst v63  }
0x25c: {  	_ =	swait.ge [sflag:s28], $0x2800  }
0x25d: {  	[sflag:s28] =	ssyncset.done $0x0  }
0x25e: {  	s2 =	rddreg [dreg:$0x1d];
	[sflag:s28] =	ssyncadd.s32 $0xFFFFD800  }
0x25f: {  	[tilespmem:s22], [sflag:$0x1] =	stream.indirect.gather [hbm4b:s1+s19], $0x80, s2, s19, $0xb8;
	[tilespmem:$0x1D080] =	vst v63  }
0x260: {  	_ =	swait.ge [sflag:s26], $0x2800  }
0x261: {  	[sflag:s26] =	ssyncset.done $0x0  }
0x262: {  	s3 =	simm.s32 $0x1B80;
	[sflag:s26] =	ssyncadd.s32 $0xFFFFD800  }
0x263: {  	[spmem:s4] =	stream.indirect.scatter.add.f32 [tilespmem:s16], [sflag:$0x6], $0x80, s3, s19, $0xb8;
	[tilespmem:$0x1D080] =	vst v63  }
0x264: {  	_ =	swait.ge [sflag:s29], $0x2800  }
0x265: {  	[sflag:s29] =	ssyncset.done $0x0  }
0x266: {  	[sflag:s29] =	ssyncadd.s32 $0xFFFFD800  }
0x267: {  	s31 =	simm.s32 $0x200;
	s5 =	simm.s32 $0x1600;
	_ =	swait.ge [sflag:s24], $0x2800  }
0x268: {  	s18 =	simm.s32 $0x1680;
	s6 =	simm.s32 $0x1900;
	[sflag:s24] =	ssyncset.done $0x0  }
0x269: {  	s9 =	simm.s32 $0x1780;
	s12 =	simm.s32 $0x1C00;
	[sflag:s24] =	ssyncadd.s32 $0xFFFFD800  }
0x26a: {  	[spmem:s4] =	stream.indirect.scatter.add.f32 [tilespmem:s22], [sflag:$0x4], $0x80, s12, s19, $0xb8;
	[tilespmem:$0x1D080] =	vst v63  }
0x26b: {  	s10 =	simm.s32 $0x1800;
	s11 =	simm.s32 $0x1880;
	_ =	swait.ge [sflag:s30], $0x2800  }
0x26c: {  	s14 =	simm.s32 $0x1A00;
	s13 =	simm.s32 $0x1980;
	[sflag:s30] =	ssyncset.done $0x0  }
0x26d: {  	s15 =	simm.s32 $0x1A80;
	s8 =	simm.s32 $0x1B00;
	[sflag:s30] =	ssyncadd.s32 $0xFFFFD800  }
0x26e: {  	s20 =	simm.s32 $0x1B80;
	s21 =	simm.s32 $0x1C00;
	_ =	swait.ge [sflag:s28], $0x2800  }
0x26f: {  	s2 =	simm.s32 $0x400;
	s0 =	rddreg [dreg:$0x5];
	[sflag:s28] =	ssyncset.done $0x0  }
.LBB2_4:
0x270: {  	[sflag:s28] =	ssyncadd.s32 $0xFFFFD800;
	s0 =	sadd.s32 s31, s0;
	s12 =	simm.s32 $0x0  }
0x271: {  	[tilespmem:s12], [sflag:$0x7] =	stream.linear.gather [hbm4b:s0+s12], $0xC80, $0x38;
	[tilespmem:$0x1D080] =	vst v63  }
0x272: {  	_ =	swait.ge [sflag:s17], $0xC80  }
0x273: {  	[sflag:s17] =	ssyncset.done $0x0  }
0x274: {  	s3 =	smov.u32 s2;
	s0 =	rddreg [dreg:$0x1e];
	[sflag:s17] =	ssyncadd.s32 $0xFFFFF380  }
0x275: {  	s0 =	sadd.s32 s31, s0;
	s31 =	smov.u32 s3;
	s3 =	simm.s32 $0x1000  }
0x276: {  	[tilespmem:s3], [sflag:$0x7] =	stream.linear.gather [hbm4b:s0+s12], $0xC80, $0x38;
	[tilespmem:$0x1D080] =	vst v63  }
0x277: {  	_ =	swait.ge [sflag:s17], $0xC80  }
0x278: {  	[sflag:s17] =	ssyncset.done $0x0  }
0x279: {  	[sflag:s17] =	ssyncadd.s32 $0xFFFFF380  }
0x27a: {  	[tilespmem:s22], [sflag:$0x1] =	stream.indirect.gather [hbm4b:s1+s19], $0x80, s12, s19, $0xb8;
	[tilespmem:$0x1D080] =	vst v63  }
0x27b: {  	s0 =	rddreg [dreg:$0x6]  }
0x27c: {  	[tilespmem:s23], [sflag:$0x2] =	stream.indirect.gather [hbm4b:s1+s19], $0x80, s0, s19, $0xb8;
	[tilespmem:$0x1D080] =	vst v63  }
0x27d: {  	_ =	swait.ge [sflag:s24], $0x2800  }
0x27e: {  	[sflag:s24] =	ssyncset.done $0x0  }
0x27f: {  	[sflag:s24] =	ssyncadd.s32 $0xFFFFD800  }
0x280: {  	[spmem:s4] =	stream.indirect.scatter.add.f32 [tilespmem:s22], [sflag:$0x4], $0x80, s3, s19, $0xb8;
	[tilespmem:$0x1D080] =	vst v63  }
0x281: {  	s12 =	rddreg [dreg:$0x7]  }
0x282: {  	[tilespmem:s16], [sflag:$0x3] =	stream.indirect.gather [hbm4b:s1+s19], $0x80, s12, s19, $0xb8;
	[tilespmem:$0x1D080] =	vst v63  }
0x283: {  	_ =	swait.ge [sflag:s25], $0x2800  }
0x284: {  	[sflag:s25] =	ssyncset.done $0x0  }
0x285: {  	s12 =	simm.s32 $0x1080;
	[sflag:s25] =	ssyncadd.s32 $0xFFFFD800  }
0x286: {  	[spmem:s4] =	stream.indirect.scatter.add.f32 [tilespmem:s23], [sflag:$0x5], $0x80, s12, s19, $0xb8;
	[tilespmem:$0x1D080] =	vst v63  }
0x287: {  	_ =	swait.ge [sflag:s28], $0x2800  }
0x288: {  	[sflag:s28] =	ssyncset.done $0x0  }
0x289: {  	s3 =	rddreg [dreg:$0x8];
	[sflag:s28] =	ssyncadd.s32 $0xFFFFD800  }
0x28a: {  	[tilespmem:s22], [sflag:$0x1] =	stream.indirect.gather [hbm4b:s1+s19], $0x80, s3, s19, $0xb8;
	[tilespmem:$0x1D080] =	vst v63  }
0x28b: {  	_ =	swait.ge [sflag:s26], $0x2800  }
0x28c: {  	[sflag:s26] =	ssyncset.done $0x0  }
0x28d: {  	s12 =	simm.s32 $0x1100;
	[sflag:s26] =	ssyncadd.s32 $0xFFFFD800  }
0x28e: {  	[spmem:s4] =	stream.indirect.scatter.add.f32 [tilespmem:s16], [sflag:$0x6], $0x80, s12, s19, $0xb8;
	[tilespmem:$0x1D080] =	vst v63  }
0x28f: {  	_ =	swait.ge [sflag:s29], $0x2800  }
0x290: {  	[sflag:s29] =	ssyncset.done $0x0  }
0x291: {  	s3 =	rddreg [dreg:$0x9];
	[sflag:s29] =	ssyncadd.s32 $0xFFFFD800  }
0x292: {  	[tilespmem:s23], [sflag:$0x2] =	stream.indirect.gather [hbm4b:s1+s19], $0x80, s3, s19, $0xb8;
	[tilespmem:$0x1D080] =	vst v63  }
0x293: {  	_ =	swait.ge [sflag:s24], $0x2800  }
0x294: {  	[sflag:s24] =	ssyncset.done $0x0  }
0x295: {  	s12 =	simm.s32 $0x1180;
	[sflag:s24] =	ssyncadd.s32 $0xFFFFD800  }
0x296: {  	[spmem:s4] =	stream.indirect.scatter.add.f32 [tilespmem:s22], [sflag:$0x4], $0x80, s12, s19, $0xb8;
	[tilespmem:$0x1D080] =	vst v63  }
0x297: {  	_ =	swait.ge [sflag:s30], $0x2800  }
0x298: {  	[sflag:s30] =	ssyncset.done $0x0  }
0x299: {  	s3 =	rddreg [dreg:$0xa];
	[sflag:s30] =	ssyncadd.s32 $0xFFFFD800  }
0x29a: {  	[tilespmem:s16], [sflag:$0x3] =	stream.indirect.gather [hbm4b:s1+s19], $0x80, s3, s19, $0xb8;
	[tilespmem:$0x1D080] =	vst v63  }
0x29b: {  	_ =	swait.ge [sflag:s25], $0x2800  }
0x29c: {  	[sflag:s25] =	ssyncset.done $0x0  }
0x29d: {  	s12 =	simm.s32 $0x1200;
	[sflag:s25] =	ssyncadd.s32 $0xFFFFD800  }
0x29e: {  	[spmem:s4] =	stream.indirect.scatter.add.f32 [tilespmem:s23], [sflag:$0x5], $0x80, s12, s19, $0xb8;
	[tilespmem:$0x1D080] =	vst v63  }
0x29f: {  	_ =	swait.ge [sflag:s28], $0x2800  }
0x2a0: {  	[sflag:s28] =	ssyncset.done $0x0  }
0x2a1: {  	s3 =	rddreg [dreg:$0xb];
	[sflag:s28] =	ssyncadd.s32 $0xFFFFD800  }
0x2a2: {  	[tilespmem:s22], [sflag:$0x1] =	stream.indirect.gather [hbm4b:s1+s19], $0x80, s3, s19, $0xb8;
	[tilespmem:$0x1D080] =	vst v63  }
0x2a3: {  	_ =	swait.ge [sflag:s26], $0x2800  }
0x2a4: {  	[sflag:s26] =	ssyncset.done $0x0  }
0x2a5: {  	s12 =	simm.s32 $0x1280;
	[sflag:s26] =	ssyncadd.s32 $0xFFFFD800  }
0x2a6: {  	[spmem:s4] =	stream.indirect.scatter.add.f32 [tilespmem:s16], [sflag:$0x6], $0x80, s12, s19, $0xb8;
	[tilespmem:$0x1D080] =	vst v63  }
0x2a7: {  	_ =	swait.ge [sflag:s29], $0x2800  }
0x2a8: {  	[sflag:s29] =	ssyncset.done $0x0  }
0x2a9: {  	s3 =	rddreg [dreg:$0xc];
	[sflag:s29] =	ssyncadd.s32 $0xFFFFD800  }
0x2aa: {  	[tilespmem:s23], [sflag:$0x2] =	stream.indirect.gather [hbm4b:s1+s19], $0x80, s3, s19, $0xb8;
	[tilespmem:$0x1D080] =	vst v63  }
0x2ab: {  	_ =	swait.ge [sflag:s24], $0x2800  }
0x2ac: {  	[sflag:s24] =	ssyncset.done $0x0  }
0x2ad: {  	s12 =	simm.s32 $0x1300;
	[sflag:s24] =	ssyncadd.s32 $0xFFFFD800  }
0x2ae: {  	[spmem:s4] =	stream.indirect.scatter.add.f32 [tilespmem:s22], [sflag:$0x4], $0x80, s12, s19, $0xb8;
	[tilespmem:$0x1D080] =	vst v63  }
0x2af: {  	_ =	swait.ge [sflag:s30], $0x2800  }
0x2b0: {  	[sflag:s30] =	ssyncset.done $0x0  }
0x2b1: {  	s3 =	rddreg [dreg:$0xd];
	[sflag:s30] =	ssyncadd.s32 $0xFFFFD800  }
0x2b2: {  	[tilespmem:s16], [sflag:$0x3] =	stream.indirect.gather [hbm4b:s1+s19], $0x80, s3, s19, $0xb8;
	[tilespmem:$0x1D080] =	vst v63  }
0x2b3: {  	_ =	swait.ge [sflag:s25], $0x2800  }
0x2b4: {  	[sflag:s25] =	ssyncset.done $0x0  }
0x2b5: {  	s12 =	simm.s32 $0x1380;
	[sflag:s25] =	ssyncadd.s32 $0xFFFFD800  }
0x2b6: {  	[spmem:s4] =	stream.indirect.scatter.add.f32 [tilespmem:s23], [sflag:$0x5], $0x80, s12, s19, $0xb8;
	[tilespmem:$0x1D080] =	vst v63  }
0x2b7: {  	_ =	swait.ge [sflag:s28], $0x2800  }
0x2b8: {  	[sflag:s28] =	ssyncset.done $0x0  }
0x2b9: {  	s3 =	rddreg [dreg:$0xe];
	[sflag:s28] =	ssyncadd.s32 $0xFFFFD800  }
0x2ba: {  	[tilespmem:s22], [sflag:$0x1] =	stream.indirect.gather [hbm4b:s1+s19], $0x80, s3, s19, $0xb8;
	[tilespmem:$0x1D080] =	vst v63  }
0x2bb: {  	_ =	swait.ge [sflag:s26], $0x2800  }
0x2bc: {  	[sflag:s26] =	ssyncset.done $0x0  }
0x2bd: {  	s12 =	simm.s32 $0x1400;
	[sflag:s26] =	ssyncadd.s32 $0xFFFFD800  }
0x2be: {  	[spmem:s4] =	stream.indirect.scatter.add.f32 [tilespmem:s16], [sflag:$0x6], $0x80, s12, s19, $0xb8;
	[tilespmem:$0x1D080] =	vst v63  }
0x2bf: {  	_ =	swait.ge [sflag:s29], $0x2800  }
0x2c0: {  	[sflag:s29] =	ssyncset.done $0x0  }
0x2c1: {  	s3 =	rddreg [dreg:$0xf];
	[sflag:s29] =	ssyncadd.s32 $0xFFFFD800  }
0x2c2: {  	[tilespmem:s23], [sflag:$0x2] =	stream.indirect.gather [hbm4b:s1+s19], $0x80, s3, s19, $0xb8;
	[tilespmem:$0x1D080] =	vst v63  }
0x2c3: {  	_ =	swait.ge [sflag:s24], $0x2800  }
0x2c4: {  	[sflag:s24] =	ssyncset.done $0x0  }
0x2c5: {  	s12 =	simm.s32 $0x1480;
	[sflag:s24] =	ssyncadd.s32 $0xFFFFD800  }
0x2c6: {  	[spmem:s4] =	stream.indirect.scatter.add.f32 [tilespmem:s22], [sflag:$0x4], $0x80, s12, s19, $0xb8;
	[tilespmem:$0x1D080] =	vst v63  }
0x2c7: {  	_ =	swait.ge [sflag:s30], $0x2800  }
0x2c8: {  	[sflag:s30] =	ssyncset.done $0x0  }
0x2c9: {  	s3 =	rddreg [dreg:$0x10];
	[sflag:s30] =	ssyncadd.s32 $0xFFFFD800  }
0x2ca: {  	[tilespmem:s16], [sflag:$0x3] =	stream.indirect.gather [hbm4b:s1+s19], $0x80, s3, s19, $0xb8;
	[tilespmem:$0x1D080] =	vst v63  }
0x2cb: {  	_ =	swait.ge [sflag:s25], $0x2800  }
0x2cc: {  	[sflag:s25] =	ssyncset.done $0x0  }
0x2cd: {  	s12 =	simm.s32 $0x1500;
	[sflag:s25] =	ssyncadd.s32 $0xFFFFD800  }
0x2ce: {  	[spmem:s4] =	stream.indirect.scatter.add.f32 [tilespmem:s23], [sflag:$0x5], $0x80, s12, s19, $0xb8;
	[tilespmem:$0x1D080] =	vst v63  }
0x2cf: {  	_ =	swait.ge [sflag:s28], $0x2800  }
0x2d0: {  	[sflag:s28] =	ssyncset.done $0x0  }
0x2d1: {  	s3 =	rddreg [dreg:$0x11];
	[sflag:s28] =	ssyncadd.s32 $0xFFFFD800  }
0x2d2: {  	[tilespmem:s22], [sflag:$0x1] =	stream.indirect.gather [hbm4b:s1+s19], $0x80, s3, s19, $0xb8;
	[tilespmem:$0x1D080] =	vst v63  }
0x2d3: {  	_ =	swait.ge [sflag:s26], $0x2800  }
0x2d4: {  	[sflag:s26] =	ssyncset.done $0x0  }
0x2d5: {  	s12 =	simm.s32 $0x1580;
	[sflag:s26] =	ssyncadd.s32 $0xFFFFD800  }
0x2d6: {  	[spmem:s4] =	stream.indirect.scatter.add.f32 [tilespmem:s16], [sflag:$0x6], $0x80, s12, s19, $0xb8;
	[tilespmem:$0x1D080] =	vst v63  }
0x2d7: {  	_ =	swait.ge [sflag:s29], $0x2800  }
0x2d8: {  	[sflag:s29] =	ssyncset.done $0x0  }
0x2d9: {  	s3 =	rddreg [dreg:$0x12];
	[sflag:s29] =	ssyncadd.s32 $0xFFFFD800  }
0x2da: {  	[tilespmem:s23], [sflag:$0x2] =	stream.indirect.gather [hbm4b:s1+s19], $0x80, s3, s19, $0xb8;
	[tilespmem:$0x1D080] =	vst v63  }
0x2db: {  	_ =	swait.ge [sflag:s24], $0x2800  }
0x2dc: {  	[sflag:s24] =	ssyncset.done $0x0  }
0x2dd: {  	[sflag:s24] =	ssyncadd.s32 $0xFFFFD800  }
0x2de: {  	[spmem:s4] =	stream.indirect.scatter.add.f32 [tilespmem:s22], [sflag:$0x4], $0x80, s5, s19, $0xb8;
	[tilespmem:$0x1D080] =	vst v63  }
0x2df: {  	_ =	swait.ge [sflag:s30], $0x2800  }
0x2e0: {  	[sflag:s30] =	ssyncset.done $0x0  }
0x2e1: {  	s12 =	rddreg [dreg:$0x13];
	[sflag:s30] =	ssyncadd.s32 $0xFFFFD800  }
0x2e2: {  	[tilespmem:s16], [sflag:$0x3] =	stream.indirect.gather [hbm4b:s1+s19], $0x80, s12, s19, $0xb8;
	[tilespmem:$0x1D080] =	vst v63  }
0x2e3: {  	_ =	swait.ge [sflag:s25], $0x2800  }
0x2e4: {  	[sflag:s25] =	ssyncset.done $0x0  }
0x2e5: {  	[sflag:s25] =	ssyncadd.s32 $0xFFFFD800  }
0x2e6: {  	[spmem:s4] =	stream.indirect.scatter.add.f32 [tilespmem:s23], [sflag:$0x5], $0x80, s18, s19, $0xb8;
	[tilespmem:$0x1D080] =	vst v63  }
0x2e7: {  	_ =	swait.ge [sflag:s28], $0x2800  }
0x2e8: {  	[sflag:s28] =	ssyncset.done $0x0  }
0x2e9: {  	s3 =	rddreg [dreg:$0x14];
	[sflag:s28] =	ssyncadd.s32 $0xFFFFD800  }
0x2ea: {  	[tilespmem:s22], [sflag:$0x1] =	stream.indirect.gather [hbm4b:s1+s19], $0x80, s3, s19, $0xb8;
	[tilespmem:$0x1D080] =	vst v63  }
0x2eb: {  	_ =	swait.ge [sflag:s26], $0x2800  }
0x2ec: {  	[sflag:s26] =	ssyncset.done $0x0  }
0x2ed: {  	[sflag:s26] =	ssyncadd.s32 $0xFFFFD800  }
0x2ee: {  	[spmem:s4] =	stream.indirect.scatter.add.f32 [tilespmem:s16], [sflag:$0x6], $0x80, s7, s19, $0xb8;
	[tilespmem:$0x1D080] =	vst v63  }
0x2ef: {  	_ =	swait.ge [sflag:s29], $0x2800  }
0x2f0: {  	[sflag:s29] =	ssyncset.done $0x0  }
0x2f1: {  	s12 =	rddreg [dreg:$0x15];
	[sflag:s29] =	ssyncadd.s32 $0xFFFFD800  }
0x2f2: {  	[tilespmem:s23], [sflag:$0x2] =	stream.indirect.gather [hbm4b:s1+s19], $0x80, s12, s19, $0xb8;
	[tilespmem:$0x1D080] =	vst v63  }
0x2f3: {  	_ =	swait.ge [sflag:s24], $0x2800  }
0x2f4: {  	[sflag:s24] =	ssyncset.done $0x0  }
0x2f5: {  	[sflag:s24] =	ssyncadd.s32 $0xFFFFD800  }
0x2f6: {  	[spmem:s4] =	stream.indirect.scatter.add.f32 [tilespmem:s22], [sflag:$0x4], $0x80, s9, s19, $0xb8;
	[tilespmem:$0x1D080] =	vst v63  }
0x2f7: {  	_ =	swait.ge [sflag:s30], $0x2800  }
0x2f8: {  	[sflag:s30] =	ssyncset.done $0x0  }
0x2f9: {  	s3 =	rddreg [dreg:$0x16];
	[sflag:s30] =	ssyncadd.s32 $0xFFFFD800  }
0x2fa: {  	[tilespmem:s16], [sflag:$0x3] =	stream.indirect.gather [hbm4b:s1+s19], $0x80, s3, s19, $0xb8;
	[tilespmem:$0x1D080] =	vst v63  }
0x2fb: {  	_ =	swait.ge [sflag:s25], $0x2800  }
0x2fc: {  	[sflag:s25] =	ssyncset.done $0x0  }
0x2fd: {  	[sflag:s25] =	ssyncadd.s32 $0xFFFFD800  }
0x2fe: {  	[spmem:s4] =	stream.indirect.scatter.add.f32 [tilespmem:s23], [sflag:$0x5], $0x80, s10, s19, $0xb8;
	[tilespmem:$0x1D080] =	vst v63  }
0x2ff: {  	_ =	swait.ge [sflag:s28], $0x2800  }
0x300: {  	[sflag:s28] =	ssyncset.done $0x0  }
0x301: {  	s12 =	rddreg [dreg:$0x17];
	[sflag:s28] =	ssyncadd.s32 $0xFFFFD800  }
0x302: {  	[tilespmem:s22], [sflag:$0x1] =	stream.indirect.gather [hbm4b:s1+s19], $0x80, s12, s19, $0xb8;
	[tilespmem:$0x1D080] =	vst v63  }
0x303: {  	_ =	swait.ge [sflag:s26], $0x2800  }
0x304: {  	[sflag:s26] =	ssyncset.done $0x0  }
0x305: {  	[sflag:s26] =	ssyncadd.s32 $0xFFFFD800  }
0x306: {  	[spmem:s4] =	stream.indirect.scatter.add.f32 [tilespmem:s16], [sflag:$0x6], $0x80, s11, s19, $0xb8;
	[tilespmem:$0x1D080] =	vst v63  }
0x307: {  	_ =	swait.ge [sflag:s29], $0x2800  }
0x308: {  	[sflag:s29] =	ssyncset.done $0x0  }
0x309: {  	s3 =	rddreg [dreg:$0x18];
	[sflag:s29] =	ssyncadd.s32 $0xFFFFD800  }
0x30a: {  	[tilespmem:s23], [sflag:$0x2] =	stream.indirect.gather [hbm4b:s1+s19], $0x80, s3, s19, $0xb8;
	[tilespmem:$0x1D080] =	vst v63  }
0x30b: {  	_ =	swait.ge [sflag:s24], $0x2800  }
0x30c: {  	[sflag:s24] =	ssyncset.done $0x0  }
0x30d: {  	[sflag:s24] =	ssyncadd.s32 $0xFFFFD800  }
0x30e: {  	[spmem:s4] =	stream.indirect.scatter.add.f32 [tilespmem:s22], [sflag:$0x4], $0x80, s6, s19, $0xb8;
	[tilespmem:$0x1D080] =	vst v63  }
0x30f: {  	_ =	swait.ge [sflag:s30], $0x2800  }
0x310: {  	[sflag:s30] =	ssyncset.done $0x0  }
0x311: {  	s12 =	rddreg [dreg:$0x19];
	[sflag:s30] =	ssyncadd.s32 $0xFFFFD800  }
0x312: {  	[tilespmem:s16], [sflag:$0x3] =	stream.indirect.gather [hbm4b:s1+s19], $0x80, s12, s19, $0xb8;
	[tilespmem:$0x1D080] =	vst v63  }
0x313: {  	_ =	swait.ge [sflag:s25], $0x2800  }
0x314: {  	[sflag:s25] =	ssyncset.done $0x0  }
0x315: {  	[sflag:s25] =	ssyncadd.s32 $0xFFFFD800  }
0x316: {  	[spmem:s4] =	stream.indirect.scatter.add.f32 [tilespmem:s23], [sflag:$0x5], $0x80, s13, s19, $0xb8;
	[tilespmem:$0x1D080] =	vst v63  }
0x317: {  	_ =	swait.ge [sflag:s28], $0x2800  }
0x318: {  	[sflag:s28] =	ssyncset.done $0x0  }
0x319: {  	s3 =	rddreg [dreg:$0x1a];
	[sflag:s28] =	ssyncadd.s32 $0xFFFFD800  }
0x31a: {  	[tilespmem:s22], [sflag:$0x1] =	stream.indirect.gather [hbm4b:s1+s19], $0x80, s3, s19, $0xb8;
	[tilespmem:$0x1D080] =	vst v63  }
0x31b: {  	_ =	swait.ge [sflag:s26], $0x2800  }
0x31c: {  	[sflag:s26] =	ssyncset.done $0x0  }
0x31d: {  	[sflag:s26] =	ssyncadd.s32 $0xFFFFD800  }
0x31e: {  	[spmem:s4] =	stream.indirect.scatter.add.f32 [tilespmem:s16], [sflag:$0x6], $0x80, s14, s19, $0xb8;
	[tilespmem:$0x1D080] =	vst v63  }
0x31f: {  	_ =	swait.ge [sflag:s29], $0x2800  }
0x320: {  	[sflag:s29] =	ssyncset.done $0x0  }
0x321: {  	s12 =	rddreg [dreg:$0x1b];
	[sflag:s29] =	ssyncadd.s32 $0xFFFFD800  }
0x322: {  	[tilespmem:s23], [sflag:$0x2] =	stream.indirect.gather [hbm4b:s1+s19], $0x80, s12, s19, $0xb8;
	[tilespmem:$0x1D080] =	vst v63  }
0x323: {  	_ =	swait.ge [sflag:s24], $0x2800  }
0x324: {  	[sflag:s24] =	ssyncset.done $0x0  }
0x325: {  	[sflag:s24] =	ssyncadd.s32 $0xFFFFD800  }
0x326: {  	[spmem:s4] =	stream.indirect.scatter.add.f32 [tilespmem:s22], [sflag:$0x4], $0x80, s15, s19, $0xb8;
	[tilespmem:$0x1D080] =	vst v63  }
0x327: {  	_ =	swait.ge [sflag:s30], $0x2800  }
0x328: {  	[sflag:s30] =	ssyncset.done $0x0  }
0x329: {  	s3 =	rddreg [dreg:$0x1c];
	[sflag:s30] =	ssyncadd.s32 $0xFFFFD800  }
0x32a: {  	[tilespmem:s16], [sflag:$0x3] =	stream.indirect.gather [hbm4b:s1+s19], $0x80, s3, s19, $0xb8;
	[tilespmem:$0x1D080] =	vst v63  }
0x32b: {  	_ =	swait.ge [sflag:s25], $0x2800  }
0x32c: {  	[sflag:s25] =	ssyncset.done $0x0  }
0x32d: {  	[sflag:s25] =	ssyncadd.s32 $0xFFFFD800  }
0x32e: {  	[spmem:s4] =	stream.indirect.scatter.add.f32 [tilespmem:s23], [sflag:$0x5], $0x80, s8, s19, $0xb8;
	[tilespmem:$0x1D080] =	vst v63  }
0x32f: {  	_ =	swait.ge [sflag:s28], $0x2800  }
0x330: {  	[sflag:s28] =	ssyncset.done $0x0  }
0x331: {  	s12 =	rddreg [dreg:$0x1d];
	[sflag:s28] =	ssyncadd.s32 $0xFFFFD800  }
0x332: {  	[tilespmem:s22], [sflag:$0x1] =	stream.indirect.gather [hbm4b:s1+s19], $0x80, s12, s19, $0xb8;
	[tilespmem:$0x1D080] =	vst v63  }
0x333: {  	_ =	swait.ge [sflag:s26], $0x2800  }
0x334: {  	[sflag:s26] =	ssyncset.done $0x0  }
0x335: {  	[sflag:s26] =	ssyncadd.s32 $0xFFFFD800  }
0x336: {  	[spmem:s4] =	stream.indirect.scatter.add.f32 [tilespmem:s16], [sflag:$0x6], $0x80, s20, s19, $0xb8;
	[tilespmem:$0x1D080] =	vst v63  }
0x337: {  	_ =	swait.ge [sflag:s29], $0x2800  }
0x338: {  	[sflag:s29] =	ssyncset.done $0x0  }
0x339: {  	[sflag:s29] =	ssyncadd.s32 $0xFFFFD800  }
0x33a: {  	_ =	swait.ge [sflag:s24], $0x2800  }
0x33b: {  	[sflag:s24] =	ssyncset.done $0x0  }
0x33c: {  	p1 =	sne.s32 s2, $0x800;
	[sflag:s24] =	ssyncadd.s32 $0xFFFFD800  }
0x33d: {  	[spmem:s4] =	stream.indirect.scatter.add.f32 [tilespmem:s22], [sflag:$0x4], $0x80, s21, s19, $0xb8;
	[tilespmem:$0x1D080] =	vst v63  }
.Ltmp1:
0x33e: {  	_ =	swait.ge [sflag:s30], $0x2800;
	(pc) =	sbr.rel @p1 .LBB2_4-.Ltmp1, $4  }
0x33f: {  	[sflag:s30] =	ssyncset.done $0x0  }
0x340: {  	[sflag:s30] =	ssyncadd.s32 $0xFFFFD800  }
0x341: {  	_ =	swait.ge [sflag:s28], $0x2800  }
0x342: {  	s2 =	sadd.s32 $0x200, s2;
	s0 =	rddreg [dreg:$0x5];
	[sflag:s28] =	ssyncset.done $0x0  }
0x343: {  	[sflag:s28] =	ssyncadd.s32 $0xFFFFD800;
	s0 =	sadd.s32 s31, s0;
	s2 =	simm.s32 $0x0  }
0x344: {  	[tilespmem:s2], [sflag:$0x7] =	stream.linear.gather [hbm4b:s0+s2], $0xC80, $0x38;
	[tilespmem:$0x1D080] =	vst v63  }
0x345: {  	_ =	swait.ge [sflag:s17], $0xC80  }
0x346: {  	[sflag:s17] =	ssyncset.done $0x0;
	s3 =	rddreg [dreg:$0x1e]  }
0x347: {  	[sflag:s17] =	ssyncadd.s32 $0xFFFFF380;
	s0 =	sadd.s32 s31, s3;
	s3 =	simm.s32 $0x1000  }
0x348: {  	[tilespmem:s3], [sflag:$0x7] =	stream.linear.gather [hbm4b:s0+s2], $0xC80, $0x38;
	[tilespmem:$0x1D080] =	vst v63  }
0x349: {  	_ =	swait.ge [sflag:s17], $0xC80  }
0x34a: {  	[sflag:s17] =	ssyncset.done $0x0  }
0x34b: {  	[sflag:s17] =	ssyncadd.s32 $0xFFFFF380  }
0x34c: {  	[tilespmem:s22], [sflag:$0x1] =	stream.indirect.gather [hbm4b:s1+s19], $0x80, s2, s19, $0xb8;
	[tilespmem:$0x1D080] =	vst v63  }
0x34d: {  	s12 =	rddreg [dreg:$0x6]  }
0x34e: {  	[tilespmem:s23], [sflag:$0x2] =	stream.indirect.gather [hbm4b:s1+s19], $0x80, s12, s19, $0xb8;
	[tilespmem:$0x1D080] =	vst v63  }
0x34f: {  	_ =	swait.ge [sflag:s24], $0x2800  }
0x350: {  	[sflag:s24] =	ssyncset.done $0x0  }
0x351: {  	[sflag:s24] =	ssyncadd.s32 $0xFFFFD800  }
0x352: {  	[spmem:s4] =	stream.indirect.scatter.add.f32 [tilespmem:s22], [sflag:$0x4], $0x80, s3, s19, $0xb8;
	[tilespmem:$0x1D080] =	vst v63  }
0x353: {  	s12 =	rddreg [dreg:$0x7]  }
0x354: {  	[tilespmem:s16], [sflag:$0x3] =	stream.indirect.gather [hbm4b:s1+s19], $0x80, s12, s19, $0xb8;
	[tilespmem:$0x1D080] =	vst v63  }
0x355: {  	_ =	swait.ge [sflag:s25], $0x2800  }
0x356: {  	[sflag:s25] =	ssyncset.done $0x0  }
0x357: {  	s2 =	simm.s32 $0x1080;
	[sflag:s25] =	ssyncadd.s32 $0xFFFFD800  }
0x358: {  	[spmem:s4] =	stream.indirect.scatter.add.f32 [tilespmem:s23], [sflag:$0x5], $0x80, s2, s19, $0xb8;
	[tilespmem:$0x1D080] =	vst v63  }
0x359: {  	_ =	swait.ge [sflag:s28], $0x2800  }
0x35a: {  	[sflag:s28] =	ssyncset.done $0x0  }
0x35b: {  	s3 =	rddreg [dreg:$0x8];
	[sflag:s28] =	ssyncadd.s32 $0xFFFFD800  }
0x35c: {  	[tilespmem:s22], [sflag:$0x1] =	stream.indirect.gather [hbm4b:s1+s19], $0x80, s3, s19, $0xb8;
	[tilespmem:$0x1D080] =	vst v63  }
0x35d: {  	_ =	swait.ge [sflag:s26], $0x2800  }
0x35e: {  	[sflag:s26] =	ssyncset.done $0x0  }
0x35f: {  	s12 =	simm.s32 $0x1100;
	[sflag:s26] =	ssyncadd.s32 $0xFFFFD800  }
0x360: {  	[spmem:s4] =	stream.indirect.scatter.add.f32 [tilespmem:s16], [sflag:$0x6], $0x80, s12, s19, $0xb8;
	[tilespmem:$0x1D080] =	vst v63  }
0x361: {  	_ =	swait.ge [sflag:s29], $0x2800  }
0x362: {  	[sflag:s29] =	ssyncset.done $0x0  }
0x363: {  	s2 =	rddreg [dreg:$0x9];
	[sflag:s29] =	ssyncadd.s32 $0xFFFFD800  }
0x364: {  	[tilespmem:s23], [sflag:$0x2] =	stream.indirect.gather [hbm4b:s1+s19], $0x80, s2, s19, $0xb8;
	[tilespmem:$0x1D080] =	vst v63  }
0x365: {  	_ =	swait.ge [sflag:s24], $0x2800  }
0x366: {  	[sflag:s24] =	ssyncset.done $0x0  }
0x367: {  	s3 =	simm.s32 $0x1180;
	[sflag:s24] =	ssyncadd.s32 $0xFFFFD800  }
0x368: {  	[spmem:s4] =	stream.indirect.scatter.add.f32 [tilespmem:s22], [sflag:$0x4], $0x80, s3, s19, $0xb8;
	[tilespmem:$0x1D080] =	vst v63  }
0x369: {  	_ =	swait.ge [sflag:s30], $0x2800  }
0x36a: {  	[sflag:s30] =	ssyncset.done $0x0  }
0x36b: {  	s12 =	rddreg [dreg:$0xa];
	[sflag:s30] =	ssyncadd.s32 $0xFFFFD800  }
0x36c: {  	[tilespmem:s16], [sflag:$0x3] =	stream.indirect.gather [hbm4b:s1+s19], $0x80, s12, s19, $0xb8;
	[tilespmem:$0x1D080] =	vst v63  }
0x36d: {  	_ =	swait.ge [sflag:s25], $0x2800  }
0x36e: {  	[sflag:s25] =	ssyncset.done $0x0  }
0x36f: {  	s2 =	simm.s32 $0x1200;
	[sflag:s25] =	ssyncadd.s32 $0xFFFFD800  }
0x370: {  	[spmem:s4] =	stream.indirect.scatter.add.f32 [tilespmem:s23], [sflag:$0x5], $0x80, s2, s19, $0xb8;
	[tilespmem:$0x1D080] =	vst v63  }
0x371: {  	_ =	swait.ge [sflag:s28], $0x2800  }
0x372: {  	[sflag:s28] =	ssyncset.done $0x0  }
0x373: {  	s3 =	rddreg [dreg:$0xb];
	[sflag:s28] =	ssyncadd.s32 $0xFFFFD800  }
0x374: {  	[tilespmem:s22], [sflag:$0x1] =	stream.indirect.gather [hbm4b:s1+s19], $0x80, s3, s19, $0xb8;
	[tilespmem:$0x1D080] =	vst v63  }
0x375: {  	_ =	swait.ge [sflag:s26], $0x2800  }
0x376: {  	[sflag:s26] =	ssyncset.done $0x0  }
0x377: {  	s12 =	simm.s32 $0x1280;
	[sflag:s26] =	ssyncadd.s32 $0xFFFFD800  }
0x378: {  	[spmem:s4] =	stream.indirect.scatter.add.f32 [tilespmem:s16], [sflag:$0x6], $0x80, s12, s19, $0xb8;
	[tilespmem:$0x1D080] =	vst v63  }
0x379: {  	_ =	swait.ge [sflag:s29], $0x2800  }
0x37a: {  	[sflag:s29] =	ssyncset.done $0x0  }
0x37b: {  	s2 =	rddreg [dreg:$0xc];
	[sflag:s29] =	ssyncadd.s32 $0xFFFFD800  }
0x37c: {  	[tilespmem:s23], [sflag:$0x2] =	stream.indirect.gather [hbm4b:s1+s19], $0x80, s2, s19, $0xb8;
	[tilespmem:$0x1D080] =	vst v63  }
0x37d: {  	_ =	swait.ge [sflag:s24], $0x2800  }
0x37e: {  	[sflag:s24] =	ssyncset.done $0x0  }
0x37f: {  	s3 =	simm.s32 $0x1300;
	[sflag:s24] =	ssyncadd.s32 $0xFFFFD800  }
0x380: {  	[spmem:s4] =	stream.indirect.scatter.add.f32 [tilespmem:s22], [sflag:$0x4], $0x80, s3, s19, $0xb8;
	[tilespmem:$0x1D080] =	vst v63  }
0x381: {  	_ =	swait.ge [sflag:s30], $0x2800  }
0x382: {  	[sflag:s30] =	ssyncset.done $0x0  }
0x383: {  	s12 =	rddreg [dreg:$0xd];
	[sflag:s30] =	ssyncadd.s32 $0xFFFFD800  }
0x384: {  	[tilespmem:s16], [sflag:$0x3] =	stream.indirect.gather [hbm4b:s1+s19], $0x80, s12, s19, $0xb8;
	[tilespmem:$0x1D080] =	vst v63  }
0x385: {  	_ =	swait.ge [sflag:s25], $0x2800  }
0x386: {  	[sflag:s25] =	ssyncset.done $0x0  }
0x387: {  	s2 =	simm.s32 $0x1380;
	[sflag:s25] =	ssyncadd.s32 $0xFFFFD800  }
0x388: {  	[spmem:s4] =	stream.indirect.scatter.add.f32 [tilespmem:s23], [sflag:$0x5], $0x80, s2, s19, $0xb8;
	[tilespmem:$0x1D080] =	vst v63  }
0x389: {  	_ =	swait.ge [sflag:s28], $0x2800  }
0x38a: {  	[sflag:s28] =	ssyncset.done $0x0  }
0x38b: {  	s3 =	rddreg [dreg:$0xe];
	[sflag:s28] =	ssyncadd.s32 $0xFFFFD800  }
0x38c: {  	[tilespmem:s22], [sflag:$0x1] =	stream.indirect.gather [hbm4b:s1+s19], $0x80, s3, s19, $0xb8;
	[tilespmem:$0x1D080] =	vst v63  }
0x38d: {  	_ =	swait.ge [sflag:s26], $0x2800  }
0x38e: {  	[sflag:s26] =	ssyncset.done $0x0  }
0x38f: {  	s12 =	simm.s32 $0x1400;
	[sflag:s26] =	ssyncadd.s32 $0xFFFFD800  }
0x390: {  	[spmem:s4] =	stream.indirect.scatter.add.f32 [tilespmem:s16], [sflag:$0x6], $0x80, s12, s19, $0xb8;
	[tilespmem:$0x1D080] =	vst v63  }
0x391: {  	_ =	swait.ge [sflag:s29], $0x2800  }
0x392: {  	[sflag:s29] =	ssyncset.done $0x0  }
0x393: {  	s2 =	rddreg [dreg:$0xf];
	[sflag:s29] =	ssyncadd.s32 $0xFFFFD800  }
0x394: {  	[tilespmem:s23], [sflag:$0x2] =	stream.indirect.gather [hbm4b:s1+s19], $0x80, s2, s19, $0xb8;
	[tilespmem:$0x1D080] =	vst v63  }
0x395: {  	_ =	swait.ge [sflag:s24], $0x2800  }
0x396: {  	[sflag:s24] =	ssyncset.done $0x0  }
0x397: {  	s3 =	simm.s32 $0x1480;
	[sflag:s24] =	ssyncadd.s32 $0xFFFFD800  }
0x398: {  	[spmem:s4] =	stream.indirect.scatter.add.f32 [tilespmem:s22], [sflag:$0x4], $0x80, s3, s19, $0xb8;
	[tilespmem:$0x1D080] =	vst v63  }
0x399: {  	_ =	swait.ge [sflag:s30], $0x2800  }
0x39a: {  	[sflag:s30] =	ssyncset.done $0x0  }
0x39b: {  	s12 =	rddreg [dreg:$0x10];
	[sflag:s30] =	ssyncadd.s32 $0xFFFFD800  }
0x39c: {  	[tilespmem:s16], [sflag:$0x3] =	stream.indirect.gather [hbm4b:s1+s19], $0x80, s12, s19, $0xb8;
	[tilespmem:$0x1D080] =	vst v63  }
0x39d: {  	_ =	swait.ge [sflag:s25], $0x2800  }
0x39e: {  	[sflag:s25] =	ssyncset.done $0x0  }
0x39f: {  	s2 =	simm.s32 $0x1500;
	[sflag:s25] =	ssyncadd.s32 $0xFFFFD800  }
0x3a0: {  	[spmem:s4] =	stream.indirect.scatter.add.f32 [tilespmem:s23], [sflag:$0x5], $0x80, s2, s19, $0xb8;
	[tilespmem:$0x1D080] =	vst v63  }
0x3a1: {  	_ =	swait.ge [sflag:s28], $0x2800  }
0x3a2: {  	[sflag:s28] =	ssyncset.done $0x0  }
0x3a3: {  	s3 =	rddreg [dreg:$0x11];
	[sflag:s28] =	ssyncadd.s32 $0xFFFFD800  }
0x3a4: {  	[tilespmem:s22], [sflag:$0x1] =	stream.indirect.gather [hbm4b:s1+s19], $0x80, s3, s19, $0xb8;
	[tilespmem:$0x1D080] =	vst v63  }
0x3a5: {  	_ =	swait.ge [sflag:s26], $0x2800  }
0x3a6: {  	[sflag:s26] =	ssyncset.done $0x0  }
0x3a7: {  	s12 =	simm.s32 $0x1580;
	[sflag:s26] =	ssyncadd.s32 $0xFFFFD800  }
0x3a8: {  	[spmem:s4] =	stream.indirect.scatter.add.f32 [tilespmem:s16], [sflag:$0x6], $0x80, s12, s19, $0xb8;
	[tilespmem:$0x1D080] =	vst v63  }
0x3a9: {  	_ =	swait.ge [sflag:s29], $0x2800  }
0x3aa: {  	[sflag:s29] =	ssyncset.done $0x0  }
0x3ab: {  	s2 =	rddreg [dreg:$0x12];
	[sflag:s29] =	ssyncadd.s32 $0xFFFFD800  }
0x3ac: {  	[tilespmem:s23], [sflag:$0x2] =	stream.indirect.gather [hbm4b:s1+s19], $0x80, s2, s19, $0xb8;
	[tilespmem:$0x1D080] =	vst v63  }
0x3ad: {  	_ =	swait.ge [sflag:s24], $0x2800  }
0x3ae: {  	[sflag:s24] =	ssyncset.done $0x0  }
0x3af: {  	[sflag:s24] =	ssyncadd.s32 $0xFFFFD800  }
0x3b0: {  	[spmem:s4] =	stream.indirect.scatter.add.f32 [tilespmem:s22], [sflag:$0x4], $0x80, s5, s19, $0xb8;
	[tilespmem:$0x1D080] =	vst v63  }
0x3b1: {  	_ =	swait.ge [sflag:s30], $0x2800  }
0x3b2: {  	[sflag:s30] =	ssyncset.done $0x0  }
0x3b3: {  	s3 =	rddreg [dreg:$0x13];
	[sflag:s30] =	ssyncadd.s32 $0xFFFFD800  }
0x3b4: {  	[tilespmem:s16], [sflag:$0x3] =	stream.indirect.gather [hbm4b:s1+s19], $0x80, s3, s19, $0xb8;
	[tilespmem:$0x1D080] =	vst v63  }
0x3b5: {  	_ =	swait.ge [sflag:s25], $0x2800  }
0x3b6: {  	[sflag:s25] =	ssyncset.done $0x0  }
0x3b7: {  	[sflag:s25] =	ssyncadd.s32 $0xFFFFD800  }
0x3b8: {  	[spmem:s4] =	stream.indirect.scatter.add.f32 [tilespmem:s23], [sflag:$0x5], $0x80, s18, s19, $0xb8;
	[tilespmem:$0x1D080] =	vst v63  }
0x3b9: {  	_ =	swait.ge [sflag:s28], $0x2800  }
0x3ba: {  	[sflag:s28] =	ssyncset.done $0x0  }
0x3bb: {  	s12 =	rddreg [dreg:$0x14];
	[sflag:s28] =	ssyncadd.s32 $0xFFFFD800  }
0x3bc: {  	[tilespmem:s22], [sflag:$0x1] =	stream.indirect.gather [hbm4b:s1+s19], $0x80, s12, s19, $0xb8;
	[tilespmem:$0x1D080] =	vst v63  }
0x3bd: {  	_ =	swait.ge [sflag:s26], $0x2800  }
0x3be: {  	[sflag:s26] =	ssyncset.done $0x0  }
0x3bf: {  	[sflag:s26] =	ssyncadd.s32 $0xFFFFD800  }
0x3c0: {  	[spmem:s4] =	stream.indirect.scatter.add.f32 [tilespmem:s16], [sflag:$0x6], $0x80, s7, s19, $0xb8;
	[tilespmem:$0x1D080] =	vst v63  }
0x3c1: {  	_ =	swait.ge [sflag:s29], $0x2800  }
0x3c2: {  	[sflag:s29] =	ssyncset.done $0x0  }
0x3c3: {  	s2 =	rddreg [dreg:$0x15];
	[sflag:s29] =	ssyncadd.s32 $0xFFFFD800  }
0x3c4: {  	[tilespmem:s23], [sflag:$0x2] =	stream.indirect.gather [hbm4b:s1+s19], $0x80, s2, s19, $0xb8;
	[tilespmem:$0x1D080] =	vst v63  }
0x3c5: {  	_ =	swait.ge [sflag:s24], $0x2800  }
0x3c6: {  	[sflag:s24] =	ssyncset.done $0x0  }
0x3c7: {  	[sflag:s24] =	ssyncadd.s32 $0xFFFFD800  }
0x3c8: {  	[spmem:s4] =	stream.indirect.scatter.add.f32 [tilespmem:s22], [sflag:$0x4], $0x80, s9, s19, $0xb8;
	[tilespmem:$0x1D080] =	vst v63  }
0x3c9: {  	_ =	swait.ge [sflag:s30], $0x2800  }
0x3ca: {  	[sflag:s30] =	ssyncset.done $0x0  }
0x3cb: {  	s3 =	rddreg [dreg:$0x16];
	[sflag:s30] =	ssyncadd.s32 $0xFFFFD800  }
0x3cc: {  	[tilespmem:s16], [sflag:$0x3] =	stream.indirect.gather [hbm4b:s1+s19], $0x80, s3, s19, $0xb8;
	[tilespmem:$0x1D080] =	vst v63  }
0x3cd: {  	_ =	swait.ge [sflag:s25], $0x2800  }
0x3ce: {  	[sflag:s25] =	ssyncset.done $0x0  }
0x3cf: {  	[sflag:s25] =	ssyncadd.s32 $0xFFFFD800  }
0x3d0: {  	[spmem:s4] =	stream.indirect.scatter.add.f32 [tilespmem:s23], [sflag:$0x5], $0x80, s10, s19, $0xb8;
	[tilespmem:$0x1D080] =	vst v63  }
0x3d1: {  	_ =	swait.ge [sflag:s28], $0x2800  }
0x3d2: {  	[sflag:s28] =	ssyncset.done $0x0  }
0x3d3: {  	s12 =	rddreg [dreg:$0x17];
	[sflag:s28] =	ssyncadd.s32 $0xFFFFD800  }
0x3d4: {  	[tilespmem:s22], [sflag:$0x1] =	stream.indirect.gather [hbm4b:s1+s19], $0x80, s12, s19, $0xb8;
	[tilespmem:$0x1D080] =	vst v63  }
0x3d5: {  	_ =	swait.ge [sflag:s26], $0x2800  }
0x3d6: {  	[sflag:s26] =	ssyncset.done $0x0  }
0x3d7: {  	[sflag:s26] =	ssyncadd.s32 $0xFFFFD800  }
0x3d8: {  	[spmem:s4] =	stream.indirect.scatter.add.f32 [tilespmem:s16], [sflag:$0x6], $0x80, s11, s19, $0xb8;
	[tilespmem:$0x1D080] =	vst v63  }
0x3d9: {  	_ =	swait.ge [sflag:s29], $0x2800  }
0x3da: {  	[sflag:s29] =	ssyncset.done $0x0  }
0x3db: {  	s2 =	rddreg [dreg:$0x18];
	[sflag:s29] =	ssyncadd.s32 $0xFFFFD800  }
0x3dc: {  	[tilespmem:s23], [sflag:$0x2] =	stream.indirect.gather [hbm4b:s1+s19], $0x80, s2, s19, $0xb8;
	[tilespmem:$0x1D080] =	vst v63  }
0x3dd: {  	_ =	swait.ge [sflag:s24], $0x2800  }
0x3de: {  	[sflag:s24] =	ssyncset.done $0x0  }
0x3df: {  	[sflag:s24] =	ssyncadd.s32 $0xFFFFD800  }
0x3e0: {  	[spmem:s4] =	stream.indirect.scatter.add.f32 [tilespmem:s22], [sflag:$0x4], $0x80, s6, s19, $0xb8;
	[tilespmem:$0x1D080] =	vst v63  }
0x3e1: {  	_ =	swait.ge [sflag:s30], $0x2800  }
0x3e2: {  	[sflag:s30] =	ssyncset.done $0x0  }
0x3e3: {  	s3 =	rddreg [dreg:$0x19];
	[sflag:s30] =	ssyncadd.s32 $0xFFFFD800  }
0x3e4: {  	[tilespmem:s16], [sflag:$0x3] =	stream.indirect.gather [hbm4b:s1+s19], $0x80, s3, s19, $0xb8;
	[tilespmem:$0x1D080] =	vst v63  }
0x3e5: {  	_ =	swait.ge [sflag:s25], $0x2800  }
0x3e6: {  	[sflag:s25] =	ssyncset.done $0x0  }
0x3e7: {  	[sflag:s25] =	ssyncadd.s32 $0xFFFFD800  }
0x3e8: {  	[spmem:s4] =	stream.indirect.scatter.add.f32 [tilespmem:s23], [sflag:$0x5], $0x80, s13, s19, $0xb8;
	[tilespmem:$0x1D080] =	vst v63  }
0x3e9: {  	_ =	swait.ge [sflag:s28], $0x2800  }
0x3ea: {  	[sflag:s28] =	ssyncset.done $0x0  }
0x3eb: {  	s12 =	rddreg [dreg:$0x1a];
	[sflag:s28] =	ssyncadd.s32 $0xFFFFD800  }
0x3ec: {  	[tilespmem:s22], [sflag:$0x1] =	stream.indirect.gather [hbm4b:s1+s19], $0x80, s12, s19, $0xb8;
	[tilespmem:$0x1D080] =	vst v63  }
0x3ed: {  	_ =	swait.ge [sflag:s26], $0x2800  }
0x3ee: {  	[sflag:s26] =	ssyncset.done $0x0  }
0x3ef: {  	[sflag:s26] =	ssyncadd.s32 $0xFFFFD800  }
0x3f0: {  	[spmem:s4] =	stream.indirect.scatter.add.f32 [tilespmem:s16], [sflag:$0x6], $0x80, s14, s19, $0xb8;
	[tilespmem:$0x1D080] =	vst v63  }
0x3f1: {  	_ =	swait.ge [sflag:s29], $0x2800  }
0x3f2: {  	[sflag:s29] =	ssyncset.done $0x0  }
0x3f3: {  	s2 =	rddreg [dreg:$0x1b];
	[sflag:s29] =	ssyncadd.s32 $0xFFFFD800  }
0x3f4: {  	[tilespmem:s23], [sflag:$0x2] =	stream.indirect.gather [hbm4b:s1+s19], $0x80, s2, s19, $0xb8;
	[tilespmem:$0x1D080] =	vst v63  }
0x3f5: {  	_ =	swait.ge [sflag:s24], $0x2800  }
0x3f6: {  	[sflag:s24] =	ssyncset.done $0x0  }
0x3f7: {  	[sflag:s24] =	ssyncadd.s32 $0xFFFFD800  }
0x3f8: {  	[spmem:s4] =	stream.indirect.scatter.add.f32 [tilespmem:s22], [sflag:$0x4], $0x80, s15, s19, $0xb8;
	[tilespmem:$0x1D080] =	vst v63  }
0x3f9: {  	_ =	swait.ge [sflag:s30], $0x2800  }
0x3fa: {  	[sflag:s30] =	ssyncset.done $0x0  }
0x3fb: {  	s3 =	rddreg [dreg:$0x1c];
	[sflag:s30] =	ssyncadd.s32 $0xFFFFD800  }
0x3fc: {  	[tilespmem:s16], [sflag:$0x3] =	stream.indirect.gather [hbm4b:s1+s19], $0x80, s3, s19, $0xb8;
	[tilespmem:$0x1D080] =	vst v63  }
0x3fd: {  	_ =	swait.ge [sflag:s25], $0x2800  }
0x3fe: {  	[sflag:s25] =	ssyncset.done $0x0  }
0x3ff: {  	[sflag:s25] =	ssyncadd.s32 $0xFFFFD800  }
0x400: {  	[spmem:s4] =	stream.indirect.scatter.add.f32 [tilespmem:s23], [sflag:$0x5], $0x80, s8, s19, $0xb8;
	[tilespmem:$0x1D080] =	vst v63  }
0x401: {  	_ =	swait.ge [sflag:s28], $0x2800  }
0x402: {  	[sflag:s28] =	ssyncset.done $0x0  }
0x403: {  	s12 =	rddreg [dreg:$0x1d];
	[sflag:s28] =	ssyncadd.s32 $0xFFFFD800  }
0x404: {  	[tilespmem:s22], [sflag:$0x1] =	stream.indirect.gather [hbm4b:s1+s19], $0x80, s12, s19, $0xb8;
	[tilespmem:$0x1D080] =	vst v63  }
0x405: {  	_ =	swait.ge [sflag:s26], $0x2800  }
0x406: {  	[sflag:s26] =	ssyncset.done $0x0  }
0x407: {  	[sflag:s26] =	ssyncadd.s32 $0xFFFFD800  }
0x408: {  	[spmem:s4] =	stream.indirect.scatter.add.f32 [tilespmem:s16], [sflag:$0x6], $0x80, s20, s19, $0xb8;
	[tilespmem:$0x1D080] =	vst v63  }
0x409: {  	_ =	swait.ge [sflag:s29], $0x2800  }
0x40a: {  	[sflag:s29] =	ssyncset.done $0x0  }
0x40b: {  	[sflag:s29] =	ssyncadd.s32 $0xFFFFD800  }
0x40c: {  	_ =	swait.ge [sflag:s24], $0x2800  }
0x40d: {  	[sflag:s24] =	ssyncset.done $0x0  }
0x40e: {  	[sflag:s24] =	ssyncadd.s32 $0xFFFFD800  }
0x40f: {  	[spmem:s4] =	stream.indirect.scatter.add.f32 [tilespmem:s22], [sflag:$0x4], $0x80, s21, s19, $0xb8;
	[tilespmem:$0x1D080] =	vst v63  }
0x410: {  	_ =	swait.ge [sflag:s30], $0x2800  }
0x411: {  	[sflag:s30] =	ssyncset.done $0x0  }
0x412: {  	[sflag:s30] =	ssyncadd.s32 $0xFFFFD800  }
0x413: {  	_ =	swait.ge [sflag:s28], $0x2800  }
0x414: {  	[sflag:s28] =	ssyncset.done $0x0  }
0x415: {  	[sflag:s28] =	ssyncadd.s32 $0xFFFFD800  }
0x416: {  	[bflag:$0x0] =	sbarrier.arrive $0xFFFF  }
0x417: {  	s2 =	sld [smem:$0x7F9]  }
0x418: {  	s3 =	sld [smem:$0x7FB];
	_ =	sdelay $0x1  }
0x419: {  	s0 =	simm.s32 @p0 $0x1FC7  }
0x41a: {  	[hbm:s2], [sflag:s0] =	dma.local @p0 [spmem:s3], $0x2080  }
0x41b: {  	s0 =	simm.s32 @p0 $0x7  }
0x41c: {  	_ =	swait.ge @p0 [sflag:s0], $0x2080  }
0x41d: {  	s31 =	sld [smem:$0x7FC]  }
0x41e: {  	[sflag:s0] =	ssyncset.done @p0 $0x0;
	s3 =	sld [smem:$0x7FD]  }
0x41f: {  	[sflag:s0] =	ssyncadd.s32 @p0 $0xFFFFDF80;
	s0 =	sld [smem:$0x7F8];
	_ =	sdelay $0x2  }
0x420: {  	[hbm:s0], [sflag:s31] =	dma.local @!p0 [spmem:s3], $0x2780  }
0x421: {  	s0 =	simm.s32 @!p0 $0x7  }
0x422: {  	_ =	swait.ge @!p0 [sflag:s0], $0x2780  }
0x423: {  	s12 =	sld [smem:$0x7F5]  }
0x424: {  	s2 =	sld [smem:$0x7FA];
	_ =	sdelay $0x1  }
0x425: {  	s12 =	sadd.s32 $0x1, s12  }
0x426: {  	p1 =	sne.s32 s12, s2  }
.Ltmp2:
0x427: {  	_ = 	snop;
	(pc) =	sbr.rel @p1 .LBB2_1-.Ltmp2, $3  }
0x428: {  	_ =	sdelay $0x1  }
0x429: {  	[sflag:s0] =	ssyncset.done @!p0 $0x0  }
0x42a: {  	[sflag:s0] =	ssyncadd.s32 @!p0 $0xFFFFD880  }
0x42b: {  	_ =	sfence.sel $0x180000  }
0x42c: {  	[bflag:$0x0] =	sbarrier.arrive $0xFFFF  }
0x42d: {  	_ =	strace $0x90000047  }
0x42e: {  	s0 =	stileid.u32;
	[bflag:$0x2] =	sbarrier.arrive $0xFFFF  }
0x42f: {  	p0 =	sne.s32 s0, $0x0;
	s0 =	rddreg [dreg:$0x4]  }
0x430: {  	s0 =	sadd.s32 @!p0 $0x100000, s0  }
0x431: {  	[sflag:s0] =	ssyncadd.tile.s32 @!p0 $0x1;
	_ =	shalt  }
.Lfunc_end2:
_tile_overlayer_lowered:
.L_overlay_start_2:
0x432: {  	(tag) =	ssettag $0x2  }
0x433: {  	s0 =	rddreg [dreg:$0x0];
	s2 =	stileid.u32  }
0x434: {  	s1 =	rddreg [dreg:$0x1];
	p0 =	sne.s32 s2, $0x0  }
0x435: {  	s3 =	rddreg [dreg:$0x2];
	[bflag:$0x3] =	sbarrier.arrive $0xFFFF;
	s2 =	simm.s32 @!p0 $0x1C07  }
0x436: {  	[timem:s3], [sflag:s2] =	dma.local @!p0 [hbm:s0], s1  }
0x437: {  	s0 =	simm.s32 @!p0 $0x7  }
0x438: {  	_ =	swait.ge @!p0 [sflag:s0], s1  }
0x439: {  	s1 =	ssub.s32 @!p0 $0x0, s1;
	[sflag:s0] =	ssyncset.done @!p0 $0x0  }
0x43a: {  	[sflag:s0] =	ssyncadd.s32 @!p0 s1  }
0x43b: {  	[bflag:$0x3] =	sbarrier.arrive $0xFFFF  }
0x43c: {  	_ =	shalt  }

// kernel: kernel.9.cloned.1.call-start
scs
__scs_entry_jumppad:
0x0: {  	(pc) =	sbr.rel $0x88, $3  }
0x1: {  	(tag) =	ssettag $0x0;
	lr =	simm.s32 $0x1  }
0x2: {  	[smem:$0x3F99] =	sst lr;
	_ =	strace $0xD0000000  }
0x3: {  	_ = 	snop  }
0x4: {  	_ = 	snop  }
0x5: {  	_ = 	snop  }
0x6: {  	_ = 	snop  }
0x7: {  	_ = 	snop  }
__scs_overlays_trampoline_lowered:
0x8: {  	[smem:$0x3FA8] =	sst s0  }
0x9: {  	[smem:$0x3FA9] =	sst s1  }
0xa: {  	[smem:$0x3FAA] =	sst s2  }
0xb: {  	[smem:$0x3FAB] =	sst s3  }
0xc: {  	[smem:$0x3FAC] =	sst s4  }
0xd: {  	[smem:$0x3FAD] =	sst s5  }
0xe: {  	[smem:$0x3FAE] =	sst s6  }
0xf: {  	[smem:$0x3FAF] =	sst s7  }
0x10: {  	[smem:$0x3FB0] =	sst s8  }
0x11: {  	[smem:$0x3FB1] =	sst s9;
	s0 =	simm.s32 @!p0 $0x0  }
0x12: {  	s1 =	sld [smem:$0x3F97];
	s0 =	simm.s32 @p0 $0x1  }
0x13: {  	[smem:$0x3FB2] =	sst s0;
	s0 =	simm.s32 @!p1 $0x0  }
0x14: {  	s2 =	sld [smem:$0x3F96];
	s0 =	simm.s32 @p1 $0x1  }
0x15: {  	[smem:$0x3FB3] =	sst s0;
	s0 =	simm.s32 @!p2 $0x0  }
0x16: {  	s3 =	sld [smem:$0x3FDB];
	s0 =	simm.s32 @p2 $0x1  }
0x17: {  	s4 =	simm.s32 $0x1BF5;
	[smem:$0x3FB5] =	sst s0  }
0x18: {  	s0 =	sld [smem:$0x3F98];
	_ =	swait.ge [sflag:s4], $0x0  }
0x19: {  	s7 =	sld [smem:$0x3F99]  }
0x1a: {  	s8 =	sadd.s32 $0xFFFFE003, lr  }
0x1b: {  	s9 =	sadd.s32 $0xFFFFFEF7, lr;
	s5 =	simm.s32 $0xFFFFFFFF;
	p2 =	slt.u32 s8, $0xFFFFF086  }
0x1c: {  	p1 =	slt.u32 s9, $0xF7A;
	s5 =	simm.s32 @!p2 $0x0  }
0x1d: {  	s5 =	simm.s32 @p1 $0x1;
	p0 =	seq.s32 s7, s2  }
0x1e: {  	s7 =	smul.u32 @!p0 $0xF7A, s2;
	p2 =	seq.s32 @!p0 s5, $0x0  }
0x1f: {  	s9 =	smul.u32 $0xF7A, s1;
	s8 =	simm.s32 @!p0 $0x1BF5;
	p2 =	por !p2, p0  }
0x20: {  	[sflag:s8] =	ssyncset.s32 @!p0 $0xFFFFF086;
	s6 =	sadd.s32 @!p0 s3, s7;
	s7 =	simm.s32 @!p0 $0x108  }
0x21: {  	s3 =	sadd.s32 s3, s9;
	s6 =	sadd.s32 @!p0 $0x88, s6;
	s7 =	simm.s32 @p2 $0x1082  }
0x22: {  	[simem:s7], [sflag:s8] =	dma.local @!p0 [hbm:s6], $0xF7A  }
0x23: {  	s9 =	sor.u32 $0xD0000000, s2;
	s6 =	simm.s32 $0x108;
	_ =	swait.ge @!p0 [sflag:s8], $0x0  }
0x24: {  	s3 =	sadd.s32 $0x88, s3;
	s6 =	simm.s32 @!p1 $0x1082;
	[sflag:s4] =	ssyncset.s32 $0xFFFFF086  }
0x25: {  	[simem:s6], [sflag:s4] =	dma.local [hbm:s3], $0xF7A  }
0x26: {  	[smem:$0x3F99] =	sst s1;
	(tag) =	ssettag s2;
	_ =	strace s9  }
0x27: {  	s1 =	sld [smem:$0x3FA9]  }
0x28: {  	s2 =	sld [smem:$0x3FAA]  }
0x29: {  	s4 =	sld [smem:$0x3FAC]  }
0x2a: {  	p0 =	seq.s32 s5, $0x0;
	s5 =	sld [smem:$0x3FAD]  }
0x2b: {  	s6 =	sld [smem:$0x3FAE]  }
0x2c: {  	s7 =	sld [smem:$0x3FAF]  }
0x2d: {  	s3 =	simm.s32 $0x108;
	s8 =	sld [smem:$0x3FB0]  }
0x2e: {  	s3 =	simm.s32 @!p0 $0x1082;
	s9 =	sld [smem:$0x3FB1]  }
0x2f: {  	lr =	sadd.s32 s0, s3;
	s0 =	sld [smem:$0x3FA8]  }
0x30: {  	s3 =	sld [smem:$0x3FAB]  }
0x31: {  	[smem:$0x3FB4] =	sst s10  }
0x32: {  	s10 =	sld [smem:$0x3FB2];
	_ =	sdelay $0x3  }
0x33: {  	p0 =	seq.s32 s10, $0x1;
	s10 =	sld [smem:$0x3FB4];
	_ =	sdelay $0x3  }
0x34: {  	[smem:$0x3FB4] =	sst s10  }
0x35: {  	s10 =	sld [smem:$0x3FB3];
	_ =	sdelay $0x3  }
0x36: {  	p1 =	seq.s32 s10, $0x1;
	s10 =	sld [smem:$0x3FB4];
	_ =	sdelay $0x3  }
0x37: {  	[smem:$0x3FB4] =	sst s10  }
0x38: {  	s10 =	sld [smem:$0x3FB5]  }
0x39: {  	_ = 	snop;
	(pc) =	sbr.ind lr, $3  }
0x3a: {  	_ = 	snop  }
0x3b: {  	_ = 	snop  }
0x3c: {  	p2 =	seq.s32 s10, $0x1;
	s10 =	sld [smem:$0x3FB4]  }
0x3d: {  	_ =	shalt  }
0x3e: {  	_ =	shalt  }
0x3f: {  	_ =	shalt  }
0x40: {  	_ =	shalt  }
0x41: {  	_ =	shalt  }
0x42: {  	_ =	shalt  }
0x43: {  	_ =	shalt  }
0x44: {  	_ =	shalt  }
0x45: {  	_ =	shalt  }
0x46: {  	_ =	shalt  }
0x47: {  	_ =	shalt  }
0x48: {  	_ =	shalt  }
0x49: {  	_ =	shalt  }
0x4a: {  	_ =	shalt  }
0x4b: {  	_ =	shalt  }
0x4c: {  	_ =	shalt  }
0x4d: {  	_ =	shalt  }
0x4e: {  	_ =	shalt  }
0x4f: {  	_ =	shalt  }
0x50: {  	_ =	shalt  }
0x51: {  	_ =	shalt  }
0x52: {  	_ =	shalt  }
0x53: {  	_ =	shalt  }
0x54: {  	_ =	shalt  }
0x55: {  	_ =	shalt  }
0x56: {  	_ =	shalt  }
0x57: {  	_ =	shalt  }
0x58: {  	_ =	shalt  }
0x59: {  	_ =	shalt  }
0x5a: {  	_ =	shalt  }
0x5b: {  	_ =	shalt  }
0x5c: {  	_ =	shalt  }
0x5d: {  	_ =	shalt  }
0x5e: {  	_ =	shalt  }
0x5f: {  	_ =	shalt  }
0x60: {  	_ =	shalt  }
0x61: {  	_ =	shalt  }
0x62: {  	_ =	shalt  }
0x63: {  	_ =	shalt  }
0x64: {  	_ =	shalt  }
0x65: {  	_ =	shalt  }
0x66: {  	_ =	shalt  }
0x67: {  	_ =	shalt  }
0x68: {  	_ =	shalt  }
0x69: {  	_ =	shalt  }
0x6a: {  	_ =	shalt  }
0x6b: {  	_ =	shalt  }
0x6c: {  	_ =	shalt  }
0x6d: {  	_ =	shalt  }
0x6e: {  	_ =	shalt  }
0x6f: {  	_ =	shalt  }
0x70: {  	_ =	shalt  }
0x71: {  	_ =	shalt  }
0x72: {  	_ =	shalt  }
0x73: {  	_ =	shalt  }
0x74: {  	_ =	shalt  }
0x75: {  	_ =	shalt  }
0x76: {  	_ =	shalt  }
0x77: {  	_ =	shalt  }
0x78: {  	_ =	shalt  }
0x79: {  	_ =	shalt  }
0x7a: {  	_ =	shalt  }
0x7b: {  	_ =	shalt  }
0x7c: {  	_ =	shalt  }
0x7d: {  	_ =	shalt  }
0x7e: {  	_ =	shalt  }
0x7f: {  	_ =	shalt  }
0x80: {  	_ =	shalt  }
0x81: {  	_ =	shalt  }
0x82: {  	_ =	shalt  }
0x83: {  	_ =	shalt  }
0x84: {  	_ =	shalt  }
0x85: {  	_ =	shalt  }
0x86: {  	_ =	shalt  }
0x87: {  	_ =	shalt  }
.Lfunc_end0:
.L_simem_size_0:
called_computation.1_lowered:
.L_overlay_start_0:
0x88: {  	s2 =	sld [smem:$0x3FD9]  }
0x89: {  	s3 =	sld [smem:$0x3FFE];
	_ =	sdelay $0x1  }
0x8a: {  	s1 =	srdreg.scid  }
0x8b: {  	s0 =	sand.u32 $0x1, s1  }
0x8c: {  	s17 =	sshll.u32 s0, $0xA;
	s2 =	sadd.s32 s3, s2  }
0x8d: {  	s2 =	sadd.s32 s2, s17  }
0x8e: {  	[smem:$0x3FC0] =	sst s2  }
0x8f: {  	_ = 	snop  }
0x90: {  	s2 =	sld [smem:$0x3FD0];
	(tm) =	ssettm $0x1  }
0x91: {  	s18 =	sld [smem:$0x3FFB];
	_ =	sdelay $0x3  }
0x92: {  	_ =	strace s18  }
0x93: {  	s3 =	sld [smem:$0x3FFC];
	_ =	sdelay $0x3  }
0x94: {  	_ =	strace s3  }
0x95: {  	s3 =	sld [smem:$0x3FFD];
	_ =	sdelay $0x3  }
0x96: {  	_ =	strace s3  }
0x97: {  	_ =	strace $0x8FFFFFFF  }
0x98: {  	s19 =	sld [smem:$0x3FDB];
	_ =	sdelay $0x1  }
0x99: {  	s4 =	simm.s32 $_scs_section_size  }
0x9a: {  	s5 =	simm.s32 $_size__tile_overlayer_lowered;
	s6 =	simm.s32 $_tile_overlayer_lowered  }
0x9b: {  	s22 =	simm.s32 $0x1BFF;
	s21 =	sshll.u32 s6, $0x1;
	s3 =	sadd.s32 s4, s19  }
0x9c: {  	s7 =	simm.s32 $0x0;
	s20 =	sshll.u32 s5, $0x1;
	s5 =	sadd.s32 s21, s3  }
0x9d: {  	[timem:s7], [sflag:s22] =	dma.local [hbm:s5], s20  }
0x9e: {  	_ =	swait.ge [sflag:s22], s20  }
0x9f: {  	s4 =	ssub.s32 $0x0, s20;
	[sflag:s22] =	ssyncset.done $0x0  }
0xa0: {  	[sflag:s22] =	ssyncadd.s32 s4;
	_ =	sdelay $0x1  }
0xa1: {  	s23 =	simm.s32 $0x1B8B  }
0xa2: {  	_ =	swait.ge [sflag:s23], $0x1  }
0xa3: {  	[sflag:s23] =	ssyncset.done $0x0  }
0xa4: {  	s25 =	simm.s32 $0x1B8E;
	s24 =	sld [smem:$0x3FFE];
	[sflag:s23] =	ssyncadd.s32 $0xFFFFFFFF  }
0xa5: {  	s26 =	simm.s32 $execute0_lowered;
	[smem:$0x3FD2] =	sst s25  }
0xa6: {  	s5 =	sshll.u32 s26, $0x1;
	_ =	strace $0x80000049;
	[dreg:$0x1] =	wrdreg $0xFFFFFFFF  }
0xa7: {  	s28 =	simm.s32 $_size_execute0_lowered;
	s3 =	sadd.s32 s3, s5;
	[dreg:$0x0] =	wrdreg $0x0  }
0xa8: {  	s5 =	sshll.u32 s28, $0x1;
	[dreg:$0x2] =	wrdreg s3  }
0xa9: {  	[dreg:$0x3] =	wrdreg s5  }
0xaa: {  	[dreg:$0x4] =	wrdreg $0xC0  }
0xab: {  	_ =	task [dreg:s7], $0x5FFFF  }
0xac: {  	[dreg:$0x1] =	wrdreg $0xFFFFFFFF  }
0xad: {  	[dreg:$0x0] =	wrdreg $0x60  }
0xae: {  	[dreg:$0x2] =	wrdreg s2  }
0xaf: {  	[dreg:$0x3] =	wrdreg s24  }
0xb0: {  	[dreg:$0x4] =	wrdreg $0x98000  }
0xb1: {  	[dreg:$0x5] =	wrdreg $0x9  }
0xb2: {  	_ =	task.clear_ibuf [dreg:s7], $0x6FFFF;
	_ =	strace $0x90000049  }
0xb3: {  	s29 =	simm.s32 $0x9;
	_ =	strace $0x8000004B  }
0xb4: {  	_ =	swait.ge [sflag:s29], $0x1  }
0xb5: {  	[sflag:s29] =	ssyncadd.s32 $0xFFFFFFFF  }
0xb6: {  	_ =	strace $0x9000004B  }
0xb7: {  	_ =	sfence  }
0xb8: {  	s30 =	sld [smem:$0x0];
	_ =	sdelay $0x2  }
0xb9: {  	s31 =	sshll.u32 s1, $0xD;
	s1 =	sshrl.u32 s1, $0x2  }
0xba: {  	s3 =	sand.u32 $0x4000, s31;
	s1 =	sadd.s32 s1, s30  }
0xbb: {  	s0 =	sor.u32 s3, s0;
	s1 =	sshll.u32 s1, $0x11  }
0xbc: {  	s0 =	sor.u32 s1, s0  }
0xbd: {  	s0 =	sadd.s32 $0x8F2B, s0  }
0xbe: {  	[sflag:s0] =	ssyncadd.remote.s32 $0x1  }
0xbf: {  	_ =	sfence.sel $0xFFFF  }
0xc0: {  	[dreg:$0x0] =	wrdreg $0xFFFFFFFF;
	(pc) =	sbr.abs _section_cstart, $3  }
0xc1: {  	[dreg:$0x1] =	wrdreg $0xFFFFFFFF  }
0xc2: {  	_ =	task.clear_ibuf [dreg:s7], $0x2FFFF;
	_ =	strace $0x9FFFFFFF  }
0xc3: {  	(tm) =	ssettm $0x7FFFFFFF  }
tec
execute0_lowered:
.L_overlay_start_1:
0x0: {  	(tag) =	ssettag $0x1  }
0x1: {  	s0 =	srdreg.scid;
	s10 =	stileid.u32  }
0x2: {  	s0 =	sand.u32 $0x1, s0;
	s1 =	smul.u32 $0xA000, s10  }
0x3: {  	s2 =	rddreg [dreg:$0x0];
	s4 =	smul.u32 $0x5000, s0  }
0x4: {  	s5 =	rddreg [dreg:$0x1]  }
0x5: {  	s3 =	rddreg [dreg:$0x2];
	s1 =	sadd.s32 s4, s1;
	s4 =	simm.s32 $0x0  }
0x6: {  	s7 =	simm.s32 $0x80;
	[smem:$0x7FF] =	sst s4  }
0x7: {  	s9 =	sadd.s32 $0x2A800, s5;
	_ =	strace $0x8000004A;
	[dreg:$0x6] =	wrdreg s7  }
0x8: {  	s8 =	simm.s32 $0x100;
	[smem:$0x7EC] =	sst s9  }
0x9: {  	s11 =	simm.s32 $0x1080;
	[dreg:$0x7] =	wrdreg s8  }
0xa: {  	s12 =	simm.s32 $0x180;
	[dreg:$0x8] =	wrdreg s11  }
0xb: {  	s14 =	simm.s32 $0x1100;
	[dreg:$0x9] =	wrdreg s12  }
0xc: {  	s15 =	simm.s32 $0x200;
	[dreg:$0xa] =	wrdreg s14  }
0xd: {  	s16 =	simm.s32 $0x1180;
	[dreg:$0xb] =	wrdreg s15  }
0xe: {  	s17 =	simm.s32 $0x280;
	[dreg:$0xc] =	wrdreg s16  }
0xf: {  	s19 =	simm.s32 $0x1200;
	s20 =	simm.s32 $0x300;
	[dreg:$0xd] =	wrdreg s17  }
0x10: {  	s21 =	simm.s32 $0x1280;
	s23 =	simm.s32 $0x380;
	[dreg:$0xe] =	wrdreg s19  }
0x11: {  	s24 =	simm.s32 $0x1300;
	s25 =	simm.s32 $0x400;
	[dreg:$0xf] =	wrdreg s20  }
0x12: {  	s26 =	simm.s32 $0x1380;
	s28 =	simm.s32 $0xA80;
	[dreg:$0x10] =	wrdreg s21  }
0x13: {  	s29 =	simm.s32 $0x1A00;
	s30 =	simm.s32 $0xB00;
	[dreg:$0x11] =	wrdreg s23  }
0x14: {  	s31 =	simm.s32 $0x1A80;
	s22 =	smul.u32 $0x13C00, s10;
	[dreg:$0x12] =	wrdreg s24  }
0x15: {  	p0 =	seq.s32 s10, $0xF;
	s13 =	ssub.s32 $0x2, s0;
	[dreg:$0x13] =	wrdreg s25  }
0x16: {  	s0 =	smul.u32 $0x138800, s0;
	[dreg:$0x14] =	wrdreg s26;
	s11 =	simm.s32 $0x480  }
0x17: {  	s1 =	sshrl.u32 s1, $0x3;
	s12 =	simm.s32 $0x1400;
	[dreg:$0x15] =	wrdreg s11  }
0x18: {  	s1 =	sadd.s32 s1, s5;
	s14 =	simm.s32 $0x1480;
	[dreg:$0x16] =	wrdreg s12  }
0x19: {  	s5 =	sadd.s32 $0x2D000, s5;
	s16 =	simm.s32 $0x580;
	[dreg:$0x18] =	wrdreg s14  }
0x1a: {  	s7 =	sshrl.u32 s13, $0x1;
	s17 =	simm.s32 $0x1500;
	[dreg:$0x19] =	wrdreg s16  }
0x1b: {  	s8 =	smul.u32 $0x4F000, s10;
	s19 =	simm.s32 $0x1580;
	[dreg:$0x1a] =	wrdreg s17  }
0x1c: {  	s9 =	sadd.s32 $0x128400, s3;
	s20 =	simm.s32 $0x680;
	[dreg:$0x1c] =	wrdreg s19  }
0x1d: {  	s21 =	simm.s32 $0x1600;
	s23 =	simm.s32 $0x1680;
	[dreg:$0x1d] =	wrdreg s20  }
0x1e: {  	s24 =	simm.s32 $0x780;
	s25 =	simm.s32 $0x1700;
	[dreg:$0x1e] =	wrdreg s21  }
0x1f: {  	s26 =	simm.s32 $0x800;
	s6 =	sadd.s32 $0x2800, s1;
	[smem:$0x7F2] =	sst s23  }
0x20: {  	s1 =	sadd.s32 $0x16800, s1;
	s12 =	simm.s32 $0x7;
	[smem:$0x7F3] =	sst s24  }
0x21: {  	s14 =	simm.s32 $0x50;
	s16 =	simm.s32 $0x4800;
	[smem:$0x7F4] =	sst s25  }
0x22: {  	s17 =	simm.s32 $0x1;
	[smem:$0x7F5] =	sst s26;
	s19 =	simm.s32 $0x2  }
0x23: {  	s20 =	simm.s32 $0x4;
	s21 =	simm.s32 $0x3;
	s23 =	simm.s32 $0x6  }
0x24: {  	s24 =	simm.s32 $0x1900;
	s25 =	simm.s32 $0xA00;
	[dreg:$0x4] =	wrdreg s6  }
0x25: {  	[dreg:$0x5] =	wrdreg s1;
	s6 =	ssub.s32 s13, s7;
	s13 =	simm.s32 $0x500  }
0x26: {  	s18 =	sshrl.u32 s8, $0x2;
	s1 =	sshrl.u32 @p0 s9, $0x3;
	[dreg:$0x17] =	wrdreg s13  }
0x27: {  	s8 =	sadd.s32 s22, s0;
	s22 =	simm.s32 $0x700;
	[smem:$0x7F0] =	sst s1  }
0x28: {  	s26 =	simm.s32 $0x1980;
	s9 =	simm.s32 $0x980;
	[dreg:$0x1f] =	wrdreg s22  }
0x29: {  	s0 =	sshrl.u32 s0, $0x3;
	s15 =	smax.u32 s6, $0x1;
	[smem:$0x7FB] =	sst s9  }
0x2a: {  	s7 =	sadd.s32 s18, s3;
	s18 =	simm.s32 $0x600;
	[smem:$0x7EF] =	sst s15  }
0x2b: {  	s8 =	sshrl.u32 s8, $0x3;
	s6 =	simm.s32 $0x1800;
	[dreg:$0x1b] =	wrdreg s18  }
0x2c: {  	s1 =	sshll.u32 @!p0 s10, $0x6;
	s10 =	simm.s32 $0x0;
	[smem:$0x7F8] =	sst s6  }
0x2d: {  	s0 =	sadd.s32 s5, s0;
	s8 =	sadd.s32 s5, s8;
	[smem:$0x7FC] =	sst s10  }
0x2e: {  	s13 =	simm.s32 $0x1000;
	s0 =	sadd.s32 $0x25080, s0;
	[smem:$0x7ED] =	sst s8  }
0x2f: {  	s22 =	simm.s32 $0x5;
	s1 =	sor.u32 @!p0 $0x1C07, s1;
	[smem:$0x7EE] =	sst s0  }
0x30: {  	s11 =	sshrl.u32 @!p0 s7, $0x3;
	s5 =	simm.s32 $0x880;
	[smem:$0x7F1] =	sst s1  }
0x31: {  	s15 =	simm.s32 $0x2000;
	s7 =	simm.s32 $0x900;
	[smem:$0x7F7] =	sst s5  }
0x32: {  	s18 =	simm.s32 $0x7000;
	s6 =	simm.s32 $0xC00;
	[smem:$0x7F9] =	sst s7  }
0x33: {  	s1 =	simm.s32 $0x1780;
	s8 =	simm.s32 $0x1880;
	[smem:$0x7FD] =	sst s11  }
0x34: {  	s0 =	simm.s32 $0x1B00;
	s7 =	simm.s32 $0x1B80;
	[smem:$0x7F6] =	sst s1  }
0x35: {  	[smem:$0x7FA] =	sst s8;
	s1 =	simm.s32 $0xB80;
	s8 =	simm.s32 $0x1C00  }
.LBB2_1:
0x36: {  	s5 =	sld [smem:$0x7EC]  }
0x37: {  	s10 =	sld [smem:$0x7F0];
	_ =	sdelay $0x1  }
0x38: {  	s9 =	simm.s32 @p0 $0x1FC7  }
0x39: {  	[spmem:s10], [sflag:s9] =	dma.local @p0 [hbm:s5], $0x2080  }
0x3a: {  	s9 =	simm.s32 @p0 $0x7  }
0x3b: {  	_ =	swait.ge @p0 [sflag:s9], $0x2080  }
0x3c: {  	[sflag:s9] =	ssyncset.done @p0 $0x0  }
0x3d: {  	[sflag:s9] =	ssyncadd.s32 @p0 $0xFFFFDF80;
	s9 =	sld [smem:$0x7F1];
	_ =	sdelay $0x2  }
0x3e: {  	[spmem:s11], [sflag:s9] =	dma.local @!p0 [hbm:s5], $0x2780  }
0x3f: {  	s9 =	simm.s32 @!p0 $0x7  }
0x40: {  	_ =	swait.ge @!p0 [sflag:s9], $0x2780  }
0x41: {  	[sflag:s9] =	ssyncset.done @!p0 $0x0  }
0x42: {  	[sflag:s9] =	ssyncadd.s32 @!p0 $0xFFFFD880  }
0x43: {  	[bflag:$0x0] =	sbarrier.arrive $0xFFFF  }
0x44: {  	s10 =	rddreg [dreg:$0x5]  }
0x45: {  	s9 =	sadd.s32 $0x0, s10  }
0x46: {  	[tilespmem:s4], [sflag:$0x7] =	stream.linear.gather [hbm4b:s9+s4], $0xC80, $0x38;
	[tilespmem:$0x1D080] =	vst v63  }
0x47: {  	_ =	swait.ge [sflag:s12], $0xC80  }
0x48: {  	s11 =	rddreg [dreg:$0x4];
	[sflag:s12] =	ssyncset.done $0x0  }
0x49: {  	[sflag:s12] =	ssyncadd.s32 $0xFFFFF380;
	s9 =	sadd.s32 $0x0, s11  }
0x4a: {  	[tilespmem:s13], [sflag:$0x7] =	stream.linear.gather [hbm4b:s9+s4], $0xC80, $0x38;
	[tilespmem:$0x1D080] =	vst v63  }
0x4b: {  	_ =	swait.ge [sflag:s12], $0xC80  }
0x4c: {  	[sflag:s12] =	ssyncset.done $0x0  }
0x4d: {  	[sflag:s12] =	ssyncadd.s32 $0xFFFFF380  }
0x4e: {  	[tilespmem:s15], [sflag:$0x1] =	stream.indirect.gather [hbm4b:s2+s14], $0x80, s4, s14, $0xb8;
	[tilespmem:$0x1D080] =	vst v63  }
0x4f: {  	s5 =	rddreg [dreg:$0x6]  }
0x50: {  	[tilespmem:s16], [sflag:$0x2] =	stream.indirect.gather [hbm4b:s2+s14], $0x80, s5, s14, $0xb8;
	[tilespmem:$0x1D080] =	vst v63  }
0x51: {  	_ =	swait.ge [sflag:s17], $0x2800  }
0x52: {  	[sflag:s17] =	ssyncset.done $0x0  }
0x53: {  	[sflag:s17] =	ssyncadd.s32 $0xFFFFD800  }
0x54: {  	[spmem:s3] =	stream.indirect.scatter.add.f32 [tilespmem:s15], [sflag:$0x4], $0x80, s13, s14, $0xb8;
	[tilespmem:$0x1D080] =	vst v63  }
0x55: {  	s10 =	rddreg [dreg:$0x7]  }
0x56: {  	[tilespmem:s18], [sflag:$0x3] =	stream.indirect.gather [hbm4b:s2+s14], $0x80, s10, s14, $0xb8;
	[tilespmem:$0x1D080] =	vst v63  }
0x57: {  	_ =	swait.ge [sflag:s19], $0x2800  }
0x58: {  	[sflag:s19] =	ssyncset.done $0x0  }
0x59: {  	s11 =	rddreg [dreg:$0x8];
	[sflag:s19] =	ssyncadd.s32 $0xFFFFD800  }
0x5a: {  	[spmem:s3] =	stream.indirect.scatter.add.f32 [tilespmem:s16], [sflag:$0x5], $0x80, s11, s14, $0xb8;
	[tilespmem:$0x1D080] =	vst v63  }
0x5b: {  	_ =	swait.ge [sflag:s20], $0x2800  }
0x5c: {  	[sflag:s20] =	ssyncset.done $0x0  }
0x5d: {  	s5 =	rddreg [dreg:$0x9];
	[sflag:s20] =	ssyncadd.s32 $0xFFFFD800  }
0x5e: {  	[tilespmem:s15], [sflag:$0x1] =	stream.indirect.gather [hbm4b:s2+s14], $0x80, s5, s14, $0xb8;
	[tilespmem:$0x1D080] =	vst v63  }
0x5f: {  	_ =	swait.ge [sflag:s21], $0x2800  }
0x60: {  	[sflag:s21] =	ssyncset.done $0x0  }
0x61: {  	s10 =	rddreg [dreg:$0xa];
	[sflag:s21] =	ssyncadd.s32 $0xFFFFD800  }
0x62: {  	[spmem:s3] =	stream.indirect.scatter.add.f32 [tilespmem:s18], [sflag:$0x6], $0x80, s10, s14, $0xb8;
	[tilespmem:$0x1D080] =	vst v63  }
0x63: {  	_ =	swait.ge [sflag:s22], $0x2800  }
0x64: {  	[sflag:s22] =	ssyncset.done $0x0  }
0x65: {  	s11 =	rddreg [dreg:$0xb];
	[sflag:s22] =	ssyncadd.s32 $0xFFFFD800  }
0x66: {  	[tilespmem:s16], [sflag:$0x2] =	stream.indirect.gather [hbm4b:s2+s14], $0x80, s11, s14, $0xb8;
	[tilespmem:$0x1D080] =	vst v63  }
0x67: {  	_ =	swait.ge [sflag:s17], $0x2800  }
0x68: {  	[sflag:s17] =	ssyncset.done $0x0  }
0x69: {  	s5 =	rddreg [dreg:$0xc];
	[sflag:s17] =	ssyncadd.s32 $0xFFFFD800  }
0x6a: {  	[spmem:s3] =	stream.indirect.scatter.add.f32 [tilespmem:s15], [sflag:$0x4], $0x80, s5, s14, $0xb8;
	[tilespmem:$0x1D080] =	vst v63  }
0x6b: {  	_ =	swait.ge [sflag:s23], $0x2800  }
0x6c: {  	[sflag:s23] =	ssyncset.done $0x0  }
0x6d: {  	s10 =	rddreg [dreg:$0xd];
	[sflag:s23] =	ssyncadd.s32 $0xFFFFD800  }
0x6e: {  	[tilespmem:s18], [sflag:$0x3] =	stream.indirect.gather [hbm4b:s2+s14], $0x80, s10, s14, $0xb8;
	[tilespmem:$0x1D080] =	vst v63  }
0x6f: {  	_ =	swait.ge [sflag:s19], $0x2800  }
0x70: {  	[sflag:s19] =	ssyncset.done $0x0  }
0x71: {  	s11 =	rddreg [dreg:$0xe];
	[sflag:s19] =	ssyncadd.s32 $0xFFFFD800  }
0x72: {  	[spmem:s3] =	stream.indirect.scatter.add.f32 [tilespmem:s16], [sflag:$0x5], $0x80, s11, s14, $0xb8;
	[tilespmem:$0x1D080] =	vst v63  }
0x73: {  	_ =	swait.ge [sflag:s20], $0x2800  }
0x74: {  	[sflag:s20] =	ssyncset.done $0x0  }
0x75: {  	s5 =	rddreg [dreg:$0xf];
	[sflag:s20] =	ssyncadd.s32 $0xFFFFD800  }
0x76: {  	[tilespmem:s15], [sflag:$0x1] =	stream.indirect.gather [hbm4b:s2+s14], $0x80, s5, s14, $0xb8;
	[tilespmem:$0x1D080] =	vst v63  }
0x77: {  	_ =	swait.ge [sflag:s21], $0x2800  }
0x78: {  	[sflag:s21] =	ssyncset.done $0x0  }
0x79: {  	s10 =	rddreg [dreg:$0x10];
	[sflag:s21] =	ssyncadd.s32 $0xFFFFD800  }
0x7a: {  	[spmem:s3] =	stream.indirect.scatter.add.f32 [tilespmem:s18], [sflag:$0x6], $0x80, s10, s14, $0xb8;
	[tilespmem:$0x1D080] =	vst v63  }
0x7b: {  	_ =	swait.ge [sflag:s22], $0x2800  }
0x7c: {  	[sflag:s22] =	ssyncset.done $0x0  }
0x7d: {  	s11 =	rddreg [dreg:$0x11];
	[sflag:s22] =	ssyncadd.s32 $0xFFFFD800  }
0x7e: {  	[tilespmem:s16], [sflag:$0x2] =	stream.indirect.gather [hbm4b:s2+s14], $0x80, s11, s14, $0xb8;
	[tilespmem:$0x1D080] =	vst v63  }
0x7f: {  	_ =	swait.ge [sflag:s17], $0x2800  }
0x80: {  	[sflag:s17] =	ssyncset.done $0x0  }
0x81: {  	s5 =	rddreg [dreg:$0x12];
	[sflag:s17] =	ssyncadd.s32 $0xFFFFD800  }
0x82: {  	[spmem:s3] =	stream.indirect.scatter.add.f32 [tilespmem:s15], [sflag:$0x4], $0x80, s5, s14, $0xb8;
	[tilespmem:$0x1D080] =	vst v63  }
0x83: {  	_ =	swait.ge [sflag:s23], $0x2800  }
0x84: {  	[sflag:s23] =	ssyncset.done $0x0  }
0x85: {  	s10 =	rddreg [dreg:$0x13];
	[sflag:s23] =	ssyncadd.s32 $0xFFFFD800  }
0x86: {  	[tilespmem:s18], [sflag:$0x3] =	stream.indirect.gather [hbm4b:s2+s14], $0x80, s10, s14, $0xb8;
	[tilespmem:$0x1D080] =	vst v63  }
0x87: {  	_ =	swait.ge [sflag:s19], $0x2800  }
0x88: {  	[sflag:s19] =	ssyncset.done $0x0  }
0x89: {  	s11 =	rddreg [dreg:$0x14];
	[sflag:s19] =	ssyncadd.s32 $0xFFFFD800  }
0x8a: {  	[spmem:s3] =	stream.indirect.scatter.add.f32 [tilespmem:s16], [sflag:$0x5], $0x80, s11, s14, $0xb8;
	[tilespmem:$0x1D080] =	vst v63  }
0x8b: {  	_ =	swait.ge [sflag:s20], $0x2800  }
0x8c: {  	[sflag:s20] =	ssyncset.done $0x0  }
0x8d: {  	s5 =	rddreg [dreg:$0x15];
	[sflag:s20] =	ssyncadd.s32 $0xFFFFD800  }
0x8e: {  	[tilespmem:s15], [sflag:$0x1] =	stream.indirect.gather [hbm4b:s2+s14], $0x80, s5, s14, $0xb8;
	[tilespmem:$0x1D080] =	vst v63  }
0x8f: {  	_ =	swait.ge [sflag:s21], $0x2800  }
0x90: {  	[sflag:s21] =	ssyncset.done $0x0  }
0x91: {  	s10 =	rddreg [dreg:$0x16];
	[sflag:s21] =	ssyncadd.s32 $0xFFFFD800  }
0x92: {  	[spmem:s3] =	stream.indirect.scatter.add.f32 [tilespmem:s18], [sflag:$0x6], $0x80, s10, s14, $0xb8;
	[tilespmem:$0x1D080] =	vst v63  }
0x93: {  	_ =	swait.ge [sflag:s22], $0x2800  }
0x94: {  	[sflag:s22] =	ssyncset.done $0x0  }
0x95: {  	s11 =	rddreg [dreg:$0x17];
	[sflag:s22] =	ssyncadd.s32 $0xFFFFD800  }
0x96: {  	[tilespmem:s16], [sflag:$0x2] =	stream.indirect.gather [hbm4b:s2+s14], $0x80, s11, s14, $0xb8;
	[tilespmem:$0x1D080] =	vst v63  }
0x97: {  	_ =	swait.ge [sflag:s17], $0x2800  }
0x98: {  	[sflag:s17] =	ssyncset.done $0x0  }
0x99: {  	s5 =	rddreg [dreg:$0x18];
	[sflag:s17] =	ssyncadd.s32 $0xFFFFD800  }
0x9a: {  	[spmem:s3] =	stream.indirect.scatter.add.f32 [tilespmem:s15], [sflag:$0x4], $0x80, s5, s14, $0xb8;
	[tilespmem:$0x1D080] =	vst v63  }
0x9b: {  	_ =	swait.ge [sflag:s23], $0x2800  }
0x9c: {  	[sflag:s23] =	ssyncset.done $0x0  }
0x9d: {  	s10 =	rddreg [dreg:$0x19];
	[sflag:s23] =	ssyncadd.s32 $0xFFFFD800  }
0x9e: {  	[tilespmem:s18], [sflag:$0x3] =	stream.indirect.gather [hbm4b:s2+s14], $0x80, s10, s14, $0xb8;
	[tilespmem:$0x1D080] =	vst v63  }
0x9f: {  	_ =	swait.ge [sflag:s19], $0x2800  }
0xa0: {  	[sflag:s19] =	ssyncset.done $0x0  }
0xa1: {  	s11 =	rddreg [dreg:$0x1a];
	[sflag:s19] =	ssyncadd.s32 $0xFFFFD800  }
0xa2: {  	[spmem:s3] =	stream.indirect.scatter.add.f32 [tilespmem:s16], [sflag:$0x5], $0x80, s11, s14, $0xb8;
	[tilespmem:$0x1D080] =	vst v63  }
0xa3: {  	_ =	swait.ge [sflag:s20], $0x2800  }
0xa4: {  	[sflag:s20] =	ssyncset.done $0x0  }
0xa5: {  	s5 =	rddreg [dreg:$0x1b];
	[sflag:s20] =	ssyncadd.s32 $0xFFFFD800  }
0xa6: {  	[tilespmem:s15], [sflag:$0x1] =	stream.indirect.gather [hbm4b:s2+s14], $0x80, s5, s14, $0xb8;
	[tilespmem:$0x1D080] =	vst v63  }
0xa7: {  	_ =	swait.ge [sflag:s21], $0x2800  }
0xa8: {  	[sflag:s21] =	ssyncset.done $0x0  }
0xa9: {  	s10 =	rddreg [dreg:$0x1c];
	[sflag:s21] =	ssyncadd.s32 $0xFFFFD800  }
0xaa: {  	[spmem:s3] =	stream.indirect.scatter.add.f32 [tilespmem:s18], [sflag:$0x6], $0x80, s10, s14, $0xb8;
	[tilespmem:$0x1D080] =	vst v63  }
0xab: {  	_ =	swait.ge [sflag:s22], $0x2800  }
0xac: {  	[sflag:s22] =	ssyncset.done $0x0  }
0xad: {  	s11 =	rddreg [dreg:$0x1d];
	[sflag:s22] =	ssyncadd.s32 $0xFFFFD800  }
0xae: {  	[tilespmem:s16], [sflag:$0x2] =	stream.indirect.gather [hbm4b:s2+s14], $0x80, s11, s14, $0xb8;
	[tilespmem:$0x1D080] =	vst v63  }
0xaf: {  	_ =	swait.ge [sflag:s17], $0x2800  }
0xb0: {  	[sflag:s17] =	ssyncset.done $0x0  }
0xb1: {  	s5 =	rddreg [dreg:$0x1e];
	[sflag:s17] =	ssyncadd.s32 $0xFFFFD800  }
0xb2: {  	[spmem:s3] =	stream.indirect.scatter.add.f32 [tilespmem:s15], [sflag:$0x4], $0x80, s5, s14, $0xb8;
	[tilespmem:$0x1D080] =	vst v63  }
0xb3: {  	_ =	swait.ge [sflag:s23], $0x2800  }
0xb4: {  	[sflag:s23] =	ssyncset.done $0x0  }
0xb5: {  	s10 =	rddreg [dreg:$0x1f];
	[sflag:s23] =	ssyncadd.s32 $0xFFFFD800  }
0xb6: {  	[tilespmem:s18], [sflag:$0x3] =	stream.indirect.gather [hbm4b:s2+s14], $0x80, s10, s14, $0xb8;
	[tilespmem:$0x1D080] =	vst v63  }
0xb7: {  	_ =	swait.ge [sflag:s19], $0x2800  }
0xb8: {  	s11 =	sld [smem:$0x7F2]  }
0xb9: {  	[sflag:s19] =	ssyncset.done $0x0  }
0xba: {  	[sflag:s19] =	ssyncadd.s32 $0xFFFFD800  }
0xbb: {  	[spmem:s3] =	stream.indirect.scatter.add.f32 [tilespmem:s16], [sflag:$0x5], $0x80, s11, s14, $0xb8;
	[tilespmem:$0x1D080] =	vst v63  }
0xbc: {  	_ =	swait.ge [sflag:s20], $0x2800  }
0xbd: {  	s5 =	sld [smem:$0x7F3]  }
0xbe: {  	[sflag:s20] =	ssyncset.done $0x0  }
0xbf: {  	[sflag:s20] =	ssyncadd.s32 $0xFFFFD800  }
0xc0: {  	[tilespmem:s15], [sflag:$0x1] =	stream.indirect.gather [hbm4b:s2+s14], $0x80, s5, s14, $0xb8;
	[tilespmem:$0x1D080] =	vst v63  }
0xc1: {  	_ =	swait.ge [sflag:s21], $0x2800  }
0xc2: {  	s10 =	sld [smem:$0x7F4]  }
0xc3: {  	[sflag:s21] =	ssyncset.done $0x0  }
0xc4: {  	[sflag:s21] =	ssyncadd.s32 $0xFFFFD800  }
0xc5: {  	[spmem:s3] =	stream.indirect.scatter.add.f32 [tilespmem:s18], [sflag:$0x6], $0x80, s10, s14, $0xb8;
	[tilespmem:$0x1D080] =	vst v63  }
0xc6: {  	_ =	swait.ge [sflag:s22], $0x2800  }
0xc7: {  	s11 =	sld [smem:$0x7F5]  }
0xc8: {  	[sflag:s22] =	ssyncset.done $0x0  }
0xc9: {  	[sflag:s22] =	ssyncadd.s32 $0xFFFFD800  }
0xca: {  	[tilespmem:s16], [sflag:$0x2] =	stream.indirect.gather [hbm4b:s2+s14], $0x80, s11, s14, $0xb8;
	[tilespmem:$0x1D080] =	vst v63  }
0xcb: {  	_ =	swait.ge [sflag:s17], $0x2800  }
0xcc: {  	s5 =	sld [smem:$0x7F6]  }
0xcd: {  	[sflag:s17] =	ssyncset.done $0x0  }
0xce: {  	[sflag:s17] =	ssyncadd.s32 $0xFFFFD800  }
0xcf: {  	[spmem:s3] =	stream.indirect.scatter.add.f32 [tilespmem:s15], [sflag:$0x4], $0x80, s5, s14, $0xb8;
	[tilespmem:$0x1D080] =	vst v63  }
0xd0: {  	_ =	swait.ge [sflag:s23], $0x2800  }
0xd1: {  	s10 =	sld [smem:$0x7F7]  }
0xd2: {  	[sflag:s23] =	ssyncset.done $0x0  }
0xd3: {  	[sflag:s23] =	ssyncadd.s32 $0xFFFFD800  }
0xd4: {  	[tilespmem:s18], [sflag:$0x3] =	stream.indirect.gather [hbm4b:s2+s14], $0x80, s10, s14, $0xb8;
	[tilespmem:$0x1D080] =	vst v63  }
0xd5: {  	_ =	swait.ge [sflag:s19], $0x2800  }
0xd6: {  	s11 =	sld [smem:$0x7F8]  }
0xd7: {  	[sflag:s19] =	ssyncset.done $0x0  }
0xd8: {  	[sflag:s19] =	ssyncadd.s32 $0xFFFFD800  }
0xd9: {  	[spmem:s3] =	stream.indirect.scatter.add.f32 [tilespmem:s16], [sflag:$0x5], $0x80, s11, s14, $0xb8;
	[tilespmem:$0x1D080] =	vst v63  }
0xda: {  	_ =	swait.ge [sflag:s20], $0x2800  }
0xdb: {  	s5 =	sld [smem:$0x7F9]  }
0xdc: {  	[sflag:s20] =	ssyncset.done $0x0  }
0xdd: {  	[sflag:s20] =	ssyncadd.s32 $0xFFFFD800  }
0xde: {  	[tilespmem:s15], [sflag:$0x1] =	stream.indirect.gather [hbm4b:s2+s14], $0x80, s5, s14, $0xb8;
	[tilespmem:$0x1D080] =	vst v63  }
0xdf: {  	_ =	swait.ge [sflag:s21], $0x2800  }
0xe0: {  	s10 =	sld [smem:$0x7FA]  }
0xe1: {  	[sflag:s21] =	ssyncset.done $0x0  }
0xe2: {  	[sflag:s21] =	ssyncadd.s32 $0xFFFFD800  }
0xe3: {  	[spmem:s3] =	stream.indirect.scatter.add.f32 [tilespmem:s18], [sflag:$0x6], $0x80, s10, s14, $0xb8;
	[tilespmem:$0x1D080] =	vst v63  }
0xe4: {  	_ =	swait.ge [sflag:s22], $0x2800  }
0xe5: {  	s11 =	sld [smem:$0x7FB]  }
0xe6: {  	[sflag:s22] =	ssyncset.done $0x0  }
0xe7: {  	[sflag:s22] =	ssyncadd.s32 $0xFFFFD800  }
0xe8: {  	[tilespmem:s16], [sflag:$0x2] =	stream.indirect.gather [hbm4b:s2+s14], $0x80, s11, s14, $0xb8;
	[tilespmem:$0x1D080] =	vst v63  }
0xe9: {  	_ =	swait.ge [sflag:s17], $0x2800  }
0xea: {  	[sflag:s17] =	ssyncset.done $0x0  }
0xeb: {  	[sflag:s17] =	ssyncadd.s32 $0xFFFFD800  }
0xec: {  	[spmem:s3] =	stream.indirect.scatter.add.f32 [tilespmem:s15], [sflag:$0x4], $0x80, s24, s14, $0xb8;
	[tilespmem:$0x1D080] =	vst v63  }
0xed: {  	_ =	swait.ge [sflag:s23], $0x2800  }
0xee: {  	[sflag:s23] =	ssyncset.done $0x0  }
0xef: {  	[sflag:s23] =	ssyncadd.s32 $0xFFFFD800  }
0xf0: {  	[tilespmem:s18], [sflag:$0x3] =	stream.indirect.gather [hbm4b:s2+s14], $0x80, s25, s14, $0xb8;
	[tilespmem:$0x1D080] =	vst v63  }
0xf1: {  	_ =	swait.ge [sflag:s19], $0x2800  }
0xf2: {  	[sflag:s19] =	ssyncset.done $0x0  }
0xf3: {  	[sflag:s19] =	ssyncadd.s32 $0xFFFFD800  }
0xf4: {  	[spmem:s3] =	stream.indirect.scatter.add.f32 [tilespmem:s16], [sflag:$0x5], $0x80, s26, s14, $0xb8;
	[tilespmem:$0x1D080] =	vst v63  }
0xf5: {  	_ =	swait.ge [sflag:s20], $0x2800  }
0xf6: {  	[sflag:s20] =	ssyncset.done $0x0  }
0xf7: {  	[sflag:s20] =	ssyncadd.s32 $0xFFFFD800  }
0xf8: {  	[tilespmem:s15], [sflag:$0x1] =	stream.indirect.gather [hbm4b:s2+s14], $0x80, s28, s14, $0xb8;
	[tilespmem:$0x1D080] =	vst v63  }
0xf9: {  	_ =	swait.ge [sflag:s21], $0x2800  }
0xfa: {  	[sflag:s21] =	ssyncset.done $0x0  }
0xfb: {  	[sflag:s21] =	ssyncadd.s32 $0xFFFFD800  }
0xfc: {  	[spmem:s3] =	stream.indirect.scatter.add.f32 [tilespmem:s18], [sflag:$0x6], $0x80, s29, s14, $0xb8;
	[tilespmem:$0x1D080] =	vst v63  }
0xfd: {  	_ =	swait.ge [sflag:s22], $0x2800  }
0xfe: {  	[sflag:s22] =	ssyncset.done $0x0  }
0xff: {  	[sflag:s22] =	ssyncadd.s32 $0xFFFFD800  }
0x100: {  	[tilespmem:s16], [sflag:$0x2] =	stream.indirect.gather [hbm4b:s2+s14], $0x80, s30, s14, $0xb8;
	[tilespmem:$0x1D080] =	vst v63  }
0x101: {  	_ =	swait.ge [sflag:s17], $0x2800  }
0x102: {  	[sflag:s17] =	ssyncset.done $0x0  }
0x103: {  	[sflag:s17] =	ssyncadd.s32 $0xFFFFD800  }
0x104: {  	[spmem:s3] =	stream.indirect.scatter.add.f32 [tilespmem:s15], [sflag:$0x4], $0x80, s31, s14, $0xb8;
	[tilespmem:$0x1D080] =	vst v63  }
0x105: {  	_ =	swait.ge [sflag:s23], $0x2800  }
0x106: {  	[sflag:s23] =	ssyncset.done $0x0  }
0x107: {  	[sflag:s23] =	ssyncadd.s32 $0xFFFFD800  }
0x108: {  	[tilespmem:s18], [sflag:$0x3] =	stream.indirect.gather [hbm4b:s2+s14], $0x80, s1, s14, $0xb8;
	[tilespmem:$0x1D080] =	vst v63  }
0x109: {  	_ =	swait.ge [sflag:s19], $0x2800  }
0x10a: {  	[sflag:s19] =	ssyncset.done $0x0  }
0x10b: {  	[sflag:s19] =	ssyncadd.s32 $0xFFFFD800  }
0x10c: {  	[spmem:s3] =	stream.indirect.scatter.add.f32 [tilespmem:s16], [sflag:$0x5], $0x80, s0, s14, $0xb8;
	[tilespmem:$0x1D080] =	vst v63  }
0x10d: {  	_ =	swait.ge [sflag:s20], $0x2800  }
0x10e: {  	[sflag:s20] =	ssyncset.done $0x0  }
0x10f: {  	[sflag:s20] =	ssyncadd.s32 $0xFFFFD800  }
0x110: {  	[tilespmem:s15], [sflag:$0x1] =	stream.indirect.gather [hbm4b:s2+s14], $0x80, s6, s14, $0xb8;
	[tilespmem:$0x1D080] =	vst v63  }
0x111: {  	_ =	swait.ge [sflag:s21], $0x2800  }
0x112: {  	[sflag:s21] =	ssyncset.done $0x0  }
0x113: {  	[sflag:s21] =	ssyncadd.s32 $0xFFFFD800  }
0x114: {  	[spmem:s3] =	stream.indirect.scatter.add.f32 [tilespmem:s18], [sflag:$0x6], $0x80, s7, s14, $0xb8;
	[tilespmem:$0x1D080] =	vst v63  }
0x115: {  	_ =	swait.ge [sflag:s22], $0x2800  }
0x116: {  	[sflag:s22] =	ssyncset.done $0x0  }
0x117: {  	[sflag:s22] =	ssyncadd.s32 $0xFFFFD800  }
0x118: {  	_ =	swait.ge [sflag:s17], $0x2800  }
0x119: {  	[sflag:s17] =	ssyncset.done $0x0  }
0x11a: {  	[sflag:s17] =	ssyncadd.s32 $0xFFFFD800  }
0x11b: {  	[spmem:s3] =	stream.indirect.scatter.add.f32 [tilespmem:s15], [sflag:$0x4], $0x80, s8, s14, $0xb8;
	[tilespmem:$0x1D080] =	vst v63  }
0x11c: {  	_ =	swait.ge [sflag:s23], $0x2800  }
0x11d: {  	[sflag:s23] =	ssyncset.done $0x0  }
0x11e: {  	[sflag:s23] =	ssyncadd.s32 $0xFFFFD800  }
0x11f: {  	s9 =	simm.s32 $0x200;
	_ =	swait.ge [sflag:s20], $0x2800  }
0x120: {  	s10 =	simm.s32 $0x400;
	s11 =	rddreg [dreg:$0x5];
	[sflag:s20] =	ssyncset.done $0x0  }
.LBB2_2:
0x121: {  	[sflag:s20] =	ssyncadd.s32 $0xFFFFD800;
	s11 =	sadd.s32 s9, s11  }
0x122: {  	[tilespmem:s4], [sflag:$0x7] =	stream.linear.gather [hbm4b:s11+s4], $0xC80, $0x38;
	[tilespmem:$0x1D080] =	vst v63  }
0x123: {  	_ =	swait.ge [sflag:s12], $0xC80  }
0x124: {  	s11 =	rddreg [dreg:$0x4];
	[sflag:s12] =	ssyncset.done $0x0  }
0x125: {  	[sflag:s12] =	ssyncadd.s32 $0xFFFFF380;
	s11 =	sadd.s32 s9, s11  }
0x126: {  	[tilespmem:s13], [sflag:$0x7] =	stream.linear.gather [hbm4b:s11+s4], $0xC80, $0x38;
	[tilespmem:$0x1D080] =	vst v63  }
0x127: {  	_ =	swait.ge [sflag:s12], $0xC80  }
0x128: {  	[sflag:s12] =	ssyncset.done $0x0  }
0x129: {  	[sflag:s12] =	ssyncadd.s32 $0xFFFFF380  }
0x12a: {  	[tilespmem:s15], [sflag:$0x1] =	stream.indirect.gather [hbm4b:s2+s14], $0x80, s4, s14, $0xb8;
	[tilespmem:$0x1D080] =	vst v63  }
0x12b: {  	s11 =	rddreg [dreg:$0x6]  }
0x12c: {  	[tilespmem:s16], [sflag:$0x2] =	stream.indirect.gather [hbm4b:s2+s14], $0x80, s11, s14, $0xb8;
	[tilespmem:$0x1D080] =	vst v63  }
0x12d: {  	_ =	swait.ge [sflag:s17], $0x2800  }
0x12e: {  	[sflag:s17] =	ssyncset.done $0x0  }
0x12f: {  	[sflag:s17] =	ssyncadd.s32 $0xFFFFD800  }
0x130: {  	[spmem:s3] =	stream.indirect.scatter.add.f32 [tilespmem:s15], [sflag:$0x4], $0x80, s13, s14, $0xb8;
	[tilespmem:$0x1D080] =	vst v63  }
0x131: {  	s11 =	rddreg [dreg:$0x7]  }
0x132: {  	[tilespmem:s18], [sflag:$0x3] =	stream.indirect.gather [hbm4b:s2+s14], $0x80, s11, s14, $0xb8;
	[tilespmem:$0x1D080] =	vst v63  }
0x133: {  	_ =	swait.ge [sflag:s19], $0x2800  }
0x134: {  	[sflag:s19] =	ssyncset.done $0x0  }
0x135: {  	s11 =	rddreg [dreg:$0x8];
	[sflag:s19] =	ssyncadd.s32 $0xFFFFD800  }
0x136: {  	[spmem:s3] =	stream.indirect.scatter.add.f32 [tilespmem:s16], [sflag:$0x5], $0x80, s11, s14, $0xb8;
	[tilespmem:$0x1D080] =	vst v63  }
0x137: {  	_ =	swait.ge [sflag:s20], $0x2800  }
0x138: {  	[sflag:s20] =	ssyncset.done $0x0  }
0x139: {  	s11 =	rddreg [dreg:$0x9];
	[sflag:s20] =	ssyncadd.s32 $0xFFFFD800  }
0x13a: {  	[tilespmem:s15], [sflag:$0x1] =	stream.indirect.gather [hbm4b:s2+s14], $0x80, s11, s14, $0xb8;
	[tilespmem:$0x1D080] =	vst v63  }
0x13b: {  	_ =	swait.ge [sflag:s21], $0x2800  }
0x13c: {  	[sflag:s21] =	ssyncset.done $0x0  }
0x13d: {  	s11 =	rddreg [dreg:$0xa];
	[sflag:s21] =	ssyncadd.s32 $0xFFFFD800  }
0x13e: {  	[spmem:s3] =	stream.indirect.scatter.add.f32 [tilespmem:s18], [sflag:$0x6], $0x80, s11, s14, $0xb8;
	[tilespmem:$0x1D080] =	vst v63  }
0x13f: {  	_ =	swait.ge [sflag:s22], $0x2800  }
0x140: {  	[sflag:s22] =	ssyncset.done $0x0  }
0x141: {  	s11 =	rddreg [dreg:$0xb];
	[sflag:s22] =	ssyncadd.s32 $0xFFFFD800  }
0x142: {  	[tilespmem:s16], [sflag:$0x2] =	stream.indirect.gather [hbm4b:s2+s14], $0x80, s11, s14, $0xb8;
	[tilespmem:$0x1D080] =	vst v63  }
0x143: {  	_ =	swait.ge [sflag:s17], $0x2800  }
0x144: {  	[sflag:s17] =	ssyncset.done $0x0  }
0x145: {  	s11 =	rddreg [dreg:$0xc];
	[sflag:s17] =	ssyncadd.s32 $0xFFFFD800  }
0x146: {  	[spmem:s3] =	stream.indirect.scatter.add.f32 [tilespmem:s15], [sflag:$0x4], $0x80, s11, s14, $0xb8;
	[tilespmem:$0x1D080] =	vst v63  }
0x147: {  	_ =	swait.ge [sflag:s23], $0x2800  }
0x148: {  	[sflag:s23] =	ssyncset.done $0x0  }
0x149: {  	s11 =	rddreg [dreg:$0xd];
	[sflag:s23] =	ssyncadd.s32 $0xFFFFD800  }
0x14a: {  	[tilespmem:s18], [sflag:$0x3] =	stream.indirect.gather [hbm4b:s2+s14], $0x80, s11, s14, $0xb8;
	[tilespmem:$0x1D080] =	vst v63  }
0x14b: {  	_ =	swait.ge [sflag:s19], $0x2800  }
0x14c: {  	[sflag:s19] =	ssyncset.done $0x0  }
0x14d: {  	s11 =	rddreg [dreg:$0xe];
	[sflag:s19] =	ssyncadd.s32 $0xFFFFD800  }
0x14e: {  	[spmem:s3] =	stream.indirect.scatter.add.f32 [tilespmem:s16], [sflag:$0x5], $0x80, s11, s14, $0xb8;
	[tilespmem:$0x1D080] =	vst v63  }
0x14f: {  	_ =	swait.ge [sflag:s20], $0x2800  }
0x150: {  	[sflag:s20] =	ssyncset.done $0x0  }
0x151: {  	s11 =	rddreg [dreg:$0xf];
	[sflag:s20] =	ssyncadd.s32 $0xFFFFD800  }
0x152: {  	[tilespmem:s15], [sflag:$0x1] =	stream.indirect.gather [hbm4b:s2+s14], $0x80, s11, s14, $0xb8;
	[tilespmem:$0x1D080] =	vst v63  }
0x153: {  	_ =	swait.ge [sflag:s21], $0x2800  }
0x154: {  	[sflag:s21] =	ssyncset.done $0x0  }
0x155: {  	s11 =	rddreg [dreg:$0x10];
	[sflag:s21] =	ssyncadd.s32 $0xFFFFD800  }
0x156: {  	[spmem:s3] =	stream.indirect.scatter.add.f32 [tilespmem:s18], [sflag:$0x6], $0x80, s11, s14, $0xb8;
	[tilespmem:$0x1D080] =	vst v63  }
0x157: {  	_ =	swait.ge [sflag:s22], $0x2800  }
0x158: {  	[sflag:s22] =	ssyncset.done $0x0  }
0x159: {  	s11 =	rddreg [dreg:$0x11];
	[sflag:s22] =	ssyncadd.s32 $0xFFFFD800  }
0x15a: {  	[tilespmem:s16], [sflag:$0x2] =	stream.indirect.gather [hbm4b:s2+s14], $0x80, s11, s14, $0xb8;
	[tilespmem:$0x1D080] =	vst v63  }
0x15b: {  	_ =	swait.ge [sflag:s17], $0x2800  }
0x15c: {  	[sflag:s17] =	ssyncset.done $0x0  }
0x15d: {  	s11 =	rddreg [dreg:$0x12];
	[sflag:s17] =	ssyncadd.s32 $0xFFFFD800  }
0x15e: {  	[spmem:s3] =	stream.indirect.scatter.add.f32 [tilespmem:s15], [sflag:$0x4], $0x80, s11, s14, $0xb8;
	[tilespmem:$0x1D080] =	vst v63  }
0x15f: {  	_ =	swait.ge [sflag:s23], $0x2800  }
0x160: {  	[sflag:s23] =	ssyncset.done $0x0  }
0x161: {  	s11 =	rddreg [dreg:$0x13];
	[sflag:s23] =	ssyncadd.s32 $0xFFFFD800  }
0x162: {  	[tilespmem:s18], [sflag:$0x3] =	stream.indirect.gather [hbm4b:s2+s14], $0x80, s11, s14, $0xb8;
	[tilespmem:$0x1D080] =	vst v63  }
0x163: {  	_ =	swait.ge [sflag:s19], $0x2800  }
0x164: {  	[sflag:s19] =	ssyncset.done $0x0  }
0x165: {  	s11 =	rddreg [dreg:$0x14];
	[sflag:s19] =	ssyncadd.s32 $0xFFFFD800  }
0x166: {  	[spmem:s3] =	stream.indirect.scatter.add.f32 [tilespmem:s16], [sflag:$0x5], $0x80, s11, s14, $0xb8;
	[tilespmem:$0x1D080] =	vst v63  }
0x167: {  	_ =	swait.ge [sflag:s20], $0x2800  }
0x168: {  	[sflag:s20] =	ssyncset.done $0x0  }
0x169: {  	s11 =	rddreg [dreg:$0x15];
	[sflag:s20] =	ssyncadd.s32 $0xFFFFD800  }
0x16a: {  	[tilespmem:s15], [sflag:$0x1] =	stream.indirect.gather [hbm4b:s2+s14], $0x80, s11, s14, $0xb8;
	[tilespmem:$0x1D080] =	vst v63  }
0x16b: {  	_ =	swait.ge [sflag:s21], $0x2800  }
0x16c: {  	[sflag:s21] =	ssyncset.done $0x0  }
0x16d: {  	s11 =	rddreg [dreg:$0x16];
	[sflag:s21] =	ssyncadd.s32 $0xFFFFD800  }
0x16e: {  	[spmem:s3] =	stream.indirect.scatter.add.f32 [tilespmem:s18], [sflag:$0x6], $0x80, s11, s14, $0xb8;
	[tilespmem:$0x1D080] =	vst v63  }
0x16f: {  	_ =	swait.ge [sflag:s22], $0x2800  }
0x170: {  	[sflag:s22] =	ssyncset.done $0x0  }
0x171: {  	s11 =	rddreg [dreg:$0x17];
	[sflag:s22] =	ssyncadd.s32 $0xFFFFD800  }
0x172: {  	[tilespmem:s16], [sflag:$0x2] =	stream.indirect.gather [hbm4b:s2+s14], $0x80, s11, s14, $0xb8;
	[tilespmem:$0x1D080] =	vst v63  }
0x173: {  	_ =	swait.ge [sflag:s17], $0x2800  }
0x174: {  	[sflag:s17] =	ssyncset.done $0x0  }
0x175: {  	s11 =	rddreg [dreg:$0x18];
	[sflag:s17] =	ssyncadd.s32 $0xFFFFD800  }
0x176: {  	[spmem:s3] =	stream.indirect.scatter.add.f32 [tilespmem:s15], [sflag:$0x4], $0x80, s11, s14, $0xb8;
	[tilespmem:$0x1D080] =	vst v63  }
0x177: {  	_ =	swait.ge [sflag:s23], $0x2800  }
0x178: {  	[sflag:s23] =	ssyncset.done $0x0  }
0x179: {  	s11 =	rddreg [dreg:$0x19];
	[sflag:s23] =	ssyncadd.s32 $0xFFFFD800  }
0x17a: {  	[tilespmem:s18], [sflag:$0x3] =	stream.indirect.gather [hbm4b:s2+s14], $0x80, s11, s14, $0xb8;
	[tilespmem:$0x1D080] =	vst v63  }
0x17b: {  	_ =	swait.ge [sflag:s19], $0x2800  }
0x17c: {  	[sflag:s19] =	ssyncset.done $0x0  }
0x17d: {  	s11 =	rddreg [dreg:$0x1a];
	[sflag:s19] =	ssyncadd.s32 $0xFFFFD800  }
0x17e: {  	[spmem:s3] =	stream.indirect.scatter.add.f32 [tilespmem:s16], [sflag:$0x5], $0x80, s11, s14, $0xb8;
	[tilespmem:$0x1D080] =	vst v63  }
0x17f: {  	_ =	swait.ge [sflag:s20], $0x2800  }
0x180: {  	[sflag:s20] =	ssyncset.done $0x0  }
0x181: {  	s11 =	rddreg [dreg:$0x1b];
	[sflag:s20] =	ssyncadd.s32 $0xFFFFD800  }
0x182: {  	[tilespmem:s15], [sflag:$0x1] =	stream.indirect.gather [hbm4b:s2+s14], $0x80, s11, s14, $0xb8;
	[tilespmem:$0x1D080] =	vst v63  }
0x183: {  	_ =	swait.ge [sflag:s21], $0x2800  }
0x184: {  	[sflag:s21] =	ssyncset.done $0x0  }
0x185: {  	s11 =	rddreg [dreg:$0x1c];
	[sflag:s21] =	ssyncadd.s32 $0xFFFFD800  }
0x186: {  	[spmem:s3] =	stream.indirect.scatter.add.f32 [tilespmem:s18], [sflag:$0x6], $0x80, s11, s14, $0xb8;
	[tilespmem:$0x1D080] =	vst v63  }
0x187: {  	_ =	swait.ge [sflag:s22], $0x2800  }
0x188: {  	[sflag:s22] =	ssyncset.done $0x0  }
0x189: {  	s11 =	rddreg [dreg:$0x1d];
	[sflag:s22] =	ssyncadd.s32 $0xFFFFD800  }
0x18a: {  	[tilespmem:s16], [sflag:$0x2] =	stream.indirect.gather [hbm4b:s2+s14], $0x80, s11, s14, $0xb8;
	[tilespmem:$0x1D080] =	vst v63  }
0x18b: {  	_ =	swait.ge [sflag:s17], $0x2800  }
0x18c: {  	[sflag:s17] =	ssyncset.done $0x0  }
0x18d: {  	s11 =	rddreg [dreg:$0x1e];
	[sflag:s17] =	ssyncadd.s32 $0xFFFFD800  }
0x18e: {  	[spmem:s3] =	stream.indirect.scatter.add.f32 [tilespmem:s15], [sflag:$0x4], $0x80, s11, s14, $0xb8;
	[tilespmem:$0x1D080] =	vst v63  }
0x18f: {  	_ =	swait.ge [sflag:s23], $0x2800  }
0x190: {  	[sflag:s23] =	ssyncset.done $0x0  }
0x191: {  	s11 =	rddreg [dreg:$0x1f];
	[sflag:s23] =	ssyncadd.s32 $0xFFFFD800  }
0x192: {  	[tilespmem:s18], [sflag:$0x3] =	stream.indirect.gather [hbm4b:s2+s14], $0x80, s11, s14, $0xb8;
	[tilespmem:$0x1D080] =	vst v63  }
0x193: {  	_ =	swait.ge [sflag:s19], $0x2800  }
0x194: {  	s11 =	sld [smem:$0x7F2]  }
0x195: {  	[sflag:s19] =	ssyncset.done $0x0  }
0x196: {  	[sflag:s19] =	ssyncadd.s32 $0xFFFFD800  }
0x197: {  	[spmem:s3] =	stream.indirect.scatter.add.f32 [tilespmem:s16], [sflag:$0x5], $0x80, s11, s14, $0xb8;
	[tilespmem:$0x1D080] =	vst v63  }
0x198: {  	_ =	swait.ge [sflag:s20], $0x2800  }
0x199: {  	s11 =	sld [smem:$0x7F3]  }
0x19a: {  	[sflag:s20] =	ssyncset.done $0x0  }
0x19b: {  	[sflag:s20] =	ssyncadd.s32 $0xFFFFD800  }
0x19c: {  	[tilespmem:s15], [sflag:$0x1] =	stream.indirect.gather [hbm4b:s2+s14], $0x80, s11, s14, $0xb8;
	[tilespmem:$0x1D080] =	vst v63  }
0x19d: {  	_ =	swait.ge [sflag:s21], $0x2800  }
0x19e: {  	s11 =	sld [smem:$0x7F4]  }
0x19f: {  	[sflag:s21] =	ssyncset.done $0x0  }
0x1a0: {  	[sflag:s21] =	ssyncadd.s32 $0xFFFFD800  }
0x1a1: {  	[spmem:s3] =	stream.indirect.scatter.add.f32 [tilespmem:s18], [sflag:$0x6], $0x80, s11, s14, $0xb8;
	[tilespmem:$0x1D080] =	vst v63  }
0x1a2: {  	_ =	swait.ge [sflag:s22], $0x2800  }
0x1a3: {  	s11 =	sld [smem:$0x7F5]  }
0x1a4: {  	[sflag:s22] =	ssyncset.done $0x0  }
0x1a5: {  	[sflag:s22] =	ssyncadd.s32 $0xFFFFD800  }
0x1a6: {  	[tilespmem:s16], [sflag:$0x2] =	stream.indirect.gather [hbm4b:s2+s14], $0x80, s11, s14, $0xb8;
	[tilespmem:$0x1D080] =	vst v63  }
0x1a7: {  	_ =	swait.ge [sflag:s17], $0x2800  }
0x1a8: {  	s11 =	sld [smem:$0x7F6]  }
0x1a9: {  	[sflag:s17] =	ssyncset.done $0x0  }
0x1aa: {  	[sflag:s17] =	ssyncadd.s32 $0xFFFFD800  }
0x1ab: {  	[spmem:s3] =	stream.indirect.scatter.add.f32 [tilespmem:s15], [sflag:$0x4], $0x80, s11, s14, $0xb8;
	[tilespmem:$0x1D080] =	vst v63  }
0x1ac: {  	_ =	swait.ge [sflag:s23], $0x2800  }
0x1ad: {  	s11 =	sld [smem:$0x7F7]  }
0x1ae: {  	[sflag:s23] =	ssyncset.done $0x0  }
0x1af: {  	[sflag:s23] =	ssyncadd.s32 $0xFFFFD800  }
0x1b0: {  	[tilespmem:s18], [sflag:$0x3] =	stream.indirect.gather [hbm4b:s2+s14], $0x80, s11, s14, $0xb8;
	[tilespmem:$0x1D080] =	vst v63  }
0x1b1: {  	_ =	swait.ge [sflag:s19], $0x2800  }
0x1b2: {  	s11 =	sld [smem:$0x7F8]  }
0x1b3: {  	[sflag:s19] =	ssyncset.done $0x0  }
0x1b4: {  	[sflag:s19] =	ssyncadd.s32 $0xFFFFD800  }
0x1b5: {  	[spmem:s3] =	stream.indirect.scatter.add.f32 [tilespmem:s16], [sflag:$0x5], $0x80, s11, s14, $0xb8;
	[tilespmem:$0x1D080] =	vst v63  }
0x1b6: {  	_ =	swait.ge [sflag:s20], $0x2800  }
0x1b7: {  	s11 =	sld [smem:$0x7F9]  }
0x1b8: {  	[sflag:s20] =	ssyncset.done $0x0  }
0x1b9: {  	[sflag:s20] =	ssyncadd.s32 $0xFFFFD800  }
0x1ba: {  	[tilespmem:s15], [sflag:$0x1] =	stream.indirect.gather [hbm4b:s2+s14], $0x80, s11, s14, $0xb8;
	[tilespmem:$0x1D080] =	vst v63  }
0x1bb: {  	_ =	swait.ge [sflag:s21], $0x2800  }
0x1bc: {  	s11 =	sld [smem:$0x7FA]  }
0x1bd: {  	[sflag:s21] =	ssyncset.done $0x0  }
0x1be: {  	[sflag:s21] =	ssyncadd.s32 $0xFFFFD800  }
0x1bf: {  	[spmem:s3] =	stream.indirect.scatter.add.f32 [tilespmem:s18], [sflag:$0x6], $0x80, s11, s14, $0xb8;
	[tilespmem:$0x1D080] =	vst v63  }
0x1c0: {  	_ =	swait.ge [sflag:s22], $0x2800  }
0x1c1: {  	s11 =	sld [smem:$0x7FB]  }
0x1c2: {  	[sflag:s22] =	ssyncset.done $0x0  }
0x1c3: {  	[sflag:s22] =	ssyncadd.s32 $0xFFFFD800  }
0x1c4: {  	[tilespmem:s16], [sflag:$0x2] =	stream.indirect.gather [hbm4b:s2+s14], $0x80, s11, s14, $0xb8;
	[tilespmem:$0x1D080] =	vst v63  }
0x1c5: {  	_ =	swait.ge [sflag:s17], $0x2800  }
0x1c6: {  	[sflag:s17] =	ssyncset.done $0x0  }
0x1c7: {  	[sflag:s17] =	ssyncadd.s32 $0xFFFFD800  }
0x1c8: {  	[spmem:s3] =	stream.indirect.scatter.add.f32 [tilespmem:s15], [sflag:$0x4], $0x80, s24, s14, $0xb8;
	[tilespmem:$0x1D080] =	vst v63  }
0x1c9: {  	_ =	swait.ge [sflag:s23], $0x2800  }
0x1ca: {  	[sflag:s23] =	ssyncset.done $0x0  }
0x1cb: {  	[sflag:s23] =	ssyncadd.s32 $0xFFFFD800  }
0x1cc: {  	[tilespmem:s18], [sflag:$0x3] =	stream.indirect.gather [hbm4b:s2+s14], $0x80, s25, s14, $0xb8;
	[tilespmem:$0x1D080] =	vst v63  }
0x1cd: {  	_ =	swait.ge [sflag:s19], $0x2800  }
0x1ce: {  	[sflag:s19] =	ssyncset.done $0x0  }
0x1cf: {  	[sflag:s19] =	ssyncadd.s32 $0xFFFFD800  }
0x1d0: {  	[spmem:s3] =	stream.indirect.scatter.add.f32 [tilespmem:s16], [sflag:$0x5], $0x80, s26, s14, $0xb8;
	[tilespmem:$0x1D080] =	vst v63  }
0x1d1: {  	_ =	swait.ge [sflag:s20], $0x2800  }
0x1d2: {  	[sflag:s20] =	ssyncset.done $0x0  }
0x1d3: {  	[sflag:s20] =	ssyncadd.s32 $0xFFFFD800  }
0x1d4: {  	[tilespmem:s15], [sflag:$0x1] =	stream.indirect.gather [hbm4b:s2+s14], $0x80, s28, s14, $0xb8;
	[tilespmem:$0x1D080] =	vst v63  }
0x1d5: {  	_ =	swait.ge [sflag:s21], $0x2800  }
0x1d6: {  	[sflag:s21] =	ssyncset.done $0x0  }
0x1d7: {  	[sflag:s21] =	ssyncadd.s32 $0xFFFFD800  }
0x1d8: {  	[spmem:s3] =	stream.indirect.scatter.add.f32 [tilespmem:s18], [sflag:$0x6], $0x80, s29, s14, $0xb8;
	[tilespmem:$0x1D080] =	vst v63  }
0x1d9: {  	_ =	swait.ge [sflag:s22], $0x2800  }
0x1da: {  	[sflag:s22] =	ssyncset.done $0x0  }
0x1db: {  	[sflag:s22] =	ssyncadd.s32 $0xFFFFD800  }
0x1dc: {  	[tilespmem:s16], [sflag:$0x2] =	stream.indirect.gather [hbm4b:s2+s14], $0x80, s30, s14, $0xb8;
	[tilespmem:$0x1D080] =	vst v63  }
0x1dd: {  	_ =	swait.ge [sflag:s17], $0x2800  }
0x1de: {  	[sflag:s17] =	ssyncset.done $0x0  }
0x1df: {  	[sflag:s17] =	ssyncadd.s32 $0xFFFFD800  }
0x1e0: {  	[spmem:s3] =	stream.indirect.scatter.add.f32 [tilespmem:s15], [sflag:$0x4], $0x80, s31, s14, $0xb8;
	[tilespmem:$0x1D080] =	vst v63  }
0x1e1: {  	_ =	swait.ge [sflag:s23], $0x2800  }
0x1e2: {  	[sflag:s23] =	ssyncset.done $0x0  }
0x1e3: {  	[sflag:s23] =	ssyncadd.s32 $0xFFFFD800  }
0x1e4: {  	[tilespmem:s18], [sflag:$0x3] =	stream.indirect.gather [hbm4b:s2+s14], $0x80, s1, s14, $0xb8;
	[tilespmem:$0x1D080] =	vst v63  }
0x1e5: {  	_ =	swait.ge [sflag:s19], $0x2800  }
0x1e6: {  	[sflag:s19] =	ssyncset.done $0x0  }
0x1e7: {  	[sflag:s19] =	ssyncadd.s32 $0xFFFFD800  }
0x1e8: {  	[spmem:s3] =	stream.indirect.scatter.add.f32 [tilespmem:s16], [sflag:$0x5], $0x80, s0, s14, $0xb8;
	[tilespmem:$0x1D080] =	vst v63  }
0x1e9: {  	_ =	swait.ge [sflag:s20], $0x2800  }
0x1ea: {  	[sflag:s20] =	ssyncset.done $0x0  }
0x1eb: {  	[sflag:s20] =	ssyncadd.s32 $0xFFFFD800  }
0x1ec: {  	[tilespmem:s15], [sflag:$0x1] =	stream.indirect.gather [hbm4b:s2+s14], $0x80, s6, s14, $0xb8;
	[tilespmem:$0x1D080] =	vst v63  }
0x1ed: {  	_ =	swait.ge [sflag:s21], $0x2800  }
0x1ee: {  	[sflag:s21] =	ssyncset.done $0x0  }
0x1ef: {  	[sflag:s21] =	ssyncadd.s32 $0xFFFFD800  }
0x1f0: {  	[spmem:s3] =	stream.indirect.scatter.add.f32 [tilespmem:s18], [sflag:$0x6], $0x80, s7, s14, $0xb8;
	[tilespmem:$0x1D080] =	vst v63  }
0x1f1: {  	_ =	swait.ge [sflag:s22], $0x2800  }
0x1f2: {  	[sflag:s22] =	ssyncset.done $0x0  }
0x1f3: {  	[sflag:s22] =	ssyncadd.s32 $0xFFFFD800  }
0x1f4: {  	_ =	swait.ge [sflag:s17], $0x2800  }
0x1f5: {  	[sflag:s17] =	ssyncset.done $0x0  }
0x1f6: {  	p1 =	sne.s32 s10, $0x800;
	[sflag:s17] =	ssyncadd.s32 $0xFFFFD800  }
0x1f7: {  	[spmem:s3] =	stream.indirect.scatter.add.f32 [tilespmem:s15], [sflag:$0x4], $0x80, s8, s14, $0xb8;
	[tilespmem:$0x1D080] =	vst v63  }
.Ltmp0:
0x1f8: {  	_ =	swait.ge [sflag:s23], $0x2800;
	(pc) =	sbr.rel @p1 .LBB2_2-.Ltmp0, $4  }
0x1f9: {  	[sflag:s23] =	ssyncset.done $0x0  }
0x1fa: {  	[sflag:s23] =	ssyncadd.s32 $0xFFFFD800  }
0x1fb: {  	s5 =	smov.u32 s10;
	s10 =	sadd.s32 $0x200, s10;
	_ =	swait.ge [sflag:s20], $0x2800  }
0x1fc: {  	s9 =	smov.u32 s5;
	s11 =	rddreg [dreg:$0x5];
	[sflag:s20] =	ssyncset.done $0x0  }
0x1fd: {  	[sflag:s20] =	ssyncadd.s32 $0xFFFFD800;
	s5 =	sadd.s32 s9, s11  }
0x1fe: {  	[tilespmem:s4], [sflag:$0x7] =	stream.linear.gather [hbm4b:s5+s4], $0xC80, $0x38;
	[tilespmem:$0x1D080] =	vst v63  }
0x1ff: {  	_ =	swait.ge [sflag:s12], $0xC80  }
0x200: {  	s11 =	rddreg [dreg:$0x4];
	[sflag:s12] =	ssyncset.done $0x0  }
0x201: {  	s5 =	sadd.s32 s9, s11;
	[sflag:s12] =	ssyncadd.s32 $0xFFFFF380  }
0x202: {  	[tilespmem:s13], [sflag:$0x7] =	stream.linear.gather [hbm4b:s5+s4], $0xC80, $0x38;
	[tilespmem:$0x1D080] =	vst v63  }
0x203: {  	_ =	swait.ge [sflag:s12], $0xC80  }
0x204: {  	[sflag:s12] =	ssyncset.done $0x0  }
0x205: {  	[sflag:s12] =	ssyncadd.s32 $0xFFFFF380  }
0x206: {  	[tilespmem:s15], [sflag:$0x1] =	stream.indirect.gather [hbm4b:s2+s14], $0x80, s4, s14, $0xb8;
	[tilespmem:$0x1D080] =	vst v63  }
0x207: {  	s9 =	rddreg [dreg:$0x6]  }
0x208: {  	[tilespmem:s16], [sflag:$0x2] =	stream.indirect.gather [hbm4b:s2+s14], $0x80, s9, s14, $0xb8;
	[tilespmem:$0x1D080] =	vst v63  }
0x209: {  	_ =	swait.ge [sflag:s17], $0x2800  }
0x20a: {  	[sflag:s17] =	ssyncset.done $0x0  }
0x20b: {  	[sflag:s17] =	ssyncadd.s32 $0xFFFFD800  }
0x20c: {  	[spmem:s3] =	stream.indirect.scatter.add.f32 [tilespmem:s15], [sflag:$0x4], $0x80, s13, s14, $0xb8;
	[tilespmem:$0x1D080] =	vst v63  }
0x20d: {  	s10 =	rddreg [dreg:$0x7]  }
0x20e: {  	[tilespmem:s18], [sflag:$0x3] =	stream.indirect.gather [hbm4b:s2+s14], $0x80, s10, s14, $0xb8;
	[tilespmem:$0x1D080] =	vst v63  }
0x20f: {  	_ =	swait.ge [sflag:s19], $0x2800  }
0x210: {  	[sflag:s19] =	ssyncset.done $0x0  }
0x211: {  	s11 =	rddreg [dreg:$0x8];
	[sflag:s19] =	ssyncadd.s32 $0xFFFFD800  }
0x212: {  	[spmem:s3] =	stream.indirect.scatter.add.f32 [tilespmem:s16], [sflag:$0x5], $0x80, s11, s14, $0xb8;
	[tilespmem:$0x1D080] =	vst v63  }
0x213: {  	_ =	swait.ge [sflag:s20], $0x2800  }
0x214: {  	[sflag:s20] =	ssyncset.done $0x0  }
0x215: {  	s9 =	rddreg [dreg:$0x9];
	[sflag:s20] =	ssyncadd.s32 $0xFFFFD800  }
0x216: {  	[tilespmem:s15], [sflag:$0x1] =	stream.indirect.gather [hbm4b:s2+s14], $0x80, s9, s14, $0xb8;
	[tilespmem:$0x1D080] =	vst v63  }
0x217: {  	_ =	swait.ge [sflag:s21], $0x2800  }
0x218: {  	[sflag:s21] =	ssyncset.done $0x0  }
0x219: {  	s10 =	rddreg [dreg:$0xa];
	[sflag:s21] =	ssyncadd.s32 $0xFFFFD800  }
0x21a: {  	[spmem:s3] =	stream.indirect.scatter.add.f32 [tilespmem:s18], [sflag:$0x6], $0x80, s10, s14, $0xb8;
	[tilespmem:$0x1D080] =	vst v63  }
0x21b: {  	_ =	swait.ge [sflag:s22], $0x2800  }
0x21c: {  	[sflag:s22] =	ssyncset.done $0x0  }
0x21d: {  	s11 =	rddreg [dreg:$0xb];
	[sflag:s22] =	ssyncadd.s32 $0xFFFFD800  }
0x21e: {  	[tilespmem:s16], [sflag:$0x2] =	stream.indirect.gather [hbm4b:s2+s14], $0x80, s11, s14, $0xb8;
	[tilespmem:$0x1D080] =	vst v63  }
0x21f: {  	_ =	swait.ge [sflag:s17], $0x2800  }
0x220: {  	[sflag:s17] =	ssyncset.done $0x0  }
0x221: {  	s9 =	rddreg [dreg:$0xc];
	[sflag:s17] =	ssyncadd.s32 $0xFFFFD800  }
0x222: {  	[spmem:s3] =	stream.indirect.scatter.add.f32 [tilespmem:s15], [sflag:$0x4], $0x80, s9, s14, $0xb8;
	[tilespmem:$0x1D080] =	vst v63  }
0x223: {  	_ =	swait.ge [sflag:s23], $0x2800  }
0x224: {  	[sflag:s23] =	ssyncset.done $0x0  }
0x225: {  	s10 =	rddreg [dreg:$0xd];
	[sflag:s23] =	ssyncadd.s32 $0xFFFFD800  }
0x226: {  	[tilespmem:s18], [sflag:$0x3] =	stream.indirect.gather [hbm4b:s2+s14], $0x80, s10, s14, $0xb8;
	[tilespmem:$0x1D080] =	vst v63  }
0x227: {  	_ =	swait.ge [sflag:s19], $0x2800  }
0x228: {  	[sflag:s19] =	ssyncset.done $0x0  }
0x229: {  	s11 =	rddreg [dreg:$0xe];
	[sflag:s19] =	ssyncadd.s32 $0xFFFFD800  }
0x22a: {  	[spmem:s3] =	stream.indirect.scatter.add.f32 [tilespmem:s16], [sflag:$0x5], $0x80, s11, s14, $0xb8;
	[tilespmem:$0x1D080] =	vst v63  }
0x22b: {  	_ =	swait.ge [sflag:s20], $0x2800  }
0x22c: {  	[sflag:s20] =	ssyncset.done $0x0  }
0x22d: {  	s9 =	rddreg [dreg:$0xf];
	[sflag:s20] =	ssyncadd.s32 $0xFFFFD800  }
0x22e: {  	[tilespmem:s15], [sflag:$0x1] =	stream.indirect.gather [hbm4b:s2+s14], $0x80, s9, s14, $0xb8;
	[tilespmem:$0x1D080] =	vst v63  }
0x22f: {  	_ =	swait.ge [sflag:s21], $0x2800  }
0x230: {  	[sflag:s21] =	ssyncset.done $0x0  }
0x231: {  	s10 =	rddreg [dreg:$0x10];
	[sflag:s21] =	ssyncadd.s32 $0xFFFFD800  }
0x232: {  	[spmem:s3] =	stream.indirect.scatter.add.f32 [tilespmem:s18], [sflag:$0x6], $0x80, s10, s14, $0xb8;
	[tilespmem:$0x1D080] =	vst v63  }
0x233: {  	_ =	swait.ge [sflag:s22], $0x2800  }
0x234: {  	[sflag:s22] =	ssyncset.done $0x0  }
0x235: {  	s11 =	rddreg [dreg:$0x11];
	[sflag:s22] =	ssyncadd.s32 $0xFFFFD800  }
0x236: {  	[tilespmem:s16], [sflag:$0x2] =	stream.indirect.gather [hbm4b:s2+s14], $0x80, s11, s14, $0xb8;
	[tilespmem:$0x1D080] =	vst v63  }
0x237: {  	_ =	swait.ge [sflag:s17], $0x2800  }
0x238: {  	[sflag:s17] =	ssyncset.done $0x0  }
0x239: {  	s9 =	rddreg [dreg:$0x12];
	[sflag:s17] =	ssyncadd.s32 $0xFFFFD800  }
0x23a: {  	[spmem:s3] =	stream.indirect.scatter.add.f32 [tilespmem:s15], [sflag:$0x4], $0x80, s9, s14, $0xb8;
	[tilespmem:$0x1D080] =	vst v63  }
0x23b: {  	_ =	swait.ge [sflag:s23], $0x2800  }
0x23c: {  	[sflag:s23] =	ssyncset.done $0x0  }
0x23d: {  	s10 =	rddreg [dreg:$0x13];
	[sflag:s23] =	ssyncadd.s32 $0xFFFFD800  }
0x23e: {  	[tilespmem:s18], [sflag:$0x3] =	stream.indirect.gather [hbm4b:s2+s14], $0x80, s10, s14, $0xb8;
	[tilespmem:$0x1D080] =	vst v63  }
0x23f: {  	_ =	swait.ge [sflag:s19], $0x2800  }
0x240: {  	[sflag:s19] =	ssyncset.done $0x0  }
0x241: {  	s11 =	rddreg [dreg:$0x14];
	[sflag:s19] =	ssyncadd.s32 $0xFFFFD800  }
0x242: {  	[spmem:s3] =	stream.indirect.scatter.add.f32 [tilespmem:s16], [sflag:$0x5], $0x80, s11, s14, $0xb8;
	[tilespmem:$0x1D080] =	vst v63  }
0x243: {  	_ =	swait.ge [sflag:s20], $0x2800  }
0x244: {  	[sflag:s20] =	ssyncset.done $0x0  }
0x245: {  	s9 =	rddreg [dreg:$0x15];
	[sflag:s20] =	ssyncadd.s32 $0xFFFFD800  }
0x246: {  	[tilespmem:s15], [sflag:$0x1] =	stream.indirect.gather [hbm4b:s2+s14], $0x80, s9, s14, $0xb8;
	[tilespmem:$0x1D080] =	vst v63  }
0x247: {  	_ =	swait.ge [sflag:s21], $0x2800  }
0x248: {  	[sflag:s21] =	ssyncset.done $0x0  }
0x249: {  	s10 =	rddreg [dreg:$0x16];
	[sflag:s21] =	ssyncadd.s32 $0xFFFFD800  }
0x24a: {  	[spmem:s3] =	stream.indirect.scatter.add.f32 [tilespmem:s18], [sflag:$0x6], $0x80, s10, s14, $0xb8;
	[tilespmem:$0x1D080] =	vst v63  }
0x24b: {  	_ =	swait.ge [sflag:s22], $0x2800  }
0x24c: {  	[sflag:s22] =	ssyncset.done $0x0  }
0x24d: {  	s11 =	rddreg [dreg:$0x17];
	[sflag:s22] =	ssyncadd.s32 $0xFFFFD800  }
0x24e: {  	[tilespmem:s16], [sflag:$0x2] =	stream.indirect.gather [hbm4b:s2+s14], $0x80, s11, s14, $0xb8;
	[tilespmem:$0x1D080] =	vst v63  }
0x24f: {  	_ =	swait.ge [sflag:s17], $0x2800  }
0x250: {  	[sflag:s17] =	ssyncset.done $0x0  }
0x251: {  	s9 =	rddreg [dreg:$0x18];
	[sflag:s17] =	ssyncadd.s32 $0xFFFFD800  }
0x252: {  	[spmem:s3] =	stream.indirect.scatter.add.f32 [tilespmem:s15], [sflag:$0x4], $0x80, s9, s14, $0xb8;
	[tilespmem:$0x1D080] =	vst v63  }
0x253: {  	_ =	swait.ge [sflag:s23], $0x2800  }
0x254: {  	[sflag:s23] =	ssyncset.done $0x0  }
0x255: {  	s10 =	rddreg [dreg:$0x19];
	[sflag:s23] =	ssyncadd.s32 $0xFFFFD800  }
0x256: {  	[tilespmem:s18], [sflag:$0x3] =	stream.indirect.gather [hbm4b:s2+s14], $0x80, s10, s14, $0xb8;
	[tilespmem:$0x1D080] =	vst v63  }
0x257: {  	_ =	swait.ge [sflag:s19], $0x2800  }
0x258: {  	[sflag:s19] =	ssyncset.done $0x0  }
0x259: {  	s11 =	rddreg [dreg:$0x1a];
	[sflag:s19] =	ssyncadd.s32 $0xFFFFD800  }
0x25a: {  	[spmem:s3] =	stream.indirect.scatter.add.f32 [tilespmem:s16], [sflag:$0x5], $0x80, s11, s14, $0xb8;
	[tilespmem:$0x1D080] =	vst v63  }
0x25b: {  	_ =	swait.ge [sflag:s20], $0x2800  }
0x25c: {  	[sflag:s20] =	ssyncset.done $0x0  }
0x25d: {  	s9 =	rddreg [dreg:$0x1b];
	[sflag:s20] =	ssyncadd.s32 $0xFFFFD800  }
0x25e: {  	[tilespmem:s15], [sflag:$0x1] =	stream.indirect.gather [hbm4b:s2+s14], $0x80, s9, s14, $0xb8;
	[tilespmem:$0x1D080] =	vst v63  }
0x25f: {  	_ =	swait.ge [sflag:s21], $0x2800  }
0x260: {  	[sflag:s21] =	ssyncset.done $0x0  }
0x261: {  	s10 =	rddreg [dreg:$0x1c];
	[sflag:s21] =	ssyncadd.s32 $0xFFFFD800  }
0x262: {  	[spmem:s3] =	stream.indirect.scatter.add.f32 [tilespmem:s18], [sflag:$0x6], $0x80, s10, s14, $0xb8;
	[tilespmem:$0x1D080] =	vst v63  }
0x263: {  	_ =	swait.ge [sflag:s22], $0x2800  }
0x264: {  	[sflag:s22] =	ssyncset.done $0x0  }
0x265: {  	s11 =	rddreg [dreg:$0x1d];
	[sflag:s22] =	ssyncadd.s32 $0xFFFFD800  }
0x266: {  	[tilespmem:s16], [sflag:$0x2] =	stream.indirect.gather [hbm4b:s2+s14], $0x80, s11, s14, $0xb8;
	[tilespmem:$0x1D080] =	vst v63  }
0x267: {  	_ =	swait.ge [sflag:s17], $0x2800  }
0x268: {  	[sflag:s17] =	ssyncset.done $0x0  }
0x269: {  	s9 =	rddreg [dreg:$0x1e];
	[sflag:s17] =	ssyncadd.s32 $0xFFFFD800  }
0x26a: {  	[spmem:s3] =	stream.indirect.scatter.add.f32 [tilespmem:s15], [sflag:$0x4], $0x80, s9, s14, $0xb8;
	[tilespmem:$0x1D080] =	vst v63  }
0x26b: {  	_ =	swait.ge [sflag:s23], $0x2800  }
0x26c: {  	[sflag:s23] =	ssyncset.done $0x0  }
0x26d: {  	s10 =	rddreg [dreg:$0x1f];
	[sflag:s23] =	ssyncadd.s32 $0xFFFFD800  }
0x26e: {  	[tilespmem:s18], [sflag:$0x3] =	stream.indirect.gather [hbm4b:s2+s14], $0x80, s10, s14, $0xb8;
	[tilespmem:$0x1D080] =	vst v63  }
0x26f: {  	_ =	swait.ge [sflag:s19], $0x2800  }
0x270: {  	s11 =	sld [smem:$0x7F2]  }
0x271: {  	[sflag:s19] =	ssyncset.done $0x0  }
0x272: {  	[sflag:s19] =	ssyncadd.s32 $0xFFFFD800  }
0x273: {  	[spmem:s3] =	stream.indirect.scatter.add.f32 [tilespmem:s16], [sflag:$0x5], $0x80, s11, s14, $0xb8;
	[tilespmem:$0x1D080] =	vst v63  }
0x274: {  	_ =	swait.ge [sflag:s20], $0x2800  }
0x275: {  	s9 =	sld [smem:$0x7F3]  }
0x276: {  	[sflag:s20] =	ssyncset.done $0x0  }
0x277: {  	[sflag:s20] =	ssyncadd.s32 $0xFFFFD800  }
0x278: {  	[tilespmem:s15], [sflag:$0x1] =	stream.indirect.gather [hbm4b:s2+s14], $0x80, s9, s14, $0xb8;
	[tilespmem:$0x1D080] =	vst v63  }
0x279: {  	_ =	swait.ge [sflag:s21], $0x2800  }
0x27a: {  	s10 =	sld [smem:$0x7F4]  }
0x27b: {  	[sflag:s21] =	ssyncset.done $0x0  }
0x27c: {  	[sflag:s21] =	ssyncadd.s32 $0xFFFFD800  }
0x27d: {  	[spmem:s3] =	stream.indirect.scatter.add.f32 [tilespmem:s18], [sflag:$0x6], $0x80, s10, s14, $0xb8;
	[tilespmem:$0x1D080] =	vst v63  }
0x27e: {  	_ =	swait.ge [sflag:s22], $0x2800  }
0x27f: {  	s11 =	sld [smem:$0x7F5]  }
0x280: {  	[sflag:s22] =	ssyncset.done $0x0  }
0x281: {  	[sflag:s22] =	ssyncadd.s32 $0xFFFFD800  }
0x282: {  	[tilespmem:s16], [sflag:$0x2] =	stream.indirect.gather [hbm4b:s2+s14], $0x80, s11, s14, $0xb8;
	[tilespmem:$0x1D080] =	vst v63  }
0x283: {  	_ =	swait.ge [sflag:s17], $0x2800  }
0x284: {  	s9 =	sld [smem:$0x7F6]  }
0x285: {  	[sflag:s17] =	ssyncset.done $0x0  }
0x286: {  	[sflag:s17] =	ssyncadd.s32 $0xFFFFD800  }
0x287: {  	[spmem:s3] =	stream.indirect.scatter.add.f32 [tilespmem:s15], [sflag:$0x4], $0x80, s9, s14, $0xb8;
	[tilespmem:$0x1D080] =	vst v63  }
0x288: {  	_ =	swait.ge [sflag:s23], $0x2800  }
0x289: {  	s10 =	sld [smem:$0x7F7]  }
0x28a: {  	[sflag:s23] =	ssyncset.done $0x0  }
0x28b: {  	[sflag:s23] =	ssyncadd.s32 $0xFFFFD800  }
0x28c: {  	[tilespmem:s18], [sflag:$0x3] =	stream.indirect.gather [hbm4b:s2+s14], $0x80, s10, s14, $0xb8;
	[tilespmem:$0x1D080] =	vst v63  }
0x28d: {  	_ =	swait.ge [sflag:s19], $0x2800  }
0x28e: {  	s11 =	sld [smem:$0x7F8]  }
0x28f: {  	[sflag:s19] =	ssyncset.done $0x0  }
0x290: {  	[sflag:s19] =	ssyncadd.s32 $0xFFFFD800  }
0x291: {  	[spmem:s3] =	stream.indirect.scatter.add.f32 [tilespmem:s16], [sflag:$0x5], $0x80, s11, s14, $0xb8;
	[tilespmem:$0x1D080] =	vst v63  }
0x292: {  	_ =	swait.ge [sflag:s20], $0x2800  }
0x293: {  	s9 =	sld [smem:$0x7F9]  }
0x294: {  	[sflag:s20] =	ssyncset.done $0x0  }
0x295: {  	[sflag:s20] =	ssyncadd.s32 $0xFFFFD800  }
0x296: {  	[tilespmem:s15], [sflag:$0x1] =	stream.indirect.gather [hbm4b:s2+s14], $0x80, s9, s14, $0xb8;
	[tilespmem:$0x1D080] =	vst v63  }
0x297: {  	_ =	swait.ge [sflag:s21], $0x2800  }
0x298: {  	s10 =	sld [smem:$0x7FA]  }
0x299: {  	[sflag:s21] =	ssyncset.done $0x0  }
0x29a: {  	[sflag:s21] =	ssyncadd.s32 $0xFFFFD800  }
0x29b: {  	[spmem:s3] =	stream.indirect.scatter.add.f32 [tilespmem:s18], [sflag:$0x6], $0x80, s10, s14, $0xb8;
	[tilespmem:$0x1D080] =	vst v63  }
0x29c: {  	_ =	swait.ge [sflag:s22], $0x2800  }
0x29d: {  	s11 =	sld [smem:$0x7FB]  }
0x29e: {  	[sflag:s22] =	ssyncset.done $0x0  }
0x29f: {  	[sflag:s22] =	ssyncadd.s32 $0xFFFFD800  }
0x2a0: {  	[tilespmem:s16], [sflag:$0x2] =	stream.indirect.gather [hbm4b:s2+s14], $0x80, s11, s14, $0xb8;
	[tilespmem:$0x1D080] =	vst v63  }
0x2a1: {  	_ =	swait.ge [sflag:s17], $0x2800  }
0x2a2: {  	[sflag:s17] =	ssyncset.done $0x0  }
0x2a3: {  	[sflag:s17] =	ssyncadd.s32 $0xFFFFD800  }
0x2a4: {  	[spmem:s3] =	stream.indirect.scatter.add.f32 [tilespmem:s15], [sflag:$0x4], $0x80, s24, s14, $0xb8;
	[tilespmem:$0x1D080] =	vst v63  }
0x2a5: {  	_ =	swait.ge [sflag:s23], $0x2800  }
0x2a6: {  	[sflag:s23] =	ssyncset.done $0x0  }
0x2a7: {  	[sflag:s23] =	ssyncadd.s32 $0xFFFFD800  }
0x2a8: {  	[tilespmem:s18], [sflag:$0x3] =	stream.indirect.gather [hbm4b:s2+s14], $0x80, s25, s14, $0xb8;
	[tilespmem:$0x1D080] =	vst v63  }
0x2a9: {  	_ =	swait.ge [sflag:s19], $0x2800  }
0x2aa: {  	[sflag:s19] =	ssyncset.done $0x0  }
0x2ab: {  	[sflag:s19] =	ssyncadd.s32 $0xFFFFD800  }
0x2ac: {  	[spmem:s3] =	stream.indirect.scatter.add.f32 [tilespmem:s16], [sflag:$0x5], $0x80, s26, s14, $0xb8;
	[tilespmem:$0x1D080] =	vst v63  }
0x2ad: {  	_ =	swait.ge [sflag:s20], $0x2800  }
0x2ae: {  	[sflag:s20] =	ssyncset.done $0x0  }
0x2af: {  	[sflag:s20] =	ssyncadd.s32 $0xFFFFD800  }
0x2b0: {  	[tilespmem:s15], [sflag:$0x1] =	stream.indirect.gather [hbm4b:s2+s14], $0x80, s28, s14, $0xb8;
	[tilespmem:$0x1D080] =	vst v63  }
0x2b1: {  	_ =	swait.ge [sflag:s21], $0x2800  }
0x2b2: {  	[sflag:s21] =	ssyncset.done $0x0  }
0x2b3: {  	[sflag:s21] =	ssyncadd.s32 $0xFFFFD800  }
0x2b4: {  	[spmem:s3] =	stream.indirect.scatter.add.f32 [tilespmem:s18], [sflag:$0x6], $0x80, s29, s14, $0xb8;
	[tilespmem:$0x1D080] =	vst v63  }
0x2b5: {  	_ =	swait.ge [sflag:s22], $0x2800  }
0x2b6: {  	[sflag:s22] =	ssyncset.done $0x0  }
0x2b7: {  	[sflag:s22] =	ssyncadd.s32 $0xFFFFD800  }
0x2b8: {  	[tilespmem:s16], [sflag:$0x2] =	stream.indirect.gather [hbm4b:s2+s14], $0x80, s30, s14, $0xb8;
	[tilespmem:$0x1D080] =	vst v63  }
0x2b9: {  	_ =	swait.ge [sflag:s17], $0x2800  }
0x2ba: {  	[sflag:s17] =	ssyncset.done $0x0  }
0x2bb: {  	[sflag:s17] =	ssyncadd.s32 $0xFFFFD800  }
0x2bc: {  	[spmem:s3] =	stream.indirect.scatter.add.f32 [tilespmem:s15], [sflag:$0x4], $0x80, s31, s14, $0xb8;
	[tilespmem:$0x1D080] =	vst v63  }
0x2bd: {  	_ =	swait.ge [sflag:s23], $0x2800  }
0x2be: {  	[sflag:s23] =	ssyncset.done $0x0  }
0x2bf: {  	[sflag:s23] =	ssyncadd.s32 $0xFFFFD800  }
0x2c0: {  	[tilespmem:s18], [sflag:$0x3] =	stream.indirect.gather [hbm4b:s2+s14], $0x80, s1, s14, $0xb8;
	[tilespmem:$0x1D080] =	vst v63  }
0x2c1: {  	_ =	swait.ge [sflag:s19], $0x2800  }
0x2c2: {  	[sflag:s19] =	ssyncset.done $0x0  }
0x2c3: {  	[sflag:s19] =	ssyncadd.s32 $0xFFFFD800  }
0x2c4: {  	[spmem:s3] =	stream.indirect.scatter.add.f32 [tilespmem:s16], [sflag:$0x5], $0x80, s0, s14, $0xb8;
	[tilespmem:$0x1D080] =	vst v63  }
0x2c5: {  	_ =	swait.ge [sflag:s20], $0x2800  }
0x2c6: {  	[sflag:s20] =	ssyncset.done $0x0  }
0x2c7: {  	[sflag:s20] =	ssyncadd.s32 $0xFFFFD800  }
0x2c8: {  	[tilespmem:s15], [sflag:$0x1] =	stream.indirect.gather [hbm4b:s2+s14], $0x80, s6, s14, $0xb8;
	[tilespmem:$0x1D080] =	vst v63  }
0x2c9: {  	_ =	swait.ge [sflag:s21], $0x2800  }
0x2ca: {  	[sflag:s21] =	ssyncset.done $0x0  }
0x2cb: {  	[sflag:s21] =	ssyncadd.s32 $0xFFFFD800  }
0x2cc: {  	[spmem:s3] =	stream.indirect.scatter.add.f32 [tilespmem:s18], [sflag:$0x6], $0x80, s7, s14, $0xb8;
	[tilespmem:$0x1D080] =	vst v63  }
0x2cd: {  	_ =	swait.ge [sflag:s22], $0x2800  }
0x2ce: {  	[sflag:s22] =	ssyncset.done $0x0  }
0x2cf: {  	[sflag:s22] =	ssyncadd.s32 $0xFFFFD800  }
0x2d0: {  	_ =	swait.ge [sflag:s17], $0x2800  }
0x2d1: {  	[sflag:s17] =	ssyncset.done $0x0  }
0x2d2: {  	[sflag:s17] =	ssyncadd.s32 $0xFFFFD800  }
0x2d3: {  	[spmem:s3] =	stream.indirect.scatter.add.f32 [tilespmem:s15], [sflag:$0x4], $0x80, s8, s14, $0xb8;
	[tilespmem:$0x1D080] =	vst v63  }
0x2d4: {  	_ =	swait.ge [sflag:s23], $0x2800  }
0x2d5: {  	[sflag:s23] =	ssyncset.done $0x0  }
0x2d6: {  	[sflag:s23] =	ssyncadd.s32 $0xFFFFD800  }
0x2d7: {  	_ =	swait.ge [sflag:s20], $0x2800  }
0x2d8: {  	[sflag:s20] =	ssyncset.done $0x0  }
0x2d9: {  	[sflag:s20] =	ssyncadd.s32 $0xFFFFD800  }
0x2da: {  	[bflag:$0x0] =	sbarrier.arrive $0xFFFF  }
0x2db: {  	s9 =	sld [smem:$0x7EE]  }
0x2dc: {  	s10 =	sld [smem:$0x7F0];
	_ =	sdelay $0x1  }
0x2dd: {  	s5 =	simm.s32 @p0 $0x1FC7  }
0x2de: {  	[hbm:s9], [sflag:s5] =	dma.local @p0 [spmem:s10], $0x2080  }
0x2df: {  	s5 =	simm.s32 @p0 $0x7  }
0x2e0: {  	_ =	swait.ge @p0 [sflag:s5], $0x2080  }
0x2e1: {  	s9 =	sld [smem:$0x7F1]  }
0x2e2: {  	[sflag:s5] =	ssyncset.done @p0 $0x0;
	s11 =	sld [smem:$0x7FD]  }
0x2e3: {  	[sflag:s5] =	ssyncadd.s32 @p0 $0xFFFFDF80;
	s5 =	sld [smem:$0x7ED];
	_ =	sdelay $0x2  }
0x2e4: {  	[hbm:s5], [sflag:s9] =	dma.local @!p0 [spmem:s11], $0x2780  }
0x2e5: {  	s5 =	simm.s32 @!p0 $0x7  }
0x2e6: {  	_ =	swait.ge @!p0 [sflag:s5], $0x2780  }
0x2e7: {  	s9 =	sld [smem:$0x7FC];
	_ =	sdelay $0x2  }
0x2e8: {  	s10 =	sadd.s32 $0x1, s9;
	s9 =	sld [smem:$0x7EF];
	_ =	sdelay $0x2  }
0x2e9: {  	p1 =	sne.s32 s10, s9  }
.Ltmp1:
0x2ea: {  	_ = 	snop;
	(pc) =	sbr.rel @p1 .LBB2_1-.Ltmp1, $3  }
0x2eb: {  	_ =	sdelay $0x1  }
0x2ec: {  	[sflag:s5] =	ssyncset.done @!p0 $0x0  }
0x2ed: {  	[sflag:s5] =	ssyncadd.s32 @!p0 $0xFFFFD880;
	[smem:$0x7FC] =	sst s10  }
0x2ee: {  	_ =	sfence.sel $0x180000  }
0x2ef: {  	[bflag:$0x0] =	sbarrier.arrive $0xFFFF  }
0x2f0: {  	_ =	strace $0x9000004A  }
0x2f1: {  	s0 =	stileid.u32;
	[bflag:$0x2] =	sbarrier.arrive $0xFFFF  }
0x2f2: {  	p0 =	sne.s32 s0, $0x0;
	s0 =	rddreg [dreg:$0x3]  }
0x2f3: {  	s0 =	sadd.s32 @!p0 $0x100000, s0  }
0x2f4: {  	[sflag:s0] =	ssyncadd.tile.s32 @!p0 $0x1;
	_ =	shalt  }
.Lfunc_end2:
_tile_overlayer_lowered:
.L_overlay_start_2:
0x2f5: {  	(tag) =	ssettag $0x2  }
0x2f6: {  	s0 =	rddreg [dreg:$0x0];
	s2 =	stileid.u32  }
0x2f7: {  	s1 =	rddreg [dreg:$0x1];
	p0 =	sne.s32 s2, $0x0  }
0x2f8: {  	s3 =	rddreg [dreg:$0x2];
	[bflag:$0x3] =	sbarrier.arrive $0xFFFF;
	s2 =	simm.s32 @!p0 $0x1C07  }
0x2f9: {  	[timem:s3], [sflag:s2] =	dma.local @!p0 [hbm:s0], s1  }
0x2fa: {  	s0 =	simm.s32 @!p0 $0x7  }
0x2fb: {  	_ =	swait.ge @!p0 [sflag:s0], s1  }
0x2fc: {  	s1 =	ssub.s32 @!p0 $0x0, s1;
	[sflag:s0] =	ssyncset.done @!p0 $0x0  }
0x2fd: {  	[sflag:s0] =	ssyncadd.s32 @!p0 s1  }
0x2fe: {  	[bflag:$0x3] =	sbarrier.arrive $0xFFFF  }
0x2ff: {  	_ =	shalt  }

</sc_bundles>
